<compile_context>
chip_gen: v7x
topology: tpu7x:2x2x1
jax: 0.10.2.dev20260603
libtpu: 0.0.44.dev20260713+nightly
codegen_flags: <defaults>
</compile_context>

<pallas_src>
import jax
import jax.numpy as jnp
from jax import lax
from jax.experimental import pallas as pl
from jax.experimental.pallas import tpu as pltpu
from jax.experimental.pallas import tpu_sc as plsc

N = 10000
E = 320000
D = 128
NG = 128
NCLS = 2

TRI = N * (N - 1) // 2
NC, NS = 2, 16
NSUB = NC * NS
ROWS = -(-E // (NSUB * 128))
CH = ROWS * 128
GP = NSUB * CH
TRASH = N
STRIPE = 632
GG = NS * STRIPE
PSTR = 320
HP = NSUB * PSTR
FAST_CID = 0
CH_A = 14720
CH_B = (GP - NS * CH_A) // NS
NCH_A = 106
NCH_B = (GP // 128 - NS * NCH_A) // NS


def _wid():
    return lax.axis_index("s") * NC + lax.axis_index("c")


def _t0_codes(src_ref, dst_ref, code_ref, tick_ref):
    s = src_ref[...]
    d = dst_ref[...]
    lo = jnp.minimum(s, d)
    hi = jnp.maximum(s, d)
    tri = lo * N - (lo * (lo + 1)) // 2 + (hi - lo - 1)
    nrows = GP // 128
    t = (lax.broadcasted_iota(jnp.int32, (nrows, 128), 0) * 128
         + lax.broadcasted_iota(jnp.int32, (nrows, 128), 1))
    loop = s == d
    code_ref[...] = jnp.where(loop, TRI, tri)
    tick_ref[...] = jnp.where(loop, 0, t + 1)


def _s1_scatter(codes_f, ticks_f, slot, idx_a, val_a, idx_b, val_b, sem):
    cid = lax.axis_index("c")
    sid = lax.axis_index("s")

    @pl.when(cid == FAST_CID)
    def _():
        base = sid * CH_A
        pltpu.sync_copy(codes_f.at[pl.ds(base, CH_A)], idx_a)
        pltpu.sync_copy(ticks_f.at[pl.ds(base, CH_A)], val_a)
        pltpu.async_copy(val_a, slot.at[idx_a], sem).wait()

    @pl.when(cid != FAST_CID)
    def _():
        base = NS * CH_A + sid * CH_B
        pltpu.sync_copy(codes_f.at[pl.ds(base, CH_B)], idx_b)
        pltpu.sync_copy(ticks_f.at[pl.ds(base, CH_B)], val_b)
        pltpu.async_copy(val_b, slot.at[idx_b], sem).wait()


def _s2_degree(codes_f, srcd, dstd, slot, parts, ga, gb, idx_v, src_v,
               dst_v, got_v, ga_v, gb_v, deg_v, sem):
    wid = _wid()
    base = wid * CH
    pltpu.sync_copy(codes_f.at[pl.ds(base, CH)], idx_v)
    pltpu.sync_copy(srcd.at[pl.ds(base, CH)], src_v)
    pltpu.sync_copy(dstd.at[pl.ds(base, CH)], dst_v)
    pltpu.async_copy(slot.at[idx_v], got_v, sem).wait()

    def zero(i, c):
        deg_v[pl.ds(i * 16, 16)] = jnp.zeros((16,), jnp.float32)
        return c

    lax.fori_loop(0, N // 16, zero, 0)

    def acc(r, c):
        for cc in range(8):
            off = r * 128 + cc * 16
            got = got_v[pl.ds(off, 16)]
            s = src_v[pl.ds(off, 16)]
            d = dst_v[pl.ds(off, 16)]
            gt = base + off + lax.iota(jnp.int32, 16)
            keepb = got == gt + 1
            keep = jnp.where(keepb, 1.0, 0.0)
            plsc.addupdate_scatter(deg_v, [s], keep)
            plsc.addupdate_scatter(deg_v, [d], keep)
            ga_v[pl.ds(off, 16)] = jnp.where(keepb, s, TRASH)
            gb_v[pl.ds(off, 16)] = jnp.where(keepb, d, TRASH)
        return c

    lax.fori_loop(0, ROWS, acc, 0)
    pltpu.sync_copy(deg_v, parts.at[wid])
    pltpu.sync_copy(ga_v, ga.at[pl.ds(base, CH)])
    pltpu.sync_copy(gb_v, gb.at[pl.ds(base, CH)])


def _t1_prep(parts_ref, x_ref, w1_ref, g_ref, dinv_ref):
    ones32 = jnp.ones((NSUB, 1), jnp.float32)
    deg_col = lax.dot_general(parts_ref[...], ones32,
                              (((0,), (0,)), ((), ())),
                              preferred_element_type=jnp.float32,
                              precision=lax.Precision.HIGHEST) + 1.0
    dinv_col = lax.rsqrt(deg_col)
    h = jnp.dot(x_ref[...], w1_ref[...], preferred_element_type=jnp.float32,
                precision=lax.Precision.HIGHEST)
    g_ref[...] = jnp.concatenate(
        [h * dinv_col, jnp.zeros((GG - N, D), jnp.float32)])
    dinv_ref[...] = dinv_col


def _s3_spmm(ga_f, gb_f, gpad, zrows, part_out, shared, rows0, rows1,
             gi0, si0, gi1, si1, semg, sems0, sems1, semi):
    cid = lax.axis_index("c")
    sid = lax.axis_index("s")
    pltpu.sync_copy(zrows, shared.at[pl.ds(sid * STRIPE, STRIPE)])
    plsc.subcore_barrier()

    rows = (rows0, rows1)
    gi = (gi0, gi1)
    si = (si0, si1)
    gsrc = (ga_f, gb_f)
    ssrc = (gb_f, ga_f)

    sems = (sems0, sems1)

    def run(cbase, nch):
        def load_and_gather(c, p):
            off = (cbase + c) * 128
            pltpu.async_copy(gsrc[p].at[pl.ds(off, 128)], gi[p], semi)
            pltpu.async_copy(ssrc[p].at[pl.ds(off, 128)], si[p], semi)
            pltpu.make_async_copy(gsrc[p].at[pl.ds(0, 128)], gi[p],
                                  semi).wait()
            pltpu.make_async_copy(gsrc[p].at[pl.ds(0, 128)], si[p],
                                  semi).wait()
            pltpu.async_copy(gpad.at[gi[p]], rows[p], semg)

        def start_scatter(p):
            pltpu.make_async_copy(gpad.at[gi[p]], rows[p], semg).wait()
            pltpu.async_copy(rows[p], shared.at[si[p]], sems[p], add=True)

        def drain_scatter(p):
            pltpu.make_async_copy(rows[p], shared.at[si[p]], sems[p]).wait()

        load_and_gather(0, 0)
        load_and_gather(0, 1)

        def body(i, carry):
            for p in (0, 1):
                start_scatter(p)
                drain_scatter(p)
                load_and_gather(i + 1, p)
            return carry

        lax.fori_loop(0, nch - 1, body, 0)
        for p in (0, 1):
            start_scatter(p)
            drain_scatter(p)

    @pl.when(cid == FAST_CID)
    def _():
        run(sid * NCH_A, NCH_A)

    @pl.when(cid != FAST_CID)
    def _():
        run(NS * NCH_A + sid * NCH_B, NCH_B)
    plsc.subcore_barrier()
    pltpu.sync_copy(shared.at[pl.ds(sid * STRIPE, STRIPE)],
                    part_out.at[cid, pl.ds(sid * STRIPE, STRIPE)])


def _t3_h1(p_ref, g_ref, dinv_ref, b1_ref, h1p_ref):
    psum = p_ref[0, :N, :] + p_ref[1, :N, :] + g_ref[:N, :]
    h1 = jnp.maximum(psum * dinv_ref[...] + b1_ref[...], 0.0)
    h1p_ref[...] = jnp.concatenate(
        [h1, jnp.full((HP - N, D), -jnp.inf, jnp.float32)])


def _s4_pool(h1p, batchp, pools, hv, bv, hpl):
    wid = _wid()
    pltpu.sync_copy(h1p.at[pl.ds(wid * PSTR, PSTR)], hv)
    pltpu.sync_copy(batchp.at[pl.ds(wid * PSTR, PSTR)], bv)

    def zero(i, c):
        hpl[pl.ds(i * 16, 16)] = jnp.full((16,), -jnp.inf, jnp.float32)
        return c

    lax.fori_loop(0, NG * D // 16, zero, 0)

    def row16(r16, c):
        gv = bv[pl.ds(r16 * 16, 16)]
        for j in range(16):
            gidx = gv[j]
            hrow = hv.at[r16 * 16 + j]
            for cc in range(8):
                off = gidx * D + cc * 16
                cur = hpl[pl.ds(off, 16)]
                hpl[pl.ds(off, 16)] = jnp.maximum(
                    cur, hrow[pl.ds(cc * 16, 16)])
        return c

    lax.fori_loop(0, PSTR // 16, row16, 0)
    pltpu.sync_copy(hpl, pools.at[wid])


def _t3_head(pools_ref, x_ref, batch_ref, shift_ref,
             w0_ref, b0_ref, wl1_ref, bl1_ref, w2_ref, b2_ref, out_ref):
    hi = lax.Precision.HIGHEST
    hp = jnp.max(pools_ref[...], axis=0)

    batch_col = batch_ref[...]
    shift_col = shift_ref[...]
    gid_row = lax.broadcasted_iota(jnp.int32, (1, NG), 1)
    first_ge = (batch_col >= gid_row) & (shift_col < gid_row)
    node_col = lax.broadcasted_iota(jnp.int32, (N, 1), 0)
    overflow = (node_col == N - 1) & (batch_col < gid_row)
    onehot = jnp.where(first_ge | overflow, 1.0, 0.0)
    xr = lax.dot_general(onehot, x_ref[...], (((0,), (0,)), ((), ())),
                         preferred_element_type=jnp.float32, precision=hi)
    news = jnp.maximum(
        jnp.dot(xr, w0_ref[...], preferred_element_type=jnp.float32,
                precision=hi) + b0_ref[...], 0.0)

    cat = jnp.concatenate([news, hp], axis=1)
    h2 = jnp.maximum(
        jnp.dot(cat, wl1_ref[...], preferred_element_type=jnp.float32,
                precision=hi) + bl1_ref[...], 0.0)
    logits = jnp.dot(h2, w2_ref[...], preferred_element_type=jnp.float32,
                     precision=hi) + b2_ref[...]
    mx = jnp.max(logits, axis=1, keepdims=True)
    lse = mx + jnp.log(jnp.sum(jnp.exp(logits - mx), axis=1, keepdims=True))
    out_ref[...] = logits - lse


def kernel(x, edge_index, batch, W1, b1, W0, b0, Wl1, bl1, W2, b2):
    ei0 = edge_index[0].astype(jnp.int32)
    ei1 = edge_index[1].astype(jnp.int32)
    pad = jnp.zeros((GP - E,), jnp.int32)
    srcd = jnp.concatenate([ei0, pad])
    dstd = jnp.concatenate([ei1, pad])

    nrows_g = GP // 128
    codes_f, ticks_f = pl.pallas_call(
        _t0_codes,
        in_specs=[
            pl.BlockSpec((nrows_g, 128), lambda: (0, 0)),
            pl.BlockSpec((nrows_g, 128), lambda: (0, 0)),
        ],
        out_specs=[
            pl.BlockSpec((nrows_g, 128), lambda: (0, 0)),
            pl.BlockSpec((nrows_g, 128), lambda: (0, 0)),
        ],
        out_shape=[
            jax.ShapeDtypeStruct((nrows_g, 128), jnp.int32),
            jax.ShapeDtypeStruct((nrows_g, 128), jnp.int32),
        ],
    )(srcd.reshape(nrows_g, 128), dstd.reshape(nrows_g, 128))
    codes_flat = codes_f.reshape(GP)
    ticks_flat = ticks_f.reshape(GP)

    mesh = plsc.VectorSubcoreMesh(core_axis_name="c", subcore_axis_name="s")

    slot_ref = jax.new_ref(jnp.zeros((TRI + 8,), jnp.int32))
    pl.kernel(
        _s1_scatter,
        out_type=(),
        mesh=mesh,
        scratch_types=[
            pltpu.VMEM((CH_A,), jnp.int32),
            pltpu.VMEM((CH_A,), jnp.int32),
            pltpu.VMEM((CH_B,), jnp.int32),
            pltpu.VMEM((CH_B,), jnp.int32),
            pltpu.SemaphoreType.DMA,
        ],
    )(codes_flat, ticks_flat, slot_ref)
    slot = jax.freeze(slot_ref)

    parts, ga, gb = pl.kernel(
        _s2_degree,
        out_type=(
            jax.ShapeDtypeStruct((NSUB, N), jnp.float32),
            jax.ShapeDtypeStruct((GP,), jnp.int32),
            jax.ShapeDtypeStruct((GP,), jnp.int32),
        ),
        mesh=mesh,
        scratch_types=[
            pltpu.VMEM((CH,), jnp.int32),
            pltpu.VMEM((CH,), jnp.int32),
            pltpu.VMEM((CH,), jnp.int32),
            pltpu.VMEM((CH,), jnp.int32),
            pltpu.VMEM((CH,), jnp.int32),
            pltpu.VMEM((CH,), jnp.int32),
            pltpu.VMEM((N,), jnp.float32),
            pltpu.SemaphoreType.DMA,
        ],
        compiler_params=pltpu.CompilerParams(needs_layout_passes=False),
    )(codes_flat, srcd, dstd, slot)

    g, dinv = pl.pallas_call(
        _t1_prep,
        in_specs=[
            pl.BlockSpec((NSUB, N), lambda: (0, 0)),
            pl.BlockSpec((N, D), lambda: (0, 0)),
            pl.BlockSpec((D, D), lambda: (0, 0)),
        ],
        out_specs=[
            pl.BlockSpec((GG, D), lambda: (0, 0)),
            pl.BlockSpec((N, 1), lambda: (0, 0)),
        ],
        out_shape=[
            jax.ShapeDtypeStruct((GG, D), jnp.float32),
            jax.ShapeDtypeStruct((N, 1), jnp.float32),
        ],
    )(parts, x, W1)

    zrows = jnp.zeros((STRIPE, D), jnp.float32)
    part_out = pl.kernel(
        _s3_spmm,
        out_type=jax.ShapeDtypeStruct((NC, GG, D), jnp.float32),
        mesh=mesh,
        scratch_types=[
            pltpu.VMEM_SHARED((GG, D), jnp.float32),
            pltpu.VMEM((128, D), jnp.float32),
            pltpu.VMEM((128, D), jnp.float32),
            pltpu.VMEM((128,), jnp.int32),
            pltpu.VMEM((128,), jnp.int32),
            pltpu.VMEM((128,), jnp.int32),
            pltpu.VMEM((128,), jnp.int32),
            pltpu.SemaphoreType.DMA,
            pltpu.SemaphoreType.DMA,
            pltpu.SemaphoreType.DMA,
            pltpu.SemaphoreType.DMA,
        ],
    )(ga, gb, g, zrows)

    h1p = pl.pallas_call(
        _t3_h1,
        in_specs=[
            pl.BlockSpec((NC, GG, D), lambda: (0, 0, 0)),
            pl.BlockSpec((GG, D), lambda: (0, 0)),
            pl.BlockSpec((N, 1), lambda: (0, 0)),
            pl.BlockSpec((1, D), lambda: (0, 0)),
        ],
        out_specs=pl.BlockSpec((HP, D), lambda: (0, 0)),
        out_shape=jax.ShapeDtypeStruct((HP, D), jnp.float32),
    )(part_out, g, dinv, b1.reshape(1, D))

    batch_i = batch.astype(jnp.int32)
    batchp = jnp.concatenate(
        [batch_i, jnp.full((HP - N,), NG - 1, jnp.int32)])
    pools = pl.kernel(
        _s4_pool,
        out_type=jax.ShapeDtypeStruct((NSUB, NG * D), jnp.float32),
        mesh=mesh,
        scratch_types=[
            pltpu.VMEM((PSTR, D), jnp.float32),
            pltpu.VMEM((PSTR,), jnp.int32),
            pltpu.VMEM((NG * D,), jnp.float32),
        ],
    )(h1p, batchp)

    out = pl.pallas_call(
        _t3_head,
        in_specs=[
            pl.BlockSpec((NSUB, NG, D), lambda: (0, 0, 0)),
            pl.BlockSpec((N, D), lambda: (0, 0)),
            pl.BlockSpec((N, 1), lambda: (0, 0)),
            pl.BlockSpec((N, 1), lambda: (0, 0)),
            pl.BlockSpec((D, D), lambda: (0, 0)),
            pl.BlockSpec((1, D), lambda: (0, 0)),
            pl.BlockSpec((2 * D, D), lambda: (0, 0)),
            pl.BlockSpec((1, D), lambda: (0, 0)),
            pl.BlockSpec((D, NCLS), lambda: (0, 0)),
            pl.BlockSpec((1, NCLS), lambda: (0, 0)),
        ],
        out_specs=pl.BlockSpec((NG, NCLS), lambda: (0, 0)),
        out_shape=jax.ShapeDtypeStruct((NG, NCLS), jnp.float32),
    )(pools.reshape(NSUB, NG, D), x,
      batch_i.reshape(N, 1),
      jnp.concatenate([jnp.full((1,), -1, jnp.int32),
                       batch_i[:-1]]).reshape(N, 1),
      W0, b0.reshape(1, D), Wl1, bl1.reshape(1, D), W2, b2.reshape(1, NCLS))
    return out

# --- scband reference (transcript-rebuilt; emitter-appended) ---
"""Pipeline reference for scband-upfd-net-20194936226508 (READ-ONLY COPY).

The authoritative reference and input builder live on the scoring server;
editing this copy changes nothing except your own understanding.
"""

import jax, jax.numpy as jnp
import numpy as np

N = 10000
E = 320000
D_IN = 128
D_OUT = 128
N_CLASS = 2
N_GRAPHS = 128


def setup_inputs(seed: int = 0) -> dict:
    key = jax.random.key(seed)
    ks = jax.random.split(key, 12)
    x = jax.random.normal(ks[0], (N, D_IN), dtype=jnp.float32)
    edge_index = jax.random.randint(ks[1], (2, E), 0, N, dtype=jnp.int32)
    batch = jnp.sort(jax.random.randint(ks[2], (N,), 0, N_GRAPHS, dtype=jnp.int32))
    W1 = jax.random.normal(ks[3], (D_IN, D_OUT), dtype=jnp.float32) / np.sqrt(D_IN)
    b1 = jnp.zeros((D_OUT,), dtype=jnp.float32)
    W0 = jax.random.normal(ks[4], (D_IN, D_OUT), dtype=jnp.float32) / np.sqrt(D_IN)
    b0 = jnp.zeros((D_OUT,), dtype=jnp.float32)
    Wl1 = jax.random.normal(ks[5], (2 * D_OUT, D_OUT), dtype=jnp.float32) / np.sqrt(2 * D_OUT)
    bl1 = jnp.zeros((D_OUT,), dtype=jnp.float32)
    W2 = jax.random.normal(ks[6], (D_OUT, N_CLASS), dtype=jnp.float32) / np.sqrt(D_OUT)
    b2 = jnp.zeros((N_CLASS,), dtype=jnp.float32)
    return {"x": x, "edge_index": edge_index, "batch": batch,
            "W1": W1, "b1": b1, "W0": W0, "b0": b0,
            "Wl1": Wl1, "bl1": bl1, "W2": W2, "b2": b2}


def _to_undirected(edge_index, num_nodes):
    # torch_geometric.to_undirected: add reversed edges and coalesce (dedup)
    src = jnp.concatenate([edge_index[0], edge_index[1]])
    dst = jnp.concatenate([edge_index[1], edge_index[0]])
    code = src * num_nodes + dst  # fits in int32 for N=10000
    code = jnp.sort(code)
    keep = jnp.concatenate([jnp.ones((1,), dtype=bool), code[1:] != code[:-1]])
    return code // num_nodes, code % num_nodes, keep


def _gcn_conv(x, W, b, src, dst, keep, num_nodes):
    # GCNConv with gcn_norm: remove existing self loops, add remaining self loops,
    # symmetric normalization D^-1/2 A_hat D^-1/2
    keep = keep & (src != dst)
    loop = jnp.arange(num_nodes, dtype=src.dtype)
    src = jnp.concatenate([src, loop])
    dst = jnp.concatenate([dst, loop])
    wt = jnp.concatenate([keep.astype(x.dtype), jnp.ones((num_nodes,), dtype=x.dtype)])
    deg = jnp.zeros((num_nodes,), dtype=x.dtype).at[dst].add(wt)
    dinv = jax.lax.rsqrt(deg)
    norm = dinv[src] * dinv[dst] * wt
    h = x @ W
    out = jnp.zeros((num_nodes, W.shape[1]), dtype=x.dtype).at[dst].add(h[src] * norm[:, None])
    return out + b


def reference(x, edge_index, batch, W1, b1, W0, b0, Wl1, bl1, W2, b2):
    num_nodes = x.shape[0]
    src, dst, keep = _to_undirected(edge_index, num_nodes)
    h = jax.nn.relu(_gcn_conv(x, W1, b1, src, dst, keep, num_nodes))
    num_graphs = N_GRAPHS  # batch is sorted, drawn from [0, N_GRAPHS)
    hp = jax.ops.segment_max(h, batch, num_segments=num_graphs)
    # root node (first node) of each graph
    root = jnp.searchsorted(batch, jnp.arange(num_graphs, dtype=batch.dtype))
    news = jax.nn.relu(x[root] @ W0 + b0)
    h2 = jax.nn.relu(jnp.concatenate([news, hp], axis=-1) @ Wl1 + bl1)
    out = h2 @ W2 + b2
    return jax.nn.log_softmax(out, axis=-1)

if __name__ == "__main__":
    import jax
    _d = setup_inputs()
    print(jax.jit(kernel)(*tuple(_d.values())))

</pallas_src>

<mosaic_0001>
#map = affine_map<(d0, d1) -> (0)>
module attributes {stable_mosaic.version = 14 : i64} {
  func.func @new_body(%arg0: i32, %arg1: i32, %arg2: memref<323584xi32, #tpu.memory_space<hbm>>, %arg3: memref<323584xi32, #tpu.memory_space<hbm>>, %arg4: memref<49995008xi32, #tpu.memory_space<hbm>>, %arg5: memref<49995008xi32, #tpu.memory_space<hbm>>, %arg6: memref<14720xi32, #tpu.memory_space<vmem>>, %arg7: memref<14720xi32, #tpu.memory_space<vmem>>, %arg8: memref<5504xi32, #tpu.memory_space<vmem>>, %arg9: memref<5504xi32, #tpu.memory_space<vmem>>, %arg10: memref<!tpu.dma_semaphore, #tpu.memory_space<semaphore_mem>>) attributes {dimension_semantics = [#tpu.dimension_semantics<core_parallel>, #tpu.dimension_semantics<subcore_parallel>], iteration_bounds = array<i64: 2, 16>, scalar_prefetch = 0 : i64, scratch_operands = 5 : i64, tpu.core_type = #tpu.core_type<sc_vector_subcore>, window_params = [{transform_indices = #map}, {transform_indices = #map}, {transform_indices = #map}, {transform_indices = #map}]} {
    %eq3A = arith.constant 0 : i32
    %eq3A_0 = arith.cmpi eq, %arg0, %eq3A : i32
    %convert_element_type3A = arith.extui %eq3A_0 : i1 to i32
    %cond3A = arith.constant 0 : i32
    %cond3A_1 = arith.cmpi ne, %convert_element_type3A, %cond3A : i32
    scf.if %cond3A_1 {
      %mul3A = arith.constant 14720 : i32
      %mul3A_6 = arith.muli %arg1, %mul3A : i32
      "tpu.region"() ({
        %run_scoped3A = tpu.sem_alloc : memref<!tpu.dma_semaphore, #tpu.memory_space<semaphore_mem>>
        %dma_start3A_9 = tpu.memref_slice %arg2[%mul3A_6] : memref<323584xi32, #tpu.memory_space<hbm>> -> memref<14720xi32, #tpu.memory_space<hbm>>
        %dma_start3A_10 = tpu.memref_slice %arg2[%mul3A_6] : memref<323584xi32, #tpu.memory_space<hbm>> -> memref<14720xi32, #tpu.memory_space<hbm>>
        tpu.enqueue_dma source(%dma_start3A_10 : memref<14720xi32, #tpu.memory_space<hbm>>) target(%arg6 : memref<14720xi32, #tpu.memory_space<vmem>>) target_semaphore(%run_scoped3A : memref<!tpu.dma_semaphore, #tpu.memory_space<semaphore_mem>>)
        %dma_wait3A_11 = tpu.memref_slice %arg2[%mul3A_6] : memref<323584xi32, #tpu.memory_space<hbm>> -> memref<14720xi32, #tpu.memory_space<hbm>>
        %dma_wait3A_12 = tpu.memref_slice %arg2[%mul3A_6] : memref<323584xi32, #tpu.memory_space<hbm>> -> memref<14720xi32, #tpu.memory_space<hbm>>
        tpu.wait_dma2 semaphore(%run_scoped3A : memref<!tpu.dma_semaphore, #tpu.memory_space<semaphore_mem>>) src(%dma_wait3A_12 : memref<14720xi32, #tpu.memory_space<hbm>>) dst(%arg6 : memref<14720xi32, #tpu.memory_space<vmem>>)
        tpu.yield
      }) : () -> ()
      "tpu.region"() ({
        %run_scoped3A = tpu.sem_alloc : memref<!tpu.dma_semaphore, #tpu.memory_space<semaphore_mem>>
        %dma_start3A_9 = tpu.memref_slice %arg3[%mul3A_6] : memref<323584xi32, #tpu.memory_space<hbm>> -> memref<14720xi32, #tpu.memory_space<hbm>>
        %dma_start3A_10 = tpu.memref_slice %arg3[%mul3A_6] : memref<323584xi32, #tpu.memory_space<hbm>> -> memref<14720xi32, #tpu.memory_space<hbm>>
        tpu.enqueue_dma source(%dma_start3A_10 : memref<14720xi32, #tpu.memory_space<hbm>>) target(%arg7 : memref<14720xi32, #tpu.memory_space<vmem>>) target_semaphore(%run_scoped3A : memref<!tpu.dma_semaphore, #tpu.memory_space<semaphore_mem>>)
        %dma_wait3A_11 = tpu.memref_slice %arg3[%mul3A_6] : memref<323584xi32, #tpu.memory_space<hbm>> -> memref<14720xi32, #tpu.memory_space<hbm>>
        %dma_wait3A_12 = tpu.memref_slice %arg3[%mul3A_6] : memref<323584xi32, #tpu.memory_space<hbm>> -> memref<14720xi32, #tpu.memory_space<hbm>>
        tpu.wait_dma2 semaphore(%run_scoped3A : memref<!tpu.dma_semaphore, #tpu.memory_space<semaphore_mem>>) src(%dma_wait3A_12 : memref<14720xi32, #tpu.memory_space<hbm>>) dst(%arg7 : memref<14720xi32, #tpu.memory_space<vmem>>)
        tpu.yield
      }) : () -> ()
      %dma_start3A = arith.constant 0 : i32
      %dma_start3A_7 = tpu.memref_slice %arg4[%dma_start3A] : memref<49995008xi32, #tpu.memory_space<hbm>> -> memref<49995008xi32, #tpu.memory_space<hbm>>
      tpu.enqueue_indirect_dma source(%arg7 : memref<14720xi32, #tpu.memory_space<vmem>>) target(%dma_start3A_7 : memref<49995008xi32, #tpu.memory_space<hbm>>) offsets(%arg6 : memref<14720xi32, #tpu.memory_space<vmem>>) semaphore(%arg10 : memref<!tpu.dma_semaphore, #tpu.memory_space<semaphore_mem>>)
      %dma_wait3A = arith.constant 0 : i32
      %dma_wait3A_8 = tpu.memref_slice %arg4[%dma_wait3A] : memref<49995008xi32, #tpu.memory_space<hbm>> -> memref<49995008xi32, #tpu.memory_space<hbm>>
      tpu.wait_indirect_dma semaphore(%arg10 : memref<!tpu.dma_semaphore, #tpu.memory_space<semaphore_mem>>) src(%arg7 : memref<14720xi32, #tpu.memory_space<vmem>>) dst(%dma_wait3A_8 : memref<49995008xi32, #tpu.memory_space<hbm>>)
    } else {
    }
    %ne3A = arith.constant 0 : i32
    %ne3A_2 = arith.cmpi ne, %arg0, %ne3A : i32
    %convert_element_type3A_3 = arith.extui %ne3A_2 : i1 to i32
    %cond3A_4 = arith.constant 0 : i32
    %cond3A_5 = arith.cmpi ne, %convert_element_type3A_3, %cond3A_4 : i32
    scf.if %cond3A_5 {
      %mul3A = arith.constant 5504 : i32
      %mul3A_6 = arith.muli %arg1, %mul3A : i32
      %add3A = arith.constant 235520 : i32
      %add3A_7 = arith.addi %add3A, %mul3A_6 : i32
      "tpu.region"() ({
        %run_scoped3A = tpu.sem_alloc : memref<!tpu.dma_semaphore, #tpu.memory_space<semaphore_mem>>
        %dma_start3A_10 = tpu.memref_slice %arg2[%add3A_7] : memref<323584xi32, #tpu.memory_space<hbm>> -> memref<5504xi32, #tpu.memory_space<hbm>>
        %dma_start3A_11 = tpu.memref_slice %arg2[%add3A_7] : memref<323584xi32, #tpu.memory_space<hbm>> -> memref<5504xi32, #tpu.memory_space<hbm>>
        tpu.enqueue_dma source(%dma_start3A_11 : memref<5504xi32, #tpu.memory_space<hbm>>) target(%arg8 : memref<5504xi32, #tpu.memory_space<vmem>>) target_semaphore(%run_scoped3A : memref<!tpu.dma_semaphore, #tpu.memory_space<semaphore_mem>>)
        %dma_wait3A_12 = tpu.memref_slice %arg2[%add3A_7] : memref<323584xi32, #tpu.memory_space<hbm>> -> memref<5504xi32, #tpu.memory_space<hbm>>
        %dma_wait3A_13 = tpu.memref_slice %arg2[%add3A_7] : memref<323584xi32, #tpu.memory_space<hbm>> -> memref<5504xi32, #tpu.memory_space<hbm>>
        tpu.wait_dma2 semaphore(%run_scoped3A : memref<!tpu.dma_semaphore, #tpu.memory_space<semaphore_mem>>) src(%dma_wait3A_13 : memref<5504xi32, #tpu.memory_space<hbm>>) dst(%arg8 : memref<5504xi32, #tpu.memory_space<vmem>>)
        tpu.yield
      }) : () -> ()
      "tpu.region"() ({
        %run_scoped3A = tpu.sem_alloc : memref<!tpu.dma_semaphore, #tpu.memory_space<semaphore_mem>>
        %dma_start3A_10 = tpu.memref_slice %arg3[%add3A_7] : memref<323584xi32, #tpu.memory_space<hbm>> -> memref<5504xi32, #tpu.memory_space<hbm>>
        %dma_start3A_11 = tpu.memref_slice %arg3[%add3A_7] : memref<323584xi32, #tpu.memory_space<hbm>> -> memref<5504xi32, #tpu.memory_space<hbm>>
        tpu.enqueue_dma source(%dma_start3A_11 : memref<5504xi32, #tpu.memory_space<hbm>>) target(%arg9 : memref<5504xi32, #tpu.memory_space<vmem>>) target_semaphore(%run_scoped3A : memref<!tpu.dma_semaphore, #tpu.memory_space<semaphore_mem>>)
        %dma_wait3A_12 = tpu.memref_slice %arg3[%add3A_7] : memref<323584xi32, #tpu.memory_space<hbm>> -> memref<5504xi32, #tpu.memory_space<hbm>>
        %dma_wait3A_13 = tpu.memref_slice %arg3[%add3A_7] : memref<323584xi32, #tpu.memory_space<hbm>> -> memref<5504xi32, #tpu.memory_space<hbm>>
        tpu.wait_dma2 semaphore(%run_scoped3A : memref<!tpu.dma_semaphore, #tpu.memory_space<semaphore_mem>>) src(%dma_wait3A_13 : memref<5504xi32, #tpu.memory_space<hbm>>) dst(%arg9 : memref<5504xi32, #tpu.memory_space<vmem>>)
        tpu.yield
      }) : () -> ()
      %dma_start3A = arith.constant 0 : i32
      %dma_start3A_8 = tpu.memref_slice %arg4[%dma_start3A] : memref<49995008xi32, #tpu.memory_space<hbm>> -> memref<49995008xi32, #tpu.memory_space<hbm>>
      tpu.enqueue_indirect_dma source(%arg9 : memref<5504xi32, #tpu.memory_space<vmem>>) target(%dma_start3A_8 : memref<49995008xi32, #tpu.memory_space<hbm>>) offsets(%arg8 : memref<5504xi32, #tpu.memory_space<vmem>>) semaphore(%arg10 : memref<!tpu.dma_semaphore, #tpu.memory_space<semaphore_mem>>)
      %dma_wait3A = arith.constant 0 : i32
      %dma_wait3A_9 = tpu.memref_slice %arg4[%dma_wait3A] : memref<49995008xi32, #tpu.memory_space<hbm>> -> memref<49995008xi32, #tpu.memory_space<hbm>>
      tpu.wait_indirect_dma semaphore(%arg10 : memref<!tpu.dma_semaphore, #tpu.memory_space<semaphore_mem>>) src(%arg9 : memref<5504xi32, #tpu.memory_space<vmem>>) dst(%dma_wait3A_9 : memref<49995008xi32, #tpu.memory_space<hbm>>)
    } else {
    }
    return
  }
}

#map = affine_map<(d0, d1) -> (0)>
#map1 = affine_map<(d0, d1) -> (0, 0)>
module attributes {stable_mosaic.version = 14 : i64} {
  func.func @_s2_degree(%arg0: i32, %arg1: i32, %arg2: memref<323584xi32, #tpu.memory_space<hbm>>, %arg3: memref<323584xi32, #tpu.memory_space<hbm>>, %arg4: memref<323584xi32, #tpu.memory_space<hbm>>, %arg5: memref<49995008xi32, #tpu.memory_space<hbm>>, %arg6: memref<32x10000xf32, #tpu.memory_space<hbm>>, %arg7: memref<323584xi32, #tpu.memory_space<hbm>>, %arg8: memref<323584xi32, #tpu.memory_space<hbm>>, %arg9: memref<10112xi32, #tpu.memory_space<vmem>>, %arg10: memref<10112xi32, #tpu.memory_space<vmem>>, %arg11: memref<10112xi32, #tpu.memory_space<vmem>>, %arg12: memref<10112xi32, #tpu.memory_space<vmem>>, %arg13: memref<10112xi32, #tpu.memory_space<vmem>>, %arg14: memref<10112xi32, #tpu.memory_space<vmem>>, %arg15: memref<10000xf32, #tpu.memory_space<vmem>>, %arg16: memref<!tpu.dma_semaphore, #tpu.memory_space<semaphore_mem>>) attributes {dimension_semantics = [#tpu.dimension_semantics<core_parallel>, #tpu.dimension_semantics<subcore_parallel>], iteration_bounds = array<i64: 2, 16>, scalar_prefetch = 0 : i64, scratch_operands = 8 : i64, tpu.core_type = #tpu.core_type<sc_vector_subcore>, window_params = [{transform_indices = #map}, {transform_indices = #map}, {transform_indices = #map}, {transform_indices = #map}, {transform_indices = #map1}, {transform_indices = #map}, {transform_indices = #map}]} {
    %mul3A = arith.constant 2 : i32
    %mul3A_0 = arith.muli %arg1, %mul3A : i32
    %add3A = arith.addi %mul3A_0, %arg0 : i32
    %mul3A_1 = arith.constant 10112 : i32
    %mul3A_2 = arith.muli %add3A, %mul3A_1 : i32
    "tpu.region"() ({
      %run_scoped3A = tpu.sem_alloc : memref<!tpu.dma_semaphore, #tpu.memory_space<semaphore_mem>>
      %dma_start3A_16 = tpu.memref_slice %arg2[%mul3A_2] : memref<323584xi32, #tpu.memory_space<hbm>> -> memref<10112xi32, #tpu.memory_space<hbm>>
      %dma_start3A_17 = tpu.memref_slice %arg2[%mul3A_2] : memref<323584xi32, #tpu.memory_space<hbm>> -> memref<10112xi32, #tpu.memory_space<hbm>>
      tpu.enqueue_dma source(%dma_start3A_17 : memref<10112xi32, #tpu.memory_space<hbm>>) target(%arg9 : memref<10112xi32, #tpu.memory_space<vmem>>) target_semaphore(%run_scoped3A : memref<!tpu.dma_semaphore, #tpu.memory_space<semaphore_mem>>)
      %dma_wait3A_18 = tpu.memref_slice %arg2[%mul3A_2] : memref<323584xi32, #tpu.memory_space<hbm>> -> memref<10112xi32, #tpu.memory_space<hbm>>
      %dma_wait3A_19 = tpu.memref_slice %arg2[%mul3A_2] : memref<323584xi32, #tpu.memory_space<hbm>> -> memref<10112xi32, #tpu.memory_space<hbm>>
      tpu.wait_dma2 semaphore(%run_scoped3A : memref<!tpu.dma_semaphore, #tpu.memory_space<semaphore_mem>>) src(%dma_wait3A_19 : memref<10112xi32, #tpu.memory_space<hbm>>) dst(%arg9 : memref<10112xi32, #tpu.memory_space<vmem>>)
      tpu.yield
    }) : () -> ()
    "tpu.region"() ({
      %run_scoped3A = tpu.sem_alloc : memref<!tpu.dma_semaphore, #tpu.memory_space<semaphore_mem>>
      %dma_start3A_16 = tpu.memref_slice %arg3[%mul3A_2] : memref<323584xi32, #tpu.memory_space<hbm>> -> memref<10112xi32, #tpu.memory_space<hbm>>
      %dma_start3A_17 = tpu.memref_slice %arg3[%mul3A_2] : memref<323584xi32, #tpu.memory_space<hbm>> -> memref<10112xi32, #tpu.memory_space<hbm>>
      tpu.enqueue_dma source(%dma_start3A_17 : memref<10112xi32, #tpu.memory_space<hbm>>) target(%arg10 : memref<10112xi32, #tpu.memory_space<vmem>>) target_semaphore(%run_scoped3A : memref<!tpu.dma_semaphore, #tpu.memory_space<semaphore_mem>>)
      %dma_wait3A_18 = tpu.memref_slice %arg3[%mul3A_2] : memref<323584xi32, #tpu.memory_space<hbm>> -> memref<10112xi32, #tpu.memory_space<hbm>>
      %dma_wait3A_19 = tpu.memref_slice %arg3[%mul3A_2] : memref<323584xi32, #tpu.memory_space<hbm>> -> memref<10112xi32, #tpu.memory_space<hbm>>
      tpu.wait_dma2 semaphore(%run_scoped3A : memref<!tpu.dma_semaphore, #tpu.memory_space<semaphore_mem>>) src(%dma_wait3A_19 : memref<10112xi32, #tpu.memory_space<hbm>>) dst(%arg10 : memref<10112xi32, #tpu.memory_space<vmem>>)
      tpu.yield
    }) : () -> ()
    "tpu.region"() ({
      %run_scoped3A = tpu.sem_alloc : memref<!tpu.dma_semaphore, #tpu.memory_space<semaphore_mem>>
      %dma_start3A_16 = tpu.memref_slice %arg4[%mul3A_2] : memref<323584xi32, #tpu.memory_space<hbm>> -> memref<10112xi32, #tpu.memory_space<hbm>>
      %dma_start3A_17 = tpu.memref_slice %arg4[%mul3A_2] : memref<323584xi32, #tpu.memory_space<hbm>> -> memref<10112xi32, #tpu.memory_space<hbm>>
      tpu.enqueue_dma source(%dma_start3A_17 : memref<10112xi32, #tpu.memory_space<hbm>>) target(%arg11 : memref<10112xi32, #tpu.memory_space<vmem>>) target_semaphore(%run_scoped3A : memref<!tpu.dma_semaphore, #tpu.memory_space<semaphore_mem>>)
      %dma_wait3A_18 = tpu.memref_slice %arg4[%mul3A_2] : memref<323584xi32, #tpu.memory_space<hbm>> -> memref<10112xi32, #tpu.memory_space<hbm>>
      %dma_wait3A_19 = tpu.memref_slice %arg4[%mul3A_2] : memref<323584xi32, #tpu.memory_space<hbm>> -> memref<10112xi32, #tpu.memory_space<hbm>>
      tpu.wait_dma2 semaphore(%run_scoped3A : memref<!tpu.dma_semaphore, #tpu.memory_space<semaphore_mem>>) src(%dma_wait3A_19 : memref<10112xi32, #tpu.memory_space<hbm>>) dst(%arg11 : memref<10112xi32, #tpu.memory_space<vmem>>)
      tpu.yield
    }) : () -> ()
    %dma_start3A = arith.constant 0 : i32
    %dma_start3A_3 = tpu.memref_slice %arg5[%dma_start3A] : memref<49995008xi32, #tpu.memory_space<hbm>> -> memref<49995008xi32, #tpu.memory_space<hbm>>
    tpu.enqueue_indirect_dma source(%dma_start3A_3 : memref<49995008xi32, #tpu.memory_space<hbm>>) target(%arg12 : memref<10112xi32, #tpu.memory_space<vmem>>) offsets(%arg9 : memref<10112xi32, #tpu.memory_space<vmem>>) semaphore(%arg16 : memref<!tpu.dma_semaphore, #tpu.memory_space<semaphore_mem>>)
    %dma_wait3A = arith.constant 0 : i32
    %dma_wait3A_4 = tpu.memref_slice %arg5[%dma_wait3A] : memref<49995008xi32, #tpu.memory_space<hbm>> -> memref<49995008xi32, #tpu.memory_space<hbm>>
    tpu.wait_indirect_dma semaphore(%arg16 : memref<!tpu.dma_semaphore, #tpu.memory_space<semaphore_mem>>) src(%dma_wait3A_4 : memref<49995008xi32, #tpu.memory_space<hbm>>) dst(%arg12 : memref<10112xi32, #tpu.memory_space<vmem>>)
    %scan3A = arith.constant 0 : i32
    %scan3A_5 = arith.constant 0 : i32
    %scan3A_6 = arith.constant 625 : i32
    %scan3A_7 = arith.addi %scan3A_5, %scan3A_6 : i32
    %scan3A_8 = arith.constant 1 : i32
    scf.for %scan3A_16 = %scan3A_5 to %scan3A_7 step %scan3A_8  : i32 {
      %broadcast_in_dim3A = arith.constant 0.000000e+00 : f32
      %broadcast_in_dim3A_17 = vector.broadcast %broadcast_in_dim3A : f32 to vector<16xf32>
      %mul3A_18 = arith.constant 16 : i32
      %mul3A_19 = arith.muli %scan3A_16, %mul3A_18 : i32
      %swap3A = arith.index_cast %mul3A_19 : i32 to index
      %swap3A_20 = tpu.vector_load %arg15[%swap3A] {strides = array<i32>} : memref<10000xf32, #tpu.memory_space<vmem>>, vector<16xf32>,
      tpu.vector_store %arg15[%swap3A], %broadcast_in_dim3A_17 {strides = array<i32>} : memref<10000xf32, #tpu.memory_space<vmem>>, vector<16xf32>,
    }
    %scan3A_9 = arith.constant 625 : i32
    %scan3A_10 = arith.constant 0 : i32
    %scan3A_11 = arith.constant 0 : i32
    %scan3A_12 = arith.constant 79 : i32
    %scan3A_13 = arith.addi %scan3A_11, %scan3A_12 : i32
    %scan3A_14 = arith.constant 1 : i32
    scf.for %scan3A_16 = %scan3A_11 to %scan3A_13 step %scan3A_14  : i32 {
      %mul3A_17 = arith.constant 128 : i32
      %mul3A_18 = arith.muli %scan3A_16, %mul3A_17 : i32
      %add3A_19 = arith.constant 0 : i32
      %add3A_20 = arith.addi %mul3A_18, %add3A_19 : i32
      %get3A = arith.index_cast %add3A_20 : i32 to index
      %get3A_21 = tpu.vector_load %arg12[%get3A] {strides = array<i32>} : memref<10112xi32, #tpu.memory_space<vmem>>, vector<16xi32>,
      %get3A_22 = arith.index_cast %add3A_20 : i32 to index
      %get3A_23 = tpu.vector_load %arg10[%get3A_22] {strides = array<i32>} : memref<10112xi32, #tpu.memory_space<vmem>>, vector<16xi32>,
      %get3A_24 = arith.index_cast %add3A_20 : i32 to index
      %get3A_25 = tpu.vector_load %arg11[%get3A_24] {strides = array<i32>} : memref<10112xi32, #tpu.memory_space<vmem>>, vector<16xi32>,
      %add3A_26 = arith.addi %mul3A_2, %add3A_20 : i32
      %iota3A = tpu.iota {dimensions = array<i32: 0>} : vector<16xi32>
      %add3A_27 = vector.broadcast %add3A_26 : i32 to vector<16xi32>
      %add3A_28 = arith.addi %add3A_27, %iota3A : vector<16xi32>
      %add3A_29 = arith.constant 1 : i32
      %add3A_30 = vector.broadcast %add3A_29 : i32 to vector<16xi32>
      %add3A_31 = arith.addi %add3A_28, %add3A_30 : vector<16xi32>
      %eq3A = arith.cmpi eq, %get3A_21, %add3A_31 : vector<16xi32>
      %jit3A = arith.constant 1.000000e+00 : f32
      %jit3A_32 = arith.constant 0.000000e+00 : f32
      %broadcast_in_dim3A = vector.broadcast %jit3A : f32 to vector<16xf32>
      %broadcast_in_dim3A_33 = vector.broadcast %jit3A_32 : f32 to vector<16xf32>
      %select_n3A = arith.select %eq3A, %broadcast_in_dim3A, %broadcast_in_dim3A_33 : vector<16xi1>, vector<16xf32>
      tpu.vector_store_idx %arg15[%get3A_23], %select_n3A {add = true} : memref<10000xf32, #tpu.memory_space<vmem>>[vector<16xi32>], vector<16xf32>,
      tpu.vector_store_idx %arg15[%get3A_25], %select_n3A {add = true} : memref<10000xf32, #tpu.memory_space<vmem>>[vector<16xi32>], vector<16xf32>,
      %jit3A_34 = arith.constant 10000 : i32
      %broadcast_in_dim3A_35 = vector.broadcast %jit3A_34 : i32 to vector<16xi32>
      %select_n3A_36 = arith.select %eq3A, %get3A_23, %broadcast_in_dim3A_35 : vector<16xi1>, vector<16xi32>
      %swap3A = arith.index_cast %add3A_20 : i32 to index
      %swap3A_37 = tpu.vector_load %arg13[%swap3A] {strides = array<i32>} : memref<10112xi32, #tpu.memory_space<vmem>>, vector<16xi32>,
      tpu.vector_store %arg13[%swap3A], %select_n3A_36 {strides = array<i32>} : memref<10112xi32, #tpu.memory_space<vmem>>, vector<16xi32>,
      %jit3A_38 = arith.constant 10000 : i32
      %broadcast_in_dim3A_39 = vector.broadcast %jit3A_38 : i32 to vector<16xi32>
      %select_n3A_40 = arith.select %eq3A, %get3A_25, %broadcast_in_dim3A_39 : vector<16xi1>, vector<16xi32>
      %swap3A_41 = arith.index_cast %add3A_20 : i32 to index
      %swap3A_42 = tpu.vector_load %arg14[%swap3A_41] {strides = array<i32>} : memref<10112xi32, #tpu.memory_space<vmem>>, vector<16xi32>,
      tpu.vector_store %arg14[%swap3A_41], %select_n3A_40 {strides = array<i32>} : memref<10112xi32, #tpu.memory_space<vmem>>, vector<16xi32>,
      %mul3A_43 = arith.constant 128 : i32
      %mul3A_44 = arith.muli %scan3A_16, %mul3A_43 : i32
      %add3A_45 = arith.constant 16 : i32
      %add3A_46 = arith.addi %mul3A_44, %add3A_45 : i32
      %get3A_47 = arith.index_cast %add3A_46 : i32 to index
      %get3A_48 = tpu.vector_load %arg12[%get3A_47] {strides = array<i32>} : memref<10112xi32, #tpu.memory_space<vmem>>, vector<16xi32>,
      %get3A_49 = arith.index_cast %add3A_46 : i32 to index
      %get3A_50 = tpu.vector_load %arg10[%get3A_49] {strides = array<i32>} : memref<10112xi32, #tpu.memory_space<vmem>>, vector<16xi32>,
      %get3A_51 = arith.index_cast %add3A_46 : i32 to index
      %get3A_52 = tpu.vector_load %arg11[%get3A_51] {strides = array<i32>} : memref<10112xi32, #tpu.memory_space<vmem>>, vector<16xi32>,
      %add3A_53 = arith.addi %mul3A_2, %add3A_46 : i32
      %iota3A_54 = tpu.iota {dimensions = array<i32: 0>} : vector<16xi32>
      %add3A_55 = vector.broadcast %add3A_53 : i32 to vector<16xi32>
      %add3A_56 = arith.addi %add3A_55, %iota3A_54 : vector<16xi32>
      %add3A_57 = arith.constant 1 : i32
      %add3A_58 = vector.broadcast %add3A_57 : i32 to vector<16xi32>
      %add3A_59 = arith.addi %add3A_56, %add3A_58 : vector<16xi32>
      %eq3A_60 = arith.cmpi eq, %get3A_48, %add3A_59 : vector<16xi32>
      %jit3A_61 = arith.constant 1.000000e+00 : f32
      %jit3A_62 = arith.constant 0.000000e+00 : f32
      %broadcast_in_dim3A_63 = vector.broadcast %jit3A_61 : f32 to vector<16xf32>
      %broadcast_in_dim3A_64 = vector.broadcast %jit3A_62 : f32 to vector<16xf32>
      %select_n3A_65 = arith.select %eq3A_60, %broadcast_in_dim3A_63, %broadcast_in_dim3A_64 : vector<16xi1>, vector<16xf32>
      tpu.vector_store_idx %arg15[%get3A_50], %select_n3A_65 {add = true} : memref<10000xf32, #tpu.memory_space<vmem>>[vector<16xi32>], vector<16xf32>,
      tpu.vector_store_idx %arg15[%get3A_52], %select_n3A_65 {add = true} : memref<10000xf32, #tpu.memory_space<vmem>>[vector<16xi32>], vector<16xf32>,
      %jit3A_66 = arith.constant 10000 : i32
      %broadcast_in_dim3A_67 = vector.broadcast %jit3A_66 : i32 to vector<16xi32>
      %select_n3A_68 = arith.select %eq3A_60, %get3A_50, %broadcast_in_dim3A_67 : vector<16xi1>, vector<16xi32>
      %swap3A_69 = arith.index_cast %add3A_46 : i32 to index
      %swap3A_70 = tpu.vector_load %arg13[%swap3A_69] {strides = array<i32>} : memref<10112xi32, #tpu.memory_space<vmem>>, vector<16xi32>,
      tpu.vector_store %arg13[%swap3A_69], %select_n3A_68 {strides = array<i32>} : memref<10112xi32, #tpu.memory_space<vmem>>, vector<16xi32>,
      %jit3A_71 = arith.constant 10000 : i32
      %broadcast_in_dim3A_72 = vector.broadcast %jit3A_71 : i32 to vector<16xi32>
      %select_n3A_73 = arith.select %eq3A_60, %get3A_52, %broadcast_in_dim3A_72 : vector<16xi1>, vector<16xi32>
      %swap3A_74 = arith.index_cast %add3A_46 : i32 to index
      %swap3A_75 = tpu.vector_load %arg14[%swap3A_74] {strides = array<i32>} : memref<10112xi32, #tpu.memory_space<vmem>>, vector<16xi32>,
      tpu.vector_store %arg14[%swap3A_74], %select_n3A_73 {strides = array<i32>} : memref<10112xi32, #tpu.memory_space<vmem>>, vector<16xi32>,
      %mul3A_76 = arith.constant 128 : i32
      %mul3A_77 = arith.muli %scan3A_16, %mul3A_76 : i32
      %add3A_78 = arith.constant 32 : i32
      %add3A_79 = arith.addi %mul3A_77, %add3A_78 : i32
      %get3A_80 = arith.index_cast %add3A_79 : i32 to index
      %get3A_81 = tpu.vector_load %arg12[%get3A_80] {strides = array<i32>} : memref<10112xi32, #tpu.memory_space<vmem>>, vector<16xi32>,
      %get3A_82 = arith.index_cast %add3A_79 : i32 to index
      %get3A_83 = tpu.vector_load %arg10[%get3A_82] {strides = array<i32>} : memref<10112xi32, #tpu.memory_space<vmem>>, vector<16xi32>,
      %get3A_84 = arith.index_cast %add3A_79 : i32 to index
      %get3A_85 = tpu.vector_load %arg11[%get3A_84] {strides = array<i32>} : memref<10112xi32, #tpu.memory_space<vmem>>, vector<16xi32>,
      %add3A_86 = arith.addi %mul3A_2, %add3A_79 : i32
      %iota3A_87 = tpu.iota {dimensions = array<i32: 0>} : vector<16xi32>
      %add3A_88 = vector.broadcast %add3A_86 : i32 to vector<16xi32>
      %add3A_89 = arith.addi %add3A_88, %iota3A_87 : vector<16xi32>
      %add3A_90 = arith.constant 1 : i32
      %add3A_91 = vector.broadcast %add3A_90 : i32 to vector<16xi32>
      %add3A_92 = arith.addi %add3A_89, %add3A_91 : vector<16xi32>
      %eq3A_93 = arith.cmpi eq, %get3A_81, %add3A_92 : vector<16xi32>
      %jit3A_94 = arith.constant 1.000000e+00 : f32
      %jit3A_95 = arith.constant 0.000000e+00 : f32
      %broadcast_in_dim3A_96 = vector.broadcast %jit3A_94 : f32 to vector<16xf32>
      %broadcast_in_dim3A_97 = vector.broadcast %jit3A_95 : f32 to vector<16xf32>
      %select_n3A_98 = arith.select %eq3A_93, %broadcast_in_dim3A_96, %broadcast_in_dim3A_97 : vector<16xi1>, vector<16xf32>
      tpu.vector_store_idx %arg15[%get3A_83], %select_n3A_98 {add = true} : memref<10000xf32, #tpu.memory_space<vmem>>[vector<16xi32>], vector<16xf32>,
      tpu.vector_store_idx %arg15[%get3A_85], %select_n3A_98 {add = true} : memref<10000xf32, #tpu.memory_space<vmem>>[vector<16xi32>], vector<16xf32>,
      %jit3A_99 = arith.constant 10000 : i32
      %broadcast_in_dim3A_100 = vector.broadcast %jit3A_99 : i32 to vector<16xi32>
      %select_n3A_101 = arith.select %eq3A_93, %get3A_83, %broadcast_in_dim3A_100 : vector<16xi1>, vector<16xi32>
      %swap3A_102 = arith.index_cast %add3A_79 : i32 to index
      %swap3A_103 = tpu.vector_load %arg13[%swap3A_102] {strides = array<i32>} : memref<10112xi32, #tpu.memory_space<vmem>>, vector<16xi32>,
      tpu.vector_store %arg13[%swap3A_102], %select_n3A_101 {strides = array<i32>} : memref<10112xi32, #tpu.memory_space<vmem>>, vector<16xi32>,
      %jit3A_104 = arith.constant 10000 : i32
      %broadcast_in_dim3A_105 = vector.broadcast %jit3A_104 : i32 to vector<16xi32>
      %select_n3A_106 = arith.select %eq3A_93, %get3A_85, %broadcast_in_dim3A_105 : vector<16xi1>, vector<16xi32>
      %swap3A_107 = arith.index_cast %add3A_79 : i32 to index
      %swap3A_108 = tpu.vector_load %arg14[%swap3A_107] {strides = array<i32>} : memref<10112xi32, #tpu.memory_space<vmem>>, vector<16xi32>,
      tpu.vector_store %arg14[%swap3A_107], %select_n3A_106 {strides = array<i32>} : memref<10112xi32, #tpu.memory_space<vmem>>, vector<16xi32>,
      %mul3A_109 = arith.constant 128 : i32
      %mul3A_110 = arith.muli %scan3A_16, %mul3A_109 : i32
      %add3A_111 = arith.constant 48 : i32
      %add3A_112 = arith.addi %mul3A_110, %add3A_111 : i32
      %get3A_113 = arith.index_cast %add3A_112 : i32 to index
      %get3A_114 = tpu.vector_load %arg12[%get3A_113] {strides = array<i32>} : memref<10112xi32, #tpu.memory_space<vmem>>, vector<16xi32>,
      %get3A_115 = arith.index_cast %add3A_112 : i32 to index
      %get3A_116 = tpu.vector_load %arg10[%get3A_115] {strides = array<i32>} : memref<10112xi32, #tpu.memory_space<vmem>>, vector<16xi32>,
      %get3A_117 = arith.index_cast %add3A_112 : i32 to index
      %get3A_118 = tpu.vector_load %arg11[%get3A_117] {strides = array<i32>} : memref<10112xi32, #tpu.memory_space<vmem>>, vector<16xi32>,
      %add3A_119 = arith.addi %mul3A_2, %add3A_112 : i32
      %iota3A_120 = tpu.iota {dimensions = array<i32: 0>} : vector<16xi32>
      %add3A_121 = vector.broadcast %add3A_119 : i32 to vector<16xi32>
      %add3A_122 = arith.addi %add3A_121, %iota3A_120 : vector<16xi32>
      %add3A_123 = arith.constant 1 : i32
      %add3A_124 = vector.broadcast %add3A_123 : i32 to vector<16xi32>
      %add3A_125 = arith.addi %add3A_122, %add3A_124 : vector<16xi32>
      %eq3A_126 = arith.cmpi eq, %get3A_114, %add3A_125 : vector<16xi32>
      %jit3A_127 = arith.constant 1.000000e+00 : f32
      %jit3A_128 = arith.constant 0.000000e+00 : f32
      %broadcast_in_dim3A_129 = vector.broadcast %jit3A_127 : f32 to vector<16xf32>
      %broadcast_in_dim3A_130 = vector.broadcast %jit3A_128 : f32 to vector<16xf32>
      %select_n3A_131 = arith.select %eq3A_126, %broadcast_in_dim3A_129, %broadcast_in_dim3A_130 : vector<16xi1>, vector<16xf32>
      tpu.vector_store_idx %arg15[%get3A_116], %select_n3A_131 {add = true} : memref<10000xf32, #tpu.memory_space<vmem>>[vector<16xi32>], vector<16xf32>,
      tpu.vector_store_idx %arg15[%get3A_118], %select_n3A_131 {add = true} : memref<10000xf32, #tpu.memory_space<vmem>>[vector<16xi32>], vector<16xf32>,
      %jit3A_132 = arith.constant 10000 : i32
      %broadcast_in_dim3A_133 = vector.broadcast %jit3A_132 : i32 to vector<16xi32>
      %select_n3A_134 = arith.select %eq3A_126, %get3A_116, %broadcast_in_dim3A_133 : vector<16xi1>, vector<16xi32>
      %swap3A_135 = arith.index_cast %add3A_112 : i32 to index
      %swap3A_136 = tpu.vector_load %arg13[%swap3A_135] {strides = array<i32>} : memref<10112xi32, #tpu.memory_space<vmem>>, vector<16xi32>,
      tpu.vector_store %arg13[%swap3A_135], %select_n3A_134 {strides = array<i32>} : memref<10112xi32, #tpu.memory_space<vmem>>, vector<16xi32>,
      %jit3A_137 = arith.constant 10000 : i32
      %broadcast_in_dim3A_138 = vector.broadcast %jit3A_137 : i32 to vector<16xi32>
      %select_n3A_139 = arith.select %eq3A_126, %get3A_118, %broadcast_in_dim3A_138 : vector<16xi1>, vector<16xi32>
      %swap3A_140 = arith.index_cast %add3A_112 : i32 to index
      %swap3A_141 = tpu.vector_load %arg14[%swap3A_140] {strides = array<i32>} : memref<10112xi32, #tpu.memory_space<vmem>>, vector<16xi32>,
      tpu.vector_store %arg14[%swap3A_140], %select_n3A_139 {strides = array<i32>} : memref<10112xi32, #tpu.memory_space<vmem>>, vector<16xi32>,
      %mul3A_142 = arith.constant 128 : i32
      %mul3A_143 = arith.muli %scan3A_16, %mul3A_142 : i32
      %add3A_144 = arith.constant 64 : i32
      %add3A_145 = arith.addi %mul3A_143, %add3A_144 : i32
      %get3A_146 = arith.index_cast %add3A_145 : i32 to index
      %get3A_147 = tpu.vector_load %arg12[%get3A_146] {strides = array<i32>} : memref<10112xi32, #tpu.memory_space<vmem>>, vector<16xi32>,
      %get3A_148 = arith.index_cast %add3A_145 : i32 to index
      %get3A_149 = tpu.vector_load %arg10[%get3A_148] {strides = array<i32>} : memref<10112xi32, #tpu.memory_space<vmem>>, vector<16xi32>,
      %get3A_150 = arith.index_cast %add3A_145 : i32 to index
      %get3A_151 = tpu.vector_load %arg11[%get3A_150] {strides = array<i32>} : memref<10112xi32, #tpu.memory_space<vmem>>, vector<16xi32>,
      %add3A_152 = arith.addi %mul3A_2, %add3A_145 : i32
      %iota3A_153 = tpu.iota {dimensions = array<i32: 0>} : vector<16xi32>
      %add3A_154 = vector.broadcast %add3A_152 : i32 to vector<16xi32>
      %add3A_155 = arith.addi %add3A_154, %iota3A_153 : vector<16xi32>
      %add3A_156 = arith.constant 1 : i32
      %add3A_157 = vector.broadcast %add3A_156 : i32 to vector<16xi32>
      %add3A_158 = arith.addi %add3A_155, %add3A_157 : vector<16xi32>
      %eq3A_159 = arith.cmpi eq, %get3A_147, %add3A_158 : vector<16xi32>
      %jit3A_160 = arith.constant 1.000000e+00 : f32
      %jit3A_161 = arith.constant 0.000000e+00 : f32
      %broadcast_in_dim3A_162 = vector.broadcast %jit3A_160 : f32 to vector<16xf32>
      %broadcast_in_dim3A_163 = vector.broadcast %jit3A_161 : f32 to vector<16xf32>
      %select_n3A_164 = arith.select %eq3A_159, %broadcast_in_dim3A_162, %broadcast_in_dim3A_163 : vector<16xi1>, vector<16xf32>
      tpu.vector_store_idx %arg15[%get3A_149], %select_n3A_164 {add = true} : memref<10000xf32, #tpu.memory_space<vmem>>[vector<16xi32>], vector<16xf32>,
      tpu.vector_store_idx %arg15[%get3A_151], %select_n3A_164 {add = true} : memref<10000xf32, #tpu.memory_space<vmem>>[vector<16xi32>], vector<16xf32>,
      %jit3A_165 = arith.constant 10000 : i32
      %broadcast_in_dim3A_166 = vector.broadcast %jit3A_165 : i32 to vector<16xi32>
      %select_n3A_167 = arith.select %eq3A_159, %get3A_149, %broadcast_in_dim3A_166 : vector<16xi1>, vector<16xi32>
      %swap3A_168 = arith.index_cast %add3A_145 : i32 to index
      %swap3A_169 = tpu.vector_load %arg13[%swap3A_168] {strides = array<i32>} : memref<10112xi32, #tpu.memory_space<vmem>>, vector<16xi32>,
      tpu.vector_store %arg13[%swap3A_168], %select_n3A_167 {strides = array<i32>} : memref<10112xi32, #tpu.memory_space<vmem>>, vector<16xi32>,
      %jit3A_170 = arith.constant 10000 : i32
      %broadcast_in_dim3A_171 = vector.broadcast %jit3A_170 : i32 to vector<16xi32>
      %select_n3A_172 = arith.select %eq3A_159, %get3A_151, %broadcast_in_dim3A_171 : vector<16xi1>, vector<16xi32>
      %swap3A_173 = arith.index_cast %add3A_145 : i32 to index
      %swap3A_174 = tpu.vector_load %arg14[%swap3A_173] {strides = array<i32>} : memref<10112xi32, #tpu.memory_space<vmem>>, vector<16xi32>,
      tpu.vector_store %arg14[%swap3A_173], %select_n3A_172 {strides = array<i32>} : memref<10112xi32, #tpu.memory_space<vmem>>, vector<16xi32>,
      %mul3A_175 = arith.constant 128 : i32
      %mul3A_176 = arith.muli %scan3A_16, %mul3A_175 : i32
      %add3A_177 = arith.constant 80 : i32
      %add3A_178 = arith.addi %mul3A_176, %add3A_177 : i32
      %get3A_179 = arith.index_cast %add3A_178 : i32 to index
      %get3A_180 = tpu.vector_load %arg12[%get3A_179] {strides = array<i32>} : memref<10112xi32, #tpu.memory_space<vmem>>, vector<16xi32>,
      %get3A_181 = arith.index_cast %add3A_178 : i32 to index
      %get3A_182 = tpu.vector_load %arg10[%get3A_181] {strides = array<i32>} : memref<10112xi32, #tpu.memory_space<vmem>>, vector<16xi32>,
      %get3A_183 = arith.index_cast %add3A_178 : i32 to index
      %get3A_184 = tpu.vector_load %arg11[%get3A_183] {strides = array<i32>} : memref<10112xi32, #tpu.memory_space<vmem>>, vector<16xi32>,
      %add3A_185 = arith.addi %mul3A_2, %add3A_178 : i32
      %iota3A_186 = tpu.iota {dimensions = array<i32: 0>} : vector<16xi32>
      %add3A_187 = vector.broadcast %add3A_185 : i32 to vector<16xi32>
      %add3A_188 = arith.addi %add3A_187, %iota3A_186 : vector<16xi32>
      %add3A_189 = arith.constant 1 : i32
      %add3A_190 = vector.broadcast %add3A_189 : i32 to vector<16xi32>
      %add3A_191 = arith.addi %add3A_188, %add3A_190 : vector<16xi32>
      %eq3A_192 = arith.cmpi eq, %get3A_180, %add3A_191 : vector<16xi32>
      %jit3A_193 = arith.constant 1.000000e+00 : f32
      %jit3A_194 = arith.constant 0.000000e+00 : f32
      %broadcast_in_dim3A_195 = vector.broadcast %jit3A_193 : f32 to vector<16xf32>
      %broadcast_in_dim3A_196 = vector.broadcast %jit3A_194 : f32 to vector<16xf32>
      %select_n3A_197 = arith.select %eq3A_192, %broadcast_in_dim3A_195, %broadcast_in_dim3A_196 : vector<16xi1>, vector<16xf32>
      tpu.vector_store_idx %arg15[%get3A_182], %select_n3A_197 {add = true} : memref<10000xf32, #tpu.memory_space<vmem>>[vector<16xi32>], vector<16xf32>,
      tpu.vector_store_idx %arg15[%get3A_184], %select_n3A_197 {add = true} : memref<10000xf32, #tpu.memory_space<vmem>>[vector<16xi32>], vector<16xf32>,
      %jit3A_198 = arith.constant 10000 : i32
      %broadcast_in_dim3A_199 = vector.broadcast %jit3A_198 : i32 to vector<16xi32>
      %select_n3A_200 = arith.select %eq3A_192, %get3A_182, %broadcast_in_dim3A_199 : vector<16xi1>, vector<16xi32>
      %swap3A_201 = arith.index_cast %add3A_178 : i32 to index
      %swap3A_202 = tpu.vector_load %arg13[%swap3A_201] {strides = array<i32>} : memref<10112xi32, #tpu.memory_space<vmem>>, vector<16xi32>,
      tpu.vector_store %arg13[%swap3A_201], %select_n3A_200 {strides = array<i32>} : memref<10112xi32, #tpu.memory_space<vmem>>, vector<16xi32>,
      %jit3A_203 = arith.constant 10000 : i32
      %broadcast_in_dim3A_204 = vector.broadcast %jit3A_203 : i32 to vector<16xi32>
      %select_n3A_205 = arith.select %eq3A_192, %get3A_184, %broadcast_in_dim3A_204 : vector<16xi1>, vector<16xi32>
      %swap3A_206 = arith.index_cast %add3A_178 : i32 to index
      %swap3A_207 = tpu.vector_load %arg14[%swap3A_206] {strides = array<i32>} : memref<10112xi32, #tpu.memory_space<vmem>>, vector<16xi32>,
      tpu.vector_store %arg14[%swap3A_206], %select_n3A_205 {strides = array<i32>} : memref<10112xi32, #tpu.memory_space<vmem>>, vector<16xi32>,
      %mul3A_208 = arith.constant 128 : i32
      %mul3A_209 = arith.muli %scan3A_16, %mul3A_208 : i32
      %add3A_210 = arith.constant 96 : i32
      %add3A_211 = arith.addi %mul3A_209, %add3A_210 : i32
      %get3A_212 = arith.index_cast %add3A_211 : i32 to index
      %get3A_213 = tpu.vector_load %arg12[%get3A_212] {strides = array<i32>} : memref<10112xi32, #tpu.memory_space<vmem>>, vector<16xi32>,
      %get3A_214 = arith.index_cast %add3A_211 : i32 to index
      %get3A_215 = tpu.vector_load %arg10[%get3A_214] {strides = array<i32>} : memref<10112xi32, #tpu.memory_space<vmem>>, vector<16xi32>,
      %get3A_216 = arith.index_cast %add3A_211 : i32 to index
      %get3A_217 = tpu.vector_load %arg11[%get3A_216] {strides = array<i32>} : memref<10112xi32, #tpu.memory_space<vmem>>, vector<16xi32>,
      %add3A_218 = arith.addi %mul3A_2, %add3A_211 : i32
      %iota3A_219 = tpu.iota {dimensions = array<i32: 0>} : vector<16xi32>
      %add3A_220 = vector.broadcast %add3A_218 : i32 to vector<16xi32>
      %add3A_221 = arith.addi %add3A_220, %iota3A_219 : vector<16xi32>
      %add3A_222 = arith.constant 1 : i32
      %add3A_223 = vector.broadcast %add3A_222 : i32 to vector<16xi32>
      %add3A_224 = arith.addi %add3A_221, %add3A_223 : vector<16xi32>
      %eq3A_225 = arith.cmpi eq, %get3A_213, %add3A_224 : vector<16xi32>
      %jit3A_226 = arith.constant 1.000000e+00 : f32
      %jit3A_227 = arith.constant 0.000000e+00 : f32
      %broadcast_in_dim3A_228 = vector.broadcast %jit3A_226 : f32 to vector<16xf32>
      %broadcast_in_dim3A_229 = vector.broadcast %jit3A_227 : f32 to vector<16xf32>
      %select_n3A_230 = arith.select %eq3A_225, %broadcast_in_dim3A_228, %broadcast_in_dim3A_229 : vector<16xi1>, vector<16xf32>
      tpu.vector_store_idx %arg15[%get3A_215], %select_n3A_230 {add = true} : memref<10000xf32, #tpu.memory_space<vmem>>[vector<16xi32>], vector<16xf32>,
      tpu.vector_store_idx %arg15[%get3A_217], %select_n3A_230 {add = true} : memref<10000xf32, #tpu.memory_space<vmem>>[vector<16xi32>], vector<16xf32>,
      %jit3A_231 = arith.constant 10000 : i32
      %broadcast_in_dim3A_232 = vector.broadcast %jit3A_231 : i32 to vector<16xi32>
      %select_n3A_233 = arith.select %eq3A_225, %get3A_215, %broadcast_in_dim3A_232 : vector<16xi1>, vector<16xi32>
      %swap3A_234 = arith.index_cast %add3A_211 : i32 to index
      %swap3A_235 = tpu.vector_load %arg13[%swap3A_234] {strides = array<i32>} : memref<10112xi32, #tpu.memory_space<vmem>>, vector<16xi32>,
      tpu.vector_store %arg13[%swap3A_234], %select_n3A_233 {strides = array<i32>} : memref<10112xi32, #tpu.memory_space<vmem>>, vector<16xi32>,
      %jit3A_236 = arith.constant 10000 : i32
      %broadcast_in_dim3A_237 = vector.broadcast %jit3A_236 : i32 to vector<16xi32>
      %select_n3A_238 = arith.select %eq3A_225, %get3A_217, %broadcast_in_dim3A_237 : vector<16xi1>, vector<16xi32>
      %swap3A_239 = arith.index_cast %add3A_211 : i32 to index
      %swap3A_240 = tpu.vector_load %arg14[%swap3A_239] {strides = array<i32>} : memref<10112xi32, #tpu.memory_space<vmem>>, vector<16xi32>,
      tpu.vector_store %arg14[%swap3A_239], %select_n3A_238 {strides = array<i32>} : memref<10112xi32, #tpu.memory_space<vmem>>, vector<16xi32>,
      %mul3A_241 = arith.constant 128 : i32
      %mul3A_242 = arith.muli %scan3A_16, %mul3A_241 : i32
      %add3A_243 = arith.constant 112 : i32
      %add3A_244 = arith.addi %mul3A_242, %add3A_243 : i32
      %get3A_245 = arith.index_cast %add3A_244 : i32 to index
      %get3A_246 = tpu.vector_load %arg12[%get3A_245] {strides = array<i32>} : memref<10112xi32, #tpu.memory_space<vmem>>, vector<16xi32>,
      %get3A_247 = arith.index_cast %add3A_244 : i32 to index
      %get3A_248 = tpu.vector_load %arg10[%get3A_247] {strides = array<i32>} : memref<10112xi32, #tpu.memory_space<vmem>>, vector<16xi32>,
      %get3A_249 = arith.index_cast %add3A_244 : i32 to index
      %get3A_250 = tpu.vector_load %arg11[%get3A_249] {strides = array<i32>} : memref<10112xi32, #tpu.memory_space<vmem>>, vector<16xi32>,
      %add3A_251 = arith.addi %mul3A_2, %add3A_244 : i32
      %iota3A_252 = tpu.iota {dimensions = array<i32: 0>} : vector<16xi32>
      %add3A_253 = vector.broadcast %add3A_251 : i32 to vector<16xi32>
      %add3A_254 = arith.addi %add3A_253, %iota3A_252 : vector<16xi32>
      %add3A_255 = arith.constant 1 : i32
      %add3A_256 = vector.broadcast %add3A_255 : i32 to vector<16xi32>
      %add3A_257 = arith.addi %add3A_254, %add3A_256 : vector<16xi32>
      %eq3A_258 = arith.cmpi eq, %get3A_246, %add3A_257 : vector<16xi32>
      %jit3A_259 = arith.constant 1.000000e+00 : f32
      %jit3A_260 = arith.constant 0.000000e+00 : f32
      %broadcast_in_dim3A_261 = vector.broadcast %jit3A_259 : f32 to vector<16xf32>
      %broadcast_in_dim3A_262 = vector.broadcast %jit3A_260 : f32 to vector<16xf32>
      %select_n3A_263 = arith.select %eq3A_258, %broadcast_in_dim3A_261, %broadcast_in_dim3A_262 : vector<16xi1>, vector<16xf32>
      tpu.vector_store_idx %arg15[%get3A_248], %select_n3A_263 {add = true} : memref<10000xf32, #tpu.memory_space<vmem>>[vector<16xi32>], vector<16xf32>,
      tpu.vector_store_idx %arg15[%get3A_250], %select_n3A_263 {add = true} : memref<10000xf32, #tpu.memory_space<vmem>>[vector<16xi32>], vector<16xf32>,
      %jit3A_264 = arith.constant 10000 : i32
      %broadcast_in_dim3A_265 = vector.broadcast %jit3A_264 : i32 to vector<16xi32>
      %select_n3A_266 = arith.select %eq3A_258, %get3A_248, %broadcast_in_dim3A_265 : vector<16xi1>, vector<16xi32>
      %swap3A_267 = arith.index_cast %add3A_244 : i32 to index
      %swap3A_268 = tpu.vector_load %arg13[%swap3A_267] {strides = array<i32>} : memref<10112xi32, #tpu.memory_space<vmem>>, vector<16xi32>,
      tpu.vector_store %arg13[%swap3A_267], %select_n3A_266 {strides = array<i32>} : memref<10112xi32, #tpu.memory_space<vmem>>, vector<16xi32>,
      %jit3A_269 = arith.constant 10000 : i32
      %broadcast_in_dim3A_270 = vector.broadcast %jit3A_269 : i32 to vector<16xi32>
      %select_n3A_271 = arith.select %eq3A_258, %get3A_250, %broadcast_in_dim3A_270 : vector<16xi1>, vector<16xi32>
      %swap3A_272 = arith.index_cast %add3A_244 : i32 to index
      %swap3A_273 = tpu.vector_load %arg14[%swap3A_272] {strides = array<i32>} : memref<10112xi32, #tpu.memory_space<vmem>>, vector<16xi32>,
      tpu.vector_store %arg14[%swap3A_272], %select_n3A_271 {strides = array<i32>} : memref<10112xi32, #tpu.memory_space<vmem>>, vector<16xi32>,
    }
    %scan3A_15 = arith.constant 79 : i32
    "tpu.region"() ({
      %run_scoped3A = tpu.sem_alloc : memref<!tpu.dma_semaphore, #tpu.memory_space<semaphore_mem>>
      %dma_start3A_16 = arith.constant 0 : i32
      %dma_start3A_17 = tpu.memref_slice %arg6[%add3A, %dma_start3A_16] : memref<32x10000xf32, #tpu.memory_space<hbm>> -> memref<1x10000xf32, #tpu.memory_space<hbm>>
      %dma_start3A_18 = tpu.memref_squeeze %dma_start3A_17 : memref<1x10000xf32, #tpu.memory_space<hbm>> -> memref<10000xf32, #tpu.memory_space<hbm>>
      %dma_start3A_19 = arith.constant 0 : i32
      %dma_start3A_20 = tpu.memref_slice %arg6[%add3A, %dma_start3A_19] : memref<32x10000xf32, #tpu.memory_space<hbm>> -> memref<1x10000xf32, #tpu.memory_space<hbm>>
      %dma_start3A_21 = tpu.memref_squeeze %dma_start3A_20 : memref<1x10000xf32, #tpu.memory_space<hbm>> -> memref<10000xf32, #tpu.memory_space<hbm>>
      tpu.enqueue_dma source(%arg15 : memref<10000xf32, #tpu.memory_space<vmem>>) target(%dma_start3A_21 : memref<10000xf32, #tpu.memory_space<hbm>>) target_semaphore(%run_scoped3A : memref<!tpu.dma_semaphore, #tpu.memory_space<semaphore_mem>>)
      %dma_wait3A_22 = arith.constant 0 : i32
      %dma_wait3A_23 = tpu.memref_slice %arg6[%add3A, %dma_wait3A_22] : memref<32x10000xf32, #tpu.memory_space<hbm>> -> memref<1x10000xf32, #tpu.memory_space<hbm>>
      %dma_wait3A_24 = tpu.memref_squeeze %dma_wait3A_23 : memref<1x10000xf32, #tpu.memory_space<hbm>> -> memref<10000xf32, #tpu.memory_space<hbm>>
      %dma_wait3A_25 = arith.constant 0 : i32
      %dma_wait3A_26 = tpu.memref_slice %arg6[%add3A, %dma_wait3A_25] : memref<32x10000xf32, #tpu.memory_space<hbm>> -> memref<1x10000xf32, #tpu.memory_space<hbm>>
      %dma_wait3A_27 = tpu.memref_squeeze %dma_wait3A_26 : memref<1x10000xf32, #tpu.memory_space<hbm>> -> memref<10000xf32, #tpu.memory_space<hbm>>
      tpu.wait_dma2 semaphore(%run_scoped3A : memref<!tpu.dma_semaphore, #tpu.memory_space<semaphore_mem>>) src(%arg15 : memref<10000xf32, #tpu.memory_space<vmem>>) dst(%dma_wait3A_27 : memref<10000xf32, #tpu.memory_space<hbm>>)
      tpu.yield
    }) : () -> ()
    "tpu.region"() ({
      %run_scoped3A = tpu.sem_alloc : memref<!tpu.dma_semaphore, #tpu.memory_space<semaphore_mem>>
      %dma_start3A_16 = tpu.memref_slice %arg7[%mul3A_2] : memref<323584xi32, #tpu.memory_space<hbm>> -> memref<10112xi32, #tpu.memory_space<hbm>>
      %dma_start3A_17 = tpu.memref_slice %arg7[%mul3A_2] : memref<323584xi32, #tpu.memory_space<hbm>> -> memref<10112xi32, #tpu.memory_space<hbm>>
      tpu.enqueue_dma source(%arg13 : memref<10112xi32, #tpu.memory_space<vmem>>) target(%dma_start3A_17 : memref<10112xi32, #tpu.memory_space<hbm>>) target_semaphore(%run_scoped3A : memref<!tpu.dma_semaphore, #tpu.memory_space<semaphore_mem>>)
      %dma_wait3A_18 = tpu.memref_slice %arg7[%mul3A_2] : memref<323584xi32, #tpu.memory_space<hbm>> -> memref<10112xi32, #tpu.memory_space<hbm>>
      %dma_wait3A_19 = tpu.memref_slice %arg7[%mul3A_2] : memref<323584xi32, #tpu.memory_space<hbm>> -> memref<10112xi32, #tpu.memory_space<hbm>>
      tpu.wait_dma2 semaphore(%run_scoped3A : memref<!tpu.dma_semaphore, #tpu.memory_space<semaphore_mem>>) src(%arg13 : memref<10112xi32, #tpu.memory_space<vmem>>) dst(%dma_wait3A_19 : memref<10112xi32, #tpu.memory_space<hbm>>)
      tpu.yield
    }) : () -> ()
    "tpu.region"() ({
      %run_scoped3A = tpu.sem_alloc : memref<!tpu.dma_semaphore, #tpu.memory_space<semaphore_mem>>
      %dma_start3A_16 = tpu.memref_slice %arg8[%mul3A_2] : memref<323584xi32, #tpu.memory_space<hbm>> -> memref<10112xi32, #tpu.memory_space<hbm>>
      %dma_start3A_17 = tpu.memref_slice %arg8[%mul3A_2] : memref<323584xi32, #tpu.memory_space<hbm>> -> memref<10112xi32, #tpu.memory_space<hbm>>
      tpu.enqueue_dma source(%arg14 : memref<10112xi32, #tpu.memory_space<vmem>>) target(%dma_start3A_17 : memref<10112xi32, #tpu.memory_space<hbm>>) target_semaphore(%run_scoped3A : memref<!tpu.dma_semaphore, #tpu.memory_space<semaphore_mem>>)
      %dma_wait3A_18 = tpu.memref_slice %arg8[%mul3A_2] : memref<323584xi32, #tpu.memory_space<hbm>> -> memref<10112xi32, #tpu.memory_space<hbm>>
      %dma_wait3A_19 = tpu.memref_slice %arg8[%mul3A_2] : memref<323584xi32, #tpu.memory_space<hbm>> -> memref<10112xi32, #tpu.memory_space<hbm>>
      tpu.wait_dma2 semaphore(%run_scoped3A : memref<!tpu.dma_semaphore, #tpu.memory_space<semaphore_mem>>) src(%arg14 : memref<10112xi32, #tpu.memory_space<vmem>>) dst(%dma_wait3A_19 : memref<10112xi32, #tpu.memory_space<hbm>>)
      tpu.yield
    }) : () -> ()
    return
  }
}

#map = affine_map<(d0, d1) -> (0, 0)>
#map1 = affine_map<(d0, d1) -> (0)>
module attributes {stable_mosaic.version = 14 : i64} {
  func.func @_s4_pool(%arg0: i32, %arg1: i32, %arg2: memref<10240x128xf32, #tpu.memory_space<hbm>>, %arg3: memref<10240xi32, #tpu.memory_space<hbm>>, %arg4: memref<32x16384xf32, #tpu.memory_space<hbm>>, %arg5: memref<320x128xf32, #tpu.memory_space<vmem>>, %arg6: memref<320xi32, #tpu.memory_space<vmem>>, %arg7: memref<16384xf32, #tpu.memory_space<vmem>>) attributes {dimension_semantics = [#tpu.dimension_semantics<core_parallel>, #tpu.dimension_semantics<subcore_parallel>], iteration_bounds = array<i64: 2, 16>, scalar_prefetch = 0 : i64, scratch_operands = 3 : i64, tpu.core_type = #tpu.core_type<sc_vector_subcore>, window_params = [{transform_indices = #map}, {transform_indices = #map1}, {transform_indices = #map}]} {
    %mul3A = arith.constant 2 : i32
    %mul3A_0 = arith.muli %arg1, %mul3A : i32
    %add3A = arith.addi %mul3A_0, %arg0 : i32
    %mul3A_1 = arith.constant 320 : i32
    %mul3A_2 = arith.muli %add3A, %mul3A_1 : i32
    "tpu.region"() ({
      %run_scoped3A = tpu.sem_alloc : memref<!tpu.dma_semaphore, #tpu.memory_space<semaphore_mem>>
      %dma_start3A = arith.constant 0 : i32
      %dma_start3A_16 = tpu.memref_slice %arg2[%mul3A_2, %dma_start3A] : memref<10240x128xf32, #tpu.memory_space<hbm>> -> memref<320x128xf32, #tpu.memory_space<hbm>>
      %dma_start3A_17 = arith.constant 0 : i32
      %dma_start3A_18 = tpu.memref_slice %arg2[%mul3A_2, %dma_start3A_17] : memref<10240x128xf32, #tpu.memory_space<hbm>> -> memref<320x128xf32, #tpu.memory_space<hbm>>
      tpu.enqueue_dma source(%dma_start3A_18 : memref<320x128xf32, #tpu.memory_space<hbm>>) target(%arg5 : memref<320x128xf32, #tpu.memory_space<vmem>>) target_semaphore(%run_scoped3A : memref<!tpu.dma_semaphore, #tpu.memory_space<semaphore_mem>>)
      %dma_wait3A = arith.constant 0 : i32
      %dma_wait3A_19 = tpu.memref_slice %arg2[%mul3A_2, %dma_wait3A] : memref<10240x128xf32, #tpu.memory_space<hbm>> -> memref<320x128xf32, #tpu.memory_space<hbm>>
      %dma_wait3A_20 = arith.constant 0 : i32
      %dma_wait3A_21 = tpu.memref_slice %arg2[%mul3A_2, %dma_wait3A_20] : memref<10240x128xf32, #tpu.memory_space<hbm>> -> memref<320x128xf32, #tpu.memory_space<hbm>>
      tpu.wait_dma2 semaphore(%run_scoped3A : memref<!tpu.dma_semaphore, #tpu.memory_space<semaphore_mem>>) src(%dma_wait3A_21 : memref<320x128xf32, #tpu.memory_space<hbm>>) dst(%arg5 : memref<320x128xf32, #tpu.memory_space<vmem>>)
      tpu.yield
    }) : () -> ()
    %mul3A_3 = arith.constant 320 : i32
    %mul3A_4 = arith.muli %add3A, %mul3A_3 : i32
    "tpu.region"() ({
      %run_scoped3A = tpu.sem_alloc : memref<!tpu.dma_semaphore, #tpu.memory_space<semaphore_mem>>
      %dma_start3A = tpu.memref_slice %arg3[%mul3A_4] : memref<10240xi32, #tpu.memory_space<hbm>> -> memref<320xi32, #tpu.memory_space<hbm>>
      %dma_start3A_16 = tpu.memref_slice %arg3[%mul3A_4] : memref<10240xi32, #tpu.memory_space<hbm>> -> memref<320xi32, #tpu.memory_space<hbm>>
      tpu.enqueue_dma source(%dma_start3A_16 : memref<320xi32, #tpu.memory_space<hbm>>) target(%arg6 : memref<320xi32, #tpu.memory_space<vmem>>) target_semaphore(%run_scoped3A : memref<!tpu.dma_semaphore, #tpu.memory_space<semaphore_mem>>)
      %dma_wait3A = tpu.memref_slice %arg3[%mul3A_4] : memref<10240xi32, #tpu.memory_space<hbm>> -> memref<320xi32, #tpu.memory_space<hbm>>
      %dma_wait3A_17 = tpu.memref_slice %arg3[%mul3A_4] : memref<10240xi32, #tpu.memory_space<hbm>> -> memref<320xi32, #tpu.memory_space<hbm>>
      tpu.wait_dma2 semaphore(%run_scoped3A : memref<!tpu.dma_semaphore, #tpu.memory_space<semaphore_mem>>) src(%dma_wait3A_17 : memref<320xi32, #tpu.memory_space<hbm>>) dst(%arg6 : memref<320xi32, #tpu.memory_space<vmem>>)
      tpu.yield
    }) : () -> ()
    %scan3A = arith.constant 0 : i32
    %scan3A_5 = arith.constant 0 : i32
    %scan3A_6 = arith.constant 1024 : i32
    %scan3A_7 = arith.addi %scan3A_5, %scan3A_6 : i32
    %scan3A_8 = arith.constant 1 : i32
    scf.for %scan3A_16 = %scan3A_5 to %scan3A_7 step %scan3A_8  : i32 {
      %broadcast_in_dim3A = arith.constant 0xFF800000 : f32
      %broadcast_in_dim3A_17 = vector.broadcast %broadcast_in_dim3A : f32 to vector<16xf32>
      %mul3A_18 = arith.constant 16 : i32
      %mul3A_19 = arith.muli %scan3A_16, %mul3A_18 : i32
      %swap3A = arith.index_cast %mul3A_19 : i32 to index
      %swap3A_20 = tpu.vector_load %arg7[%swap3A] {strides = array<i32>} : memref<16384xf32, #tpu.memory_space<vmem>>, vector<16xf32>,
      %swap3A_21 = vector.shape_cast %swap3A_20 : vector<16xf32> to vector<16xf32>
      %swap3A_22 = vector.shape_cast %broadcast_in_dim3A_17 : vector<16xf32> to vector<16xf32>
      tpu.vector_store %arg7[%swap3A], %swap3A_22 {strides = array<i32>} : memref<16384xf32, #tpu.memory_space<vmem>>, vector<16xf32>,
    }
    %scan3A_9 = arith.constant 1024 : i32
    %scan3A_10 = arith.constant 0 : i32
    %scan3A_11 = arith.constant 0 : i32
    %scan3A_12 = arith.constant 20 : i32
    %scan3A_13 = arith.addi %scan3A_11, %scan3A_12 : i32
    %scan3A_14 = arith.constant 1 : i32
    scf.for %scan3A_16 = %scan3A_11 to %scan3A_13 step %scan3A_14  : i32 {
      %mul3A_17 = arith.constant 16 : i32
      %mul3A_18 = arith.muli %scan3A_16, %mul3A_17 : i32
      %get3A = arith.index_cast %mul3A_18 : i32 to index
      %get3A_19 = tpu.vector_load %arg6[%get3A] {strides = array<i32>} : memref<320xi32, #tpu.memory_space<vmem>>, vector<16xi32>,
      %get3A_20 = vector.shape_cast %get3A_19 : vector<16xi32> to vector<16xi32>
      %slice3A = vector.extract_strided_slice %get3A_20 {offsets = [0], sizes = [1], strides = [1]} : vector<16xi32> to vector<1xi32>
      %squeeze3A = vector.extract %slice3A[0] : i32 from vector<1xi32>
      %mul3A_21 = arith.constant 16 : i32
      %mul3A_22 = arith.muli %scan3A_16, %mul3A_21 : i32
      %add3A_23 = arith.constant 0 : i32
      %add3A_24 = arith.addi %mul3A_22, %add3A_23 : i32
      %mul3A_25 = arith.constant 128 : i32
      %mul3A_26 = arith.muli %squeeze3A, %mul3A_25 : i32
      %add3A_27 = arith.constant 0 : i32
      %add3A_28 = arith.addi %mul3A_26, %add3A_27 : i32
      %get3A_29 = arith.index_cast %add3A_28 : i32 to index
      %get3A_30 = tpu.vector_load %arg7[%get3A_29] {strides = array<i32>} : memref<16384xf32, #tpu.memory_space<vmem>>, vector<16xf32>,
      %get3A_31 = vector.shape_cast %get3A_30 : vector<16xf32> to vector<16xf32>
      %get3A_32 = arith.constant 0 : i32
      %get3A_33 = tpu.memref_slice %arg5[%add3A_24, %get3A_32] : memref<320x128xf32, #tpu.memory_space<vmem>> -> memref<1x128xf32, #tpu.memory_space<vmem>>
      %get3A_34 = tpu.memref_squeeze %get3A_33 : memref<1x128xf32, #tpu.memory_space<vmem>> -> memref<128xf32, #tpu.memory_space<vmem>>
      %get3A_35 = arith.constant 0 : index
      %get3A_36 = tpu.vector_load %get3A_34[%get3A_35] {strides = array<i32>} : memref<128xf32, #tpu.memory_space<vmem>>, vector<16xf32>,
      %get3A_37 = vector.shape_cast %get3A_36 : vector<16xf32> to vector<16xf32>
      %max3A = arith.maximumf %get3A_31, %get3A_37 : vector<16xf32>
      %swap3A = arith.index_cast %add3A_28 : i32 to index
      %swap3A_38 = tpu.vector_load %arg7[%swap3A] {strides = array<i32>} : memref<16384xf32, #tpu.memory_space<vmem>>, vector<16xf32>,
      %swap3A_39 = vector.shape_cast %swap3A_38 : vector<16xf32> to vector<16xf32>
      %swap3A_40 = vector.shape_cast %max3A : vector<16xf32> to vector<16xf32>
      tpu.vector_store %arg7[%swap3A], %swap3A_40 {strides = array<i32>} : memref<16384xf32, #tpu.memory_space<vmem>>, vector<16xf32>,
      %mul3A_41 = arith.constant 128 : i32
      %mul3A_42 = arith.muli %squeeze3A, %mul3A_41 : i32
      %add3A_43 = arith.constant 16 : i32
      %add3A_44 = arith.addi %mul3A_42, %add3A_43 : i32
      %get3A_45 = arith.index_cast %add3A_44 : i32 to index
      %get3A_46 = tpu.vector_load %arg7[%get3A_45] {strides = array<i32>} : memref<16384xf32, #tpu.memory_space<vmem>>, vector<16xf32>,
      %get3A_47 = vector.shape_cast %get3A_46 : vector<16xf32> to vector<16xf32>
      %get3A_48 = arith.constant 0 : i32
      %get3A_49 = tpu.memref_slice %arg5[%add3A_24, %get3A_48] : memref<320x128xf32, #tpu.memory_space<vmem>> -> memref<1x128xf32, #tpu.memory_space<vmem>>
      %get3A_50 = tpu.memref_squeeze %get3A_49 : memref<1x128xf32, #tpu.memory_space<vmem>> -> memref<128xf32, #tpu.memory_space<vmem>>
      %get3A_51 = arith.constant 16 : index
      %get3A_52 = tpu.vector_load %get3A_50[%get3A_51] {strides = array<i32>} : memref<128xf32, #tpu.memory_space<vmem>>, vector<16xf32>,
      %get3A_53 = vector.shape_cast %get3A_52 : vector<16xf32> to vector<16xf32>
      %max3A_54 = arith.maximumf %get3A_47, %get3A_53 : vector<16xf32>
      %swap3A_55 = arith.index_cast %add3A_44 : i32 to index
      %swap3A_56 = tpu.vector_load %arg7[%swap3A_55] {strides = array<i32>} : memref<16384xf32, #tpu.memory_space<vmem>>, vector<16xf32>,
      %swap3A_57 = vector.shape_cast %swap3A_56 : vector<16xf32> to vector<16xf32>
      %swap3A_58 = vector.shape_cast %max3A_54 : vector<16xf32> to vector<16xf32>
      tpu.vector_store %arg7[%swap3A_55], %swap3A_58 {strides = array<i32>} : memref<16384xf32, #tpu.memory_space<vmem>>, vector<16xf32>,
      %mul3A_59 = arith.constant 128 : i32
      %mul3A_60 = arith.muli %squeeze3A, %mul3A_59 : i32
      %add3A_61 = arith.constant 32 : i32
      %add3A_62 = arith.addi %mul3A_60, %add3A_61 : i32
      %get3A_63 = arith.index_cast %add3A_62 : i32 to index
      %get3A_64 = tpu.vector_load %arg7[%get3A_63] {strides = array<i32>} : memref<16384xf32, #tpu.memory_space<vmem>>, vector<16xf32>,
      %get3A_65 = vector.shape_cast %get3A_64 : vector<16xf32> to vector<16xf32>
      %get3A_66 = arith.constant 0 : i32
      %get3A_67 = tpu.memref_slice %arg5[%add3A_24, %get3A_66] : memref<320x128xf32, #tpu.memory_space<vmem>> -> memref<1x128xf32, #tpu.memory_space<vmem>>
      %get3A_68 = tpu.memref_squeeze %get3A_67 : memref<1x128xf32, #tpu.memory_space<vmem>> -> memref<128xf32, #tpu.memory_space<vmem>>
      %get3A_69 = arith.constant 32 : index
      %get3A_70 = tpu.vector_load %get3A_68[%get3A_69] {strides = array<i32>} : memref<128xf32, #tpu.memory_space<vmem>>, vector<16xf32>,
      %get3A_71 = vector.shape_cast %get3A_70 : vector<16xf32> to vector<16xf32>
      %max3A_72 = arith.maximumf %get3A_65, %get3A_71 : vector<16xf32>
      %swap3A_73 = arith.index_cast %add3A_62 : i32 to index
      %swap3A_74 = tpu.vector_load %arg7[%swap3A_73] {strides = array<i32>} : memref<16384xf32, #tpu.memory_space<vmem>>, vector<16xf32>,
      %swap3A_75 = vector.shape_cast %swap3A_74 : vector<16xf32> to vector<16xf32>
      %swap3A_76 = vector.shape_cast %max3A_72 : vector<16xf32> to vector<16xf32>
      tpu.vector_store %arg7[%swap3A_73], %swap3A_76 {strides = array<i32>} : memref<16384xf32, #tpu.memory_space<vmem>>, vector<16xf32>,
      %mul3A_77 = arith.constant 128 : i32
      %mul3A_78 = arith.muli %squeeze3A, %mul3A_77 : i32
      %add3A_79 = arith.constant 48 : i32
      %add3A_80 = arith.addi %mul3A_78, %add3A_79 : i32
      %get3A_81 = arith.index_cast %add3A_80 : i32 to index
      %get3A_82 = tpu.vector_load %arg7[%get3A_81] {strides = array<i32>} : memref<16384xf32, #tpu.memory_space<vmem>>, vector<16xf32>,
      %get3A_83 = vector.shape_cast %get3A_82 : vector<16xf32> to vector<16xf32>
      %get3A_84 = arith.constant 0 : i32
      %get3A_85 = tpu.memref_slice %arg5[%add3A_24, %get3A_84] : memref<320x128xf32, #tpu.memory_space<vmem>> -> memref<1x128xf32, #tpu.memory_space<vmem>>
      %get3A_86 = tpu.memref_squeeze %get3A_85 : memref<1x128xf32, #tpu.memory_space<vmem>> -> memref<128xf32, #tpu.memory_space<vmem>>
      %get3A_87 = arith.constant 48 : index
      %get3A_88 = tpu.vector_load %get3A_86[%get3A_87] {strides = array<i32>} : memref<128xf32, #tpu.memory_space<vmem>>, vector<16xf32>,
      %get3A_89 = vector.shape_cast %get3A_88 : vector<16xf32> to vector<16xf32>
      %max3A_90 = arith.maximumf %get3A_83, %get3A_89 : vector<16xf32>
      %swap3A_91 = arith.index_cast %add3A_80 : i32 to index
      %swap3A_92 = tpu.vector_load %arg7[%swap3A_91] {strides = array<i32>} : memref<16384xf32, #tpu.memory_space<vmem>>, vector<16xf32>,
      %swap3A_93 = vector.shape_cast %swap3A_92 : vector<16xf32> to vector<16xf32>
      %swap3A_94 = vector.shape_cast %max3A_90 : vector<16xf32> to vector<16xf32>
      tpu.vector_store %arg7[%swap3A_91], %swap3A_94 {strides = array<i32>} : memref<16384xf32, #tpu.memory_space<vmem>>, vector<16xf32>,
      %mul3A_95 = arith.constant 128 : i32
      %mul3A_96 = arith.muli %squeeze3A, %mul3A_95 : i32
      %add3A_97 = arith.constant 64 : i32
      %add3A_98 = arith.addi %mul3A_96, %add3A_97 : i32
      %get3A_99 = arith.index_cast %add3A_98 : i32 to index
      %get3A_100 = tpu.vector_load %arg7[%get3A_99] {strides = array<i32>} : memref<16384xf32, #tpu.memory_space<vmem>>, vector<16xf32>,
      %get3A_101 = vector.shape_cast %get3A_100 : vector<16xf32> to vector<16xf32>
      %get3A_102 = arith.constant 0 : i32
      %get3A_103 = tpu.memref_slice %arg5[%add3A_24, %get3A_102] : memref<320x128xf32, #tpu.memory_space<vmem>> -> memref<1x128xf32, #tpu.memory_space<vmem>>
      %get3A_104 = tpu.memref_squeeze %get3A_103 : memref<1x128xf32, #tpu.memory_space<vmem>> -> memref<128xf32, #tpu.memory_space<vmem>>
      %get3A_105 = arith.constant 64 : index
      %get3A_106 = tpu.vector_load %get3A_104[%get3A_105] {strides = array<i32>} : memref<128xf32, #tpu.memory_space<vmem>>, vector<16xf32>,
      %get3A_107 = vector.shape_cast %get3A_106 : vector<16xf32> to vector<16xf32>
      %max3A_108 = arith.maximumf %get3A_101, %get3A_107 : vector<16xf32>
      %swap3A_109 = arith.index_cast %add3A_98 : i32 to index
      %swap3A_110 = tpu.vector_load %arg7[%swap3A_109] {strides = array<i32>} : memref<16384xf32, #tpu.memory_space<vmem>>, vector<16xf32>,
      %swap3A_111 = vector.shape_cast %swap3A_110 : vector<16xf32> to vector<16xf32>
      %swap3A_112 = vector.shape_cast %max3A_108 : vector<16xf32> to vector<16xf32>
      tpu.vector_store %arg7[%swap3A_109], %swap3A_112 {strides = array<i32>} : memref<16384xf32, #tpu.memory_space<vmem>>, vector<16xf32>,
      %mul3A_113 = arith.constant 128 : i32
      %mul3A_114 = arith.muli %squeeze3A, %mul3A_113 : i32
      %add3A_115 = arith.constant 80 : i32
      %add3A_116 = arith.addi %mul3A_114, %add3A_115 : i32
      %get3A_117 = arith.index_cast %add3A_116 : i32 to index
      %get3A_118 = tpu.vector_load %arg7[%get3A_117] {strides = array<i32>} : memref<16384xf32, #tpu.memory_space<vmem>>, vector<16xf32>,
      %get3A_119 = vector.shape_cast %get3A_118 : vector<16xf32> to vector<16xf32>
      %get3A_120 = arith.constant 0 : i32
      %get3A_121 = tpu.memref_slice %arg5[%add3A_24, %get3A_120] : memref<320x128xf32, #tpu.memory_space<vmem>> -> memref<1x128xf32, #tpu.memory_space<vmem>>
      %get3A_122 = tpu.memref_squeeze %get3A_121 : memref<1x128xf32, #tpu.memory_space<vmem>> -> memref<128xf32, #tpu.memory_space<vmem>>
      %get3A_123 = arith.constant 80 : index
      %get3A_124 = tpu.vector_load %get3A_122[%get3A_123] {strides = array<i32>} : memref<128xf32, #tpu.memory_space<vmem>>, vector<16xf32>,
      %get3A_125 = vector.shape_cast %get3A_124 : vector<16xf32> to vector<16xf32>
      %max3A_126 = arith.maximumf %get3A_119, %get3A_125 : vector<16xf32>
      %swap3A_127 = arith.index_cast %add3A_116 : i32 to index
      %swap3A_128 = tpu.vector_load %arg7[%swap3A_127] {strides = array<i32>} : memref<16384xf32, #tpu.memory_space<vmem>>, vector<16xf32>,
      %swap3A_129 = vector.shape_cast %swap3A_128 : vector<16xf32> to vector<16xf32>
      %swap3A_130 = vector.shape_cast %max3A_126 : vector<16xf32> to vector<16xf32>
      tpu.vector_store %arg7[%swap3A_127], %swap3A_130 {strides = array<i32>} : memref<16384xf32, #tpu.memory_space<vmem>>, vector<16xf32>,
      %mul3A_131 = arith.constant 128 : i32
      %mul3A_132 = arith.muli %squeeze3A, %mul3A_131 : i32
      %add3A_133 = arith.constant 96 : i32
      %add3A_134 = arith.addi %mul3A_132, %add3A_133 : i32
      %get3A_135 = arith.index_cast %add3A_134 : i32 to index
      %get3A_136 = tpu.vector_load %arg7[%get3A_135] {strides = array<i32>} : memref<16384xf32, #tpu.memory_space<vmem>>, vector<16xf32>,
      %get3A_137 = vector.shape_cast %get3A_136 : vector<16xf32> to vector<16xf32>
      %get3A_138 = arith.constant 0 : i32
      %get3A_139 = tpu.memref_slice %arg5[%add3A_24, %get3A_138] : memref<320x128xf32, #tpu.memory_space<vmem>> -> memref<1x128xf32, #tpu.memory_space<vmem>>
      %get3A_140 = tpu.memref_squeeze %get3A_139 : memref<1x128xf32, #tpu.memory_space<vmem>> -> memref<128xf32, #tpu.memory_space<vmem>>
      %get3A_141 = arith.constant 96 : index
      %get3A_142 = tpu.vector_load %get3A_140[%get3A_141] {strides = array<i32>} : memref<128xf32, #tpu.memory_space<vmem>>, vector<16xf32>,
      %get3A_143 = vector.shape_cast %get3A_142 : vector<16xf32> to vector<16xf32>
      %max3A_144 = arith.maximumf %get3A_137, %get3A_143 : vector<16xf32>
      %swap3A_145 = arith.index_cast %add3A_134 : i32 to index
      %swap3A_146 = tpu.vector_load %arg7[%swap3A_145] {strides = array<i32>} : memref<16384xf32, #tpu.memory_space<vmem>>, vector<16xf32>,
      %swap3A_147 = vector.shape_cast %swap3A_146 : vector<16xf32> to vector<16xf32>
      %swap3A_148 = vector.shape_cast %max3A_144 : vector<16xf32> to vector<16xf32>
      tpu.vector_store %arg7[%swap3A_145], %swap3A_148 {strides = array<i32>} : memref<16384xf32, #tpu.memory_space<vmem>>, vector<16xf32>,
      %mul3A_149 = arith.constant 128 : i32
      %mul3A_150 = arith.muli %squeeze3A, %mul3A_149 : i32
      %add3A_151 = arith.constant 112 : i32
      %add3A_152 = arith.addi %mul3A_150, %add3A_151 : i32
      %get3A_153 = arith.index_cast %add3A_152 : i32 to index
      %get3A_154 = tpu.vector_load %arg7[%get3A_153] {strides = array<i32>} : memref<16384xf32, #tpu.memory_space<vmem>>, vector<16xf32>,
      %get3A_155 = vector.shape_cast %get3A_154 : vector<16xf32> to vector<16xf32>
      %get3A_156 = arith.constant 0 : i32
      %get3A_157 = tpu.memref_slice %arg5[%add3A_24, %get3A_156] : memref<320x128xf32, #tpu.memory_space<vmem>> -> memref<1x128xf32, #tpu.memory_space<vmem>>
      %get3A_158 = tpu.memref_squeeze %get3A_157 : memref<1x128xf32, #tpu.memory_space<vmem>> -> memref<128xf32, #tpu.memory_space<vmem>>
      %get3A_159 = arith.constant 112 : index
      %get3A_160 = tpu.vector_load %get3A_158[%get3A_159] {strides = array<i32>} : memref<128xf32, #tpu.memory_space<vmem>>, vector<16xf32>,
      %get3A_161 = vector.shape_cast %get3A_160 : vector<16xf32> to vector<16xf32>
      %max3A_162 = arith.maximumf %get3A_155, %get3A_161 : vector<16xf32>
      %swap3A_163 = arith.index_cast %add3A_152 : i32 to index
      %swap3A_164 = tpu.vector_load %arg7[%swap3A_163] {strides = array<i32>} : memref<16384xf32, #tpu.memory_space<vmem>>, vector<16xf32>,
      %swap3A_165 = vector.shape_cast %swap3A_164 : vector<16xf32> to vector<16xf32>
      %swap3A_166 = vector.shape_cast %max3A_162 : vector<16xf32> to vector<16xf32>
      tpu.vector_store %arg7[%swap3A_163], %swap3A_166 {strides = array<i32>} : memref<16384xf32, #tpu.memory_space<vmem>>, vector<16xf32>,
      %slice3A_167 = vector.extract_strided_slice %get3A_20 {offsets = [1], sizes = [1], strides = [1]} : vector<16xi32> to vector<1xi32>
      %squeeze3A_168 = vector.extract %slice3A_167[0] : i32 from vector<1xi32>
      %mul3A_169 = arith.constant 16 : i32
      %mul3A_170 = arith.muli %scan3A_16, %mul3A_169 : i32
      %add3A_171 = arith.constant 1 : i32
      %add3A_172 = arith.addi %mul3A_170, %add3A_171 : i32
      %mul3A_173 = arith.constant 128 : i32
      %mul3A_174 = arith.muli %squeeze3A_168, %mul3A_173 : i32
      %add3A_175 = arith.constant 0 : i32
      %add3A_176 = arith.addi %mul3A_174, %add3A_175 : i32
      %get3A_177 = arith.index_cast %add3A_176 : i32 to index
      %get3A_178 = tpu.vector_load %arg7[%get3A_177] {strides = array<i32>} : memref<16384xf32, #tpu.memory_space<vmem>>, vector<16xf32>,
      %get3A_179 = vector.shape_cast %get3A_178 : vector<16xf32> to vector<16xf32>
      %get3A_180 = arith.constant 0 : i32
      %get3A_181 = tpu.memref_slice %arg5[%add3A_172, %get3A_180] : memref<320x128xf32, #tpu.memory_space<vmem>> -> memref<1x128xf32, #tpu.memory_space<vmem>>
      %get3A_182 = tpu.memref_squeeze %get3A_181 : memref<1x128xf32, #tpu.memory_space<vmem>> -> memref<128xf32, #tpu.memory_space<vmem>>
      %get3A_183 = arith.constant 0 : index
      %get3A_184 = tpu.vector_load %get3A_182[%get3A_183] {strides = array<i32>} : memref<128xf32, #tpu.memory_space<vmem>>, vector<16xf32>,
      %get3A_185 = vector.shape_cast %get3A_184 : vector<16xf32> to vector<16xf32>
      %max3A_186 = arith.maximumf %get3A_179, %get3A_185 : vector<16xf32>
      %swap3A_187 = arith.index_cast %add3A_176 : i32 to index
      %swap3A_188 = tpu.vector_load %arg7[%swap3A_187] {strides = array<i32>} : memref<16384xf32, #tpu.memory_space<vmem>>, vector<16xf32>,
      %swap3A_189 = vector.shape_cast %swap3A_188 : vector<16xf32> to vector<16xf32>
      %swap3A_190 = vector.shape_cast %max3A_186 : vector<16xf32> to vector<16xf32>
      tpu.vector_store %arg7[%swap3A_187], %swap3A_190 {strides = array<i32>} : memref<16384xf32, #tpu.memory_space<vmem>>, vector<16xf32>,
      %mul3A_191 = arith.constant 128 : i32
      %mul3A_192 = arith.muli %squeeze3A_168, %mul3A_191 : i32
      %add3A_193 = arith.constant 16 : i32
      %add3A_194 = arith.addi %mul3A_192, %add3A_193 : i32
      %get3A_195 = arith.index_cast %add3A_194 : i32 to index
      %get3A_196 = tpu.vector_load %arg7[%get3A_195] {strides = array<i32>} : memref<16384xf32, #tpu.memory_space<vmem>>, vector<16xf32>,
      %get3A_197 = vector.shape_cast %get3A_196 : vector<16xf32> to vector<16xf32>
      %get3A_198 = arith.constant 0 : i32
      %get3A_199 = tpu.memref_slice %arg5[%add3A_172, %get3A_198] : memref<320x128xf32, #tpu.memory_space<vmem>> -> memref<1x128xf32, #tpu.memory_space<vmem>>
      %get3A_200 = tpu.memref_squeeze %get3A_199 : memref<1x128xf32, #tpu.memory_space<vmem>> -> memref<128xf32, #tpu.memory_space<vmem>>
      %get3A_201 = arith.constant 16 : index
      %get3A_202 = tpu.vector_load %get3A_200[%get3A_201] {strides = array<i32>} : memref<128xf32, #tpu.memory_space<vmem>>, vector<16xf32>,
      %get3A_203 = vector.shape_cast %get3A_202 : vector<16xf32> to vector<16xf32>
      %max3A_204 = arith.maximumf %get3A_197, %get3A_203 : vector<16xf32>
      %swap3A_205 = arith.index_cast %add3A_194 : i32 to index
      %swap3A_206 = tpu.vector_load %arg7[%swap3A_205] {strides = array<i32>} : memref<16384xf32, #tpu.memory_space<vmem>>, vector<16xf32>,
      %swap3A_207 = vector.shape_cast %swap3A_206 : vector<16xf32> to vector<16xf32>
      %swap3A_208 = vector.shape_cast %max3A_204 : vector<16xf32> to vector<16xf32>
      tpu.vector_store %arg7[%swap3A_205], %swap3A_208 {strides = array<i32>} : memref<16384xf32, #tpu.memory_space<vmem>>, vector<16xf32>,
      %mul3A_209 = arith.constant 128 : i32
      %mul3A_210 = arith.muli %squeeze3A_168, %mul3A_209 : i32
      %add3A_211 = arith.constant 32 : i32
      %add3A_212 = arith.addi %mul3A_210, %add3A_211 : i32
      %get3A_213 = arith.index_cast %add3A_212 : i32 to index
      %get3A_214 = tpu.vector_load %arg7[%get3A_213] {strides = array<i32>} : memref<16384xf32, #tpu.memory_space<vmem>>, vector<16xf32>,
      %get3A_215 = vector.shape_cast %get3A_214 : vector<16xf32> to vector<16xf32>
      %get3A_216 = arith.constant 0 : i32
      %get3A_217 = tpu.memref_slice %arg5[%add3A_172, %get3A_216] : memref<320x128xf32, #tpu.memory_space<vmem>> -> memref<1x128xf32, #tpu.memory_space<vmem>>
      %get3A_218 = tpu.memref_squeeze %get3A_217 : memref<1x128xf32, #tpu.memory_space<vmem>> -> memref<128xf32, #tpu.memory_space<vmem>>
      %get3A_219 = arith.constant 32 : index
      %get3A_220 = tpu.vector_load %get3A_218[%get3A_219] {strides = array<i32>} : memref<128xf32, #tpu.memory_space<vmem>>, vector<16xf32>,
      %get3A_221 = vector.shape_cast %get3A_220 : vector<16xf32> to vector<16xf32>
      %max3A_222 = arith.maximumf %get3A_215, %get3A_221 : vector<16xf32>
      %swap3A_223 = arith.index_cast %add3A_212 : i32 to index
      %swap3A_224 = tpu.vector_load %arg7[%swap3A_223] {strides = array<i32>} : memref<16384xf32, #tpu.memory_space<vmem>>, vector<16xf32>,
      %swap3A_225 = vector.shape_cast %swap3A_224 : vector<16xf32> to vector<16xf32>
      %swap3A_226 = vector.shape_cast %max3A_222 : vector<16xf32> to vector<16xf32>
      tpu.vector_store %arg7[%swap3A_223], %swap3A_226 {strides = array<i32>} : memref<16384xf32, #tpu.memory_space<vmem>>, vector<16xf32>,
      %mul3A_227 = arith.constant 128 : i32
      %mul3A_228 = arith.muli %squeeze3A_168, %mul3A_227 : i32
      %add3A_229 = arith.constant 48 : i32
      %add3A_230 = arith.addi %mul3A_228, %add3A_229 : i32
      %get3A_231 = arith.index_cast %add3A_230 : i32 to index
      %get3A_232 = tpu.vector_load %arg7[%get3A_231] {strides = array<i32>} : memref<16384xf32, #tpu.memory_space<vmem>>, vector<16xf32>,
      %get3A_233 = vector.shape_cast %get3A_232 : vector<16xf32> to vector<16xf32>
      %get3A_234 = arith.constant 0 : i32
      %get3A_235 = tpu.memref_slice %arg5[%add3A_172, %get3A_234] : memref<320x128xf32, #tpu.memory_space<vmem>> -> memref<1x128xf32, #tpu.memory_space<vmem>>
      %get3A_236 = tpu.memref_squeeze %get3A_235 : memref<1x128xf32, #tpu.memory_space<vmem>> -> memref<128xf32, #tpu.memory_space<vmem>>
      %get3A_237 = arith.constant 48 : index
      %get3A_238 = tpu.vector_load %get3A_236[%get3A_237] {strides = array<i32>} : memref<128xf32, #tpu.memory_space<vmem>>, vector<16xf32>,
      %get3A_239 = vector.shape_cast %get3A_238 : vector<16xf32> to vector<16xf32>
      %max3A_240 = arith.maximumf %get3A_233, %get3A_239 : vector<16xf32>
      %swap3A_241 = arith.index_cast %add3A_230 : i32 to index
      %swap3A_242 = tpu.vector_load %arg7[%swap3A_241] {strides = array<i32>} : memref<16384xf32, #tpu.memory_space<vmem>>, vector<16xf32>,
      %swap3A_243 = vector.shape_cast %swap3A_242 : vector<16xf32> to vector<16xf32>
      %swap3A_244 = vector.shape_cast %max3A_240 : vector<16xf32> to vector<16xf32>
      tpu.vector_store %arg7[%swap3A_241], %swap3A_244 {strides = array<i32>} : memref<16384xf32, #tpu.memory_space<vmem>>, vector<16xf32>,
      %mul3A_245 = arith.constant 128 : i32
      %mul3A_246 = arith.muli %squeeze3A_168, %mul3A_245 : i32
      %add3A_247 = arith.constant 64 : i32
      %add3A_248 = arith.addi %mul3A_246, %add3A_247 : i32
      %get3A_249 = arith.index_cast %add3A_248 : i32 to index
      %get3A_250 = tpu.vector_load %arg7[%get3A_249] {strides = array<i32>} : memref<16384xf32, #tpu.memory_space<vmem>>, vector<16xf32>,
      %get3A_251 = vector.shape_cast %get3A_250 : vector<16xf32> to vector<16xf32>
      %get3A_252 = arith.constant 0 : i32
      %get3A_253 = tpu.memref_slice %arg5[%add3A_172, %get3A_252] : memref<320x128xf32, #tpu.memory_space<vmem>> -> memref<1x128xf32, #tpu.memory_space<vmem>>
      %get3A_254 = tpu.memref_squeeze %get3A_253 : memref<1x128xf32, #tpu.memory_space<vmem>> -> memref<128xf32, #tpu.memory_space<vmem>>
      %get3A_255 = arith.constant 64 : index
      %get3A_256 = tpu.vector_load %get3A_254[%get3A_255] {strides = array<i32>} : memref<128xf32, #tpu.memory_space<vmem>>, vector<16xf32>,
      %get3A_257 = vector.shape_cast %get3A_256 : vector<16xf32> to vector<16xf32>
      %max3A_258 = arith.maximumf %get3A_251, %get3A_257 : vector<16xf32>
      %swap3A_259 = arith.index_cast %add3A_248 : i32 to index
      %swap3A_260 = tpu.vector_load %arg7[%swap3A_259] {strides = array<i32>} : memref<16384xf32, #tpu.memory_space<vmem>>, vector<16xf32>,
      %swap3A_261 = vector.shape_cast %swap3A_260 : vector<16xf32> to vector<16xf32>
      %swap3A_262 = vector.shape_cast %max3A_258 : vector<16xf32> to vector<16xf32>
      tpu.vector_store %arg7[%swap3A_259], %swap3A_262 {strides = array<i32>} : memref<16384xf32, #tpu.memory_space<vmem>>, vector<16xf32>,
      %mul3A_263 = arith.constant 128 : i32
      %mul3A_264 = arith.muli %squeeze3A_168, %mul3A_263 : i32
      %add3A_265 = arith.constant 80 : i32
      %add3A_266 = arith.addi %mul3A_264, %add3A_265 : i32
      %get3A_267 = arith.index_cast %add3A_266 : i32 to index
      %get3A_268 = tpu.vector_load %arg7[%get3A_267] {strides = array<i32>} : memref<16384xf32, #tpu.memory_space<vmem>>, vector<16xf32>,
      %get3A_269 = vector.shape_cast %get3A_268 : vector<16xf32> to vector<16xf32>
      %get3A_270 = arith.constant 0 : i32
      %get3A_271 = tpu.memref_slice %arg5[%add3A_172, %get3A_270] : memref<320x128xf32, #tpu.memory_space<vmem>> -> memref<1x128xf32, #tpu.memory_space<vmem>>
      %get3A_272 = tpu.memref_squeeze %get3A_271 : memref<1x128xf32, #tpu.memory_space<vmem>> -> memref<128xf32, #tpu.memory_space<vmem>>
      %get3A_273 = arith.constant 80 : index
      %get3A_274 = tpu.vector_load %get3A_272[%get3A_273] {strides = array<i32>} : memref<128xf32, #tpu.memory_space<vmem>>, vector<16xf32>,
      %get3A_275 = vector.shape_cast %get3A_274 : vector<16xf32> to vector<16xf32>
      %max3A_276 = arith.maximumf %get3A_269, %get3A_275 : vector<16xf32>
      %swap3A_277 = arith.index_cast %add3A_266 : i32 to index
      %swap3A_278 = tpu.vector_load %arg7[%swap3A_277] {strides = array<i32>} : memref<16384xf32, #tpu.memory_space<vmem>>, vector<16xf32>,
      %swap3A_279 = vector.shape_cast %swap3A_278 : vector<16xf32> to vector<16xf32>
      %swap3A_280 = vector.shape_cast %max3A_276 : vector<16xf32> to vector<16xf32>
      tpu.vector_store %arg7[%swap3A_277], %swap3A_280 {strides = array<i32>} : memref<16384xf32, #tpu.memory_space<vmem>>, vector<16xf32>,
      %mul3A_281 = arith.constant 128 : i32
      %mul3A_282 = arith.muli %squeeze3A_168, %mul3A_281 : i32
      %add3A_283 = arith.constant 96 : i32
      %add3A_284 = arith.addi %mul3A_282, %add3A_283 : i32
      %get3A_285 = arith.index_cast %add3A_284 : i32 to index
      %get3A_286 = tpu.vector_load %arg7[%get3A_285] {strides = array<i32>} : memref<16384xf32, #tpu.memory_space<vmem>>, vector<16xf32>,
      %get3A_287 = vector.shape_cast %get3A_286 : vector<16xf32> to vector<16xf32>
      %get3A_288 = arith.constant 0 : i32
      %get3A_289 = tpu.memref_slice %arg5[%add3A_172, %get3A_288] : memref<320x128xf32, #tpu.memory_space<vmem>> -> memref<1x128xf32, #tpu.memory_space<vmem>>
      %get3A_290 = tpu.memref_squeeze %get3A_289 : memref<1x128xf32, #tpu.memory_space<vmem>> -> memref<128xf32, #tpu.memory_space<vmem>>
      %get3A_291 = arith.constant 96 : index
      %get3A_292 = tpu.vector_load %get3A_290[%get3A_291] {strides = array<i32>} : memref<128xf32, #tpu.memory_space<vmem>>, vector<16xf32>,
      %get3A_293 = vector.shape_cast %get3A_292 : vector<16xf32> to vector<16xf32>
      %max3A_294 = arith.maximumf %get3A_287, %get3A_293 : vector<16xf32>
      %swap3A_295 = arith.index_cast %add3A_284 : i32 to index
      %swap3A_296 = tpu.vector_load %arg7[%swap3A_295] {strides = array<i32>} : memref<16384xf32, #tpu.memory_space<vmem>>, vector<16xf32>,
      %swap3A_297 = vector.shape_cast %swap3A_296 : vector<16xf32> to vector<16xf32>
      %swap3A_298 = vector.shape_cast %max3A_294 : vector<16xf32> to vector<16xf32>
      tpu.vector_store %arg7[%swap3A_295], %swap3A_298 {strides = array<i32>} : memref<16384xf32, #tpu.memory_space<vmem>>, vector<16xf32>,
      %mul3A_299 = arith.constant 128 : i32
      %mul3A_300 = arith.muli %squeeze3A_168, %mul3A_299 : i32
      %add3A_301 = arith.constant 112 : i32
      %add3A_302 = arith.addi %mul3A_300, %add3A_301 : i32
      %get3A_303 = arith.index_cast %add3A_302 : i32 to index
      %get3A_304 = tpu.vector_load %arg7[%get3A_303] {strides = array<i32>} : memref<16384xf32, #tpu.memory_space<vmem>>, vector<16xf32>,
      %get3A_305 = vector.shape_cast %get3A_304 : vector<16xf32> to vector<16xf32>
      %get3A_306 = arith.constant 0 : i32
      %get3A_307 = tpu.memref_slice %arg5[%add3A_172, %get3A_306] : memref<320x128xf32, #tpu.memory_space<vmem>> -> memref<1x128xf32, #tpu.memory_space<vmem>>
      %get3A_308 = tpu.memref_squeeze %get3A_307 : memref<1x128xf32, #tpu.memory_space<vmem>> -> memref<128xf32, #tpu.memory_space<vmem>>
      %get3A_309 = arith.constant 112 : index
      %get3A_310 = tpu.vector_load %get3A_308[%get3A_309] {strides = array<i32>} : memref<128xf32, #tpu.memory_space<vmem>>, vector<16xf32>,
      %get3A_311 = vector.shape_cast %get3A_310 : vector<16xf32> to vector<16xf32>
      %max3A_312 = arith.maximumf %get3A_305, %get3A_311 : vector<16xf32>
      %swap3A_313 = arith.index_cast %add3A_302 : i32 to index
      %swap3A_314 = tpu.vector_load %arg7[%swap3A_313] {strides = array<i32>} : memref<16384xf32, #tpu.memory_space<vmem>>, vector<16xf32>,
      %swap3A_315 = vector.shape_cast %swap3A_314 : vector<16xf32> to vector<16xf32>
      %swap3A_316 = vector.shape_cast %max3A_312 : vector<16xf32> to vector<16xf32>
      tpu.vector_store %arg7[%swap3A_313], %swap3A_316 {strides = array<i32>} : memref<16384xf32, #tpu.memory_space<vmem>>, vector<16xf32>,
      %slice3A_317 = vector.extract_strided_slice %get3A_20 {offsets = [2], sizes = [1], strides = [1]} : vector<16xi32> to vector<1xi32>
      %squeeze3A_318 = vector.extract %slice3A_317[0] : i32 from vector<1xi32>
      %mul3A_319 = arith.constant 16 : i32
      %mul3A_320 = arith.muli %scan3A_16, %mul3A_319 : i32
      %add3A_321 = arith.constant 2 : i32
      %add3A_322 = arith.addi %mul3A_320, %add3A_321 : i32
      %mul3A_323 = arith.constant 128 : i32
      %mul3A_324 = arith.muli %squeeze3A_318, %mul3A_323 : i32
      %add3A_325 = arith.constant 0 : i32
      %add3A_326 = arith.addi %mul3A_324, %add3A_325 : i32
      %get3A_327 = arith.index_cast %add3A_326 : i32 to index
      %get3A_328 = tpu.vector_load %arg7[%get3A_327] {strides = array<i32>} : memref<16384xf32, #tpu.memory_space<vmem>>, vector<16xf32>,
      %get3A_329 = vector.shape_cast %get3A_328 : vector<16xf32> to vector<16xf32>
      %get3A_330 = arith.constant 0 : i32
      %get3A_331 = tpu.memref_slice %arg5[%add3A_322, %get3A_330] : memref<320x128xf32, #tpu.memory_space<vmem>> -> memref<1x128xf32, #tpu.memory_space<vmem>>
      %get3A_332 = tpu.memref_squeeze %get3A_331 : memref<1x128xf32, #tpu.memory_space<vmem>> -> memref<128xf32, #tpu.memory_space<vmem>>
      %get3A_333 = arith.constant 0 : index
      %get3A_334 = tpu.vector_load %get3A_332[%get3A_333] {strides = array<i32>} : memref<128xf32, #tpu.memory_space<vmem>>, vector<16xf32>,
      %get3A_335 = vector.shape_cast %get3A_334 : vector<16xf32> to vector<16xf32>
      %max3A_336 = arith.maximumf %get3A_329, %get3A_335 : vector<16xf32>
      %swap3A_337 = arith.index_cast %add3A_326 : i32 to index
      %swap3A_338 = tpu.vector_load %arg7[%swap3A_337] {strides = array<i32>} : memref<16384xf32, #tpu.memory_space<vmem>>, vector<16xf32>,
      %swap3A_339 = vector.shape_cast %swap3A_338 : vector<16xf32> to vector<16xf32>
      %swap3A_340 = vector.shape_cast %max3A_336 : vector<16xf32> to vector<16xf32>
      tpu.vector_store %arg7[%swap3A_337], %swap3A_340 {strides = array<i32>} : memref<16384xf32, #tpu.memory_space<vmem>>, vector<16xf32>,
      %mul3A_341 = arith.constant 128 : i32
      %mul3A_342 = arith.muli %squeeze3A_318, %mul3A_341 : i32
      %add3A_343 = arith.constant 16 : i32
      %add3A_344 = arith.addi %mul3A_342, %add3A_343 : i32
      %get3A_345 = arith.index_cast %add3A_344 : i32 to index
      %get3A_346 = tpu.vector_load %arg7[%get3A_345] {strides = array<i32>} : memref<16384xf32, #tpu.memory_space<vmem>>, vector<16xf32>,
      %get3A_347 = vector.shape_cast %get3A_346 : vector<16xf32> to vector<16xf32>
      %get3A_348 = arith.constant 0 : i32
      %get3A_349 = tpu.memref_slice %arg5[%add3A_322, %get3A_348] : memref<320x128xf32, #tpu.memory_space<vmem>> -> memref<1x128xf32, #tpu.memory_space<vmem>>
      %get3A_350 = tpu.memref_squeeze %get3A_349 : memref<1x128xf32, #tpu.memory_space<vmem>> -> memref<128xf32, #tpu.memory_space<vmem>>
      %get3A_351 = arith.constant 16 : index
      %get3A_352 = tpu.vector_load %get3A_350[%get3A_351] {strides = array<i32>} : memref<128xf32, #tpu.memory_space<vmem>>, vector<16xf32>,
      %get3A_353 = vector.shape_cast %get3A_352 : vector<16xf32> to vector<16xf32>
      %max3A_354 = arith.maximumf %get3A_347, %get3A_353 : vector<16xf32>
      %swap3A_355 = arith.index_cast %add3A_344 : i32 to index
      %swap3A_356 = tpu.vector_load %arg7[%swap3A_355] {strides = array<i32>} : memref<16384xf32, #tpu.memory_space<vmem>>, vector<16xf32>,
      %swap3A_357 = vector.shape_cast %swap3A_356 : vector<16xf32> to vector<16xf32>
      %swap3A_358 = vector.shape_cast %max3A_354 : vector<16xf32> to vector<16xf32>
      tpu.vector_store %arg7[%swap3A_355], %swap3A_358 {strides = array<i32>} : memref<16384xf32, #tpu.memory_space<vmem>>, vector<16xf32>,
      %mul3A_359 = arith.constant 128 : i32
      %mul3A_360 = arith.muli %squeeze3A_318, %mul3A_359 : i32
      %add3A_361 = arith.constant 32 : i32
      %add3A_362 = arith.addi %mul3A_360, %add3A_361 : i32
      %get3A_363 = arith.index_cast %add3A_362 : i32 to index
      %get3A_364 = tpu.vector_load %arg7[%get3A_363] {strides = array<i32>} : memref<16384xf32, #tpu.memory_space<vmem>>, vector<16xf32>,
      %get3A_365 = vector.shape_cast %get3A_364 : vector<16xf32> to vector<16xf32>
      %get3A_366 = arith.constant 0 : i32
      %get3A_367 = tpu.memref_slice %arg5[%add3A_322, %get3A_366] : memref<320x128xf32, #tpu.memory_space<vmem>> -> memref<1x128xf32, #tpu.memory_space<vmem>>
      %get3A_368 = tpu.memref_squeeze %get3A_367 : memref<1x128xf32, #tpu.memory_space<vmem>> -> memref<128xf32, #tpu.memory_space<vmem>>
      %get3A_369 = arith.constant 32 : index
      %get3A_370 = tpu.vector_load %get3A_368[%get3A_369] {strides = array<i32>} : memref<128xf32, #tpu.memory_space<vmem>>, vector<16xf32>,
      %get3A_371 = vector.shape_cast %get3A_370 : vector<16xf32> to vector<16xf32>
      %max3A_372 = arith.maximumf %get3A_365, %get3A_371 : vector<16xf32>
      %swap3A_373 = arith.index_cast %add3A_362 : i32 to index
      %swap3A_374 = tpu.vector_load %arg7[%swap3A_373] {strides = array<i32>} : memref<16384xf32, #tpu.memory_space<vmem>>, vector<16xf32>,
      %swap3A_375 = vector.shape_cast %swap3A_374 : vector<16xf32> to vector<16xf32>
      %swap3A_376 = vector.shape_cast %max3A_372 : vector<16xf32> to vector<16xf32>
      tpu.vector_store %arg7[%swap3A_373], %swap3A_376 {strides = array<i32>} : memref<16384xf32, #tpu.memory_space<vmem>>, vector<16xf32>,
      %mul3A_377 = arith.constant 128 : i32
      %mul3A_378 = arith.muli %squeeze3A_318, %mul3A_377 : i32
      %add3A_379 = arith.constant 48 : i32
      %add3A_380 = arith.addi %mul3A_378, %add3A_379 : i32
      %get3A_381 = arith.index_cast %add3A_380 : i32 to index
      %get3A_382 = tpu.vector_load %arg7[%get3A_381] {strides = array<i32>} : memref<16384xf32, #tpu.memory_space<vmem>>, vector<16xf32>,
      %get3A_383 = vector.shape_cast %get3A_382 : vector<16xf32> to vector<16xf32>
      %get3A_384 = arith.constant 0 : i32
      %get3A_385 = tpu.memref_slice %arg5[%add3A_322, %get3A_384] : memref<320x128xf32, #tpu.memory_space<vmem>> -> memref<1x128xf32, #tpu.memory_space<vmem>>
      %get3A_386 = tpu.memref_squeeze %get3A_385 : memref<1x128xf32, #tpu.memory_space<vmem>> -> memref<128xf32, #tpu.memory_space<vmem>>
      %get3A_387 = arith.constant 48 : index
      %get3A_388 = tpu.vector_load %get3A_386[%get3A_387] {strides = array<i32>} : memref<128xf32, #tpu.memory_space<vmem>>, vector<16xf32>,
      %get3A_389 = vector.shape_cast %get3A_388 : vector<16xf32> to vector<16xf32>
      %max3A_390 = arith.maximumf %get3A_383, %get3A_389 : vector<16xf32>
      %swap3A_391 = arith.index_cast %add3A_380 : i32 to index
      %swap3A_392 = tpu.vector_load %arg7[%swap3A_391] {strides = array<i32>} : memref<16384xf32, #tpu.memory_space<vmem>>, vector<16xf32>,
      %swap3A_393 = vector.shape_cast %swap3A_392 : vector<16xf32> to vector<16xf32>
      %swap3A_394 = vector.shape_cast %max3A_390 : vector<16xf32> to vector<16xf32>
      tpu.vector_store %arg7[%swap3A_391], %swap3A_394 {strides = array<i32>} : memref<16384xf32, #tpu.memory_space<vmem>>, vector<16xf32>,
      %mul3A_395 = arith.constant 128 : i32
      %mul3A_396 = arith.muli %squeeze3A_318, %mul3A_395 : i32
      %add3A_397 = arith.constant 64 : i32
      %add3A_398 = arith.addi %mul3A_396, %add3A_397 : i32
      %get3A_399 = arith.index_cast %add3A_398 : i32 to index
      %get3A_400 = tpu.vector_load %arg7[%get3A_399] {strides = array<i32>} : memref<16384xf32, #tpu.memory_space<vmem>>, vector<16xf32>,
      %get3A_401 = vector.shape_cast %get3A_400 : vector<16xf32> to vector<16xf32>
      %get3A_402 = arith.constant 0 : i32
      %get3A_403 = tpu.memref_slice %arg5[%add3A_322, %get3A_402] : memref<320x128xf32, #tpu.memory_space<vmem>> -> memref<1x128xf32, #tpu.memory_space<vmem>>
      %get3A_404 = tpu.memref_squeeze %get3A_403 : memref<1x128xf32, #tpu.memory_space<vmem>> -> memref<128xf32, #tpu.memory_space<vmem>>
      %get3A_405 = arith.constant 64 : index
      %get3A_406 = tpu.vector_load %get3A_404[%get3A_405] {strides = array<i32>} : memref<128xf32, #tpu.memory_space<vmem>>, vector<16xf32>,
      %get3A_407 = vector.shape_cast %get3A_406 : vector<16xf32> to vector<16xf32>
      %max3A_408 = arith.maximumf %get3A_401, %get3A_407 : vector<16xf32>
      %swap3A_409 = arith.index_cast %add3A_398 : i32 to index
      %swap3A_410 = tpu.vector_load %arg7[%swap3A_409] {strides = array<i32>} : memref<16384xf32, #tpu.memory_space<vmem>>, vector<16xf32>,
      %swap3A_411 = vector.shape_cast %swap3A_410 : vector<16xf32> to vector<16xf32>
      %swap3A_412 = vector.shape_cast %max3A_408 : vector<16xf32> to vector<16xf32>
      tpu.vector_store %arg7[%swap3A_409], %swap3A_412 {strides = array<i32>} : memref<16384xf32, #tpu.memory_space<vmem>>, vector<16xf32>,
      %mul3A_413 = arith.constant 128 : i32
      %mul3A_414 = arith.muli %squeeze3A_318, %mul3A_413 : i32
      %add3A_415 = arith.constant 80 : i32
      %add3A_416 = arith.addi %mul3A_414, %add3A_415 : i32
      %get3A_417 = arith.index_cast %add3A_416 : i32 to index
      %get3A_418 = tpu.vector_load %arg7[%get3A_417] {strides = array<i32>} : memref<16384xf32, #tpu.memory_space<vmem>>, vector<16xf32>,
      %get3A_419 = vector.shape_cast %get3A_418 : vector<16xf32> to vector<16xf32>
      %get3A_420 = arith.constant 0 : i32
      %get3A_421 = tpu.memref_slice %arg5[%add3A_322, %get3A_420] : memref<320x128xf32, #tpu.memory_space<vmem>> -> memref<1x128xf32, #tpu.memory_space<vmem>>
      %get3A_422 = tpu.memref_squeeze %get3A_421 : memref<1x128xf32, #tpu.memory_space<vmem>> -> memref<128xf32, #tpu.memory_space<vmem>>
      %get3A_423 = arith.constant 80 : index
      %get3A_424 = tpu.vector_load %get3A_422[%get3A_423] {strides = array<i32>} : memref<128xf32, #tpu.memory_space<vmem>>, vector<16xf32>,
      %get3A_425 = vector.shape_cast %get3A_424 : vector<16xf32> to vector<16xf32>
      %max3A_426 = arith.maximumf %get3A_419, %get3A_425 : vector<16xf32>
      %swap3A_427 = arith.index_cast %add3A_416 : i32 to index
      %swap3A_428 = tpu.vector_load %arg7[%swap3A_427] {strides = array<i32>} : memref<16384xf32, #tpu.memory_space<vmem>>, vector<16xf32>,
      %swap3A_429 = vector.shape_cast %swap3A_428 : vector<16xf32> to vector<16xf32>
      %swap3A_430 = vector.shape_cast %max3A_426 : vector<16xf32> to vector<16xf32>
      tpu.vector_store %arg7[%swap3A_427], %swap3A_430 {strides = array<i32>} : memref<16384xf32, #tpu.memory_space<vmem>>, vector<16xf32>,
      %mul3A_431 = arith.constant 128 : i32
      %mul3A_432 = arith.muli %squeeze3A_318, %mul3A_431 : i32
      %add3A_433 = arith.constant 96 : i32
      %add3A_434 = arith.addi %mul3A_432, %add3A_433 : i32
      %get3A_435 = arith.index_cast %add3A_434 : i32 to index
      %get3A_436 = tpu.vector_load %arg7[%get3A_435] {strides = array<i32>} : memref<16384xf32, #tpu.memory_space<vmem>>, vector<16xf32>,
      %get3A_437 = vector.shape_cast %get3A_436 : vector<16xf32> to vector<16xf32>
      %get3A_438 = arith.constant 0 : i32
      %get3A_439 = tpu.memref_slice %arg5[%add3A_322, %get3A_438] : memref<320x128xf32, #tpu.memory_space<vmem>> -> memref<1x128xf32, #tpu.memory_space<vmem>>
      %get3A_440 = tpu.memref_squeeze %get3A_439 : memref<1x128xf32, #tpu.memory_space<vmem>> -> memref<128xf32, #tpu.memory_space<vmem>>
      %get3A_441 = arith.constant 96 : index
      %get3A_442 = tpu.vector_load %get3A_440[%get3A_441] {strides = array<i32>} : memref<128xf32, #tpu.memory_space<vmem>>, vector<16xf32>,
      %get3A_443 = vector.shape_cast %get3A_442 : vector<16xf32> to vector<16xf32>
      %max3A_444 = arith.maximumf %get3A_437, %get3A_443 : vector<16xf32>
      %swap3A_445 = arith.index_cast %add3A_434 : i32 to index
      %swap3A_446 = tpu.vector_load %arg7[%swap3A_445] {strides = array<i32>} : memref<16384xf32, #tpu.memory_space<vmem>>, vector<16xf32>,
      %swap3A_447 = vector.shape_cast %swap3A_446 : vector<16xf32> to vector<16xf32>
      %swap3A_448 = vector.shape_cast %max3A_444 : vector<16xf32> to vector<16xf32>
      tpu.vector_store %arg7[%swap3A_445], %swap3A_448 {strides = array<i32>} : memref<16384xf32, #tpu.memory_space<vmem>>, vector<16xf32>,
      %mul3A_449 = arith.constant 128 : i32
      %mul3A_450 = arith.muli %squeeze3A_318, %mul3A_449 : i32
      %add3A_451 = arith.constant 112 : i32
      %add3A_452 = arith.addi %mul3A_450, %add3A_451 : i32
      %get3A_453 = arith.index_cast %add3A_452 : i32 to index
      %get3A_454 = tpu.vector_load %arg7[%get3A_453] {strides = array<i32>} : memref<16384xf32, #tpu.memory_space<vmem>>, vector<16xf32>,
      %get3A_455 = vector.shape_cast %get3A_454 : vector<16xf32> to vector<16xf32>
      %get3A_456 = arith.constant 0 : i32
      %get3A_457 = tpu.memref_slice %arg5[%add3A_322, %get3A_456] : memref<320x128xf32, #tpu.memory_space<vmem>> -> memref<1x128xf32, #tpu.memory_space<vmem>>
      %get3A_458 = tpu.memref_squeeze %get3A_457 : memref<1x128xf32, #tpu.memory_space<vmem>> -> memref<128xf32, #tpu.memory_space<vmem>>
      %get3A_459 = arith.constant 112 : index
      %get3A_460 = tpu.vector_load %get3A_458[%get3A_459] {strides = array<i32>} : memref<128xf32, #tpu.memory_space<vmem>>, vector<16xf32>,
      %get3A_461 = vector.shape_cast %get3A_460 : vector<16xf32> to vector<16xf32>
      %max3A_462 = arith.maximumf %get3A_455, %get3A_461 : vector<16xf32>
      %swap3A_463 = arith.index_cast %add3A_452 : i32 to index
      %swap3A_464 = tpu.vector_load %arg7[%swap3A_463] {strides = array<i32>} : memref<16384xf32, #tpu.memory_space<vmem>>, vector<16xf32>,
      %swap3A_465 = vector.shape_cast %swap3A_464 : vector<16xf32> to vector<16xf32>
      %swap3A_466 = vector.shape_cast %max3A_462 : vector<16xf32> to vector<16xf32>
      tpu.vector_store %arg7[%swap3A_463], %swap3A_466 {strides = array<i32>} : memref<16384xf32, #tpu.memory_space<vmem>>, vector<16xf32>,
      %slice3A_467 = vector.extract_strided_slice %get3A_20 {offsets = [3], sizes = [1], strides = [1]} : vector<16xi32> to vector<1xi32>
      %squeeze3A_468 = vector.extract %slice3A_467[0] : i32 from vector<1xi32>
      %mul3A_469 = arith.constant 16 : i32
      %mul3A_470 = arith.muli %scan3A_16, %mul3A_469 : i32
      %add3A_471 = arith.constant 3 : i32
      %add3A_472 = arith.addi %mul3A_470, %add3A_471 : i32
      %mul3A_473 = arith.constant 128 : i32
      %mul3A_474 = arith.muli %squeeze3A_468, %mul3A_473 : i32
      %add3A_475 = arith.constant 0 : i32
      %add3A_476 = arith.addi %mul3A_474, %add3A_475 : i32
      %get3A_477 = arith.index_cast %add3A_476 : i32 to index
      %get3A_478 = tpu.vector_load %arg7[%get3A_477] {strides = array<i32>} : memref<16384xf32, #tpu.memory_space<vmem>>, vector<16xf32>,
      %get3A_479 = vector.shape_cast %get3A_478 : vector<16xf32> to vector<16xf32>
      %get3A_480 = arith.constant 0 : i32
      %get3A_481 = tpu.memref_slice %arg5[%add3A_472, %get3A_480] : memref<320x128xf32, #tpu.memory_space<vmem>> -> memref<1x128xf32, #tpu.memory_space<vmem>>
      %get3A_482 = tpu.memref_squeeze %get3A_481 : memref<1x128xf32, #tpu.memory_space<vmem>> -> memref<128xf32, #tpu.memory_space<vmem>>
      %get3A_483 = arith.constant 0 : index
      %get3A_484 = tpu.vector_load %get3A_482[%get3A_483] {strides = array<i32>} : memref<128xf32, #tpu.memory_space<vmem>>, vector<16xf32>,
      %get3A_485 = vector.shape_cast %get3A_484 : vector<16xf32> to vector<16xf32>
      %max3A_486 = arith.maximumf %get3A_479, %get3A_485 : vector<16xf32>
      %swap3A_487 = arith.index_cast %add3A_476 : i32 to index
      %swap3A_488 = tpu.vector_load %arg7[%swap3A_487] {strides = array<i32>} : memref<16384xf32, #tpu.memory_space<vmem>>, vector<16xf32>,
      %swap3A_489 = vector.shape_cast %swap3A_488 : vector<16xf32> to vector<16xf32>
      %swap3A_490 = vector.shape_cast %max3A_486 : vector<16xf32> to vector<16xf32>
      tpu.vector_store %arg7[%swap3A_487], %swap3A_490 {strides = array<i32>} : memref<16384xf32, #tpu.memory_space<vmem>>, vector<16xf32>,
      %mul3A_491 = arith.constant 128 : i32
      %mul3A_492 = arith.muli %squeeze3A_468, %mul3A_491 : i32
      %add3A_493 = arith.constant 16 : i32
      %add3A_494 = arith.addi %mul3A_492, %add3A_493 : i32
      %get3A_495 = arith.index_cast %add3A_494 : i32 to index
      %get3A_496 = tpu.vector_load %arg7[%get3A_495] {strides = array<i32>} : memref<16384xf32, #tpu.memory_space<vmem>>, vector<16xf32>,
      %get3A_497 = vector.shape_cast %get3A_496 : vector<16xf32> to vector<16xf32>
      %get3A_498 = arith.constant 0 : i32
      %get3A_499 = tpu.memref_slice %arg5[%add3A_472, %get3A_498] : memref<320x128xf32, #tpu.memory_space<vmem>> -> memref<1x128xf32, #tpu.memory_space<vmem>>
      %get3A_500 = tpu.memref_squeeze %get3A_499 : memref<1x128xf32, #tpu.memory_space<vmem>> -> memref<128xf32, #tpu.memory_space<vmem>>
      %get3A_501 = arith.constant 16 : index
      %get3A_502 = tpu.vector_load %get3A_500[%get3A_501] {strides = array<i32>} : memref<128xf32, #tpu.memory_space<vmem>>, vector<16xf32>,
      %get3A_503 = vector.shape_cast %get3A_502 : vector<16xf32> to vector<16xf32>
      %max3A_504 = arith.maximumf %get3A_497, %get3A_503 : vector<16xf32>
      %swap3A_505 = arith.index_cast %add3A_494 : i32 to index
      %swap3A_506 = tpu.vector_load %arg7[%swap3A_505] {strides = array<i32>} : memref<16384xf32, #tpu.memory_space<vmem>>, vector<16xf32>,
      %swap3A_507 = vector.shape_cast %swap3A_506 : vector<16xf32> to vector<16xf32>
      %swap3A_508 = vector.shape_cast %max3A_504 : vector<16xf32> to vector<16xf32>
      tpu.vector_store %arg7[%swap3A_505], %swap3A_508 {strides = array<i32>} : memref<16384xf32, #tpu.memory_space<vmem>>, vector<16xf32>,
      %mul3A_509 = arith.constant 128 : i32
      %mul3A_510 = arith.muli %squeeze3A_468, %mul3A_509 : i32
      %add3A_511 = arith.constant 32 : i32
      %add3A_512 = arith.addi %mul3A_510, %add3A_511 : i32
      %get3A_513 = arith.index_cast %add3A_512 : i32 to index
      %get3A_514 = tpu.vector_load %arg7[%get3A_513] {strides = array<i32>} : memref<16384xf32, #tpu.memory_space<vmem>>, vector<16xf32>,
      %get3A_515 = vector.shape_cast %get3A_514 : vector<16xf32> to vector<16xf32>
      %get3A_516 = arith.constant 0 : i32
      %get3A_517 = tpu.memref_slice %arg5[%add3A_472, %get3A_516] : memref<320x128xf32, #tpu.memory_space<vmem>> -> memref<1x128xf32, #tpu.memory_space<vmem>>
      %get3A_518 = tpu.memref_squeeze %get3A_517 : memref<1x128xf32, #tpu.memory_space<vmem>> -> memref<128xf32, #tpu.memory_space<vmem>>
      %get3A_519 = arith.constant 32 : index
      %get3A_520 = tpu.vector_load %get3A_518[%get3A_519] {strides = array<i32>} : memref<128xf32, #tpu.memory_space<vmem>>, vector<16xf32>,
      %get3A_521 = vector.shape_cast %get3A_520 : vector<16xf32> to vector<16xf32>
      %max3A_522 = arith.maximumf %get3A_515, %get3A_521 : vector<16xf32>
      %swap3A_523 = arith.index_cast %add3A_512 : i32 to index
      %swap3A_524 = tpu.vector_load %arg7[%swap3A_523] {strides = array<i32>} : memref<16384xf32, #tpu.memory_space<vmem>>, vector<16xf32>,
      %swap3A_525 = vector.shape_cast %swap3A_524 : vector<16xf32> to vector<16xf32>
      %swap3A_526 = vector.shape_cast %max3A_522 : vector<16xf32> to vector<16xf32>
      tpu.vector_store %arg7[%swap3A_523], %swap3A_526 {strides = array<i32>} : memref<16384xf32, #tpu.memory_space<vmem>>, vector<16xf32>,
      %mul3A_527 = arith.constant 128 : i32
      %mul3A_528 = arith.muli %squeeze3A_468, %mul3A_527 : i32
      %add3A_529 = arith.constant 48 : i32
      %add3A_530 = arith.addi %mul3A_528, %add3A_529 : i32
      %get3A_531 = arith.index_cast %add3A_530 : i32 to index
      %get3A_532 = tpu.vector_load %arg7[%get3A_531] {strides = array<i32>} : memref<16384xf32, #tpu.memory_space<vmem>>, vector<16xf32>,
      %get3A_533 = vector.shape_cast %get3A_532 : vector<16xf32> to vector<16xf32>
      %get3A_534 = arith.constant 0 : i32
      %get3A_535 = tpu.memref_slice %arg5[%add3A_472, %get3A_534] : memref<320x128xf32, #tpu.memory_space<vmem>> -> memref<1x128xf32, #tpu.memory_space<vmem>>
      %get3A_536 = tpu.memref_squeeze %get3A_535 : memref<1x128xf32, #tpu.memory_space<vmem>> -> memref<128xf32, #tpu.memory_space<vmem>>
      %get3A_537 = arith.constant 48 : index
      %get3A_538 = tpu.vector_load %get3A_536[%get3A_537] {strides = array<i32>} : memref<128xf32, #tpu.memory_space<vmem>>, vector<16xf32>,
      %get3A_539 = vector.shape_cast %get3A_538 : vector<16xf32> to vector<16xf32>
      %max3A_540 = arith.maximumf %get3A_533, %get3A_539 : vector<16xf32>
      %swap3A_541 = arith.index_cast %add3A_530 : i32 to index
      %swap3A_542 = tpu.vector_load %arg7[%swap3A_541] {strides = array<i32>} : memref<16384xf32, #tpu.memory_space<vmem>>, vector<16xf32>,
      %swap3A_543 = vector.shape_cast %swap3A_542 : vector<16xf32> to vector<16xf32>
      %swap3A_544 = vector.shape_cast %max3A_540 : vector<16xf32> to vector<16xf32>
      tpu.vector_store %arg7[%swap3A_541], %swap3A_544 {strides = array<i32>} : memref<16384xf32, #tpu.memory_space<vmem>>, vector<16xf32>,
      %mul3A_545 = arith.constant 128 : i32
      %mul3A_546 = arith.muli %squeeze3A_468, %mul3A_545 : i32
      %add3A_547 = arith.constant 64 : i32
      %add3A_548 = arith.addi %mul3A_546, %add3A_547 : i32
      %get3A_549 = arith.index_cast %add3A_548 : i32 to index
      %get3A_550 = tpu.vector_load %arg7[%get3A_549] {strides = array<i32>} : memref<16384xf32, #tpu.memory_space<vmem>>, vector<16xf32>,
      %get3A_551 = vector.shape_cast %get3A_550 : vector<16xf32> to vector<16xf32>
      %get3A_552 = arith.constant 0 : i32
      %get3A_553 = tpu.memref_slice %arg5[%add3A_472, %get3A_552] : memref<320x128xf32, #tpu.memory_space<vmem>> -> memref<1x128xf32, #tpu.memory_space<vmem>>
      %get3A_554 = tpu.memref_squeeze %get3A_553 : memref<1x128xf32, #tpu.memory_space<vmem>> -> memref<128xf32, #tpu.memory_space<vmem>>
      %get3A_555 = arith.constant 64 : index
      %get3A_556 = tpu.vector_load %get3A_554[%get3A_555] {strides = array<i32>} : memref<128xf32, #tpu.memory_space<vmem>>, vector<16xf32>,
      %get3A_557 = vector.shape_cast %get3A_556 : vector<16xf32> to vector<16xf32>
      %max3A_558 = arith.maximumf %get3A_551, %get3A_557 : vector<16xf32>
      %swap3A_559 = arith.index_cast %add3A_548 : i32 to index
      %swap3A_560 = tpu.vector_load %arg7[%swap3A_559] {strides = array<i32>} : memref<16384xf32, #tpu.memory_space<vmem>>, vector<16xf32>,
      %swap3A_561 = vector.shape_cast %swap3A_560 : vector<16xf32> to vector<16xf32>
      %swap3A_562 = vector.shape_cast %max3A_558 : vector<16xf32> to vector<16xf32>
      tpu.vector_store %arg7[%swap3A_559], %swap3A_562 {strides = array<i32>} : memref<16384xf32, #tpu.memory_space<vmem>>, vector<16xf32>,
      %mul3A_563 = arith.constant 128 : i32
      %mul3A_564 = arith.muli %squeeze3A_468, %mul3A_563 : i32
      %add3A_565 = arith.constant 80 : i32
      %add3A_566 = arith.addi %mul3A_564, %add3A_565 : i32
      %get3A_567 = arith.index_cast %add3A_566 : i32 to index
      %get3A_568 = tpu.vector_load %arg7[%get3A_567] {strides = array<i32>} : memref<16384xf32, #tpu.memory_space<vmem>>, vector<16xf32>,
      %get3A_569 = vector.shape_cast %get3A_568 : vector<16xf32> to vector<16xf32>
      %get3A_570 = arith.constant 0 : i32
      %get3A_571 = tpu.memref_slice %arg5[%add3A_472, %get3A_570] : memref<320x128xf32, #tpu.memory_space<vmem>> -> memref<1x128xf32, #tpu.memory_space<vmem>>
      %get3A_572 = tpu.memref_squeeze %get3A_571 : memref<1x128xf32, #tpu.memory_space<vmem>> -> memref<128xf32, #tpu.memory_space<vmem>>
      %get3A_573 = arith.constant 80 : index
      %get3A_574 = tpu.vector_load %get3A_572[%get3A_573] {strides = array<i32>} : memref<128xf32, #tpu.memory_space<vmem>>, vector<16xf32>,
      %get3A_575 = vector.shape_cast %get3A_574 : vector<16xf32> to vector<16xf32>
      %max3A_576 = arith.maximumf %get3A_569, %get3A_575 : vector<16xf32>
      %swap3A_577 = arith.index_cast %add3A_566 : i32 to index
      %swap3A_578 = tpu.vector_load %arg7[%swap3A_577] {strides = array<i32>} : memref<16384xf32, #tpu.memory_space<vmem>>, vector<16xf32>,
      %swap3A_579 = vector.shape_cast %swap3A_578 : vector<16xf32> to vector<16xf32>
      %swap3A_580 = vector.shape_cast %max3A_576 : vector<16xf32> to vector<16xf32>
      tpu.vector_store %arg7[%swap3A_577], %swap3A_580 {strides = array<i32>} : memref<16384xf32, #tpu.memory_space<vmem>>, vector<16xf32>,
      %mul3A_581 = arith.constant 128 : i32
      %mul3A_582 = arith.muli %squeeze3A_468, %mul3A_581 : i32
      %add3A_583 = arith.constant 96 : i32
      %add3A_584 = arith.addi %mul3A_582, %add3A_583 : i32
      %get3A_585 = arith.index_cast %add3A_584 : i32 to index
      %get3A_586 = tpu.vector_load %arg7[%get3A_585] {strides = array<i32>} : memref<16384xf32, #tpu.memory_space<vmem>>, vector<16xf32>,
      %get3A_587 = vector.shape_cast %get3A_586 : vector<16xf32> to vector<16xf32>
      %get3A_588 = arith.constant 0 : i32
      %get3A_589 = tpu.memref_slice %arg5[%add3A_472, %get3A_588] : memref<320x128xf32, #tpu.memory_space<vmem>> -> memref<1x128xf32, #tpu.memory_space<vmem>>
      %get3A_590 = tpu.memref_squeeze %get3A_589 : memref<1x128xf32, #tpu.memory_space<vmem>> -> memref<128xf32, #tpu.memory_space<vmem>>
      %get3A_591 = arith.constant 96 : index
      %get3A_592 = tpu.vector_load %get3A_590[%get3A_591] {strides = array<i32>} : memref<128xf32, #tpu.memory_space<vmem>>, vector<16xf32>,
      %get3A_593 = vector.shape_cast %get3A_592 : vector<16xf32> to vector<16xf32>
      %max3A_594 = arith.maximumf %get3A_587, %get3A_593 : vector<16xf32>
      %swap3A_595 = arith.index_cast %add3A_584 : i32 to index
      %swap3A_596 = tpu.vector_load %arg7[%swap3A_595] {strides = array<i32>} : memref<16384xf32, #tpu.memory_space<vmem>>, vector<16xf32>,
      %swap3A_597 = vector.shape_cast %swap3A_596 : vector<16xf32> to vector<16xf32>
      %swap3A_598 = vector.shape_cast %max3A_594 : vector<16xf32> to vector<16xf32>
      tpu.vector_store %arg7[%swap3A_595], %swap3A_598 {strides = array<i32>} : memref<16384xf32, #tpu.memory_space<vmem>>, vector<16xf32>,
      %mul3A_599 = arith.constant 128 : i32
      %mul3A_600 = arith.muli %squeeze3A_468, %mul3A_599 : i32
      %add3A_601 = arith.constant 112 : i32
      %add3A_602 = arith.addi %mul3A_600, %add3A_601 : i32
      %get3A_603 = arith.index_cast %add3A_602 : i32 to index
      %get3A_604 = tpu.vector_load %arg7[%get3A_603] {strides = array<i32>} : memref<16384xf32, #tpu.memory_space<vmem>>, vector<16xf32>,
      %get3A_605 = vector.shape_cast %get3A_604 : vector<16xf32> to vector<16xf32>
      %get3A_606 = arith.constant 0 : i32
      %get3A_607 = tpu.memref_slice %arg5[%add3A_472, %get3A_606] : memref<320x128xf32, #tpu.memory_space<vmem>> -> memref<1x128xf32, #tpu.memory_space<vmem>>
      %get3A_608 = tpu.memref_squeeze %get3A_607 : memref<1x128xf32, #tpu.memory_space<vmem>> -> memref<128xf32, #tpu.memory_space<vmem>>
      %get3A_609 = arith.constant 112 : index
      %get3A_610 = tpu.vector_load %get3A_608[%get3A_609] {strides = array<i32>} : memref<128xf32, #tpu.memory_space<vmem>>, vector<16xf32>,
      %get3A_611 = vector.shape_cast %get3A_610 : vector<16xf32> to vector<16xf32>
      %max3A_612 = arith.maximumf %get3A_605, %get3A_611 : vector<16xf32>
      %swap3A_613 = arith.index_cast %add3A_602 : i32 to index
      %swap3A_614 = tpu.vector_load %arg7[%swap3A_613] {strides = array<i32>} : memref<16384xf32, #tpu.memory_space<vmem>>, vector<16xf32>,
      %swap3A_615 = vector.shape_cast %swap3A_614 : vector<16xf32> to vector<16xf32>
      %swap3A_616 = vector.shape_cast %max3A_612 : vector<16xf32> to vector<16xf32>
      tpu.vector_store %arg7[%swap3A_613], %swap3A_616 {strides = array<i32>} : memref<16384xf32, #tpu.memory_space<vmem>>, vector<16xf32>,
      %slice3A_617 = vector.extract_strided_slice %get3A_20 {offsets = [4], sizes = [1], strides = [1]} : vector<16xi32> to vector<1xi32>
      %squeeze3A_618 = vector.extract %slice3A_617[0] : i32 from vector<1xi32>
      %mul3A_619 = arith.constant 16 : i32
      %mul3A_620 = arith.muli %scan3A_16, %mul3A_619 : i32
      %add3A_621 = arith.constant 4 : i32
      %add3A_622 = arith.addi %mul3A_620, %add3A_621 : i32
      %mul3A_623 = arith.constant 128 : i32
      %mul3A_624 = arith.muli %squeeze3A_618, %mul3A_623 : i32
      %add3A_625 = arith.constant 0 : i32
      %add3A_626 = arith.addi %mul3A_624, %add3A_625 : i32
      %get3A_627 = arith.index_cast %add3A_626 : i32 to index
      %get3A_628 = tpu.vector_load %arg7[%get3A_627] {strides = array<i32>} : memref<16384xf32, #tpu.memory_space<vmem>>, vector<16xf32>,
      %get3A_629 = vector.shape_cast %get3A_628 : vector<16xf32> to vector<16xf32>
      %get3A_630 = arith.constant 0 : i32
      %get3A_631 = tpu.memref_slice %arg5[%add3A_622, %get3A_630] : memref<320x128xf32, #tpu.memory_space<vmem>> -> memref<1x128xf32, #tpu.memory_space<vmem>>
      %get3A_632 = tpu.memref_squeeze %get3A_631 : memref<1x128xf32, #tpu.memory_space<vmem>> -> memref<128xf32, #tpu.memory_space<vmem>>
      %get3A_633 = arith.constant 0 : index
      %get3A_634 = tpu.vector_load %get3A_632[%get3A_633] {strides = array<i32>} : memref<128xf32, #tpu.memory_space<vmem>>, vector<16xf32>,
      %get3A_635 = vector.shape_cast %get3A_634 : vector<16xf32> to vector<16xf32>
      %max3A_636 = arith.maximumf %get3A_629, %get3A_635 : vector<16xf32>
      %swap3A_637 = arith.index_cast %add3A_626 : i32 to index
      %swap3A_638 = tpu.vector_load %arg7[%swap3A_637] {strides = array<i32>} : memref<16384xf32, #tpu.memory_space<vmem>>, vector<16xf32>,
      %swap3A_639 = vector.shape_cast %swap3A_638 : vector<16xf32> to vector<16xf32>
      %swap3A_640 = vector.shape_cast %max3A_636 : vector<16xf32> to vector<16xf32>
      tpu.vector_store %arg7[%swap3A_637], %swap3A_640 {strides = array<i32>} : memref<16384xf32, #tpu.memory_space<vmem>>, vector<16xf32>,
      %mul3A_641 = arith.constant 128 : i32
      %mul3A_642 = arith.muli %squeeze3A_618, %mul3A_641 : i32
      %add3A_643 = arith.constant 16 : i32
      %add3A_644 = arith.addi %mul3A_642, %add3A_643 : i32
      %get3A_645 = arith.index_cast %add3A_644 : i32 to index
      %get3A_646 = tpu.vector_load %arg7[%get3A_645] {strides = array<i32>} : memref<16384xf32, #tpu.memory_space<vmem>>, vector<16xf32>,
      %get3A_647 = vector.shape_cast %get3A_646 : vector<16xf32> to vector<16xf32>
      %get3A_648 = arith.constant 0 : i32
      %get3A_649 = tpu.memref_slice %arg5[%add3A_622, %get3A_648] : memref<320x128xf32, #tpu.memory_space<vmem>> -> memref<1x128xf32, #tpu.memory_space<vmem>>
      %get3A_650 = tpu.memref_squeeze %get3A_649 : memref<1x128xf32, #tpu.memory_space<vmem>> -> memref<128xf32, #tpu.memory_space<vmem>>
      %get3A_651 = arith.constant 16 : index
      %get3A_652 = tpu.vector_load %get3A_650[%get3A_651] {strides = array<i32>} : memref<128xf32, #tpu.memory_space<vmem>>, vector<16xf32>,
      %get3A_653 = vector.shape_cast %get3A_652 : vector<16xf32> to vector<16xf32>
      %max3A_654 = arith.maximumf %get3A_647, %get3A_653 : vector<16xf32>
      %swap3A_655 = arith.index_cast %add3A_644 : i32 to index
      %swap3A_656 = tpu.vector_load %arg7[%swap3A_655] {strides = array<i32>} : memref<16384xf32, #tpu.memory_space<vmem>>, vector<16xf32>,
      %swap3A_657 = vector.shape_cast %swap3A_656 : vector<16xf32> to vector<16xf32>
      %swap3A_658 = vector.shape_cast %max3A_654 : vector<16xf32> to vector<16xf32>
      tpu.vector_store %arg7[%swap3A_655], %swap3A_658 {strides = array<i32>} : memref<16384xf32, #tpu.memory_space<vmem>>, vector<16xf32>,
      %mul3A_659 = arith.constant 128 : i32
      %mul3A_660 = arith.muli %squeeze3A_618, %mul3A_659 : i32
      %add3A_661 = arith.constant 32 : i32
      %add3A_662 = arith.addi %mul3A_660, %add3A_661 : i32
      %get3A_663 = arith.index_cast %add3A_662 : i32 to index
      %get3A_664 = tpu.vector_load %arg7[%get3A_663] {strides = array<i32>} : memref<16384xf32, #tpu.memory_space<vmem>>, vector<16xf32>,
      %get3A_665 = vector.shape_cast %get3A_664 : vector<16xf32> to vector<16xf32>
      %get3A_666 = arith.constant 0 : i32
      %get3A_667 = tpu.memref_slice %arg5[%add3A_622, %get3A_666] : memref<320x128xf32, #tpu.memory_space<vmem>> -> memref<1x128xf32, #tpu.memory_space<vmem>>
      %get3A_668 = tpu.memref_squeeze %get3A_667 : memref<1x128xf32, #tpu.memory_space<vmem>> -> memref<128xf32, #tpu.memory_space<vmem>>
      %get3A_669 = arith.constant 32 : index
      %get3A_670 = tpu.vector_load %get3A_668[%get3A_669] {strides = array<i32>} : memref<128xf32, #tpu.memory_space<vmem>>, vector<16xf32>,
      %get3A_671 = vector.shape_cast %get3A_670 : vector<16xf32> to vector<16xf32>
      %max3A_672 = arith.maximumf %get3A_665, %get3A_671 : vector<16xf32>
      %swap3A_673 = arith.index_cast %add3A_662 : i32 to index
      %swap3A_674 = tpu.vector_load %arg7[%swap3A_673] {strides = array<i32>} : memref<16384xf32, #tpu.memory_space<vmem>>, vector<16xf32>,
      %swap3A_675 = vector.shape_cast %swap3A_674 : vector<16xf32> to vector<16xf32>
      %swap3A_676 = vector.shape_cast %max3A_672 : vector<16xf32> to vector<16xf32>
      tpu.vector_store %arg7[%swap3A_673], %swap3A_676 {strides = array<i32>} : memref<16384xf32, #tpu.memory_space<vmem>>, vector<16xf32>,
      %mul3A_677 = arith.constant 128 : i32
      %mul3A_678 = arith.muli %squeeze3A_618, %mul3A_677 : i32
      %add3A_679 = arith.constant 48 : i32
      %add3A_680 = arith.addi %mul3A_678, %add3A_679 : i32
      %get3A_681 = arith.index_cast %add3A_680 : i32 to index
      %get3A_682 = tpu.vector_load %arg7[%get3A_681] {strides = array<i32>} : memref<16384xf32, #tpu.memory_space<vmem>>, vector<16xf32>,
      %get3A_683 = vector.shape_cast %get3A_682 : vector<16xf32> to vector<16xf32>
      %get3A_684 = arith.constant 0 : i32
      %get3A_685 = tpu.memref_slice %arg5[%add3A_622, %get3A_684] : memref<320x128xf32, #tpu.memory_space<vmem>> -> memref<1x128xf32, #tpu.memory_space<vmem>>
      %get3A_686 = tpu.memref_squeeze %get3A_685 : memref<1x128xf32, #tpu.memory_space<vmem>> -> memref<128xf32, #tpu.memory_space<vmem>>
      %get3A_687 = arith.constant 48 : index
      %get3A_688 = tpu.vector_load %get3A_686[%get3A_687] {strides = array<i32>} : memref<128xf32, #tpu.memory_space<vmem>>, vector<16xf32>,
      %get3A_689 = vector.shape_cast %get3A_688 : vector<16xf32> to vector<16xf32>
      %max3A_690 = arith.maximumf %get3A_683, %get3A_689 : vector<16xf32>
      %swap3A_691 = arith.index_cast %add3A_680 : i32 to index
      %swap3A_692 = tpu.vector_load %arg7[%swap3A_691] {strides = array<i32>} : memref<16384xf32, #tpu.memory_space<vmem>>, vector<16xf32>,
      %swap3A_693 = vector.shape_cast %swap3A_692 : vector<16xf32> to vector<16xf32>
      %swap3A_694 = vector.shape_cast %max3A_690 : vector<16xf32> to vector<16xf32>
      tpu.vector_store %arg7[%swap3A_691], %swap3A_694 {strides = array<i32>} : memref<16384xf32, #tpu.memory_space<vmem>>, vector<16xf32>,
      %mul3A_695 = arith.constant 128 : i32
      %mul3A_696 = arith.muli %squeeze3A_618, %mul3A_695 : i32
      %add3A_697 = arith.constant 64 : i32
      %add3A_698 = arith.addi %mul3A_696, %add3A_697 : i32
      %get3A_699 = arith.index_cast %add3A_698 : i32 to index
      %get3A_700 = tpu.vector_load %arg7[%get3A_699] {strides = array<i32>} : memref<16384xf32, #tpu.memory_space<vmem>>, vector<16xf32>,
      %get3A_701 = vector.shape_cast %get3A_700 : vector<16xf32> to vector<16xf32>
      %get3A_702 = arith.constant 0 : i32
      %get3A_703 = tpu.memref_slice %arg5[%add3A_622, %get3A_702] : memref<320x128xf32, #tpu.memory_space<vmem>> -> memref<1x128xf32, #tpu.memory_space<vmem>>
      %get3A_704 = tpu.memref_squeeze %get3A_703 : memref<1x128xf32, #tpu.memory_space<vmem>> -> memref<128xf32, #tpu.memory_space<vmem>>
      %get3A_705 = arith.constant 64 : index
      %get3A_706 = tpu.vector_load %get3A_704[%get3A_705] {strides = array<i32>} : memref<128xf32, #tpu.memory_space<vmem>>, vector<16xf32>,
      %get3A_707 = vector.shape_cast %get3A_706 : vector<16xf32> to vector<16xf32>
      %max3A_708 = arith.maximumf %get3A_701, %get3A_707 : vector<16xf32>
      %swap3A_709 = arith.index_cast %add3A_698 : i32 to index
      %swap3A_710 = tpu.vector_load %arg7[%swap3A_709] {strides = array<i32>} : memref<16384xf32, #tpu.memory_space<vmem>>, vector<16xf32>,
      %swap3A_711 = vector.shape_cast %swap3A_710 : vector<16xf32> to vector<16xf32>
      %swap3A_712 = vector.shape_cast %max3A_708 : vector<16xf32> to vector<16xf32>
      tpu.vector_store %arg7[%swap3A_709], %swap3A_712 {strides = array<i32>} : memref<16384xf32, #tpu.memory_space<vmem>>, vector<16xf32>,
      %mul3A_713 = arith.constant 128 : i32
      %mul3A_714 = arith.muli %squeeze3A_618, %mul3A_713 : i32
      %add3A_715 = arith.constant 80 : i32
      %add3A_716 = arith.addi %mul3A_714, %add3A_715 : i32
      %get3A_717 = arith.index_cast %add3A_716 : i32 to index
      %get3A_718 = tpu.vector_load %arg7[%get3A_717] {strides = array<i32>} : memref<16384xf32, #tpu.memory_space<vmem>>, vector<16xf32>,
      %get3A_719 = vector.shape_cast %get3A_718 : vector<16xf32> to vector<16xf32>
      %get3A_720 = arith.constant 0 : i32
      %get3A_721 = tpu.memref_slice %arg5[%add3A_622, %get3A_720] : memref<320x128xf32, #tpu.memory_space<vmem>> -> memref<1x128xf32, #tpu.memory_space<vmem>>
      %get3A_722 = tpu.memref_squeeze %get3A_721 : memref<1x128xf32, #tpu.memory_space<vmem>> -> memref<128xf32, #tpu.memory_space<vmem>>
      %get3A_723 = arith.constant 80 : index
      %get3A_724 = tpu.vector_load %get3A_722[%get3A_723] {strides = array<i32>} : memref<128xf32, #tpu.memory_space<vmem>>, vector<16xf32>,
      %get3A_725 = vector.shape_cast %get3A_724 : vector<16xf32> to vector<16xf32>
      %max3A_726 = arith.maximumf %get3A_719, %get3A_725 : vector<16xf32>
      %swap3A_727 = arith.index_cast %add3A_716 : i32 to index
      %swap3A_728 = tpu.vector_load %arg7[%swap3A_727] {strides = array<i32>} : memref<16384xf32, #tpu.memory_space<vmem>>, vector<16xf32>,
      %swap3A_729 = vector.shape_cast %swap3A_728 : vector<16xf32> to vector<16xf32>
      %swap3A_730 = vector.shape_cast %max3A_726 : vector<16xf32> to vector<16xf32>
      tpu.vector_store %arg7[%swap3A_727], %swap3A_730 {strides = array<i32>} : memref<16384xf32, #tpu.memory_space<vmem>>, vector<16xf32>,
      %mul3A_731 = arith.constant 128 : i32
      %mul3A_732 = arith.muli %squeeze3A_618, %mul3A_731 : i32
      %add3A_733 = arith.constant 96 : i32
      %add3A_734 = arith.addi %mul3A_732, %add3A_733 : i32
      %get3A_735 = arith.index_cast %add3A_734 : i32 to index
      %get3A_736 = tpu.vector_load %arg7[%get3A_735] {strides = array<i32>} : memref<16384xf32, #tpu.memory_space<vmem>>, vector<16xf32>,
      %get3A_737 = vector.shape_cast %get3A_736 : vector<16xf32> to vector<16xf32>
      %get3A_738 = arith.constant 0 : i32
      %get3A_739 = tpu.memref_slice %arg5[%add3A_622, %get3A_738] : memref<320x128xf32, #tpu.memory_space<vmem>> -> memref<1x128xf32, #tpu.memory_space<vmem>>
      %get3A_740 = tpu.memref_squeeze %get3A_739 : memref<1x128xf32, #tpu.memory_space<vmem>> -> memref<128xf32, #tpu.memory_space<vmem>>
      %get3A_741 = arith.constant 96 : index
      %get3A_742 = tpu.vector_load %get3A_740[%get3A_741] {strides = array<i32>} : memref<128xf32, #tpu.memory_space<vmem>>, vector<16xf32>,
      %get3A_743 = vector.shape_cast %get3A_742 : vector<16xf32> to vector<16xf32>
      %max3A_744 = arith.maximumf %get3A_737, %get3A_743 : vector<16xf32>
      %swap3A_745 = arith.index_cast %add3A_734 : i32 to index
      %swap3A_746 = tpu.vector_load %arg7[%swap3A_745] {strides = array<i32>} : memref<16384xf32, #tpu.memory_space<vmem>>, vector<16xf32>,
      %swap3A_747 = vector.shape_cast %swap3A_746 : vector<16xf32> to vector<16xf32>
      %swap3A_748 = vector.shape_cast %max3A_744 : vector<16xf32> to vector<16xf32>
      tpu.vector_store %arg7[%swap3A_745], %swap3A_748 {strides = array<i32>} : memref<16384xf32, #tpu.memory_space<vmem>>, vector<16xf32>,
      %mul3A_749 = arith.constant 128 : i32
      %mul3A_750 = arith.muli %squeeze3A_618, %mul3A_749 : i32
      %add3A_751 = arith.constant 112 : i32
      %add3A_752 = arith.addi %mul3A_750, %add3A_751 : i32
      %get3A_753 = arith.index_cast %add3A_752 : i32 to index
      %get3A_754 = tpu.vector_load %arg7[%get3A_753] {strides = array<i32>} : memref<16384xf32, #tpu.memory_space<vmem>>, vector<16xf32>,
      %get3A_755 = vector.shape_cast %get3A_754 : vector<16xf32> to vector<16xf32>
      %get3A_756 = arith.constant 0 : i32
      %get3A_757 = tpu.memref_slice %arg5[%add3A_622, %get3A_756] : memref<320x128xf32, #tpu.memory_space<vmem>> -> memref<1x128xf32, #tpu.memory_space<vmem>>
      %get3A_758 = tpu.memref_squeeze %get3A_757 : memref<1x128xf32, #tpu.memory_space<vmem>> -> memref<128xf32, #tpu.memory_space<vmem>>
      %get3A_759 = arith.constant 112 : index
      %get3A_760 = tpu.vector_load %get3A_758[%get3A_759] {strides = array<i32>} : memref<128xf32, #tpu.memory_space<vmem>>, vector<16xf32>,
      %get3A_761 = vector.shape_cast %get3A_760 : vector<16xf32> to vector<16xf32>
      %max3A_762 = arith.maximumf %get3A_755, %get3A_761 : vector<16xf32>
      %swap3A_763 = arith.index_cast %add3A_752 : i32 to index
      %swap3A_764 = tpu.vector_load %arg7[%swap3A_763] {strides = array<i32>} : memref<16384xf32, #tpu.memory_space<vmem>>, vector<16xf32>,
      %swap3A_765 = vector.shape_cast %swap3A_764 : vector<16xf32> to vector<16xf32>
      %swap3A_766 = vector.shape_cast %max3A_762 : vector<16xf32> to vector<16xf32>
      tpu.vector_store %arg7[%swap3A_763], %swap3A_766 {strides = array<i32>} : memref<16384xf32, #tpu.memory_space<vmem>>, vector<16xf32>,
      %slice3A_767 = vector.extract_strided_slice %get3A_20 {offsets = [5], sizes = [1], strides = [1]} : vector<16xi32> to vector<1xi32>
      %squeeze3A_768 = vector.extract %slice3A_767[0] : i32 from vector<1xi32>
      %mul3A_769 = arith.constant 16 : i32
      %mul3A_770 = arith.muli %scan3A_16, %mul3A_769 : i32
      %add3A_771 = arith.constant 5 : i32
      %add3A_772 = arith.addi %mul3A_770, %add3A_771 : i32
      %mul3A_773 = arith.constant 128 : i32
      %mul3A_774 = arith.muli %squeeze3A_768, %mul3A_773 : i32
      %add3A_775 = arith.constant 0 : i32
      %add3A_776 = arith.addi %mul3A_774, %add3A_775 : i32
      %get3A_777 = arith.index_cast %add3A_776 : i32 to index
      %get3A_778 = tpu.vector_load %arg7[%get3A_777] {strides = array<i32>} : memref<16384xf32, #tpu.memory_space<vmem>>, vector<16xf32>,
      %get3A_779 = vector.shape_cast %get3A_778 : vector<16xf32> to vector<16xf32>
      %get3A_780 = arith.constant 0 : i32
      %get3A_781 = tpu.memref_slice %arg5[%add3A_772, %get3A_780] : memref<320x128xf32, #tpu.memory_space<vmem>> -> memref<1x128xf32, #tpu.memory_space<vmem>>
      %get3A_782 = tpu.memref_squeeze %get3A_781 : memref<1x128xf32, #tpu.memory_space<vmem>> -> memref<128xf32, #tpu.memory_space<vmem>>
      %get3A_783 = arith.constant 0 : index
      %get3A_784 = tpu.vector_load %get3A_782[%get3A_783] {strides = array<i32>} : memref<128xf32, #tpu.memory_space<vmem>>, vector<16xf32>,
      %get3A_785 = vector.shape_cast %get3A_784 : vector<16xf32> to vector<16xf32>
      %max3A_786 = arith.maximumf %get3A_779, %get3A_785 : vector<16xf32>
      %swap3A_787 = arith.index_cast %add3A_776 : i32 to index
      %swap3A_788 = tpu.vector_load %arg7[%swap3A_787] {strides = array<i32>} : memref<16384xf32, #tpu.memory_space<vmem>>, vector<16xf32>,
      %swap3A_789 = vector.shape_cast %swap3A_788 : vector<16xf32> to vector<16xf32>
      %swap3A_790 = vector.shape_cast %max3A_786 : vector<16xf32> to vector<16xf32>
      tpu.vector_store %arg7[%swap3A_787], %swap3A_790 {strides = array<i32>} : memref<16384xf32, #tpu.memory_space<vmem>>, vector<16xf32>,
      %mul3A_791 = arith.constant 128 : i32
      %mul3A_792 = arith.muli %squeeze3A_768, %mul3A_791 : i32
      %add3A_793 = arith.constant 16 : i32
      %add3A_794 = arith.addi %mul3A_792, %add3A_793 : i32
      %get3A_795 = arith.index_cast %add3A_794 : i32 to index
      %get3A_796 = tpu.vector_load %arg7[%get3A_795] {strides = array<i32>} : memref<16384xf32, #tpu.memory_space<vmem>>, vector<16xf32>,
      %get3A_797 = vector.shape_cast %get3A_796 : vector<16xf32> to vector<16xf32>
      %get3A_798 = arith.constant 0 : i32
      %get3A_799 = tpu.memref_slice %arg5[%add3A_772, %get3A_798] : memref<320x128xf32, #tpu.memory_space<vmem>> -> memref<1x128xf32, #tpu.memory_space<vmem>>
      %get3A_800 = tpu.memref_squeeze %get3A_799 : memref<1x128xf32, #tpu.memory_space<vmem>> -> memref<128xf32, #tpu.memory_space<vmem>>
      %get3A_801 = arith.constant 16 : index
      %get3A_802 = tpu.vector_load %get3A_800[%get3A_801] {strides = array<i32>} : memref<128xf32, #tpu.memory_space<vmem>>, vector<16xf32>,
      %get3A_803 = vector.shape_cast %get3A_802 : vector<16xf32> to vector<16xf32>
      %max3A_804 = arith.maximumf %get3A_797, %get3A_803 : vector<16xf32>
      %swap3A_805 = arith.index_cast %add3A_794 : i32 to index
      %swap3A_806 = tpu.vector_load %arg7[%swap3A_805] {strides = array<i32>} : memref<16384xf32, #tpu.memory_space<vmem>>, vector<16xf32>,
      %swap3A_807 = vector.shape_cast %swap3A_806 : vector<16xf32> to vector<16xf32>
      %swap3A_808 = vector.shape_cast %max3A_804 : vector<16xf32> to vector<16xf32>
      tpu.vector_store %arg7[%swap3A_805], %swap3A_808 {strides = array<i32>} : memref<16384xf32, #tpu.memory_space<vmem>>, vector<16xf32>,
      %mul3A_809 = arith.constant 128 : i32
      %mul3A_810 = arith.muli %squeeze3A_768, %mul3A_809 : i32
      %add3A_811 = arith.constant 32 : i32
      %add3A_812 = arith.addi %mul3A_810, %add3A_811 : i32
      %get3A_813 = arith.index_cast %add3A_812 : i32 to index
      %get3A_814 = tpu.vector_load %arg7[%get3A_813] {strides = array<i32>} : memref<16384xf32, #tpu.memory_space<vmem>>, vector<16xf32>,
      %get3A_815 = vector.shape_cast %get3A_814 : vector<16xf32> to vector<16xf32>
      %get3A_816 = arith.constant 0 : i32
      %get3A_817 = tpu.memref_slice %arg5[%add3A_772, %get3A_816] : memref<320x128xf32, #tpu.memory_space<vmem>> -> memref<1x128xf32, #tpu.memory_space<vmem>>
      %get3A_818 = tpu.memref_squeeze %get3A_817 : memref<1x128xf32, #tpu.memory_space<vmem>> -> memref<128xf32, #tpu.memory_space<vmem>>
      %get3A_819 = arith.constant 32 : index
      %get3A_820 = tpu.vector_load %get3A_818[%get3A_819] {strides = array<i32>} : memref<128xf32, #tpu.memory_space<vmem>>, vector<16xf32>,
      %get3A_821 = vector.shape_cast %get3A_820 : vector<16xf32> to vector<16xf32>
      %max3A_822 = arith.maximumf %get3A_815, %get3A_821 : vector<16xf32>
      %swap3A_823 = arith.index_cast %add3A_812 : i32 to index
      %swap3A_824 = tpu.vector_load %arg7[%swap3A_823] {strides = array<i32>} : memref<16384xf32, #tpu.memory_space<vmem>>, vector<16xf32>,
      %swap3A_825 = vector.shape_cast %swap3A_824 : vector<16xf32> to vector<16xf32>
      %swap3A_826 = vector.shape_cast %max3A_822 : vector<16xf32> to vector<16xf32>
      tpu.vector_store %arg7[%swap3A_823], %swap3A_826 {strides = array<i32>} : memref<16384xf32, #tpu.memory_space<vmem>>, vector<16xf32>,
      %mul3A_827 = arith.constant 128 : i32
      %mul3A_828 = arith.muli %squeeze3A_768, %mul3A_827 : i32
      %add3A_829 = arith.constant 48 : i32
      %add3A_830 = arith.addi %mul3A_828, %add3A_829 : i32
      %get3A_831 = arith.index_cast %add3A_830 : i32 to index
      %get3A_832 = tpu.vector_load %arg7[%get3A_831] {strides = array<i32>} : memref<16384xf32, #tpu.memory_space<vmem>>, vector<16xf32>,
      %get3A_833 = vector.shape_cast %get3A_832 : vector<16xf32> to vector<16xf32>
      %get3A_834 = arith.constant 0 : i32
      %get3A_835 = tpu.memref_slice %arg5[%add3A_772, %get3A_834] : memref<320x128xf32, #tpu.memory_space<vmem>> -> memref<1x128xf32, #tpu.memory_space<vmem>>
      %get3A_836 = tpu.memref_squeeze %get3A_835 : memref<1x128xf32, #tpu.memory_space<vmem>> -> memref<128xf32, #tpu.memory_space<vmem>>
      %get3A_837 = arith.constant 48 : index
      %get3A_838 = tpu.vector_load %get3A_836[%get3A_837] {strides = array<i32>} : memref<128xf32, #tpu.memory_space<vmem>>, vector<16xf32>,
      %get3A_839 = vector.shape_cast %get3A_838 : vector<16xf32> to vector<16xf32>
      %max3A_840 = arith.maximumf %get3A_833, %get3A_839 : vector<16xf32>
      %swap3A_841 = arith.index_cast %add3A_830 : i32 to index
      %swap3A_842 = tpu.vector_load %arg7[%swap3A_841] {strides = array<i32>} : memref<16384xf32, #tpu.memory_space<vmem>>, vector<16xf32>,
      %swap3A_843 = vector.shape_cast %swap3A_842 : vector<16xf32> to vector<16xf32>
      %swap3A_844 = vector.shape_cast %max3A_840 : vector<16xf32> to vector<16xf32>
      tpu.vector_store %arg7[%swap3A_841], %swap3A_844 {strides = array<i32>} : memref<16384xf32, #tpu.memory_space<vmem>>, vector<16xf32>,
      %mul3A_845 = arith.constant 128 : i32
      %mul3A_846 = arith.muli %squeeze3A_768, %mul3A_845 : i32
      %add3A_847 = arith.constant 64 : i32
      %add3A_848 = arith.addi %mul3A_846, %add3A_847 : i32
      %get3A_849 = arith.index_cast %add3A_848 : i32 to index
      %get3A_850 = tpu.vector_load %arg7[%get3A_849] {strides = array<i32>} : memref<16384xf32, #tpu.memory_space<vmem>>, vector<16xf32>,
      %get3A_851 = vector.shape_cast %get3A_850 : vector<16xf32> to vector<16xf32>
      %get3A_852 = arith.constant 0 : i32
      %get3A_853 = tpu.memref_slice %arg5[%add3A_772, %get3A_852] : memref<320x128xf32, #tpu.memory_space<vmem>> -> memref<1x128xf32, #tpu.memory_space<vmem>>
      %get3A_854 = tpu.memref_squeeze %get3A_853 : memref<1x128xf32, #tpu.memory_space<vmem>> -> memref<128xf32, #tpu.memory_space<vmem>>
      %get3A_855 = arith.constant 64 : index
      %get3A_856 = tpu.vector_load %get3A_854[%get3A_855] {strides = array<i32>} : memref<128xf32, #tpu.memory_space<vmem>>, vector<16xf32>,
      %get3A_857 = vector.shape_cast %get3A_856 : vector<16xf32> to vector<16xf32>
      %max3A_858 = arith.maximumf %get3A_851, %get3A_857 : vector<16xf32>
      %swap3A_859 = arith.index_cast %add3A_848 : i32 to index
      %swap3A_860 = tpu.vector_load %arg7[%swap3A_859] {strides = array<i32>} : memref<16384xf32, #tpu.memory_space<vmem>>, vector<16xf32>,
      %swap3A_861 = vector.shape_cast %swap3A_860 : vector<16xf32> to vector<16xf32>
      %swap3A_862 = vector.shape_cast %max3A_858 : vector<16xf32> to vector<16xf32>
      tpu.vector_store %arg7[%swap3A_859], %swap3A_862 {strides = array<i32>} : memref<16384xf32, #tpu.memory_space<vmem>>, vector<16xf32>,
      %mul3A_863 = arith.constant 128 : i32
      %mul3A_864 = arith.muli %squeeze3A_768, %mul3A_863 : i32
      %add3A_865 = arith.constant 80 : i32
      %add3A_866 = arith.addi %mul3A_864, %add3A_865 : i32
      %get3A_867 = arith.index_cast %add3A_866 : i32 to index
      %get3A_868 = tpu.vector_load %arg7[%get3A_867] {strides = array<i32>} : memref<16384xf32, #tpu.memory_space<vmem>>, vector<16xf32>,
      %get3A_869 = vector.shape_cast %get3A_868 : vector<16xf32> to vector<16xf32>
      %get3A_870 = arith.constant 0 : i32
      %get3A_871 = tpu.memref_slice %arg5[%add3A_772, %get3A_870] : memref<320x128xf32, #tpu.memory_space<vmem>> -> memref<1x128xf32, #tpu.memory_space<vmem>>
      %get3A_872 = tpu.memref_squeeze %get3A_871 : memref<1x128xf32, #tpu.memory_space<vmem>> -> memref<128xf32, #tpu.memory_space<vmem>>
      %get3A_873 = arith.constant 80 : index
      %get3A_874 = tpu.vector_load %get3A_872[%get3A_873] {strides = array<i32>} : memref<128xf32, #tpu.memory_space<vmem>>, vector<16xf32>,
      %get3A_875 = vector.shape_cast %get3A_874 : vector<16xf32> to vector<16xf32>
      %max3A_876 = arith.maximumf %get3A_869, %get3A_875 : vector<16xf32>
      %swap3A_877 = arith.index_cast %add3A_866 : i32 to index
      %swap3A_878 = tpu.vector_load %arg7[%swap3A_877] {strides = array<i32>} : memref<16384xf32, #tpu.memory_space<vmem>>, vector<16xf32>,
      %swap3A_879 = vector.shape_cast %swap3A_878 : vector<16xf32> to vector<16xf32>
      %swap3A_880 = vector.shape_cast %max3A_876 : vector<16xf32> to vector<16xf32>
      tpu.vector_store %arg7[%swap3A_877], %swap3A_880 {strides = array<i32>} : memref<16384xf32, #tpu.memory_space<vmem>>, vector<16xf32>,
      %mul3A_881 = arith.constant 128 : i32
      %mul3A_882 = arith.muli %squeeze3A_768, %mul3A_881 : i32
      %add3A_883 = arith.constant 96 : i32
      %add3A_884 = arith.addi %mul3A_882, %add3A_883 : i32
      %get3A_885 = arith.index_cast %add3A_884 : i32 to index
      %get3A_886 = tpu.vector_load %arg7[%get3A_885] {strides = array<i32>} : memref<16384xf32, #tpu.memory_space<vmem>>, vector<16xf32>,
      %get3A_887 = vector.shape_cast %get3A_886 : vector<16xf32> to vector<16xf32>
      %get3A_888 = arith.constant 0 : i32
      %get3A_889 = tpu.memref_slice %arg5[%add3A_772, %get3A_888] : memref<320x128xf32, #tpu.memory_space<vmem>> -> memref<1x128xf32, #tpu.memory_space<vmem>>
      %get3A_890 = tpu.memref_squeeze %get3A_889 : memref<1x128xf32, #tpu.memory_space<vmem>> -> memref<128xf32, #tpu.memory_space<vmem>>
      %get3A_891 = arith.constant 96 : index
      %get3A_892 = tpu.vector_load %get3A_890[%get3A_891] {strides = array<i32>} : memref<128xf32, #tpu.memory_space<vmem>>, vector<16xf32>,
      %get3A_893 = vector.shape_cast %get3A_892 : vector<16xf32> to vector<16xf32>
      %max3A_894 = arith.maximumf %get3A_887, %get3A_893 : vector<16xf32>
      %swap3A_895 = arith.index_cast %add3A_884 : i32 to index
      %swap3A_896 = tpu.vector_load %arg7[%swap3A_895] {strides = array<i32>} : memref<16384xf32, #tpu.memory_space<vmem>>, vector<16xf32>,
      %swap3A_897 = vector.shape_cast %swap3A_896 : vector<16xf32> to vector<16xf32>
      %swap3A_898 = vector.shape_cast %max3A_894 : vector<16xf32> to vector<16xf32>
      tpu.vector_store %arg7[%swap3A_895], %swap3A_898 {strides = array<i32>} : memref<16384xf32, #tpu.memory_space<vmem>>, vector<16xf32>,
      %mul3A_899 = arith.constant 128 : i32
      %mul3A_900 = arith.muli %squeeze3A_768, %mul3A_899 : i32
      %add3A_901 = arith.constant 112 : i32
      %add3A_902 = arith.addi %mul3A_900, %add3A_901 : i32
      %get3A_903 = arith.index_cast %add3A_902 : i32 to index
      %get3A_904 = tpu.vector_load %arg7[%get3A_903] {strides = array<i32>} : memref<16384xf32, #tpu.memory_space<vmem>>, vector<16xf32>,
      %get3A_905 = vector.shape_cast %get3A_904 : vector<16xf32> to vector<16xf32>
      %get3A_906 = arith.constant 0 : i32
      %get3A_907 = tpu.memref_slice %arg5[%add3A_772, %get3A_906] : memref<320x128xf32, #tpu.memory_space<vmem>> -> memref<1x128xf32, #tpu.memory_space<vmem>>
      %get3A_908 = tpu.memref_squeeze %get3A_907 : memref<1x128xf32, #tpu.memory_space<vmem>> -> memref<128xf32, #tpu.memory_space<vmem>>
      %get3A_909 = arith.constant 112 : index
      %get3A_910 = tpu.vector_load %get3A_908[%get3A_909] {strides = array<i32>} : memref<128xf32, #tpu.memory_space<vmem>>, vector<16xf32>,
      %get3A_911 = vector.shape_cast %get3A_910 : vector<16xf32> to vector<16xf32>
      %max3A_912 = arith.maximumf %get3A_905, %get3A_911 : vector<16xf32>
      %swap3A_913 = arith.index_cast %add3A_902 : i32 to index
      %swap3A_914 = tpu.vector_load %arg7[%swap3A_913] {strides = array<i32>} : memref<16384xf32, #tpu.memory_space<vmem>>, vector<16xf32>,
      %swap3A_915 = vector.shape_cast %swap3A_914 : vector<16xf32> to vector<16xf32>
      %swap3A_916 = vector.shape_cast %max3A_912 : vector<16xf32> to vector<16xf32>
      tpu.vector_store %arg7[%swap3A_913], %swap3A_916 {strides = array<i32>} : memref<16384xf32, #tpu.memory_space<vmem>>, vector<16xf32>,
      %slice3A_917 = vector.extract_strided_slice %get3A_20 {offsets = [6], sizes = [1], strides = [1]} : vector<16xi32> to vector<1xi32>
      %squeeze3A_918 = vector.extract %slice3A_917[0] : i32 from vector<1xi32>
      %mul3A_919 = arith.constant 16 : i32
      %mul3A_920 = arith.muli %scan3A_16, %mul3A_919 : i32
      %add3A_921 = arith.constant 6 : i32
      %add3A_922 = arith.addi %mul3A_920, %add3A_921 : i32
      %mul3A_923 = arith.constant 128 : i32
      %mul3A_924 = arith.muli %squeeze3A_918, %mul3A_923 : i32
      %add3A_925 = arith.constant 0 : i32
      %add3A_926 = arith.addi %mul3A_924, %add3A_925 : i32
      %get3A_927 = arith.index_cast %add3A_926 : i32 to index
      %get3A_928 = tpu.vector_load %arg7[%get3A_927] {strides = array<i32>} : memref<16384xf32, #tpu.memory_space<vmem>>, vector<16xf32>,
      %get3A_929 = vector.shape_cast %get3A_928 : vector<16xf32> to vector<16xf32>
      %get3A_930 = arith.constant 0 : i32
      %get3A_931 = tpu.memref_slice %arg5[%add3A_922, %get3A_930] : memref<320x128xf32, #tpu.memory_space<vmem>> -> memref<1x128xf32, #tpu.memory_space<vmem>>
      %get3A_932 = tpu.memref_squeeze %get3A_931 : memref<1x128xf32, #tpu.memory_space<vmem>> -> memref<128xf32, #tpu.memory_space<vmem>>
      %get3A_933 = arith.constant 0 : index
      %get3A_934 = tpu.vector_load %get3A_932[%get3A_933] {strides = array<i32>} : memref<128xf32, #tpu.memory_space<vmem>>, vector<16xf32>,
      %get3A_935 = vector.shape_cast %get3A_934 : vector<16xf32> to vector<16xf32>
      %max3A_936 = arith.maximumf %get3A_929, %get3A_935 : vector<16xf32>
      %swap3A_937 = arith.index_cast %add3A_926 : i32 to index
      %swap3A_938 = tpu.vector_load %arg7[%swap3A_937] {strides = array<i32>} : memref<16384xf32, #tpu.memory_space<vmem>>, vector<16xf32>,
      %swap3A_939 = vector.shape_cast %swap3A_938 : vector<16xf32> to vector<16xf32>
      %swap3A_940 = vector.shape_cast %max3A_936 : vector<16xf32> to vector<16xf32>
      tpu.vector_store %arg7[%swap3A_937], %swap3A_940 {strides = array<i32>} : memref<16384xf32, #tpu.memory_space<vmem>>, vector<16xf32>,
      %mul3A_941 = arith.constant 128 : i32
      %mul3A_942 = arith.muli %squeeze3A_918, %mul3A_941 : i32
      %add3A_943 = arith.constant 16 : i32
      %add3A_944 = arith.addi %mul3A_942, %add3A_943 : i32
      %get3A_945 = arith.index_cast %add3A_944 : i32 to index
      %get3A_946 = tpu.vector_load %arg7[%get3A_945] {strides = array<i32>} : memref<16384xf32, #tpu.memory_space<vmem>>, vector<16xf32>,
      %get3A_947 = vector.shape_cast %get3A_946 : vector<16xf32> to vector<16xf32>
      %get3A_948 = arith.constant 0 : i32
      %get3A_949 = tpu.memref_slice %arg5[%add3A_922, %get3A_948] : memref<320x128xf32, #tpu.memory_space<vmem>> -> memref<1x128xf32, #tpu.memory_space<vmem>>
      %get3A_950 = tpu.memref_squeeze %get3A_949 : memref<1x128xf32, #tpu.memory_space<vmem>> -> memref<128xf32, #tpu.memory_space<vmem>>
      %get3A_951 = arith.constant 16 : index
      %get3A_952 = tpu.vector_load %get3A_950[%get3A_951] {strides = array<i32>} : memref<128xf32, #tpu.memory_space<vmem>>, vector<16xf32>,
      %get3A_953 = vector.shape_cast %get3A_952 : vector<16xf32> to vector<16xf32>
      %max3A_954 = arith.maximumf %get3A_947, %get3A_953 : vector<16xf32>
      %swap3A_955 = arith.index_cast %add3A_944 : i32 to index
      %swap3A_956 = tpu.vector_load %arg7[%swap3A_955] {strides = array<i32>} : memref<16384xf32, #tpu.memory_space<vmem>>, vector<16xf32>,
      %swap3A_957 = vector.shape_cast %swap3A_956 : vector<16xf32> to vector<16xf32>
      %swap3A_958 = vector.shape_cast %max3A_954 : vector<16xf32> to vector<16xf32>
      tpu.vector_store %arg7[%swap3A_955], %swap3A_958 {strides = array<i32>} : memref<16384xf32, #tpu.memory_space<vmem>>, vector<16xf32>,
      %mul3A_959 = arith.constant 128 : i32
      %mul3A_960 = arith.muli %squeeze3A_918, %mul3A_959 : i32
      %add3A_961 = arith.constant 32 : i32
      %add3A_962 = arith.addi %mul3A_960, %add3A_961 : i32
      %get3A_963 = arith.index_cast %add3A_962 : i32 to index
      %get3A_964 = tpu.vector_load %arg7[%get3A_963] {strides = array<i32>} : memref<16384xf32, #tpu.memory_space<vmem>>, vector<16xf32>,
      %get3A_965 = vector.shape_cast %get3A_964 : vector<16xf32> to vector<16xf32>
      %get3A_966 = arith.constant 0 : i32
      %get3A_967 = tpu.memref_slice %arg5[%add3A_922, %get3A_966] : memref<320x128xf32, #tpu.memory_space<vmem>> -> memref<1x128xf32, #tpu.memory_space<vmem>>
      %get3A_968 = tpu.memref_squeeze %get3A_967 : memref<1x128xf32, #tpu.memory_space<vmem>> -> memref<128xf32, #tpu.memory_space<vmem>>
      %get3A_969 = arith.constant 32 : index
      %get3A_970 = tpu.vector_load %get3A_968[%get3A_969] {strides = array<i32>} : memref<128xf32, #tpu.memory_space<vmem>>, vector<16xf32>,
      %get3A_971 = vector.shape_cast %get3A_970 : vector<16xf32> to vector<16xf32>
      %max3A_972 = arith.maximumf %get3A_965, %get3A_971 : vector<16xf32>
      %swap3A_973 = arith.index_cast %add3A_962 : i32 to index
      %swap3A_974 = tpu.vector_load %arg7[%swap3A_973] {strides = array<i32>} : memref<16384xf32, #tpu.memory_space<vmem>>, vector<16xf32>,
      %swap3A_975 = vector.shape_cast %swap3A_974 : vector<16xf32> to vector<16xf32>
      %swap3A_976 = vector.shape_cast %max3A_972 : vector<16xf32> to vector<16xf32>
      tpu.vector_store %arg7[%swap3A_973], %swap3A_976 {strides = array<i32>} : memref<16384xf32, #tpu.memory_space<vmem>>, vector<16xf32>,
      %mul3A_977 = arith.constant 128 : i32
      %mul3A_978 = arith.muli %squeeze3A_918, %mul3A_977 : i32
      %add3A_979 = arith.constant 48 : i32
      %add3A_980 = arith.addi %mul3A_978, %add3A_979 : i32
      %get3A_981 = arith.index_cast %add3A_980 : i32 to index
      %get3A_982 = tpu.vector_load %arg7[%get3A_981] {strides = array<i32>} : memref<16384xf32, #tpu.memory_space<vmem>>, vector<16xf32>,
      %get3A_983 = vector.shape_cast %get3A_982 : vector<16xf32> to vector<16xf32>
      %get3A_984 = arith.constant 0 : i32
      %get3A_985 = tpu.memref_slice %arg5[%add3A_922, %get3A_984] : memref<320x128xf32, #tpu.memory_space<vmem>> -> memref<1x128xf32, #tpu.memory_space<vmem>>
      %get3A_986 = tpu.memref_squeeze %get3A_985 : memref<1x128xf32, #tpu.memory_space<vmem>> -> memref<128xf32, #tpu.memory_space<vmem>>
      %get3A_987 = arith.constant 48 : index
      %get3A_988 = tpu.vector_load %get3A_986[%get3A_987] {strides = array<i32>} : memref<128xf32, #tpu.memory_space<vmem>>, vector<16xf32>,
      %get3A_989 = vector.shape_cast %get3A_988 : vector<16xf32> to vector<16xf32>
      %max3A_990 = arith.maximumf %get3A_983, %get3A_989 : vector<16xf32>
      %swap3A_991 = arith.index_cast %add3A_980 : i32 to index
      %swap3A_992 = tpu.vector_load %arg7[%swap3A_991] {strides = array<i32>} : memref<16384xf32, #tpu.memory_space<vmem>>, vector<16xf32>,
      %swap3A_993 = vector.shape_cast %swap3A_992 : vector<16xf32> to vector<16xf32>
      %swap3A_994 = vector.shape_cast %max3A_990 : vector<16xf32> to vector<16xf32>
      tpu.vector_store %arg7[%swap3A_991], %swap3A_994 {strides = array<i32>} : memref<16384xf32, #tpu.memory_space<vmem>>, vector<16xf32>,
      %mul3A_995 = arith.constant 128 : i32
      %mul3A_996 = arith.muli %squeeze3A_918, %mul3A_995 : i32
      %add3A_997 = arith.constant 64 : i32
      %add3A_998 = arith.addi %mul3A_996, %add3A_997 : i32
      %get3A_999 = arith.index_cast %add3A_998 : i32 to index
      %get3A_1000 = tpu.vector_load %arg7[%get3A_999] {strides = array<i32>} : memref<16384xf32, #tpu.memory_space<vmem>>, vector<16xf32>,
      %get3A_1001 = vector.shape_cast %get3A_1000 : vector<16xf32> to vector<16xf32>
      %get3A_1002 = arith.constant 0 : i32
      %get3A_1003 = tpu.memref_slice %arg5[%add3A_922, %get3A_1002] : memref<320x128xf32, #tpu.memory_space<vmem>> -> memref<1x128xf32, #tpu.memory_space<vmem>>
      %get3A_1004 = tpu.memref_squeeze %get3A_1003 : memref<1x128xf32, #tpu.memory_space<vmem>> -> memref<128xf32, #tpu.memory_space<vmem>>
      %get3A_1005 = arith.constant 64 : index
      %get3A_1006 = tpu.vector_load %get3A_1004[%get3A_1005] {strides = array<i32>} : memref<128xf32, #tpu.memory_space<vmem>>, vector<16xf32>,
      %get3A_1007 = vector.shape_cast %get3A_1006 : vector<16xf32> to vector<16xf32>
      %max3A_1008 = arith.maximumf %get3A_1001, %get3A_1007 : vector<16xf32>
      %swap3A_1009 = arith.index_cast %add3A_998 : i32 to index
      %swap3A_1010 = tpu.vector_load %arg7[%swap3A_1009] {strides = array<i32>} : memref<16384xf32, #tpu.memory_space<vmem>>, vector<16xf32>,
      %swap3A_1011 = vector.shape_cast %swap3A_1010 : vector<16xf32> to vector<16xf32>
      %swap3A_1012 = vector.shape_cast %max3A_1008 : vector<16xf32> to vector<16xf32>
      tpu.vector_store %arg7[%swap3A_1009], %swap3A_1012 {strides = array<i32>} : memref<16384xf32, #tpu.memory_space<vmem>>, vector<16xf32>,
      %mul3A_1013 = arith.constant 128 : i32
      %mul3A_1014 = arith.muli %squeeze3A_918, %mul3A_1013 : i32
      %add3A_1015 = arith.constant 80 : i32
      %add3A_1016 = arith.addi %mul3A_1014, %add3A_1015 : i32
      %get3A_1017 = arith.index_cast %add3A_1016 : i32 to index
      %get3A_1018 = tpu.vector_load %arg7[%get3A_1017] {strides = array<i32>} : memref<16384xf32, #tpu.memory_space<vmem>>, vector<16xf32>,
      %get3A_1019 = vector.shape_cast %get3A_1018 : vector<16xf32> to vector<16xf32>
      %get3A_1020 = arith.constant 0 : i32
      %get3A_1021 = tpu.memref_slice %arg5[%add3A_922, %get3A_1020] : memref<320x128xf32, #tpu.memory_space<vmem>> -> memref<1x128xf32, #tpu.memory_space<vmem>>
      %get3A_1022 = tpu.memref_squeeze %get3A_1021 : memref<1x128xf32, #tpu.memory_space<vmem>> -> memref<128xf32, #tpu.memory_space<vmem>>
      %get3A_1023 = arith.constant 80 : index
      %get3A_1024 = tpu.vector_load %get3A_1022[%get3A_1023] {strides = array<i32>} : memref<128xf32, #tpu.memory_space<vmem>>, vector<16xf32>,
      %get3A_1025 = vector.shape_cast %get3A_1024 : vector<16xf32> to vector<16xf32>
      %max3A_1026 = arith.maximumf %get3A_1019, %get3A_1025 : vector<16xf32>
      %swap3A_1027 = arith.index_cast %add3A_1016 : i32 to index
      %swap3A_1028 = tpu.vector_load %arg7[%swap3A_1027] {strides = array<i32>} : memref<16384xf32, #tpu.memory_space<vmem>>, vector<16xf32>,
      %swap3A_1029 = vector.shape_cast %swap3A_1028 : vector<16xf32> to vector<16xf32>
      %swap3A_1030 = vector.shape_cast %max3A_1026 : vector<16xf32> to vector<16xf32>
      tpu.vector_store %arg7[%swap3A_1027], %swap3A_1030 {strides = array<i32>} : memref<16384xf32, #tpu.memory_space<vmem>>, vector<16xf32>,
      %mul3A_1031 = arith.constant 128 : i32
      %mul3A_1032 = arith.muli %squeeze3A_918, %mul3A_1031 : i32
      %add3A_1033 = arith.constant 96 : i32
      %add3A_1034 = arith.addi %mul3A_1032, %add3A_1033 : i32
      %get3A_1035 = arith.index_cast %add3A_1034 : i32 to index
      %get3A_1036 = tpu.vector_load %arg7[%get3A_1035] {strides = array<i32>} : memref<16384xf32, #tpu.memory_space<vmem>>, vector<16xf32>,
      %get3A_1037 = vector.shape_cast %get3A_1036 : vector<16xf32> to vector<16xf32>
      %get3A_1038 = arith.constant 0 : i32
      %get3A_1039 = tpu.memref_slice %arg5[%add3A_922, %get3A_1038] : memref<320x128xf32, #tpu.memory_space<vmem>> -> memref<1x128xf32, #tpu.memory_space<vmem>>
      %get3A_1040 = tpu.memref_squeeze %get3A_1039 : memref<1x128xf32, #tpu.memory_space<vmem>> -> memref<128xf32, #tpu.memory_space<vmem>>
      %get3A_1041 = arith.constant 96 : index
      %get3A_1042 = tpu.vector_load %get3A_1040[%get3A_1041] {strides = array<i32>} : memref<128xf32, #tpu.memory_space<vmem>>, vector<16xf32>,
      %get3A_1043 = vector.shape_cast %get3A_1042 : vector<16xf32> to vector<16xf32>
      %max3A_1044 = arith.maximumf %get3A_1037, %get3A_1043 : vector<16xf32>
      %swap3A_1045 = arith.index_cast %add3A_1034 : i32 to index
      %swap3A_1046 = tpu.vector_load %arg7[%swap3A_1045] {strides = array<i32>} : memref<16384xf32, #tpu.memory_space<vmem>>, vector<16xf32>,
      %swap3A_1047 = vector.shape_cast %swap3A_1046 : vector<16xf32> to vector<16xf32>
      %swap3A_1048 = vector.shape_cast %max3A_1044 : vector<16xf32> to vector<16xf32>
      tpu.vector_store %arg7[%swap3A_1045], %swap3A_1048 {strides = array<i32>} : memref<16384xf32, #tpu.memory_space<vmem>>, vector<16xf32>,
      %mul3A_1049 = arith.constant 128 : i32
      %mul3A_1050 = arith.muli %squeeze3A_918, %mul3A_1049 : i32
      %add3A_1051 = arith.constant 112 : i32
      %add3A_1052 = arith.addi %mul3A_1050, %add3A_1051 : i32
      %get3A_1053 = arith.index_cast %add3A_1052 : i32 to index
      %get3A_1054 = tpu.vector_load %arg7[%get3A_1053] {strides = array<i32>} : memref<16384xf32, #tpu.memory_space<vmem>>, vector<16xf32>,
      %get3A_1055 = vector.shape_cast %get3A_1054 : vector<16xf32> to vector<16xf32>
      %get3A_1056 = arith.constant 0 : i32
      %get3A_1057 = tpu.memref_slice %arg5[%add3A_922, %get3A_1056] : memref<320x128xf32, #tpu.memory_space<vmem>> -> memref<1x128xf32, #tpu.memory_space<vmem>>
      %get3A_1058 = tpu.memref_squeeze %get3A_1057 : memref<1x128xf32, #tpu.memory_space<vmem>> -> memref<128xf32, #tpu.memory_space<vmem>>
      %get3A_1059 = arith.constant 112 : index
      %get3A_1060 = tpu.vector_load %get3A_1058[%get3A_1059] {strides = array<i32>} : memref<128xf32, #tpu.memory_space<vmem>>, vector<16xf32>,
      %get3A_1061 = vector.shape_cast %get3A_1060 : vector<16xf32> to vector<16xf32>
      %max3A_1062 = arith.maximumf %get3A_1055, %get3A_1061 : vector<16xf32>
      %swap3A_1063 = arith.index_cast %add3A_1052 : i32 to index
      %swap3A_1064 = tpu.vector_load %arg7[%swap3A_1063] {strides = array<i32>} : memref<16384xf32, #tpu.memory_space<vmem>>, vector<16xf32>,
      %swap3A_1065 = vector.shape_cast %swap3A_1064 : vector<16xf32> to vector<16xf32>
      %swap3A_1066 = vector.shape_cast %max3A_1062 : vector<16xf32> to vector<16xf32>
      tpu.vector_store %arg7[%swap3A_1063], %swap3A_1066 {strides = array<i32>} : memref<16384xf32, #tpu.memory_space<vmem>>, vector<16xf32>,
      %slice3A_1067 = vector.extract_strided_slice %get3A_20 {offsets = [7], sizes = [1], strides = [1]} : vector<16xi32> to vector<1xi32>
      %squeeze3A_1068 = vector.extract %slice3A_1067[0] : i32 from vector<1xi32>
      %mul3A_1069 = arith.constant 16 : i32
      %mul3A_1070 = arith.muli %scan3A_16, %mul3A_1069 : i32
      %add3A_1071 = arith.constant 7 : i32
      %add3A_1072 = arith.addi %mul3A_1070, %add3A_1071 : i32
      %mul3A_1073 = arith.constant 128 : i32
      %mul3A_1074 = arith.muli %squeeze3A_1068, %mul3A_1073 : i32
      %add3A_1075 = arith.constant 0 : i32
      %add3A_1076 = arith.addi %mul3A_1074, %add3A_1075 : i32
      %get3A_1077 = arith.index_cast %add3A_1076 : i32 to index
      %get3A_1078 = tpu.vector_load %arg7[%get3A_1077] {strides = array<i32>} : memref<16384xf32, #tpu.memory_space<vmem>>, vector<16xf32>,
      %get3A_1079 = vector.shape_cast %get3A_1078 : vector<16xf32> to vector<16xf32>
      %get3A_1080 = arith.constant 0 : i32
      %get3A_1081 = tpu.memref_slice %arg5[%add3A_1072, %get3A_1080] : memref<320x128xf32, #tpu.memory_space<vmem>> -> memref<1x128xf32, #tpu.memory_space<vmem>>
      %get3A_1082 = tpu.memref_squeeze %get3A_1081 : memref<1x128xf32, #tpu.memory_space<vmem>> -> memref<128xf32, #tpu.memory_space<vmem>>
      %get3A_1083 = arith.constant 0 : index
      %get3A_1084 = tpu.vector_load %get3A_1082[%get3A_1083] {strides = array<i32>} : memref<128xf32, #tpu.memory_space<vmem>>, vector<16xf32>,
      %get3A_1085 = vector.shape_cast %get3A_1084 : vector<16xf32> to vector<16xf32>
      %max3A_1086 = arith.maximumf %get3A_1079, %get3A_1085 : vector<16xf32>
      %swap3A_1087 = arith.index_cast %add3A_1076 : i32 to index
      %swap3A_1088 = tpu.vector_load %arg7[%swap3A_1087] {strides = array<i32>} : memref<16384xf32, #tpu.memory_space<vmem>>, vector<16xf32>,
      %swap3A_1089 = vector.shape_cast %swap3A_1088 : vector<16xf32> to vector<16xf32>
      %swap3A_1090 = vector.shape_cast %max3A_1086 : vector<16xf32> to vector<16xf32>
      tpu.vector_store %arg7[%swap3A_1087], %swap3A_1090 {strides = array<i32>} : memref<16384xf32, #tpu.memory_space<vmem>>, vector<16xf32>,
      %mul3A_1091 = arith.constant 128 : i32
      %mul3A_1092 = arith.muli %squeeze3A_1068, %mul3A_1091 : i32
      %add3A_1093 = arith.constant 16 : i32
      %add3A_1094 = arith.addi %mul3A_1092, %add3A_1093 : i32
      %get3A_1095 = arith.index_cast %add3A_1094 : i32 to index
      %get3A_1096 = tpu.vector_load %arg7[%get3A_1095] {strides = array<i32>} : memref<16384xf32, #tpu.memory_space<vmem>>, vector<16xf32>,
      %get3A_1097 = vector.shape_cast %get3A_1096 : vector<16xf32> to vector<16xf32>
      %get3A_1098 = arith.constant 0 : i32
      %get3A_1099 = tpu.memref_slice %arg5[%add3A_1072, %get3A_1098] : memref<320x128xf32, #tpu.memory_space<vmem>> -> memref<1x128xf32, #tpu.memory_space<vmem>>
      %get3A_1100 = tpu.memref_squeeze %get3A_1099 : memref<1x128xf32, #tpu.memory_space<vmem>> -> memref<128xf32, #tpu.memory_space<vmem>>
      %get3A_1101 = arith.constant 16 : index
      %get3A_1102 = tpu.vector_load %get3A_1100[%get3A_1101] {strides = array<i32>} : memref<128xf32, #tpu.memory_space<vmem>>, vector<16xf32>,
      %get3A_1103 = vector.shape_cast %get3A_1102 : vector<16xf32> to vector<16xf32>
      %max3A_1104 = arith.maximumf %get3A_1097, %get3A_1103 : vector<16xf32>
      %swap3A_1105 = arith.index_cast %add3A_1094 : i32 to index
      %swap3A_1106 = tpu.vector_load %arg7[%swap3A_1105] {strides = array<i32>} : memref<16384xf32, #tpu.memory_space<vmem>>, vector<16xf32>,
      %swap3A_1107 = vector.shape_cast %swap3A_1106 : vector<16xf32> to vector<16xf32>
      %swap3A_1108 = vector.shape_cast %max3A_1104 : vector<16xf32> to vector<16xf32>
      tpu.vector_store %arg7[%swap3A_1105], %swap3A_1108 {strides = array<i32>} : memref<16384xf32, #tpu.memory_space<vmem>>, vector<16xf32>,
      %mul3A_1109 = arith.constant 128 : i32
      %mul3A_1110 = arith.muli %squeeze3A_1068, %mul3A_1109 : i32
      %add3A_1111 = arith.constant 32 : i32
      %add3A_1112 = arith.addi %mul3A_1110, %add3A_1111 : i32
      %get3A_1113 = arith.index_cast %add3A_1112 : i32 to index
      %get3A_1114 = tpu.vector_load %arg7[%get3A_1113] {strides = array<i32>} : memref<16384xf32, #tpu.memory_space<vmem>>, vector<16xf32>,
      %get3A_1115 = vector.shape_cast %get3A_1114 : vector<16xf32> to vector<16xf32>
      %get3A_1116 = arith.constant 0 : i32
      %get3A_1117 = tpu.memref_slice %arg5[%add3A_1072, %get3A_1116] : memref<320x128xf32, #tpu.memory_space<vmem>> -> memref<1x128xf32, #tpu.memory_space<vmem>>
      %get3A_1118 = tpu.memref_squeeze %get3A_1117 : memref<1x128xf32, #tpu.memory_space<vmem>> -> memref<128xf32, #tpu.memory_space<vmem>>
      %get3A_1119 = arith.constant 32 : index
      %get3A_1120 = tpu.vector_load %get3A_1118[%get3A_1119] {strides = array<i32>} : memref<128xf32, #tpu.memory_space<vmem>>, vector<16xf32>,
      %get3A_1121 = vector.shape_cast %get3A_1120 : vector<16xf32> to vector<16xf32>
      %max3A_1122 = arith.maximumf %get3A_1115, %get3A_1121 : vector<16xf32>
      %swap3A_1123 = arith.index_cast %add3A_1112 : i32 to index
      %swap3A_1124 = tpu.vector_load %arg7[%swap3A_1123] {strides = array<i32>} : memref<16384xf32, #tpu.memory_space<vmem>>, vector<16xf32>,
      %swap3A_1125 = vector.shape_cast %swap3A_1124 : vector<16xf32> to vector<16xf32>
      %swap3A_1126 = vector.shape_cast %max3A_1122 : vector<16xf32> to vector<16xf32>
      tpu.vector_store %arg7[%swap3A_1123], %swap3A_1126 {strides = array<i32>} : memref<16384xf32, #tpu.memory_space<vmem>>, vector<16xf32>,
      %mul3A_1127 = arith.constant 128 : i32
      %mul3A_1128 = arith.muli %squeeze3A_1068, %mul3A_1127 : i32
      %add3A_1129 = arith.constant 48 : i32
      %add3A_1130 = arith.addi %mul3A_1128, %add3A_1129 : i32
      %get3A_1131 = arith.index_cast %add3A_1130 : i32 to index
      %get3A_1132 = tpu.vector_load %arg7[%get3A_1131] {strides = array<i32>} : memref<16384xf32, #tpu.memory_space<vmem>>, vector<16xf32>,
      %get3A_1133 = vector.shape_cast %get3A_1132 : vector<16xf32> to vector<16xf32>
      %get3A_1134 = arith.constant 0 : i32
      %get3A_1135 = tpu.memref_slice %arg5[%add3A_1072, %get3A_1134] : memref<320x128xf32, #tpu.memory_space<vmem>> -> memref<1x128xf32, #tpu.memory_space<vmem>>
      %get3A_1136 = tpu.memref_squeeze %get3A_1135 : memref<1x128xf32, #tpu.memory_space<vmem>> -> memref<128xf32, #tpu.memory_space<vmem>>
      %get3A_1137 = arith.constant 48 : index
      %get3A_1138 = tpu.vector_load %get3A_1136[%get3A_1137] {strides = array<i32>} : memref<128xf32, #tpu.memory_space<vmem>>, vector<16xf32>,
      %get3A_1139 = vector.shape_cast %get3A_1138 : vector<16xf32> to vector<16xf32>
      %max3A_1140 = arith.maximumf %get3A_1133, %get3A_1139 : vector<16xf32>
      %swap3A_1141 = arith.index_cast %add3A_1130 : i32 to index
      %swap3A_1142 = tpu.vector_load %arg7[%swap3A_1141] {strides = array<i32>} : memref<16384xf32, #tpu.memory_space<vmem>>, vector<16xf32>,
      %swap3A_1143 = vector.shape_cast %swap3A_1142 : vector<16xf32> to vector<16xf32>
      %swap3A_1144 = vector.shape_cast %max3A_1140 : vector<16xf32> to vector<16xf32>
      tpu.vector_store %arg7[%swap3A_1141], %swap3A_1144 {strides = array<i32>} : memref<16384xf32, #tpu.memory_space<vmem>>, vector<16xf32>,
      %mul3A_1145 = arith.constant 128 : i32
      %mul3A_1146 = arith.muli %squeeze3A_1068, %mul3A_1145 : i32
      %add3A_1147 = arith.constant 64 : i32
      %add3A_1148 = arith.addi %mul3A_1146, %add3A_1147 : i32
      %get3A_1149 = arith.index_cast %add3A_1148 : i32 to index
      %get3A_1150 = tpu.vector_load %arg7[%get3A_1149] {strides = array<i32>} : memref<16384xf32, #tpu.memory_space<vmem>>, vector<16xf32>,
      %get3A_1151 = vector.shape_cast %get3A_1150 : vector<16xf32> to vector<16xf32>
      %get3A_1152 = arith.constant 0 : i32
      %get3A_1153 = tpu.memref_slice %arg5[%add3A_1072, %get3A_1152] : memref<320x128xf32, #tpu.memory_space<vmem>> -> memref<1x128xf32, #tpu.memory_space<vmem>>
      %get3A_1154 = tpu.memref_squeeze %get3A_1153 : memref<1x128xf32, #tpu.memory_space<vmem>> -> memref<128xf32, #tpu.memory_space<vmem>>
      %get3A_1155 = arith.constant 64 : index
      %get3A_1156 = tpu.vector_load %get3A_1154[%get3A_1155] {strides = array<i32>} : memref<128xf32, #tpu.memory_space<vmem>>, vector<16xf32>,
      %get3A_1157 = vector.shape_cast %get3A_1156 : vector<16xf32> to vector<16xf32>
      %max3A_1158 = arith.maximumf %get3A_1151, %get3A_1157 : vector<16xf32>
      %swap3A_1159 = arith.index_cast %add3A_1148 : i32 to index
      %swap3A_1160 = tpu.vector_load %arg7[%swap3A_1159] {strides = array<i32>} : memref<16384xf32, #tpu.memory_space<vmem>>, vector<16xf32>,
      %swap3A_1161 = vector.shape_cast %swap3A_1160 : vector<16xf32> to vector<16xf32>
      %swap3A_1162 = vector.shape_cast %max3A_1158 : vector<16xf32> to vector<16xf32>
      tpu.vector_store %arg7[%swap3A_1159], %swap3A_1162 {strides = array<i32>} : memref<16384xf32, #tpu.memory_space<vmem>>, vector<16xf32>,
      %mul3A_1163 = arith.constant 128 : i32
      %mul3A_1164 = arith.muli %squeeze3A_1068, %mul3A_1163 : i32
      %add3A_1165 = arith.constant 80 : i32
      %add3A_1166 = arith.addi %mul3A_1164, %add3A_1165 : i32
      %get3A_1167 = arith.index_cast %add3A_1166 : i32 to index
      %get3A_1168 = tpu.vector_load %arg7[%get3A_1167] {strides = array<i32>} : memref<16384xf32, #tpu.memory_space<vmem>>, vector<16xf32>,
      %get3A_1169 = vector.shape_cast %get3A_1168 : vector<16xf32> to vector<16xf32>
      %get3A_1170 = arith.constant 0 : i32
      %get3A_1171 = tpu.memref_slice %arg5[%add3A_1072, %get3A_1170] : memref<320x128xf32, #tpu.memory_space<vmem>> -> memref<1x128xf32, #tpu.memory_space<vmem>>
      %get3A_1172 = tpu.memref_squeeze %get3A_1171 : memref<1x128xf32, #tpu.memory_space<vmem>> -> memref<128xf32, #tpu.memory_space<vmem>>
      %get3A_1173 = arith.constant 80 : index
      %get3A_1174 = tpu.vector_load %get3A_1172[%get3A_1173] {strides = array<i32>} : memref<128xf32, #tpu.memory_space<vmem>>, vector<16xf32>,
      %get3A_1175 = vector.shape_cast %get3A_1174 : vector<16xf32> to vector<16xf32>
      %max3A_1176 = arith.maximumf %get3A_1169, %get3A_1175 : vector<16xf32>
      %swap3A_1177 = arith.index_cast %add3A_1166 : i32 to index
      %swap3A_1178 = tpu.vector_load %arg7[%swap3A_1177] {strides = array<i32>} : memref<16384xf32, #tpu.memory_space<vmem>>, vector<16xf32>,
      %swap3A_1179 = vector.shape_cast %swap3A_1178 : vector<16xf32> to vector<16xf32>
      %swap3A_1180 = vector.shape_cast %max3A_1176 : vector<16xf32> to vector<16xf32>
      tpu.vector_store %arg7[%swap3A_1177], %swap3A_1180 {strides = array<i32>} : memref<16384xf32, #tpu.memory_space<vmem>>, vector<16xf32>,
      %mul3A_1181 = arith.constant 128 : i32
      %mul3A_1182 = arith.muli %squeeze3A_1068, %mul3A_1181 : i32
      %add3A_1183 = arith.constant 96 : i32
      %add3A_1184 = arith.addi %mul3A_1182, %add3A_1183 : i32
      %get3A_1185 = arith.index_cast %add3A_1184 : i32 to index
      %get3A_1186 = tpu.vector_load %arg7[%get3A_1185] {strides = array<i32>} : memref<16384xf32, #tpu.memory_space<vmem>>, vector<16xf32>,
      %get3A_1187 = vector.shape_cast %get3A_1186 : vector<16xf32> to vector<16xf32>
      %get3A_1188 = arith.constant 0 : i32
      %get3A_1189 = tpu.memref_slice %arg5[%add3A_1072, %get3A_1188] : memref<320x128xf32, #tpu.memory_space<vmem>> -> memref<1x128xf32, #tpu.memory_space<vmem>>
      %get3A_1190 = tpu.memref_squeeze %get3A_1189 : memref<1x128xf32, #tpu.memory_space<vmem>> -> memref<128xf32, #tpu.memory_space<vmem>>
      %get3A_1191 = arith.constant 96 : index
      %get3A_1192 = tpu.vector_load %get3A_1190[%get3A_1191] {strides = array<i32>} : memref<128xf32, #tpu.memory_space<vmem>>, vector<16xf32>,
      %get3A_1193 = vector.shape_cast %get3A_1192 : vector<16xf32> to vector<16xf32>
      %max3A_1194 = arith.maximumf %get3A_1187, %get3A_1193 : vector<16xf32>
      %swap3A_1195 = arith.index_cast %add3A_1184 : i32 to index
      %swap3A_1196 = tpu.vector_load %arg7[%swap3A_1195] {strides = array<i32>} : memref<16384xf32, #tpu.memory_space<vmem>>, vector<16xf32>,
      %swap3A_1197 = vector.shape_cast %swap3A_1196 : vector<16xf32> to vector<16xf32>
      %swap3A_1198 = vector.shape_cast %max3A_1194 : vector<16xf32> to vector<16xf32>
      tpu.vector_store %arg7[%swap3A_1195], %swap3A_1198 {strides = array<i32>} : memref<16384xf32, #tpu.memory_space<vmem>>, vector<16xf32>,
      %mul3A_1199 = arith.constant 128 : i32
      %mul3A_1200 = arith.muli %squeeze3A_1068, %mul3A_1199 : i32
      %add3A_1201 = arith.constant 112 : i32
      %add3A_1202 = arith.addi %mul3A_1200, %add3A_1201 : i32
      %get3A_1203 = arith.index_cast %add3A_1202 : i32 to index
      %get3A_1204 = tpu.vector_load %arg7[%get3A_1203] {strides = array<i32>} : memref<16384xf32, #tpu.memory_space<vmem>>, vector<16xf32>,
      %get3A_1205 = vector.shape_cast %get3A_1204 : vector<16xf32> to vector<16xf32>
      %get3A_1206 = arith.constant 0 : i32
      %get3A_1207 = tpu.memref_slice %arg5[%add3A_1072, %get3A_1206] : memref<320x128xf32, #tpu.memory_space<vmem>> -> memref<1x128xf32, #tpu.memory_space<vmem>>
      %get3A_1208 = tpu.memref_squeeze %get3A_1207 : memref<1x128xf32, #tpu.memory_space<vmem>> -> memref<128xf32, #tpu.memory_space<vmem>>
      %get3A_1209 = arith.constant 112 : index
      %get3A_1210 = tpu.vector_load %get3A_1208[%get3A_1209] {strides = array<i32>} : memref<128xf32, #tpu.memory_space<vmem>>, vector<16xf32>,
      %get3A_1211 = vector.shape_cast %get3A_1210 : vector<16xf32> to vector<16xf32>
      %max3A_1212 = arith.maximumf %get3A_1205, %get3A_1211 : vector<16xf32>
      %swap3A_1213 = arith.index_cast %add3A_1202 : i32 to index
      %swap3A_1214 = tpu.vector_load %arg7[%swap3A_1213] {strides = array<i32>} : memref<16384xf32, #tpu.memory_space<vmem>>, vector<16xf32>,
      %swap3A_1215 = vector.shape_cast %swap3A_1214 : vector<16xf32> to vector<16xf32>
      %swap3A_1216 = vector.shape_cast %max3A_1212 : vector<16xf32> to vector<16xf32>
      tpu.vector_store %arg7[%swap3A_1213], %swap3A_1216 {strides = array<i32>} : memref<16384xf32, #tpu.memory_space<vmem>>, vector<16xf32>,
      %slice3A_1217 = vector.extract_strided_slice %get3A_20 {offsets = [8], sizes = [1], strides = [1]} : vector<16xi32> to vector<1xi32>
      %squeeze3A_1218 = vector.extract %slice3A_1217[0] : i32 from vector<1xi32>
      %mul3A_1219 = arith.constant 16 : i32
      %mul3A_1220 = arith.muli %scan3A_16, %mul3A_1219 : i32
      %add3A_1221 = arith.constant 8 : i32
      %add3A_1222 = arith.addi %mul3A_1220, %add3A_1221 : i32
      %mul3A_1223 = arith.constant 128 : i32
      %mul3A_1224 = arith.muli %squeeze3A_1218, %mul3A_1223 : i32
      %add3A_1225 = arith.constant 0 : i32
      %add3A_1226 = arith.addi %mul3A_1224, %add3A_1225 : i32
      %get3A_1227 = arith.index_cast %add3A_1226 : i32 to index
      %get3A_1228 = tpu.vector_load %arg7[%get3A_1227] {strides = array<i32>} : memref<16384xf32, #tpu.memory_space<vmem>>, vector<16xf32>,
      %get3A_1229 = vector.shape_cast %get3A_1228 : vector<16xf32> to vector<16xf32>
      %get3A_1230 = arith.constant 0 : i32
      %get3A_1231 = tpu.memref_slice %arg5[%add3A_1222, %get3A_1230] : memref<320x128xf32, #tpu.memory_space<vmem>> -> memref<1x128xf32, #tpu.memory_space<vmem>>
      %get3A_1232 = tpu.memref_squeeze %get3A_1231 : memref<1x128xf32, #tpu.memory_space<vmem>> -> memref<128xf32, #tpu.memory_space<vmem>>
      %get3A_1233 = arith.constant 0 : index
      %get3A_1234 = tpu.vector_load %get3A_1232[%get3A_1233] {strides = array<i32>} : memref<128xf32, #tpu.memory_space<vmem>>, vector<16xf32>,
      %get3A_1235 = vector.shape_cast %get3A_1234 : vector<16xf32> to vector<16xf32>
      %max3A_1236 = arith.maximumf %get3A_1229, %get3A_1235 : vector<16xf32>
      %swap3A_1237 = arith.index_cast %add3A_1226 : i32 to index
      %swap3A_1238 = tpu.vector_load %arg7[%swap3A_1237] {strides = array<i32>} : memref<16384xf32, #tpu.memory_space<vmem>>, vector<16xf32>,
      %swap3A_1239 = vector.shape_cast %swap3A_1238 : vector<16xf32> to vector<16xf32>
      %swap3A_1240 = vector.shape_cast %max3A_1236 : vector<16xf32> to vector<16xf32>
      tpu.vector_store %arg7[%swap3A_1237], %swap3A_1240 {strides = array<i32>} : memref<16384xf32, #tpu.memory_space<vmem>>, vector<16xf32>,
      %mul3A_1241 = arith.constant 128 : i32
      %mul3A_1242 = arith.muli %squeeze3A_1218, %mul3A_1241 : i32
      %add3A_1243 = arith.constant 16 : i32
      %add3A_1244 = arith.addi %mul3A_1242, %add3A_1243 : i32
      %get3A_1245 = arith.index_cast %add3A_1244 : i32 to index
      %get3A_1246 = tpu.vector_load %arg7[%get3A_1245] {strides = array<i32>} : memref<16384xf32, #tpu.memory_space<vmem>>, vector<16xf32>,
      %get3A_1247 = vector.shape_cast %get3A_1246 : vector<16xf32> to vector<16xf32>
      %get3A_1248 = arith.constant 0 : i32
      %get3A_1249 = tpu.memref_slice %arg5[%add3A_1222, %get3A_1248] : memref<320x128xf32, #tpu.memory_space<vmem>> -> memref<1x128xf32, #tpu.memory_space<vmem>>
      %get3A_1250 = tpu.memref_squeeze %get3A_1249 : memref<1x128xf32, #tpu.memory_space<vmem>> -> memref<128xf32, #tpu.memory_space<vmem>>
      %get3A_1251 = arith.constant 16 : index
      %get3A_1252 = tpu.vector_load %get3A_1250[%get3A_1251] {strides = array<i32>} : memref<128xf32, #tpu.memory_space<vmem>>, vector<16xf32>,
      %get3A_1253 = vector.shape_cast %get3A_1252 : vector<16xf32> to vector<16xf32>
      %max3A_1254 = arith.maximumf %get3A_1247, %get3A_1253 : vector<16xf32>
      %swap3A_1255 = arith.index_cast %add3A_1244 : i32 to index
      %swap3A_1256 = tpu.vector_load %arg7[%swap3A_1255] {strides = array<i32>} : memref<16384xf32, #tpu.memory_space<vmem>>, vector<16xf32>,
      %swap3A_1257 = vector.shape_cast %swap3A_1256 : vector<16xf32> to vector<16xf32>
      %swap3A_1258 = vector.shape_cast %max3A_1254 : vector<16xf32> to vector<16xf32>
      tpu.vector_store %arg7[%swap3A_1255], %swap3A_1258 {strides = array<i32>} : memref<16384xf32, #tpu.memory_space<vmem>>, vector<16xf32>,
      %mul3A_1259 = arith.constant 128 : i32
      %mul3A_1260 = arith.muli %squeeze3A_1218, %mul3A_1259 : i32
      %add3A_1261 = arith.constant 32 : i32
      %add3A_1262 = arith.addi %mul3A_1260, %add3A_1261 : i32
      %get3A_1263 = arith.index_cast %add3A_1262 : i32 to index
      %get3A_1264 = tpu.vector_load %arg7[%get3A_1263] {strides = array<i32>} : memref<16384xf32, #tpu.memory_space<vmem>>, vector<16xf32>,
      %get3A_1265 = vector.shape_cast %get3A_1264 : vector<16xf32> to vector<16xf32>
      %get3A_1266 = arith.constant 0 : i32
      %get3A_1267 = tpu.memref_slice %arg5[%add3A_1222, %get3A_1266] : memref<320x128xf32, #tpu.memory_space<vmem>> -> memref<1x128xf32, #tpu.memory_space<vmem>>
      %get3A_1268 = tpu.memref_squeeze %get3A_1267 : memref<1x128xf32, #tpu.memory_space<vmem>> -> memref<128xf32, #tpu.memory_space<vmem>>
      %get3A_1269 = arith.constant 32 : index
      %get3A_1270 = tpu.vector_load %get3A_1268[%get3A_1269] {strides = array<i32>} : memref<128xf32, #tpu.memory_space<vmem>>, vector<16xf32>,
      %get3A_1271 = vector.shape_cast %get3A_1270 : vector<16xf32> to vector<16xf32>
      %max3A_1272 = arith.maximumf %get3A_1265, %get3A_1271 : vector<16xf32>
      %swap3A_1273 = arith.index_cast %add3A_1262 : i32 to index
      %swap3A_1274 = tpu.vector_load %arg7[%swap3A_1273] {strides = array<i32>} : memref<16384xf32, #tpu.memory_space<vmem>>, vector<16xf32>,
      %swap3A_1275 = vector.shape_cast %swap3A_1274 : vector<16xf32> to vector<16xf32>
      %swap3A_1276 = vector.shape_cast %max3A_1272 : vector<16xf32> to vector<16xf32>
      tpu.vector_store %arg7[%swap3A_1273], %swap3A_1276 {strides = array<i32>} : memref<16384xf32, #tpu.memory_space<vmem>>, vector<16xf32>,
      %mul3A_1277 = arith.constant 128 : i32
      %mul3A_1278 = arith.muli %squeeze3A_1218, %mul3A_1277 : i32
      %add3A_1279 = arith.constant 48 : i32
      %add3A_1280 = arith.addi %mul3A_1278, %add3A_1279 : i32
      %get3A_1281 = arith.index_cast %add3A_1280 : i32 to index
      %get3A_1282 = tpu.vector_load %arg7[%get3A_1281] {strides = array<i32>} : memref<16384xf32, #tpu.memory_space<vmem>>, vector<16xf32>,
      %get3A_1283 = vector.shape_cast %get3A_1282 : vector<16xf32> to vector<16xf32>
      %get3A_1284 = arith.constant 0 : i32
      %get3A_1285 = tpu.memref_slice %arg5[%add3A_1222, %get3A_1284] : memref<320x128xf32, #tpu.memory_space<vmem>> -> memref<1x128xf32, #tpu.memory_space<vmem>>
      %get3A_1286 = tpu.memref_squeeze %get3A_1285 : memref<1x128xf32, #tpu.memory_space<vmem>> -> memref<128xf32, #tpu.memory_space<vmem>>
      %get3A_1287 = arith.constant 48 : index
      %get3A_1288 = tpu.vector_load %get3A_1286[%get3A_1287] {strides = array<i32>} : memref<128xf32, #tpu.memory_space<vmem>>, vector<16xf32>,
      %get3A_1289 = vector.shape_cast %get3A_1288 : vector<16xf32> to vector<16xf32>
      %max3A_1290 = arith.maximumf %get3A_1283, %get3A_1289 : vector<16xf32>
      %swap3A_1291 = arith.index_cast %add3A_1280 : i32 to index
      %swap3A_1292 = tpu.vector_load %arg7[%swap3A_1291] {strides = array<i32>} : memref<16384xf32, #tpu.memory_space<vmem>>, vector<16xf32>,
      %swap3A_1293 = vector.shape_cast %swap3A_1292 : vector<16xf32> to vector<16xf32>
      %swap3A_1294 = vector.shape_cast %max3A_1290 : vector<16xf32> to vector<16xf32>
      tpu.vector_store %arg7[%swap3A_1291], %swap3A_1294 {strides = array<i32>} : memref<16384xf32, #tpu.memory_space<vmem>>, vector<16xf32>,
      %mul3A_1295 = arith.constant 128 : i32
      %mul3A_1296 = arith.muli %squeeze3A_1218, %mul3A_1295 : i32
      %add3A_1297 = arith.constant 64 : i32
      %add3A_1298 = arith.addi %mul3A_1296, %add3A_1297 : i32
      %get3A_1299 = arith.index_cast %add3A_1298 : i32 to index
      %get3A_1300 = tpu.vector_load %arg7[%get3A_1299] {strides = array<i32>} : memref<16384xf32, #tpu.memory_space<vmem>>, vector<16xf32>,
      %get3A_1301 = vector.shape_cast %get3A_1300 : vector<16xf32> to vector<16xf32>
      %get3A_1302 = arith.constant 0 : i32
      %get3A_1303 = tpu.memref_slice %arg5[%add3A_1222, %get3A_1302] : memref<320x128xf32, #tpu.memory_space<vmem>> -> memref<1x128xf32, #tpu.memory_space<vmem>>
      %get3A_1304 = tpu.memref_squeeze %get3A_1303 : memref<1x128xf32, #tpu.memory_space<vmem>> -> memref<128xf32, #tpu.memory_space<vmem>>
      %get3A_1305 = arith.constant 64 : index
      %get3A_1306 = tpu.vector_load %get3A_1304[%get3A_1305] {strides = array<i32>} : memref<128xf32, #tpu.memory_space<vmem>>, vector<16xf32>,
      %get3A_1307 = vector.shape_cast %get3A_1306 : vector<16xf32> to vector<16xf32>
      %max3A_1308 = arith.maximumf %get3A_1301, %get3A_1307 : vector<16xf32>
      %swap3A_1309 = arith.index_cast %add3A_1298 : i32 to index
      %swap3A_1310 = tpu.vector_load %arg7[%swap3A_1309] {strides = array<i32>} : memref<16384xf32, #tpu.memory_space<vmem>>, vector<16xf32>,
      %swap3A_1311 = vector.shape_cast %swap3A_1310 : vector<16xf32> to vector<16xf32>
      %swap3A_1312 = vector.shape_cast %max3A_1308 : vector<16xf32> to vector<16xf32>
      tpu.vector_store %arg7[%swap3A_1309], %swap3A_1312 {strides = array<i32>} : memref<16384xf32, #tpu.memory_space<vmem>>, vector<16xf32>,
      %mul3A_1313 = arith.constant 128 : i32
      %mul3A_1314 = arith.muli %squeeze3A_1218, %mul3A_1313 : i32
      %add3A_1315 = arith.constant 80 : i32
      %add3A_1316 = arith.addi %mul3A_1314, %add3A_1315 : i32
      %get3A_1317 = arith.index_cast %add3A_1316 : i32 to index
      %get3A_1318 = tpu.vector_load %arg7[%get3A_1317] {strides = array<i32>} : memref<16384xf32, #tpu.memory_space<vmem>>, vector<16xf32>,
      %get3A_1319 = vector.shape_cast %get3A_1318 : vector<16xf32> to vector<16xf32>
      %get3A_1320 = arith.constant 0 : i32
      %get3A_1321 = tpu.memref_slice %arg5[%add3A_1222, %get3A_1320] : memref<320x128xf32, #tpu.memory_space<vmem>> -> memref<1x128xf32, #tpu.memory_space<vmem>>
      %get3A_1322 = tpu.memref_squeeze %get3A_1321 : memref<1x128xf32, #tpu.memory_space<vmem>> -> memref<128xf32, #tpu.memory_space<vmem>>
      %get3A_1323 = arith.constant 80 : index
      %get3A_1324 = tpu.vector_load %get3A_1322[%get3A_1323] {strides = array<i32>} : memref<128xf32, #tpu.memory_space<vmem>>, vector<16xf32>,
      %get3A_1325 = vector.shape_cast %get3A_1324 : vector<16xf32> to vector<16xf32>
      %max3A_1326 = arith.maximumf %get3A_1319, %get3A_1325 : vector<16xf32>
      %swap3A_1327 = arith.index_cast %add3A_1316 : i32 to index
      %swap3A_1328 = tpu.vector_load %arg7[%swap3A_1327] {strides = array<i32>} : memref<16384xf32, #tpu.memory_space<vmem>>, vector<16xf32>,
      %swap3A_1329 = vector.shape_cast %swap3A_1328 : vector<16xf32> to vector<16xf32>
      %swap3A_1330 = vector.shape_cast %max3A_1326 : vector<16xf32> to vector<16xf32>
      tpu.vector_store %arg7[%swap3A_1327], %swap3A_1330 {strides = array<i32>} : memref<16384xf32, #tpu.memory_space<vmem>>, vector<16xf32>,
      %mul3A_1331 = arith.constant 128 : i32
      %mul3A_1332 = arith.muli %squeeze3A_1218, %mul3A_1331 : i32
      %add3A_1333 = arith.constant 96 : i32
      %add3A_1334 = arith.addi %mul3A_1332, %add3A_1333 : i32
      %get3A_1335 = arith.index_cast %add3A_1334 : i32 to index
      %get3A_1336 = tpu.vector_load %arg7[%get3A_1335] {strides = array<i32>} : memref<16384xf32, #tpu.memory_space<vmem>>, vector<16xf32>,
      %get3A_1337 = vector.shape_cast %get3A_1336 : vector<16xf32> to vector<16xf32>
      %get3A_1338 = arith.constant 0 : i32
      %get3A_1339 = tpu.memref_slice %arg5[%add3A_1222, %get3A_1338] : memref<320x128xf32, #tpu.memory_space<vmem>> -> memref<1x128xf32, #tpu.memory_space<vmem>>
      %get3A_1340 = tpu.memref_squeeze %get3A_1339 : memref<1x128xf32, #tpu.memory_space<vmem>> -> memref<128xf32, #tpu.memory_space<vmem>>
      %get3A_1341 = arith.constant 96 : index
      %get3A_1342 = tpu.vector_load %get3A_1340[%get3A_1341] {strides = array<i32>} : memref<128xf32, #tpu.memory_space<vmem>>, vector<16xf32>,
      %get3A_1343 = vector.shape_cast %get3A_1342 : vector<16xf32> to vector<16xf32>
      %max3A_1344 = arith.maximumf %get3A_1337, %get3A_1343 : vector<16xf32>
      %swap3A_1345 = arith.index_cast %add3A_1334 : i32 to index
      %swap3A_1346 = tpu.vector_load %arg7[%swap3A_1345] {strides = array<i32>} : memref<16384xf32, #tpu.memory_space<vmem>>, vector<16xf32>,
      %swap3A_1347 = vector.shape_cast %swap3A_1346 : vector<16xf32> to vector<16xf32>
      %swap3A_1348 = vector.shape_cast %max3A_1344 : vector<16xf32> to vector<16xf32>
      tpu.vector_store %arg7[%swap3A_1345], %swap3A_1348 {strides = array<i32>} : memref<16384xf32, #tpu.memory_space<vmem>>, vector<16xf32>,
      %mul3A_1349 = arith.constant 128 : i32
      %mul3A_1350 = arith.muli %squeeze3A_1218, %mul3A_1349 : i32
      %add3A_1351 = arith.constant 112 : i32
      %add3A_1352 = arith.addi %mul3A_1350, %add3A_1351 : i32
      %get3A_1353 = arith.index_cast %add3A_1352 : i32 to index
      %get3A_1354 = tpu.vector_load %arg7[%get3A_1353] {strides = array<i32>} : memref<16384xf32, #tpu.memory_space<vmem>>, vector<16xf32>,
      %get3A_1355 = vector.shape_cast %get3A_1354 : vector<16xf32> to vector<16xf32>
      %get3A_1356 = arith.constant 0 : i32
      %get3A_1357 = tpu.memref_slice %arg5[%add3A_1222, %get3A_1356] : memref<320x128xf32, #tpu.memory_space<vmem>> -> memref<1x128xf32, #tpu.memory_space<vmem>>
      %get3A_1358 = tpu.memref_squeeze %get3A_1357 : memref<1x128xf32, #tpu.memory_space<vmem>> -> memref<128xf32, #tpu.memory_space<vmem>>
      %get3A_1359 = arith.constant 112 : index
      %get3A_1360 = tpu.vector_load %get3A_1358[%get3A_1359] {strides = array<i32>} : memref<128xf32, #tpu.memory_space<vmem>>, vector<16xf32>,
      %get3A_1361 = vector.shape_cast %get3A_1360 : vector<16xf32> to vector<16xf32>
      %max3A_1362 = arith.maximumf %get3A_1355, %get3A_1361 : vector<16xf32>
      %swap3A_1363 = arith.index_cast %add3A_1352 : i32 to index
      %swap3A_1364 = tpu.vector_load %arg7[%swap3A_1363] {strides = array<i32>} : memref<16384xf32, #tpu.memory_space<vmem>>, vector<16xf32>,
      %swap3A_1365 = vector.shape_cast %swap3A_1364 : vector<16xf32> to vector<16xf32>
      %swap3A_1366 = vector.shape_cast %max3A_1362 : vector<16xf32> to vector<16xf32>
      tpu.vector_store %arg7[%swap3A_1363], %swap3A_1366 {strides = array<i32>} : memref<16384xf32, #tpu.memory_space<vmem>>, vector<16xf32>,
      %slice3A_1367 = vector.extract_strided_slice %get3A_20 {offsets = [9], sizes = [1], strides = [1]} : vector<16xi32> to vector<1xi32>
      %squeeze3A_1368 = vector.extract %slice3A_1367[0] : i32 from vector<1xi32>
      %mul3A_1369 = arith.constant 16 : i32
      %mul3A_1370 = arith.muli %scan3A_16, %mul3A_1369 : i32
      %add3A_1371 = arith.constant 9 : i32
      %add3A_1372 = arith.addi %mul3A_1370, %add3A_1371 : i32
      %mul3A_1373 = arith.constant 128 : i32
      %mul3A_1374 = arith.muli %squeeze3A_1368, %mul3A_1373 : i32
      %add3A_1375 = arith.constant 0 : i32
      %add3A_1376 = arith.addi %mul3A_1374, %add3A_1375 : i32
      %get3A_1377 = arith.index_cast %add3A_1376 : i32 to index
      %get3A_1378 = tpu.vector_load %arg7[%get3A_1377] {strides = array<i32>} : memref<16384xf32, #tpu.memory_space<vmem>>, vector<16xf32>,
      %get3A_1379 = vector.shape_cast %get3A_1378 : vector<16xf32> to vector<16xf32>
      %get3A_1380 = arith.constant 0 : i32
      %get3A_1381 = tpu.memref_slice %arg5[%add3A_1372, %get3A_1380] : memref<320x128xf32, #tpu.memory_space<vmem>> -> memref<1x128xf32, #tpu.memory_space<vmem>>
      %get3A_1382 = tpu.memref_squeeze %get3A_1381 : memref<1x128xf32, #tpu.memory_space<vmem>> -> memref<128xf32, #tpu.memory_space<vmem>>
      %get3A_1383 = arith.constant 0 : index
      %get3A_1384 = tpu.vector_load %get3A_1382[%get3A_1383] {strides = array<i32>} : memref<128xf32, #tpu.memory_space<vmem>>, vector<16xf32>,
      %get3A_1385 = vector.shape_cast %get3A_1384 : vector<16xf32> to vector<16xf32>
      %max3A_1386 = arith.maximumf %get3A_1379, %get3A_1385 : vector<16xf32>
      %swap3A_1387 = arith.index_cast %add3A_1376 : i32 to index
      %swap3A_1388 = tpu.vector_load %arg7[%swap3A_1387] {strides = array<i32>} : memref<16384xf32, #tpu.memory_space<vmem>>, vector<16xf32>,
      %swap3A_1389 = vector.shape_cast %swap3A_1388 : vector<16xf32> to vector<16xf32>
      %swap3A_1390 = vector.shape_cast %max3A_1386 : vector<16xf32> to vector<16xf32>
      tpu.vector_store %arg7[%swap3A_1387], %swap3A_1390 {strides = array<i32>} : memref<16384xf32, #tpu.memory_space<vmem>>, vector<16xf32>,
      %mul3A_1391 = arith.constant 128 : i32
      %mul3A_1392 = arith.muli %squeeze3A_1368, %mul3A_1391 : i32
      %add3A_1393 = arith.constant 16 : i32
      %add3A_1394 = arith.addi %mul3A_1392, %add3A_1393 : i32
      %get3A_1395 = arith.index_cast %add3A_1394 : i32 to index
      %get3A_1396 = tpu.vector_load %arg7[%get3A_1395] {strides = array<i32>} : memref<16384xf32, #tpu.memory_space<vmem>>, vector<16xf32>,
      %get3A_1397 = vector.shape_cast %get3A_1396 : vector<16xf32> to vector<16xf32>
      %get3A_1398 = arith.constant 0 : i32
      %get3A_1399 = tpu.memref_slice %arg5[%add3A_1372, %get3A_1398] : memref<320x128xf32, #tpu.memory_space<vmem>> -> memref<1x128xf32, #tpu.memory_space<vmem>>
      %get3A_1400 = tpu.memref_squeeze %get3A_1399 : memref<1x128xf32, #tpu.memory_space<vmem>> -> memref<128xf32, #tpu.memory_space<vmem>>
      %get3A_1401 = arith.constant 16 : index
      %get3A_1402 = tpu.vector_load %get3A_1400[%get3A_1401] {strides = array<i32>} : memref<128xf32, #tpu.memory_space<vmem>>, vector<16xf32>,
      %get3A_1403 = vector.shape_cast %get3A_1402 : vector<16xf32> to vector<16xf32>
      %max3A_1404 = arith.maximumf %get3A_1397, %get3A_1403 : vector<16xf32>
      %swap3A_1405 = arith.index_cast %add3A_1394 : i32 to index
      %swap3A_1406 = tpu.vector_load %arg7[%swap3A_1405] {strides = array<i32>} : memref<16384xf32, #tpu.memory_space<vmem>>, vector<16xf32>,
      %swap3A_1407 = vector.shape_cast %swap3A_1406 : vector<16xf32> to vector<16xf32>
      %swap3A_1408 = vector.shape_cast %max3A_1404 : vector<16xf32> to vector<16xf32>
      tpu.vector_store %arg7[%swap3A_1405], %swap3A_1408 {strides = array<i32>} : memref<16384xf32, #tpu.memory_space<vmem>>, vector<16xf32>,
      %mul3A_1409 = arith.constant 128 : i32
      %mul3A_1410 = arith.muli %squeeze3A_1368, %mul3A_1409 : i32
      %add3A_1411 = arith.constant 32 : i32
      %add3A_1412 = arith.addi %mul3A_1410, %add3A_1411 : i32
      %get3A_1413 = arith.index_cast %add3A_1412 : i32 to index
      %get3A_1414 = tpu.vector_load %arg7[%get3A_1413] {strides = array<i32>} : memref<16384xf32, #tpu.memory_space<vmem>>, vector<16xf32>,
      %get3A_1415 = vector.shape_cast %get3A_1414 : vector<16xf32> to vector<16xf32>
      %get3A_1416 = arith.constant 0 : i32
      %get3A_1417 = tpu.memref_slice %arg5[%add3A_1372, %get3A_1416] : memref<320x128xf32, #tpu.memory_space<vmem>> -> memref<1x128xf32, #tpu.memory_space<vmem>>
      %get3A_1418 = tpu.memref_squeeze %get3A_1417 : memref<1x128xf32, #tpu.memory_space<vmem>> -> memref<128xf32, #tpu.memory_space<vmem>>
      %get3A_1419 = arith.constant 32 : index
      %get3A_1420 = tpu.vector_load %get3A_1418[%get3A_1419] {strides = array<i32>} : memref<128xf32, #tpu.memory_space<vmem>>, vector<16xf32>,
      %get3A_1421 = vector.shape_cast %get3A_1420 : vector<16xf32> to vector<16xf32>
      %max3A_1422 = arith.maximumf %get3A_1415, %get3A_1421 : vector<16xf32>
      %swap3A_1423 = arith.index_cast %add3A_1412 : i32 to index
      %swap3A_1424 = tpu.vector_load %arg7[%swap3A_1423] {strides = array<i32>} : memref<16384xf32, #tpu.memory_space<vmem>>, vector<16xf32>,
      %swap3A_1425 = vector.shape_cast %swap3A_1424 : vector<16xf32> to vector<16xf32>
      %swap3A_1426 = vector.shape_cast %max3A_1422 : vector<16xf32> to vector<16xf32>
      tpu.vector_store %arg7[%swap3A_1423], %swap3A_1426 {strides = array<i32>} : memref<16384xf32, #tpu.memory_space<vmem>>, vector<16xf32>,
      %mul3A_1427 = arith.constant 128 : i32
      %mul3A_1428 = arith.muli %squeeze3A_1368, %mul3A_1427 : i32
      %add3A_1429 = arith.constant 48 : i32
      %add3A_1430 = arith.addi %mul3A_1428, %add3A_1429 : i32
      %get3A_1431 = arith.index_cast %add3A_1430 : i32 to index
      %get3A_1432 = tpu.vector_load %arg7[%get3A_1431] {strides = array<i32>} : memref<16384xf32, #tpu.memory_space<vmem>>, vector<16xf32>,
      %get3A_1433 = vector.shape_cast %get3A_1432 : vector<16xf32> to vector<16xf32>
      %get3A_1434 = arith.constant 0 : i32
      %get3A_1435 = tpu.memref_slice %arg5[%add3A_1372, %get3A_1434] : memref<320x128xf32, #tpu.memory_space<vmem>> -> memref<1x128xf32, #tpu.memory_space<vmem>>
      %get3A_1436 = tpu.memref_squeeze %get3A_1435 : memref<1x128xf32, #tpu.memory_space<vmem>> -> memref<128xf32, #tpu.memory_space<vmem>>
      %get3A_1437 = arith.constant 48 : index
      %get3A_1438 = tpu.vector_load %get3A_1436[%get3A_1437] {strides = array<i32>} : memref<128xf32, #tpu.memory_space<vmem>>, vector<16xf32>,
      %get3A_1439 = vector.shape_cast %get3A_1438 : vector<16xf32> to vector<16xf32>
      %max3A_1440 = arith.maximumf %get3A_1433, %get3A_1439 : vector<16xf32>
      %swap3A_1441 = arith.index_cast %add3A_1430 : i32 to index
      %swap3A_1442 = tpu.vector_load %arg7[%swap3A_1441] {strides = array<i32>} : memref<16384xf32, #tpu.memory_space<vmem>>, vector<16xf32>,
      %swap3A_1443 = vector.shape_cast %swap3A_1442 : vector<16xf32> to vector<16xf32>
      %swap3A_1444 = vector.shape_cast %max3A_1440 : vector<16xf32> to vector<16xf32>
      tpu.vector_store %arg7[%swap3A_1441], %swap3A_1444 {strides = array<i32>} : memref<16384xf32, #tpu.memory_space<vmem>>, vector<16xf32>,
      %mul3A_1445 = arith.constant 128 : i32
      %mul3A_1446 = arith.muli %squeeze3A_1368, %mul3A_1445 : i32
      %add3A_1447 = arith.constant 64 : i32
      %add3A_1448 = arith.addi %mul3A_1446, %add3A_1447 : i32
      %get3A_1449 = arith.index_cast %add3A_1448 : i32 to index
      %get3A_1450 = tpu.vector_load %arg7[%get3A_1449] {strides = array<i32>} : memref<16384xf32, #tpu.memory_space<vmem>>, vector<16xf32>,
      %get3A_1451 = vector.shape_cast %get3A_1450 : vector<16xf32> to vector<16xf32>
      %get3A_1452 = arith.constant 0 : i32
      %get3A_1453 = tpu.memref_slice %arg5[%add3A_1372, %get3A_1452] : memref<320x128xf32, #tpu.memory_space<vmem>> -> memref<1x128xf32, #tpu.memory_space<vmem>>
      %get3A_1454 = tpu.memref_squeeze %get3A_1453 : memref<1x128xf32, #tpu.memory_space<vmem>> -> memref<128xf32, #tpu.memory_space<vmem>>
      %get3A_1455 = arith.constant 64 : index
      %get3A_1456 = tpu.vector_load %get3A_1454[%get3A_1455] {strides = array<i32>} : memref<128xf32, #tpu.memory_space<vmem>>, vector<16xf32>,
      %get3A_1457 = vector.shape_cast %get3A_1456 : vector<16xf32> to vector<16xf32>
      %max3A_1458 = arith.maximumf %get3A_1451, %get3A_1457 : vector<16xf32>
      %swap3A_1459 = arith.index_cast %add3A_1448 : i32 to index
      %swap3A_1460 = tpu.vector_load %arg7[%swap3A_1459] {strides = array<i32>} : memref<16384xf32, #tpu.memory_space<vmem>>, vector<16xf32>,
      %swap3A_1461 = vector.shape_cast %swap3A_1460 : vector<16xf32> to vector<16xf32>
      %swap3A_1462 = vector.shape_cast %max3A_1458 : vector<16xf32> to vector<16xf32>
      tpu.vector_store %arg7[%swap3A_1459], %swap3A_1462 {strides = array<i32>} : memref<16384xf32, #tpu.memory_space<vmem>>, vector<16xf32>,
      %mul3A_1463 = arith.constant 128 : i32
      %mul3A_1464 = arith.muli %squeeze3A_1368, %mul3A_1463 : i32
      %add3A_1465 = arith.constant 80 : i32
      %add3A_1466 = arith.addi %mul3A_1464, %add3A_1465 : i32
      %get3A_1467 = arith.index_cast %add3A_1466 : i32 to index
      %get3A_1468 = tpu.vector_load %arg7[%get3A_1467] {strides = array<i32>} : memref<16384xf32, #tpu.memory_space<vmem>>, vector<16xf32>,
      %get3A_1469 = vector.shape_cast %get3A_1468 : vector<16xf32> to vector<16xf32>
      %get3A_1470 = arith.constant 0 : i32
      %get3A_1471 = tpu.memref_slice %arg5[%add3A_1372, %get3A_1470] : memref<320x128xf32, #tpu.memory_space<vmem>> -> memref<1x128xf32, #tpu.memory_space<vmem>>
      %get3A_1472 = tpu.memref_squeeze %get3A_1471 : memref<1x128xf32, #tpu.memory_space<vmem>> -> memref<128xf32, #tpu.memory_space<vmem>>
      %get3A_1473 = arith.constant 80 : index
      %get3A_1474 = tpu.vector_load %get3A_1472[%get3A_1473] {strides = array<i32>} : memref<128xf32, #tpu.memory_space<vmem>>, vector<16xf32>,
      %get3A_1475 = vector.shape_cast %get3A_1474 : vector<16xf32> to vector<16xf32>
      %max3A_1476 = arith.maximumf %get3A_1469, %get3A_1475 : vector<16xf32>
      %swap3A_1477 = arith.index_cast %add3A_1466 : i32 to index
      %swap3A_1478 = tpu.vector_load %arg7[%swap3A_1477] {strides = array<i32>} : memref<16384xf32, #tpu.memory_space<vmem>>, vector<16xf32>,
      %swap3A_1479 = vector.shape_cast %swap3A_1478 : vector<16xf32> to vector<16xf32>
      %swap3A_1480 = vector.shape_cast %max3A_1476 : vector<16xf32> to vector<16xf32>
      tpu.vector_store %arg7[%swap3A_1477], %swap3A_1480 {strides = array<i32>} : memref<16384xf32, #tpu.memory_space<vmem>>, vector<16xf32>,
      %mul3A_1481 = arith.constant 128 : i32
      %mul3A_1482 = arith.muli %squeeze3A_1368, %mul3A_1481 : i32
      %add3A_1483 = arith.constant 96 : i32
      %add3A_1484 = arith.addi %mul3A_1482, %add3A_1483 : i32
      %get3A_1485 = arith.index_cast %add3A_1484 : i32 to index
      %get3A_1486 = tpu.vector_load %arg7[%get3A_1485] {strides = array<i32>} : memref<16384xf32, #tpu.memory_space<vmem>>, vector<16xf32>,
      %get3A_1487 = vector.shape_cast %get3A_1486 : vector<16xf32> to vector<16xf32>
      %get3A_1488 = arith.constant 0 : i32
      %get3A_1489 = tpu.memref_slice %arg5[%add3A_1372, %get3A_1488] : memref<320x128xf32, #tpu.memory_space<vmem>> -> memref<1x128xf32, #tpu.memory_space<vmem>>
      %get3A_1490 = tpu.memref_squeeze %get3A_1489 : memref<1x128xf32, #tpu.memory_space<vmem>> -> memref<128xf32, #tpu.memory_space<vmem>>
      %get3A_1491 = arith.constant 96 : index
      %get3A_1492 = tpu.vector_load %get3A_1490[%get3A_1491] {strides = array<i32>} : memref<128xf32, #tpu.memory_space<vmem>>, vector<16xf32>,
      %get3A_1493 = vector.shape_cast %get3A_1492 : vector<16xf32> to vector<16xf32>
      %max3A_1494 = arith.maximumf %get3A_1487, %get3A_1493 : vector<16xf32>
      %swap3A_1495 = arith.index_cast %add3A_1484 : i32 to index
      %swap3A_1496 = tpu.vector_load %arg7[%swap3A_1495] {strides = array<i32>} : memref<16384xf32, #tpu.memory_space<vmem>>, vector<16xf32>,
      %swap3A_1497 = vector.shape_cast %swap3A_1496 : vector<16xf32> to vector<16xf32>
      %swap3A_1498 = vector.shape_cast %max3A_1494 : vector<16xf32> to vector<16xf32>
      tpu.vector_store %arg7[%swap3A_1495], %swap3A_1498 {strides = array<i32>} : memref<16384xf32, #tpu.memory_space<vmem>>, vector<16xf32>,
      %mul3A_1499 = arith.constant 128 : i32
      %mul3A_1500 = arith.muli %squeeze3A_1368, %mul3A_1499 : i32
      %add3A_1501 = arith.constant 112 : i32
      %add3A_1502 = arith.addi %mul3A_1500, %add3A_1501 : i32
      %get3A_1503 = arith.index_cast %add3A_1502 : i32 to index
      %get3A_1504 = tpu.vector_load %arg7[%get3A_1503] {strides = array<i32>} : memref<16384xf32, #tpu.memory_space<vmem>>, vector<16xf32>,
      %get3A_1505 = vector.shape_cast %get3A_1504 : vector<16xf32> to vector<16xf32>
      %get3A_1506 = arith.constant 0 : i32
      %get3A_1507 = tpu.memref_slice %arg5[%add3A_1372, %get3A_1506] : memref<320x128xf32, #tpu.memory_space<vmem>> -> memref<1x128xf32, #tpu.memory_space<vmem>>
      %get3A_1508 = tpu.memref_squeeze %get3A_1507 : memref<1x128xf32, #tpu.memory_space<vmem>> -> memref<128xf32, #tpu.memory_space<vmem>>
      %get3A_1509 = arith.constant 112 : index
      %get3A_1510 = tpu.vector_load %get3A_1508[%get3A_1509] {strides = array<i32>} : memref<128xf32, #tpu.memory_space<vmem>>, vector<16xf32>,
      %get3A_1511 = vector.shape_cast %get3A_1510 : vector<16xf32> to vector<16xf32>
      %max3A_1512 = arith.maximumf %get3A_1505, %get3A_1511 : vector<16xf32>
      %swap3A_1513 = arith.index_cast %add3A_1502 : i32 to index
      %swap3A_1514 = tpu.vector_load %arg7[%swap3A_1513] {strides = array<i32>} : memref<16384xf32, #tpu.memory_space<vmem>>, vector<16xf32>,
      %swap3A_1515 = vector.shape_cast %swap3A_1514 : vector<16xf32> to vector<16xf32>
      %swap3A_1516 = vector.shape_cast %max3A_1512 : vector<16xf32> to vector<16xf32>
      tpu.vector_store %arg7[%swap3A_1513], %swap3A_1516 {strides = array<i32>} : memref<16384xf32, #tpu.memory_space<vmem>>, vector<16xf32>,
      %slice3A_1517 = vector.extract_strided_slice %get3A_20 {offsets = [10], sizes = [1], strides = [1]} : vector<16xi32> to vector<1xi32>
      %squeeze3A_1518 = vector.extract %slice3A_1517[0] : i32 from vector<1xi32>
      %mul3A_1519 = arith.constant 16 : i32
      %mul3A_1520 = arith.muli %scan3A_16, %mul3A_1519 : i32
      %add3A_1521 = arith.constant 10 : i32
      %add3A_1522 = arith.addi %mul3A_1520, %add3A_1521 : i32
      %mul3A_1523 = arith.constant 128 : i32
      %mul3A_1524 = arith.muli %squeeze3A_1518, %mul3A_1523 : i32
      %add3A_1525 = arith.constant 0 : i32
      %add3A_1526 = arith.addi %mul3A_1524, %add3A_1525 : i32
      %get3A_1527 = arith.index_cast %add3A_1526 : i32 to index
      %get3A_1528 = tpu.vector_load %arg7[%get3A_1527] {strides = array<i32>} : memref<16384xf32, #tpu.memory_space<vmem>>, vector<16xf32>,
      %get3A_1529 = vector.shape_cast %get3A_1528 : vector<16xf32> to vector<16xf32>
      %get3A_1530 = arith.constant 0 : i32
      %get3A_1531 = tpu.memref_slice %arg5[%add3A_1522, %get3A_1530] : memref<320x128xf32, #tpu.memory_space<vmem>> -> memref<1x128xf32, #tpu.memory_space<vmem>>
      %get3A_1532 = tpu.memref_squeeze %get3A_1531 : memref<1x128xf32, #tpu.memory_space<vmem>> -> memref<128xf32, #tpu.memory_space<vmem>>
      %get3A_1533 = arith.constant 0 : index
      %get3A_1534 = tpu.vector_load %get3A_1532[%get3A_1533] {strides = array<i32>} : memref<128xf32, #tpu.memory_space<vmem>>, vector<16xf32>,
      %get3A_1535 = vector.shape_cast %get3A_1534 : vector<16xf32> to vector<16xf32>
      %max3A_1536 = arith.maximumf %get3A_1529, %get3A_1535 : vector<16xf32>
      %swap3A_1537 = arith.index_cast %add3A_1526 : i32 to index
      %swap3A_1538 = tpu.vector_load %arg7[%swap3A_1537] {strides = array<i32>} : memref<16384xf32, #tpu.memory_space<vmem>>, vector<16xf32>,
      %swap3A_1539 = vector.shape_cast %swap3A_1538 : vector<16xf32> to vector<16xf32>
      %swap3A_1540 = vector.shape_cast %max3A_1536 : vector<16xf32> to vector<16xf32>
      tpu.vector_store %arg7[%swap3A_1537], %swap3A_1540 {strides = array<i32>} : memref<16384xf32, #tpu.memory_space<vmem>>, vector<16xf32>,
      %mul3A_1541 = arith.constant 128 : i32
      %mul3A_1542 = arith.muli %squeeze3A_1518, %mul3A_1541 : i32
      %add3A_1543 = arith.constant 16 : i32
      %add3A_1544 = arith.addi %mul3A_1542, %add3A_1543 : i32
      %get3A_1545 = arith.index_cast %add3A_1544 : i32 to index
      %get3A_1546 = tpu.vector_load %arg7[%get3A_1545] {strides = array<i32>} : memref<16384xf32, #tpu.memory_space<vmem>>, vector<16xf32>,
      %get3A_1547 = vector.shape_cast %get3A_1546 : vector<16xf32> to vector<16xf32>
      %get3A_1548 = arith.constant 0 : i32
      %get3A_1549 = tpu.memref_slice %arg5[%add3A_1522, %get3A_1548] : memref<320x128xf32, #tpu.memory_space<vmem>> -> memref<1x128xf32, #tpu.memory_space<vmem>>
      %get3A_1550 = tpu.memref_squeeze %get3A_1549 : memref<1x128xf32, #tpu.memory_space<vmem>> -> memref<128xf32, #tpu.memory_space<vmem>>
      %get3A_1551 = arith.constant 16 : index
      %get3A_1552 = tpu.vector_load %get3A_1550[%get3A_1551] {strides = array<i32>} : memref<128xf32, #tpu.memory_space<vmem>>, vector<16xf32>,
      %get3A_1553 = vector.shape_cast %get3A_1552 : vector<16xf32> to vector<16xf32>
      %max3A_1554 = arith.maximumf %get3A_1547, %get3A_1553 : vector<16xf32>
      %swap3A_1555 = arith.index_cast %add3A_1544 : i32 to index
      %swap3A_1556 = tpu.vector_load %arg7[%swap3A_1555] {strides = array<i32>} : memref<16384xf32, #tpu.memory_space<vmem>>, vector<16xf32>,
      %swap3A_1557 = vector.shape_cast %swap3A_1556 : vector<16xf32> to vector<16xf32>
      %swap3A_1558 = vector.shape_cast %max3A_1554 : vector<16xf32> to vector<16xf32>
      tpu.vector_store %arg7[%swap3A_1555], %swap3A_1558 {strides = array<i32>} : memref<16384xf32, #tpu.memory_space<vmem>>, vector<16xf32>,
      %mul3A_1559 = arith.constant 128 : i32
      %mul3A_1560 = arith.muli %squeeze3A_1518, %mul3A_1559 : i32
      %add3A_1561 = arith.constant 32 : i32
      %add3A_1562 = arith.addi %mul3A_1560, %add3A_1561 : i32
      %get3A_1563 = arith.index_cast %add3A_1562 : i32 to index
      %get3A_1564 = tpu.vector_load %arg7[%get3A_1563] {strides = array<i32>} : memref<16384xf32, #tpu.memory_space<vmem>>, vector<16xf32>,
      %get3A_1565 = vector.shape_cast %get3A_1564 : vector<16xf32> to vector<16xf32>
      %get3A_1566 = arith.constant 0 : i32
      %get3A_1567 = tpu.memref_slice %arg5[%add3A_1522, %get3A_1566] : memref<320x128xf32, #tpu.memory_space<vmem>> -> memref<1x128xf32, #tpu.memory_space<vmem>>
      %get3A_1568 = tpu.memref_squeeze %get3A_1567 : memref<1x128xf32, #tpu.memory_space<vmem>> -> memref<128xf32, #tpu.memory_space<vmem>>
      %get3A_1569 = arith.constant 32 : index
      %get3A_1570 = tpu.vector_load %get3A_1568[%get3A_1569] {strides = array<i32>} : memref<128xf32, #tpu.memory_space<vmem>>, vector<16xf32>,
      %get3A_1571 = vector.shape_cast %get3A_1570 : vector<16xf32> to vector<16xf32>
      %max3A_1572 = arith.maximumf %get3A_1565, %get3A_1571 : vector<16xf32>
      %swap3A_1573 = arith.index_cast %add3A_1562 : i32 to index
      %swap3A_1574 = tpu.vector_load %arg7[%swap3A_1573] {strides = array<i32>} : memref<16384xf32, #tpu.memory_space<vmem>>, vector<16xf32>,
      %swap3A_1575 = vector.shape_cast %swap3A_1574 : vector<16xf32> to vector<16xf32>
      %swap3A_1576 = vector.shape_cast %max3A_1572 : vector<16xf32> to vector<16xf32>
      tpu.vector_store %arg7[%swap3A_1573], %swap3A_1576 {strides = array<i32>} : memref<16384xf32, #tpu.memory_space<vmem>>, vector<16xf32>,
      %mul3A_1577 = arith.constant 128 : i32
      %mul3A_1578 = arith.muli %squeeze3A_1518, %mul3A_1577 : i32
      %add3A_1579 = arith.constant 48 : i32
      %add3A_1580 = arith.addi %mul3A_1578, %add3A_1579 : i32
      %get3A_1581 = arith.index_cast %add3A_1580 : i32 to index
      %get3A_1582 = tpu.vector_load %arg7[%get3A_1581] {strides = array<i32>} : memref<16384xf32, #tpu.memory_space<vmem>>, vector<16xf32>,
      %get3A_1583 = vector.shape_cast %get3A_1582 : vector<16xf32> to vector<16xf32>
      %get3A_1584 = arith.constant 0 : i32
      %get3A_1585 = tpu.memref_slice %arg5[%add3A_1522, %get3A_1584] : memref<320x128xf32, #tpu.memory_space<vmem>> -> memref<1x128xf32, #tpu.memory_space<vmem>>
      %get3A_1586 = tpu.memref_squeeze %get3A_1585 : memref<1x128xf32, #tpu.memory_space<vmem>> -> memref<128xf32, #tpu.memory_space<vmem>>
      %get3A_1587 = arith.constant 48 : index
      %get3A_1588 = tpu.vector_load %get3A_1586[%get3A_1587] {strides = array<i32>} : memref<128xf32, #tpu.memory_space<vmem>>, vector<16xf32>,
      %get3A_1589 = vector.shape_cast %get3A_1588 : vector<16xf32> to vector<16xf32>
      %max3A_1590 = arith.maximumf %get3A_1583, %get3A_1589 : vector<16xf32>
      %swap3A_1591 = arith.index_cast %add3A_1580 : i32 to index
      %swap3A_1592 = tpu.vector_load %arg7[%swap3A_1591] {strides = array<i32>} : memref<16384xf32, #tpu.memory_space<vmem>>, vector<16xf32>,
      %swap3A_1593 = vector.shape_cast %swap3A_1592 : vector<16xf32> to vector<16xf32>
      %swap3A_1594 = vector.shape_cast %max3A_1590 : vector<16xf32> to vector<16xf32>
      tpu.vector_store %arg7[%swap3A_1591], %swap3A_1594 {strides = array<i32>} : memref<16384xf32, #tpu.memory_space<vmem>>, vector<16xf32>,
      %mul3A_1595 = arith.constant 128 : i32
      %mul3A_1596 = arith.muli %squeeze3A_1518, %mul3A_1595 : i32
      %add3A_1597 = arith.constant 64 : i32
      %add3A_1598 = arith.addi %mul3A_1596, %add3A_1597 : i32
      %get3A_1599 = arith.index_cast %add3A_1598 : i32 to index
      %get3A_1600 = tpu.vector_load %arg7[%get3A_1599] {strides = array<i32>} : memref<16384xf32, #tpu.memory_space<vmem>>, vector<16xf32>,
      %get3A_1601 = vector.shape_cast %get3A_1600 : vector<16xf32> to vector<16xf32>
      %get3A_1602 = arith.constant 0 : i32
      %get3A_1603 = tpu.memref_slice %arg5[%add3A_1522, %get3A_1602] : memref<320x128xf32, #tpu.memory_space<vmem>> -> memref<1x128xf32, #tpu.memory_space<vmem>>
      %get3A_1604 = tpu.memref_squeeze %get3A_1603 : memref<1x128xf32, #tpu.memory_space<vmem>> -> memref<128xf32, #tpu.memory_space<vmem>>
      %get3A_1605 = arith.constant 64 : index
      %get3A_1606 = tpu.vector_load %get3A_1604[%get3A_1605] {strides = array<i32>} : memref<128xf32, #tpu.memory_space<vmem>>, vector<16xf32>,
      %get3A_1607 = vector.shape_cast %get3A_1606 : vector<16xf32> to vector<16xf32>
      %max3A_1608 = arith.maximumf %get3A_1601, %get3A_1607 : vector<16xf32>
      %swap3A_1609 = arith.index_cast %add3A_1598 : i32 to index
      %swap3A_1610 = tpu.vector_load %arg7[%swap3A_1609] {strides = array<i32>} : memref<16384xf32, #tpu.memory_space<vmem>>, vector<16xf32>,
      %swap3A_1611 = vector.shape_cast %swap3A_1610 : vector<16xf32> to vector<16xf32>
      %swap3A_1612 = vector.shape_cast %max3A_1608 : vector<16xf32> to vector<16xf32>
      tpu.vector_store %arg7[%swap3A_1609], %swap3A_1612 {strides = array<i32>} : memref<16384xf32, #tpu.memory_space<vmem>>, vector<16xf32>,
      %mul3A_1613 = arith.constant 128 : i32
      %mul3A_1614 = arith.muli %squeeze3A_1518, %mul3A_1613 : i32
      %add3A_1615 = arith.constant 80 : i32
      %add3A_1616 = arith.addi %mul3A_1614, %add3A_1615 : i32
      %get3A_1617 = arith.index_cast %add3A_1616 : i32 to index
      %get3A_1618 = tpu.vector_load %arg7[%get3A_1617] {strides = array<i32>} : memref<16384xf32, #tpu.memory_space<vmem>>, vector<16xf32>,
      %get3A_1619 = vector.shape_cast %get3A_1618 : vector<16xf32> to vector<16xf32>
      %get3A_1620 = arith.constant 0 : i32
      %get3A_1621 = tpu.memref_slice %arg5[%add3A_1522, %get3A_1620] : memref<320x128xf32, #tpu.memory_space<vmem>> -> memref<1x128xf32, #tpu.memory_space<vmem>>
      %get3A_1622 = tpu.memref_squeeze %get3A_1621 : memref<1x128xf32, #tpu.memory_space<vmem>> -> memref<128xf32, #tpu.memory_space<vmem>>
      %get3A_1623 = arith.constant 80 : index
      %get3A_1624 = tpu.vector_load %get3A_1622[%get3A_1623] {strides = array<i32>} : memref<128xf32, #tpu.memory_space<vmem>>, vector<16xf32>,
      %get3A_1625 = vector.shape_cast %get3A_1624 : vector<16xf32> to vector<16xf32>
      %max3A_1626 = arith.maximumf %get3A_1619, %get3A_1625 : vector<16xf32>
      %swap3A_1627 = arith.index_cast %add3A_1616 : i32 to index
      %swap3A_1628 = tpu.vector_load %arg7[%swap3A_1627] {strides = array<i32>} : memref<16384xf32, #tpu.memory_space<vmem>>, vector<16xf32>,
      %swap3A_1629 = vector.shape_cast %swap3A_1628 : vector<16xf32> to vector<16xf32>
      %swap3A_1630 = vector.shape_cast %max3A_1626 : vector<16xf32> to vector<16xf32>
      tpu.vector_store %arg7[%swap3A_1627], %swap3A_1630 {strides = array<i32>} : memref<16384xf32, #tpu.memory_space<vmem>>, vector<16xf32>,
      %mul3A_1631 = arith.constant 128 : i32
      %mul3A_1632 = arith.muli %squeeze3A_1518, %mul3A_1631 : i32
      %add3A_1633 = arith.constant 96 : i32
      %add3A_1634 = arith.addi %mul3A_1632, %add3A_1633 : i32
      %get3A_1635 = arith.index_cast %add3A_1634 : i32 to index
      %get3A_1636 = tpu.vector_load %arg7[%get3A_1635] {strides = array<i32>} : memref<16384xf32, #tpu.memory_space<vmem>>, vector<16xf32>,
      %get3A_1637 = vector.shape_cast %get3A_1636 : vector<16xf32> to vector<16xf32>
      %get3A_1638 = arith.constant 0 : i32
      %get3A_1639 = tpu.memref_slice %arg5[%add3A_1522, %get3A_1638] : memref<320x128xf32, #tpu.memory_space<vmem>> -> memref<1x128xf32, #tpu.memory_space<vmem>>
      %get3A_1640 = tpu.memref_squeeze %get3A_1639 : memref<1x128xf32, #tpu.memory_space<vmem>> -> memref<128xf32, #tpu.memory_space<vmem>>
      %get3A_1641 = arith.constant 96 : index
      %get3A_1642 = tpu.vector_load %get3A_1640[%get3A_1641] {strides = array<i32>} : memref<128xf32, #tpu.memory_space<vmem>>, vector<16xf32>,
      %get3A_1643 = vector.shape_cast %get3A_1642 : vector<16xf32> to vector<16xf32>
      %max3A_1644 = arith.maximumf %get3A_1637, %get3A_1643 : vector<16xf32>
      %swap3A_1645 = arith.index_cast %add3A_1634 : i32 to index
      %swap3A_1646 = tpu.vector_load %arg7[%swap3A_1645] {strides = array<i32>} : memref<16384xf32, #tpu.memory_space<vmem>>, vector<16xf32>,
      %swap3A_1647 = vector.shape_cast %swap3A_1646 : vector<16xf32> to vector<16xf32>
      %swap3A_1648 = vector.shape_cast %max3A_1644 : vector<16xf32> to vector<16xf32>
      tpu.vector_store %arg7[%swap3A_1645], %swap3A_1648 {strides = array<i32>} : memref<16384xf32, #tpu.memory_space<vmem>>, vector<16xf32>,
      %mul3A_1649 = arith.constant 128 : i32
      %mul3A_1650 = arith.muli %squeeze3A_1518, %mul3A_1649 : i32
      %add3A_1651 = arith.constant 112 : i32
      %add3A_1652 = arith.addi %mul3A_1650, %add3A_1651 : i32
      %get3A_1653 = arith.index_cast %add3A_1652 : i32 to index
      %get3A_1654 = tpu.vector_load %arg7[%get3A_1653] {strides = array<i32>} : memref<16384xf32, #tpu.memory_space<vmem>>, vector<16xf32>,
      %get3A_1655 = vector.shape_cast %get3A_1654 : vector<16xf32> to vector<16xf32>
      %get3A_1656 = arith.constant 0 : i32
      %get3A_1657 = tpu.memref_slice %arg5[%add3A_1522, %get3A_1656] : memref<320x128xf32, #tpu.memory_space<vmem>> -> memref<1x128xf32, #tpu.memory_space<vmem>>
      %get3A_1658 = tpu.memref_squeeze %get3A_1657 : memref<1x128xf32, #tpu.memory_space<vmem>> -> memref<128xf32, #tpu.memory_space<vmem>>
      %get3A_1659 = arith.constant 112 : index
      %get3A_1660 = tpu.vector_load %get3A_1658[%get3A_1659] {strides = array<i32>} : memref<128xf32, #tpu.memory_space<vmem>>, vector<16xf32>,
      %get3A_1661 = vector.shape_cast %get3A_1660 : vector<16xf32> to vector<16xf32>
      %max3A_1662 = arith.maximumf %get3A_1655, %get3A_1661 : vector<16xf32>
      %swap3A_1663 = arith.index_cast %add3A_1652 : i32 to index
      %swap3A_1664 = tpu.vector_load %arg7[%swap3A_1663] {strides = array<i32>} : memref<16384xf32, #tpu.memory_space<vmem>>, vector<16xf32>,
      %swap3A_1665 = vector.shape_cast %swap3A_1664 : vector<16xf32> to vector<16xf32>
      %swap3A_1666 = vector.shape_cast %max3A_1662 : vector<16xf32> to vector<16xf32>
      tpu.vector_store %arg7[%swap3A_1663], %swap3A_1666 {strides = array<i32>} : memref<16384xf32, #tpu.memory_space<vmem>>, vector<16xf32>,
      %slice3A_1667 = vector.extract_strided_slice %get3A_20 {offsets = [11], sizes = [1], strides = [1]} : vector<16xi32> to vector<1xi32>
      %squeeze3A_1668 = vector.extract %slice3A_1667[0] : i32 from vector<1xi32>
      %mul3A_1669 = arith.constant 16 : i32
      %mul3A_1670 = arith.muli %scan3A_16, %mul3A_1669 : i32
      %add3A_1671 = arith.constant 11 : i32
      %add3A_1672 = arith.addi %mul3A_1670, %add3A_1671 : i32
      %mul3A_1673 = arith.constant 128 : i32
      %mul3A_1674 = arith.muli %squeeze3A_1668, %mul3A_1673 : i32
      %add3A_1675 = arith.constant 0 : i32
      %add3A_1676 = arith.addi %mul3A_1674, %add3A_1675 : i32
      %get3A_1677 = arith.index_cast %add3A_1676 : i32 to index
      %get3A_1678 = tpu.vector_load %arg7[%get3A_1677] {strides = array<i32>} : memref<16384xf32, #tpu.memory_space<vmem>>, vector<16xf32>,
      %get3A_1679 = vector.shape_cast %get3A_1678 : vector<16xf32> to vector<16xf32>
      %get3A_1680 = arith.constant 0 : i32
      %get3A_1681 = tpu.memref_slice %arg5[%add3A_1672, %get3A_1680] : memref<320x128xf32, #tpu.memory_space<vmem>> -> memref<1x128xf32, #tpu.memory_space<vmem>>
      %get3A_1682 = tpu.memref_squeeze %get3A_1681 : memref<1x128xf32, #tpu.memory_space<vmem>> -> memref<128xf32, #tpu.memory_space<vmem>>
      %get3A_1683 = arith.constant 0 : index
      %get3A_1684 = tpu.vector_load %get3A_1682[%get3A_1683] {strides = array<i32>} : memref<128xf32, #tpu.memory_space<vmem>>, vector<16xf32>,
      %get3A_1685 = vector.shape_cast %get3A_1684 : vector<16xf32> to vector<16xf32>
      %max3A_1686 = arith.maximumf %get3A_1679, %get3A_1685 : vector<16xf32>
      %swap3A_1687 = arith.index_cast %add3A_1676 : i32 to index
      %swap3A_1688 = tpu.vector_load %arg7[%swap3A_1687] {strides = array<i32>} : memref<16384xf32, #tpu.memory_space<vmem>>, vector<16xf32>,
      %swap3A_1689 = vector.shape_cast %swap3A_1688 : vector<16xf32> to vector<16xf32>
      %swap3A_1690 = vector.shape_cast %max3A_1686 : vector<16xf32> to vector<16xf32>
      tpu.vector_store %arg7[%swap3A_1687], %swap3A_1690 {strides = array<i32>} : memref<16384xf32, #tpu.memory_space<vmem>>, vector<16xf32>,
      %mul3A_1691 = arith.constant 128 : i32
      %mul3A_1692 = arith.muli %squeeze3A_1668, %mul3A_1691 : i32
      %add3A_1693 = arith.constant 16 : i32
      %add3A_1694 = arith.addi %mul3A_1692, %add3A_1693 : i32
      %get3A_1695 = arith.index_cast %add3A_1694 : i32 to index
      %get3A_1696 = tpu.vector_load %arg7[%get3A_1695] {strides = array<i32>} : memref<16384xf32, #tpu.memory_space<vmem>>, vector<16xf32>,
      %get3A_1697 = vector.shape_cast %get3A_1696 : vector<16xf32> to vector<16xf32>
      %get3A_1698 = arith.constant 0 : i32
      %get3A_1699 = tpu.memref_slice %arg5[%add3A_1672, %get3A_1698] : memref<320x128xf32, #tpu.memory_space<vmem>> -> memref<1x128xf32, #tpu.memory_space<vmem>>
      %get3A_1700 = tpu.memref_squeeze %get3A_1699 : memref<1x128xf32, #tpu.memory_space<vmem>> -> memref<128xf32, #tpu.memory_space<vmem>>
      %get3A_1701 = arith.constant 16 : index
      %get3A_1702 = tpu.vector_load %get3A_1700[%get3A_1701] {strides = array<i32>} : memref<128xf32, #tpu.memory_space<vmem>>, vector<16xf32>,
      %get3A_1703 = vector.shape_cast %get3A_1702 : vector<16xf32> to vector<16xf32>
      %max3A_1704 = arith.maximumf %get3A_1697, %get3A_1703 : vector<16xf32>
      %swap3A_1705 = arith.index_cast %add3A_1694 : i32 to index
      %swap3A_1706 = tpu.vector_load %arg7[%swap3A_1705] {strides = array<i32>} : memref<16384xf32, #tpu.memory_space<vmem>>, vector<16xf32>,
      %swap3A_1707 = vector.shape_cast %swap3A_1706 : vector<16xf32> to vector<16xf32>
      %swap3A_1708 = vector.shape_cast %max3A_1704 : vector<16xf32> to vector<16xf32>
      tpu.vector_store %arg7[%swap3A_1705], %swap3A_1708 {strides = array<i32>} : memref<16384xf32, #tpu.memory_space<vmem>>, vector<16xf32>,
      %mul3A_1709 = arith.constant 128 : i32
      %mul3A_1710 = arith.muli %squeeze3A_1668, %mul3A_1709 : i32
      %add3A_1711 = arith.constant 32 : i32
      %add3A_1712 = arith.addi %mul3A_1710, %add3A_1711 : i32
      %get3A_1713 = arith.index_cast %add3A_1712 : i32 to index
      %get3A_1714 = tpu.vector_load %arg7[%get3A_1713] {strides = array<i32>} : memref<16384xf32, #tpu.memory_space<vmem>>, vector<16xf32>,
      %get3A_1715 = vector.shape_cast %get3A_1714 : vector<16xf32> to vector<16xf32>
      %get3A_1716 = arith.constant 0 : i32
      %get3A_1717 = tpu.memref_slice %arg5[%add3A_1672, %get3A_1716] : memref<320x128xf32, #tpu.memory_space<vmem>> -> memref<1x128xf32, #tpu.memory_space<vmem>>
      %get3A_1718 = tpu.memref_squeeze %get3A_1717 : memref<1x128xf32, #tpu.memory_space<vmem>> -> memref<128xf32, #tpu.memory_space<vmem>>
      %get3A_1719 = arith.constant 32 : index
      %get3A_1720 = tpu.vector_load %get3A_1718[%get3A_1719] {strides = array<i32>} : memref<128xf32, #tpu.memory_space<vmem>>, vector<16xf32>,
      %get3A_1721 = vector.shape_cast %get3A_1720 : vector<16xf32> to vector<16xf32>
      %max3A_1722 = arith.maximumf %get3A_1715, %get3A_1721 : vector<16xf32>
      %swap3A_1723 = arith.index_cast %add3A_1712 : i32 to index
      %swap3A_1724 = tpu.vector_load %arg7[%swap3A_1723] {strides = array<i32>} : memref<16384xf32, #tpu.memory_space<vmem>>, vector<16xf32>,
      %swap3A_1725 = vector.shape_cast %swap3A_1724 : vector<16xf32> to vector<16xf32>
      %swap3A_1726 = vector.shape_cast %max3A_1722 : vector<16xf32> to vector<16xf32>
      tpu.vector_store %arg7[%swap3A_1723], %swap3A_1726 {strides = array<i32>} : memref<16384xf32, #tpu.memory_space<vmem>>, vector<16xf32>,
      %mul3A_1727 = arith.constant 128 : i32
      %mul3A_1728 = arith.muli %squeeze3A_1668, %mul3A_1727 : i32
      %add3A_1729 = arith.constant 48 : i32
      %add3A_1730 = arith.addi %mul3A_1728, %add3A_1729 : i32
      %get3A_1731 = arith.index_cast %add3A_1730 : i32 to index
      %get3A_1732 = tpu.vector_load %arg7[%get3A_1731] {strides = array<i32>} : memref<16384xf32, #tpu.memory_space<vmem>>, vector<16xf32>,
      %get3A_1733 = vector.shape_cast %get3A_1732 : vector<16xf32> to vector<16xf32>
      %get3A_1734 = arith.constant 0 : i32
      %get3A_1735 = tpu.memref_slice %arg5[%add3A_1672, %get3A_1734] : memref<320x128xf32, #tpu.memory_space<vmem>> -> memref<1x128xf32, #tpu.memory_space<vmem>>
      %get3A_1736 = tpu.memref_squeeze %get3A_1735 : memref<1x128xf32, #tpu.memory_space<vmem>> -> memref<128xf32, #tpu.memory_space<vmem>>
      %get3A_1737 = arith.constant 48 : index
      %get3A_1738 = tpu.vector_load %get3A_1736[%get3A_1737] {strides = array<i32>} : memref<128xf32, #tpu.memory_space<vmem>>, vector<16xf32>,
      %get3A_1739 = vector.shape_cast %get3A_1738 : vector<16xf32> to vector<16xf32>
      %max3A_1740 = arith.maximumf %get3A_1733, %get3A_1739 : vector<16xf32>
      %swap3A_1741 = arith.index_cast %add3A_1730 : i32 to index
      %swap3A_1742 = tpu.vector_load %arg7[%swap3A_1741] {strides = array<i32>} : memref<16384xf32, #tpu.memory_space<vmem>>, vector<16xf32>,
      %swap3A_1743 = vector.shape_cast %swap3A_1742 : vector<16xf32> to vector<16xf32>
      %swap3A_1744 = vector.shape_cast %max3A_1740 : vector<16xf32> to vector<16xf32>
      tpu.vector_store %arg7[%swap3A_1741], %swap3A_1744 {strides = array<i32>} : memref<16384xf32, #tpu.memory_space<vmem>>, vector<16xf32>,
      %mul3A_1745 = arith.constant 128 : i32
      %mul3A_1746 = arith.muli %squeeze3A_1668, %mul3A_1745 : i32
      %add3A_1747 = arith.constant 64 : i32
      %add3A_1748 = arith.addi %mul3A_1746, %add3A_1747 : i32
      %get3A_1749 = arith.index_cast %add3A_1748 : i32 to index
      %get3A_1750 = tpu.vector_load %arg7[%get3A_1749] {strides = array<i32>} : memref<16384xf32, #tpu.memory_space<vmem>>, vector<16xf32>,
      %get3A_1751 = vector.shape_cast %get3A_1750 : vector<16xf32> to vector<16xf32>
      %get3A_1752 = arith.constant 0 : i32
      %get3A_1753 = tpu.memref_slice %arg5[%add3A_1672, %get3A_1752] : memref<320x128xf32, #tpu.memory_space<vmem>> -> memref<1x128xf32, #tpu.memory_space<vmem>>
      %get3A_1754 = tpu.memref_squeeze %get3A_1753 : memref<1x128xf32, #tpu.memory_space<vmem>> -> memref<128xf32, #tpu.memory_space<vmem>>
      %get3A_1755 = arith.constant 64 : index
      %get3A_1756 = tpu.vector_load %get3A_1754[%get3A_1755] {strides = array<i32>} : memref<128xf32, #tpu.memory_space<vmem>>, vector<16xf32>,
      %get3A_1757 = vector.shape_cast %get3A_1756 : vector<16xf32> to vector<16xf32>
      %max3A_1758 = arith.maximumf %get3A_1751, %get3A_1757 : vector<16xf32>
      %swap3A_1759 = arith.index_cast %add3A_1748 : i32 to index
      %swap3A_1760 = tpu.vector_load %arg7[%swap3A_1759] {strides = array<i32>} : memref<16384xf32, #tpu.memory_space<vmem>>, vector<16xf32>,
      %swap3A_1761 = vector.shape_cast %swap3A_1760 : vector<16xf32> to vector<16xf32>
      %swap3A_1762 = vector.shape_cast %max3A_1758 : vector<16xf32> to vector<16xf32>
      tpu.vector_store %arg7[%swap3A_1759], %swap3A_1762 {strides = array<i32>} : memref<16384xf32, #tpu.memory_space<vmem>>, vector<16xf32>,
      %mul3A_1763 = arith.constant 128 : i32
      %mul3A_1764 = arith.muli %squeeze3A_1668, %mul3A_1763 : i32
      %add3A_1765 = arith.constant 80 : i32
      %add3A_1766 = arith.addi %mul3A_1764, %add3A_1765 : i32
      %get3A_1767 = arith.index_cast %add3A_1766 : i32 to index
      %get3A_1768 = tpu.vector_load %arg7[%get3A_1767] {strides = array<i32>} : memref<16384xf32, #tpu.memory_space<vmem>>, vector<16xf32>,
      %get3A_1769 = vector.shape_cast %get3A_1768 : vector<16xf32> to vector<16xf32>
      %get3A_1770 = arith.constant 0 : i32
      %get3A_1771 = tpu.memref_slice %arg5[%add3A_1672, %get3A_1770] : memref<320x128xf32, #tpu.memory_space<vmem>> -> memref<1x128xf32, #tpu.memory_space<vmem>>
      %get3A_1772 = tpu.memref_squeeze %get3A_1771 : memref<1x128xf32, #tpu.memory_space<vmem>> -> memref<128xf32, #tpu.memory_space<vmem>>
      %get3A_1773 = arith.constant 80 : index
      %get3A_1774 = tpu.vector_load %get3A_1772[%get3A_1773] {strides = array<i32>} : memref<128xf32, #tpu.memory_space<vmem>>, vector<16xf32>,
      %get3A_1775 = vector.shape_cast %get3A_1774 : vector<16xf32> to vector<16xf32>
      %max3A_1776 = arith.maximumf %get3A_1769, %get3A_1775 : vector<16xf32>
      %swap3A_1777 = arith.index_cast %add3A_1766 : i32 to index
      %swap3A_1778 = tpu.vector_load %arg7[%swap3A_1777] {strides = array<i32>} : memref<16384xf32, #tpu.memory_space<vmem>>, vector<16xf32>,
      %swap3A_1779 = vector.shape_cast %swap3A_1778 : vector<16xf32> to vector<16xf32>
      %swap3A_1780 = vector.shape_cast %max3A_1776 : vector<16xf32> to vector<16xf32>
      tpu.vector_store %arg7[%swap3A_1777], %swap3A_1780 {strides = array<i32>} : memref<16384xf32, #tpu.memory_space<vmem>>, vector<16xf32>,
      %mul3A_1781 = arith.constant 128 : i32
      %mul3A_1782 = arith.muli %squeeze3A_1668, %mul3A_1781 : i32
      %add3A_1783 = arith.constant 96 : i32
      %add3A_1784 = arith.addi %mul3A_1782, %add3A_1783 : i32
      %get3A_1785 = arith.index_cast %add3A_1784 : i32 to index
      %get3A_1786 = tpu.vector_load %arg7[%get3A_1785] {strides = array<i32>} : memref<16384xf32, #tpu.memory_space<vmem>>, vector<16xf32>,
      %get3A_1787 = vector.shape_cast %get3A_1786 : vector<16xf32> to vector<16xf32>
      %get3A_1788 = arith.constant 0 : i32
      %get3A_1789 = tpu.memref_slice %arg5[%add3A_1672, %get3A_1788] : memref<320x128xf32, #tpu.memory_space<vmem>> -> memref<1x128xf32, #tpu.memory_space<vmem>>
      %get3A_1790 = tpu.memref_squeeze %get3A_1789 : memref<1x128xf32, #tpu.memory_space<vmem>> -> memref<128xf32, #tpu.memory_space<vmem>>
      %get3A_1791 = arith.constant 96 : index
      %get3A_1792 = tpu.vector_load %get3A_1790[%get3A_1791] {strides = array<i32>} : memref<128xf32, #tpu.memory_space<vmem>>, vector<16xf32>,
      %get3A_1793 = vector.shape_cast %get3A_1792 : vector<16xf32> to vector<16xf32>
      %max3A_1794 = arith.maximumf %get3A_1787, %get3A_1793 : vector<16xf32>
      %swap3A_1795 = arith.index_cast %add3A_1784 : i32 to index
      %swap3A_1796 = tpu.vector_load %arg7[%swap3A_1795] {strides = array<i32>} : memref<16384xf32, #tpu.memory_space<vmem>>, vector<16xf32>,
      %swap3A_1797 = vector.shape_cast %swap3A_1796 : vector<16xf32> to vector<16xf32>
      %swap3A_1798 = vector.shape_cast %max3A_1794 : vector<16xf32> to vector<16xf32>
      tpu.vector_store %arg7[%swap3A_1795], %swap3A_1798 {strides = array<i32>} : memref<16384xf32, #tpu.memory_space<vmem>>, vector<16xf32>,
      %mul3A_1799 = arith.constant 128 : i32
      %mul3A_1800 = arith.muli %squeeze3A_1668, %mul3A_1799 : i32
      %add3A_1801 = arith.constant 112 : i32
      %add3A_1802 = arith.addi %mul3A_1800, %add3A_1801 : i32
      %get3A_1803 = arith.index_cast %add3A_1802 : i32 to index
      %get3A_1804 = tpu.vector_load %arg7[%get3A_1803] {strides = array<i32>} : memref<16384xf32, #tpu.memory_space<vmem>>, vector<16xf32>,
      %get3A_1805 = vector.shape_cast %get3A_1804 : vector<16xf32> to vector<16xf32>
      %get3A_1806 = arith.constant 0 : i32
      %get3A_1807 = tpu.memref_slice %arg5[%add3A_1672, %get3A_1806] : memref<320x128xf32, #tpu.memory_space<vmem>> -> memref<1x128xf32, #tpu.memory_space<vmem>>
      %get3A_1808 = tpu.memref_squeeze %get3A_1807 : memref<1x128xf32, #tpu.memory_space<vmem>> -> memref<128xf32, #tpu.memory_space<vmem>>
      %get3A_1809 = arith.constant 112 : index
      %get3A_1810 = tpu.vector_load %get3A_1808[%get3A_1809] {strides = array<i32>} : memref<128xf32, #tpu.memory_space<vmem>>, vector<16xf32>,
      %get3A_1811 = vector.shape_cast %get3A_1810 : vector<16xf32> to vector<16xf32>
      %max3A_1812 = arith.maximumf %get3A_1805, %get3A_1811 : vector<16xf32>
      %swap3A_1813 = arith.index_cast %add3A_1802 : i32 to index
      %swap3A_1814 = tpu.vector_load %arg7[%swap3A_1813] {strides = array<i32>} : memref<16384xf32, #tpu.memory_space<vmem>>, vector<16xf32>,
      %swap3A_1815 = vector.shape_cast %swap3A_1814 : vector<16xf32> to vector<16xf32>
      %swap3A_1816 = vector.shape_cast %max3A_1812 : vector<16xf32> to vector<16xf32>
      tpu.vector_store %arg7[%swap3A_1813], %swap3A_1816 {strides = array<i32>} : memref<16384xf32, #tpu.memory_space<vmem>>, vector<16xf32>,
      %slice3A_1817 = vector.extract_strided_slice %get3A_20 {offsets = [12], sizes = [1], strides = [1]} : vector<16xi32> to vector<1xi32>
      %squeeze3A_1818 = vector.extract %slice3A_1817[0] : i32 from vector<1xi32>
      %mul3A_1819 = arith.constant 16 : i32
      %mul3A_1820 = arith.muli %scan3A_16, %mul3A_1819 : i32
      %add3A_1821 = arith.constant 12 : i32
      %add3A_1822 = arith.addi %mul3A_1820, %add3A_1821 : i32
      %mul3A_1823 = arith.constant 128 : i32
      %mul3A_1824 = arith.muli %squeeze3A_1818, %mul3A_1823 : i32
      %add3A_1825 = arith.constant 0 : i32
      %add3A_1826 = arith.addi %mul3A_1824, %add3A_1825 : i32
      %get3A_1827 = arith.index_cast %add3A_1826 : i32 to index
      %get3A_1828 = tpu.vector_load %arg7[%get3A_1827] {strides = array<i32>} : memref<16384xf32, #tpu.memory_space<vmem>>, vector<16xf32>,
      %get3A_1829 = vector.shape_cast %get3A_1828 : vector<16xf32> to vector<16xf32>
      %get3A_1830 = arith.constant 0 : i32
      %get3A_1831 = tpu.memref_slice %arg5[%add3A_1822, %get3A_1830] : memref<320x128xf32, #tpu.memory_space<vmem>> -> memref<1x128xf32, #tpu.memory_space<vmem>>
      %get3A_1832 = tpu.memref_squeeze %get3A_1831 : memref<1x128xf32, #tpu.memory_space<vmem>> -> memref<128xf32, #tpu.memory_space<vmem>>
      %get3A_1833 = arith.constant 0 : index
      %get3A_1834 = tpu.vector_load %get3A_1832[%get3A_1833] {strides = array<i32>} : memref<128xf32, #tpu.memory_space<vmem>>, vector<16xf32>,
      %get3A_1835 = vector.shape_cast %get3A_1834 : vector<16xf32> to vector<16xf32>
      %max3A_1836 = arith.maximumf %get3A_1829, %get3A_1835 : vector<16xf32>
      %swap3A_1837 = arith.index_cast %add3A_1826 : i32 to index
      %swap3A_1838 = tpu.vector_load %arg7[%swap3A_1837] {strides = array<i32>} : memref<16384xf32, #tpu.memory_space<vmem>>, vector<16xf32>,
      %swap3A_1839 = vector.shape_cast %swap3A_1838 : vector<16xf32> to vector<16xf32>
      %swap3A_1840 = vector.shape_cast %max3A_1836 : vector<16xf32> to vector<16xf32>
      tpu.vector_store %arg7[%swap3A_1837], %swap3A_1840 {strides = array<i32>} : memref<16384xf32, #tpu.memory_space<vmem>>, vector<16xf32>,
      %mul3A_1841 = arith.constant 128 : i32
      %mul3A_1842 = arith.muli %squeeze3A_1818, %mul3A_1841 : i32
      %add3A_1843 = arith.constant 16 : i32
      %add3A_1844 = arith.addi %mul3A_1842, %add3A_1843 : i32
      %get3A_1845 = arith.index_cast %add3A_1844 : i32 to index
      %get3A_1846 = tpu.vector_load %arg7[%get3A_1845] {strides = array<i32>} : memref<16384xf32, #tpu.memory_space<vmem>>, vector<16xf32>,
      %get3A_1847 = vector.shape_cast %get3A_1846 : vector<16xf32> to vector<16xf32>
      %get3A_1848 = arith.constant 0 : i32
      %get3A_1849 = tpu.memref_slice %arg5[%add3A_1822, %get3A_1848] : memref<320x128xf32, #tpu.memory_space<vmem>> -> memref<1x128xf32, #tpu.memory_space<vmem>>
      %get3A_1850 = tpu.memref_squeeze %get3A_1849 : memref<1x128xf32, #tpu.memory_space<vmem>> -> memref<128xf32, #tpu.memory_space<vmem>>
      %get3A_1851 = arith.constant 16 : index
      %get3A_1852 = tpu.vector_load %get3A_1850[%get3A_1851] {strides = array<i32>} : memref<128xf32, #tpu.memory_space<vmem>>, vector<16xf32>,
      %get3A_1853 = vector.shape_cast %get3A_1852 : vector<16xf32> to vector<16xf32>
      %max3A_1854 = arith.maximumf %get3A_1847, %get3A_1853 : vector<16xf32>
      %swap3A_1855 = arith.index_cast %add3A_1844 : i32 to index
      %swap3A_1856 = tpu.vector_load %arg7[%swap3A_1855] {strides = array<i32>} : memref<16384xf32, #tpu.memory_space<vmem>>, vector<16xf32>,
      %swap3A_1857 = vector.shape_cast %swap3A_1856 : vector<16xf32> to vector<16xf32>
      %swap3A_1858 = vector.shape_cast %max3A_1854 : vector<16xf32> to vector<16xf32>
      tpu.vector_store %arg7[%swap3A_1855], %swap3A_1858 {strides = array<i32>} : memref<16384xf32, #tpu.memory_space<vmem>>, vector<16xf32>,
      %mul3A_1859 = arith.constant 128 : i32
      %mul3A_1860 = arith.muli %squeeze3A_1818, %mul3A_1859 : i32
      %add3A_1861 = arith.constant 32 : i32
      %add3A_1862 = arith.addi %mul3A_1860, %add3A_1861 : i32
      %get3A_1863 = arith.index_cast %add3A_1862 : i32 to index
      %get3A_1864 = tpu.vector_load %arg7[%get3A_1863] {strides = array<i32>} : memref<16384xf32, #tpu.memory_space<vmem>>, vector<16xf32>,
      %get3A_1865 = vector.shape_cast %get3A_1864 : vector<16xf32> to vector<16xf32>
      %get3A_1866 = arith.constant 0 : i32
      %get3A_1867 = tpu.memref_slice %arg5[%add3A_1822, %get3A_1866] : memref<320x128xf32, #tpu.memory_space<vmem>> -> memref<1x128xf32, #tpu.memory_space<vmem>>
      %get3A_1868 = tpu.memref_squeeze %get3A_1867 : memref<1x128xf32, #tpu.memory_space<vmem>> -> memref<128xf32, #tpu.memory_space<vmem>>
      %get3A_1869 = arith.constant 32 : index
      %get3A_1870 = tpu.vector_load %get3A_1868[%get3A_1869] {strides = array<i32>} : memref<128xf32, #tpu.memory_space<vmem>>, vector<16xf32>,
      %get3A_1871 = vector.shape_cast %get3A_1870 : vector<16xf32> to vector<16xf32>
      %max3A_1872 = arith.maximumf %get3A_1865, %get3A_1871 : vector<16xf32>
      %swap3A_1873 = arith.index_cast %add3A_1862 : i32 to index
      %swap3A_1874 = tpu.vector_load %arg7[%swap3A_1873] {strides = array<i32>} : memref<16384xf32, #tpu.memory_space<vmem>>, vector<16xf32>,
      %swap3A_1875 = vector.shape_cast %swap3A_1874 : vector<16xf32> to vector<16xf32>
      %swap3A_1876 = vector.shape_cast %max3A_1872 : vector<16xf32> to vector<16xf32>
      tpu.vector_store %arg7[%swap3A_1873], %swap3A_1876 {strides = array<i32>} : memref<16384xf32, #tpu.memory_space<vmem>>, vector<16xf32>,
      %mul3A_1877 = arith.constant 128 : i32
      %mul3A_1878 = arith.muli %squeeze3A_1818, %mul3A_1877 : i32
      %add3A_1879 = arith.constant 48 : i32
      %add3A_1880 = arith.addi %mul3A_1878, %add3A_1879 : i32
      %get3A_1881 = arith.index_cast %add3A_1880 : i32 to index
      %get3A_1882 = tpu.vector_load %arg7[%get3A_1881] {strides = array<i32>} : memref<16384xf32, #tpu.memory_space<vmem>>, vector<16xf32>,
      %get3A_1883 = vector.shape_cast %get3A_1882 : vector<16xf32> to vector<16xf32>
      %get3A_1884 = arith.constant 0 : i32
      %get3A_1885 = tpu.memref_slice %arg5[%add3A_1822, %get3A_1884] : memref<320x128xf32, #tpu.memory_space<vmem>> -> memref<1x128xf32, #tpu.memory_space<vmem>>
      %get3A_1886 = tpu.memref_squeeze %get3A_1885 : memref<1x128xf32, #tpu.memory_space<vmem>> -> memref<128xf32, #tpu.memory_space<vmem>>
      %get3A_1887 = arith.constant 48 : index
      %get3A_1888 = tpu.vector_load %get3A_1886[%get3A_1887] {strides = array<i32>} : memref<128xf32, #tpu.memory_space<vmem>>, vector<16xf32>,
      %get3A_1889 = vector.shape_cast %get3A_1888 : vector<16xf32> to vector<16xf32>
      %max3A_1890 = arith.maximumf %get3A_1883, %get3A_1889 : vector<16xf32>
      %swap3A_1891 = arith.index_cast %add3A_1880 : i32 to index
      %swap3A_1892 = tpu.vector_load %arg7[%swap3A_1891] {strides = array<i32>} : memref<16384xf32, #tpu.memory_space<vmem>>, vector<16xf32>,
      %swap3A_1893 = vector.shape_cast %swap3A_1892 : vector<16xf32> to vector<16xf32>
      %swap3A_1894 = vector.shape_cast %max3A_1890 : vector<16xf32> to vector<16xf32>
      tpu.vector_store %arg7[%swap3A_1891], %swap3A_1894 {strides = array<i32>} : memref<16384xf32, #tpu.memory_space<vmem>>, vector<16xf32>,
      %mul3A_1895 = arith.constant 128 : i32
      %mul3A_1896 = arith.muli %squeeze3A_1818, %mul3A_1895 : i32
      %add3A_1897 = arith.constant 64 : i32
      %add3A_1898 = arith.addi %mul3A_1896, %add3A_1897 : i32
      %get3A_1899 = arith.index_cast %add3A_1898 : i32 to index
      %get3A_1900 = tpu.vector_load %arg7[%get3A_1899] {strides = array<i32>} : memref<16384xf32, #tpu.memory_space<vmem>>, vector<16xf32>,
      %get3A_1901 = vector.shape_cast %get3A_1900 : vector<16xf32> to vector<16xf32>
      %get3A_1902 = arith.constant 0 : i32
      %get3A_1903 = tpu.memref_slice %arg5[%add3A_1822, %get3A_1902] : memref<320x128xf32, #tpu.memory_space<vmem>> -> memref<1x128xf32, #tpu.memory_space<vmem>>
      %get3A_1904 = tpu.memref_squeeze %get3A_1903 : memref<1x128xf32, #tpu.memory_space<vmem>> -> memref<128xf32, #tpu.memory_space<vmem>>
      %get3A_1905 = arith.constant 64 : index
      %get3A_1906 = tpu.vector_load %get3A_1904[%get3A_1905] {strides = array<i32>} : memref<128xf32, #tpu.memory_space<vmem>>, vector<16xf32>,
      %get3A_1907 = vector.shape_cast %get3A_1906 : vector<16xf32> to vector<16xf32>
      %max3A_1908 = arith.maximumf %get3A_1901, %get3A_1907 : vector<16xf32>
      %swap3A_1909 = arith.index_cast %add3A_1898 : i32 to index
      %swap3A_1910 = tpu.vector_load %arg7[%swap3A_1909] {strides = array<i32>} : memref<16384xf32, #tpu.memory_space<vmem>>, vector<16xf32>,
      %swap3A_1911 = vector.shape_cast %swap3A_1910 : vector<16xf32> to vector<16xf32>
      %swap3A_1912 = vector.shape_cast %max3A_1908 : vector<16xf32> to vector<16xf32>
      tpu.vector_store %arg7[%swap3A_1909], %swap3A_1912 {strides = array<i32>} : memref<16384xf32, #tpu.memory_space<vmem>>, vector<16xf32>,
      %mul3A_1913 = arith.constant 128 : i32
      %mul3A_1914 = arith.muli %squeeze3A_1818, %mul3A_1913 : i32
      %add3A_1915 = arith.constant 80 : i32
      %add3A_1916 = arith.addi %mul3A_1914, %add3A_1915 : i32
      %get3A_1917 = arith.index_cast %add3A_1916 : i32 to index
      %get3A_1918 = tpu.vector_load %arg7[%get3A_1917] {strides = array<i32>} : memref<16384xf32, #tpu.memory_space<vmem>>, vector<16xf32>,
      %get3A_1919 = vector.shape_cast %get3A_1918 : vector<16xf32> to vector<16xf32>
      %get3A_1920 = arith.constant 0 : i32
      %get3A_1921 = tpu.memref_slice %arg5[%add3A_1822, %get3A_1920] : memref<320x128xf32, #tpu.memory_space<vmem>> -> memref<1x128xf32, #tpu.memory_space<vmem>>
      %get3A_1922 = tpu.memref_squeeze %get3A_1921 : memref<1x128xf32, #tpu.memory_space<vmem>> -> memref<128xf32, #tpu.memory_space<vmem>>
      %get3A_1923 = arith.constant 80 : index
      %get3A_1924 = tpu.vector_load %get3A_1922[%get3A_1923] {strides = array<i32>} : memref<128xf32, #tpu.memory_space<vmem>>, vector<16xf32>,
      %get3A_1925 = vector.shape_cast %get3A_1924 : vector<16xf32> to vector<16xf32>
      %max3A_1926 = arith.maximumf %get3A_1919, %get3A_1925 : vector<16xf32>
      %swap3A_1927 = arith.index_cast %add3A_1916 : i32 to index
      %swap3A_1928 = tpu.vector_load %arg7[%swap3A_1927] {strides = array<i32>} : memref<16384xf32, #tpu.memory_space<vmem>>, vector<16xf32>,
      %swap3A_1929 = vector.shape_cast %swap3A_1928 : vector<16xf32> to vector<16xf32>
      %swap3A_1930 = vector.shape_cast %max3A_1926 : vector<16xf32> to vector<16xf32>
      tpu.vector_store %arg7[%swap3A_1927], %swap3A_1930 {strides = array<i32>} : memref<16384xf32, #tpu.memory_space<vmem>>, vector<16xf32>,
      %mul3A_1931 = arith.constant 128 : i32
      %mul3A_1932 = arith.muli %squeeze3A_1818, %mul3A_1931 : i32
      %add3A_1933 = arith.constant 96 : i32
      %add3A_1934 = arith.addi %mul3A_1932, %add3A_1933 : i32
      %get3A_1935 = arith.index_cast %add3A_1934 : i32 to index
      %get3A_1936 = tpu.vector_load %arg7[%get3A_1935] {strides = array<i32>} : memref<16384xf32, #tpu.memory_space<vmem>>, vector<16xf32>,
      %get3A_1937 = vector.shape_cast %get3A_1936 : vector<16xf32> to vector<16xf32>
      %get3A_1938 = arith.constant 0 : i32
      %get3A_1939 = tpu.memref_slice %arg5[%add3A_1822, %get3A_1938] : memref<320x128xf32, #tpu.memory_space<vmem>> -> memref<1x128xf32, #tpu.memory_space<vmem>>
      %get3A_1940 = tpu.memref_squeeze %get3A_1939 : memref<1x128xf32, #tpu.memory_space<vmem>> -> memref<128xf32, #tpu.memory_space<vmem>>
      %get3A_1941 = arith.constant 96 : index
      %get3A_1942 = tpu.vector_load %get3A_1940[%get3A_1941] {strides = array<i32>} : memref<128xf32, #tpu.memory_space<vmem>>, vector<16xf32>,
      %get3A_1943 = vector.shape_cast %get3A_1942 : vector<16xf32> to vector<16xf32>
      %max3A_1944 = arith.maximumf %get3A_1937, %get3A_1943 : vector<16xf32>
      %swap3A_1945 = arith.index_cast %add3A_1934 : i32 to index
      %swap3A_1946 = tpu.vector_load %arg7[%swap3A_1945] {strides = array<i32>} : memref<16384xf32, #tpu.memory_space<vmem>>, vector<16xf32>,
      %swap3A_1947 = vector.shape_cast %swap3A_1946 : vector<16xf32> to vector<16xf32>
      %swap3A_1948 = vector.shape_cast %max3A_1944 : vector<16xf32> to vector<16xf32>
      tpu.vector_store %arg7[%swap3A_1945], %swap3A_1948 {strides = array<i32>} : memref<16384xf32, #tpu.memory_space<vmem>>, vector<16xf32>,
      %mul3A_1949 = arith.constant 128 : i32
      %mul3A_1950 = arith.muli %squeeze3A_1818, %mul3A_1949 : i32
      %add3A_1951 = arith.constant 112 : i32
      %add3A_1952 = arith.addi %mul3A_1950, %add3A_1951 : i32
      %get3A_1953 = arith.index_cast %add3A_1952 : i32 to index
      %get3A_1954 = tpu.vector_load %arg7[%get3A_1953] {strides = array<i32>} : memref<16384xf32, #tpu.memory_space<vmem>>, vector<16xf32>,
      %get3A_1955 = vector.shape_cast %get3A_1954 : vector<16xf32> to vector<16xf32>
      %get3A_1956 = arith.constant 0 : i32
      %get3A_1957 = tpu.memref_slice %arg5[%add3A_1822, %get3A_1956] : memref<320x128xf32, #tpu.memory_space<vmem>> -> memref<1x128xf32, #tpu.memory_space<vmem>>
      %get3A_1958 = tpu.memref_squeeze %get3A_1957 : memref<1x128xf32, #tpu.memory_space<vmem>> -> memref<128xf32, #tpu.memory_space<vmem>>
      %get3A_1959 = arith.constant 112 : index
      %get3A_1960 = tpu.vector_load %get3A_1958[%get3A_1959] {strides = array<i32>} : memref<128xf32, #tpu.memory_space<vmem>>, vector<16xf32>,
      %get3A_1961 = vector.shape_cast %get3A_1960 : vector<16xf32> to vector<16xf32>
      %max3A_1962 = arith.maximumf %get3A_1955, %get3A_1961 : vector<16xf32>
      %swap3A_1963 = arith.index_cast %add3A_1952 : i32 to index
      %swap3A_1964 = tpu.vector_load %arg7[%swap3A_1963] {strides = array<i32>} : memref<16384xf32, #tpu.memory_space<vmem>>, vector<16xf32>,
      %swap3A_1965 = vector.shape_cast %swap3A_1964 : vector<16xf32> to vector<16xf32>
      %swap3A_1966 = vector.shape_cast %max3A_1962 : vector<16xf32> to vector<16xf32>
      tpu.vector_store %arg7[%swap3A_1963], %swap3A_1966 {strides = array<i32>} : memref<16384xf32, #tpu.memory_space<vmem>>, vector<16xf32>,
      %slice3A_1967 = vector.extract_strided_slice %get3A_20 {offsets = [13], sizes = [1], strides = [1]} : vector<16xi32> to vector<1xi32>
      %squeeze3A_1968 = vector.extract %slice3A_1967[0] : i32 from vector<1xi32>
      %mul3A_1969 = arith.constant 16 : i32
      %mul3A_1970 = arith.muli %scan3A_16, %mul3A_1969 : i32
      %add3A_1971 = arith.constant 13 : i32
      %add3A_1972 = arith.addi %mul3A_1970, %add3A_1971 : i32
      %mul3A_1973 = arith.constant 128 : i32
      %mul3A_1974 = arith.muli %squeeze3A_1968, %mul3A_1973 : i32
      %add3A_1975 = arith.constant 0 : i32
      %add3A_1976 = arith.addi %mul3A_1974, %add3A_1975 : i32
      %get3A_1977 = arith.index_cast %add3A_1976 : i32 to index
      %get3A_1978 = tpu.vector_load %arg7[%get3A_1977] {strides = array<i32>} : memref<16384xf32, #tpu.memory_space<vmem>>, vector<16xf32>,
      %get3A_1979 = vector.shape_cast %get3A_1978 : vector<16xf32> to vector<16xf32>
      %get3A_1980 = arith.constant 0 : i32
      %get3A_1981 = tpu.memref_slice %arg5[%add3A_1972, %get3A_1980] : memref<320x128xf32, #tpu.memory_space<vmem>> -> memref<1x128xf32, #tpu.memory_space<vmem>>
      %get3A_1982 = tpu.memref_squeeze %get3A_1981 : memref<1x128xf32, #tpu.memory_space<vmem>> -> memref<128xf32, #tpu.memory_space<vmem>>
      %get3A_1983 = arith.constant 0 : index
      %get3A_1984 = tpu.vector_load %get3A_1982[%get3A_1983] {strides = array<i32>} : memref<128xf32, #tpu.memory_space<vmem>>, vector<16xf32>,
      %get3A_1985 = vector.shape_cast %get3A_1984 : vector<16xf32> to vector<16xf32>
      %max3A_1986 = arith.maximumf %get3A_1979, %get3A_1985 : vector<16xf32>
      %swap3A_1987 = arith.index_cast %add3A_1976 : i32 to index
      %swap3A_1988 = tpu.vector_load %arg7[%swap3A_1987] {strides = array<i32>} : memref<16384xf32, #tpu.memory_space<vmem>>, vector<16xf32>,
      %swap3A_1989 = vector.shape_cast %swap3A_1988 : vector<16xf32> to vector<16xf32>
      %swap3A_1990 = vector.shape_cast %max3A_1986 : vector<16xf32> to vector<16xf32>
      tpu.vector_store %arg7[%swap3A_1987], %swap3A_1990 {strides = array<i32>} : memref<16384xf32, #tpu.memory_space<vmem>>, vector<16xf32>,
      %mul3A_1991 = arith.constant 128 : i32
      %mul3A_1992 = arith.muli %squeeze3A_1968, %mul3A_1991 : i32
      %add3A_1993 = arith.constant 16 : i32
      %add3A_1994 = arith.addi %mul3A_1992, %add3A_1993 : i32
      %get3A_1995 = arith.index_cast %add3A_1994 : i32 to index
      %get3A_1996 = tpu.vector_load %arg7[%get3A_1995] {strides = array<i32>} : memref<16384xf32, #tpu.memory_space<vmem>>, vector<16xf32>,
      %get3A_1997 = vector.shape_cast %get3A_1996 : vector<16xf32> to vector<16xf32>
      %get3A_1998 = arith.constant 0 : i32
      %get3A_1999 = tpu.memref_slice %arg5[%add3A_1972, %get3A_1998] : memref<320x128xf32, #tpu.memory_space<vmem>> -> memref<1x128xf32, #tpu.memory_space<vmem>>
      %get3A_2000 = tpu.memref_squeeze %get3A_1999 : memref<1x128xf32, #tpu.memory_space<vmem>> -> memref<128xf32, #tpu.memory_space<vmem>>
      %get3A_2001 = arith.constant 16 : index
      %get3A_2002 = tpu.vector_load %get3A_2000[%get3A_2001] {strides = array<i32>} : memref<128xf32, #tpu.memory_space<vmem>>, vector<16xf32>,
      %get3A_2003 = vector.shape_cast %get3A_2002 : vector<16xf32> to vector<16xf32>
      %max3A_2004 = arith.maximumf %get3A_1997, %get3A_2003 : vector<16xf32>
      %swap3A_2005 = arith.index_cast %add3A_1994 : i32 to index
      %swap3A_2006 = tpu.vector_load %arg7[%swap3A_2005] {strides = array<i32>} : memref<16384xf32, #tpu.memory_space<vmem>>, vector<16xf32>,
      %swap3A_2007 = vector.shape_cast %swap3A_2006 : vector<16xf32> to vector<16xf32>
      %swap3A_2008 = vector.shape_cast %max3A_2004 : vector<16xf32> to vector<16xf32>
      tpu.vector_store %arg7[%swap3A_2005], %swap3A_2008 {strides = array<i32>} : memref<16384xf32, #tpu.memory_space<vmem>>, vector<16xf32>,
      %mul3A_2009 = arith.constant 128 : i32
      %mul3A_2010 = arith.muli %squeeze3A_1968, %mul3A_2009 : i32
      %add3A_2011 = arith.constant 32 : i32
      %add3A_2012 = arith.addi %mul3A_2010, %add3A_2011 : i32
      %get3A_2013 = arith.index_cast %add3A_2012 : i32 to index
      %get3A_2014 = tpu.vector_load %arg7[%get3A_2013] {strides = array<i32>} : memref<16384xf32, #tpu.memory_space<vmem>>, vector<16xf32>,
      %get3A_2015 = vector.shape_cast %get3A_2014 : vector<16xf32> to vector<16xf32>
      %get3A_2016 = arith.constant 0 : i32
      %get3A_2017 = tpu.memref_slice %arg5[%add3A_1972, %get3A_2016] : memref<320x128xf32, #tpu.memory_space<vmem>> -> memref<1x128xf32, #tpu.memory_space<vmem>>
      %get3A_2018 = tpu.memref_squeeze %get3A_2017 : memref<1x128xf32, #tpu.memory_space<vmem>> -> memref<128xf32, #tpu.memory_space<vmem>>
      %get3A_2019 = arith.constant 32 : index
      %get3A_2020 = tpu.vector_load %get3A_2018[%get3A_2019] {strides = array<i32>} : memref<128xf32, #tpu.memory_space<vmem>>, vector<16xf32>,
      %get3A_2021 = vector.shape_cast %get3A_2020 : vector<16xf32> to vector<16xf32>
      %max3A_2022 = arith.maximumf %get3A_2015, %get3A_2021 : vector<16xf32>
      %swap3A_2023 = arith.index_cast %add3A_2012 : i32 to index
      %swap3A_2024 = tpu.vector_load %arg7[%swap3A_2023] {strides = array<i32>} : memref<16384xf32, #tpu.memory_space<vmem>>, vector<16xf32>,
      %swap3A_2025 = vector.shape_cast %swap3A_2024 : vector<16xf32> to vector<16xf32>
      %swap3A_2026 = vector.shape_cast %max3A_2022 : vector<16xf32> to vector<16xf32>
      tpu.vector_store %arg7[%swap3A_2023], %swap3A_2026 {strides = array<i32>} : memref<16384xf32, #tpu.memory_space<vmem>>, vector<16xf32>,
      %mul3A_2027 = arith.constant 128 : i32
      %mul3A_2028 = arith.muli %squeeze3A_1968, %mul3A_2027 : i32
      %add3A_2029 = arith.constant 48 : i32
      %add3A_2030 = arith.addi %mul3A_2028, %add3A_2029 : i32
      %get3A_2031 = arith.index_cast %add3A_2030 : i32 to index
      %get3A_2032 = tpu.vector_load %arg7[%get3A_2031] {strides = array<i32>} : memref<16384xf32, #tpu.memory_space<vmem>>, vector<16xf32>,
      %get3A_2033 = vector.shape_cast %get3A_2032 : vector<16xf32> to vector<16xf32>
      %get3A_2034 = arith.constant 0 : i32
      %get3A_2035 = tpu.memref_slice %arg5[%add3A_1972, %get3A_2034] : memref<320x128xf32, #tpu.memory_space<vmem>> -> memref<1x128xf32, #tpu.memory_space<vmem>>
      %get3A_2036 = tpu.memref_squeeze %get3A_2035 : memref<1x128xf32, #tpu.memory_space<vmem>> -> memref<128xf32, #tpu.memory_space<vmem>>
      %get3A_2037 = arith.constant 48 : index
      %get3A_2038 = tpu.vector_load %get3A_2036[%get3A_2037] {strides = array<i32>} : memref<128xf32, #tpu.memory_space<vmem>>, vector<16xf32>,
      %get3A_2039 = vector.shape_cast %get3A_2038 : vector<16xf32> to vector<16xf32>
      %max3A_2040 = arith.maximumf %get3A_2033, %get3A_2039 : vector<16xf32>
      %swap3A_2041 = arith.index_cast %add3A_2030 : i32 to index
      %swap3A_2042 = tpu.vector_load %arg7[%swap3A_2041] {strides = array<i32>} : memref<16384xf32, #tpu.memory_space<vmem>>, vector<16xf32>,
      %swap3A_2043 = vector.shape_cast %swap3A_2042 : vector<16xf32> to vector<16xf32>
      %swap3A_2044 = vector.shape_cast %max3A_2040 : vector<16xf32> to vector<16xf32>
      tpu.vector_store %arg7[%swap3A_2041], %swap3A_2044 {strides = array<i32>} : memref<16384xf32, #tpu.memory_space<vmem>>, vector<16xf32>,
      %mul3A_2045 = arith.constant 128 : i32
      %mul3A_2046 = arith.muli %squeeze3A_1968, %mul3A_2045 : i32
      %add3A_2047 = arith.constant 64 : i32
      %add3A_2048 = arith.addi %mul3A_2046, %add3A_2047 : i32
      %get3A_2049 = arith.index_cast %add3A_2048 : i32 to index
      %get3A_2050 = tpu.vector_load %arg7[%get3A_2049] {strides = array<i32>} : memref<16384xf32, #tpu.memory_space<vmem>>, vector<16xf32>,
      %get3A_2051 = vector.shape_cast %get3A_2050 : vector<16xf32> to vector<16xf32>
      %get3A_2052 = arith.constant 0 : i32
      %get3A_2053 = tpu.memref_slice %arg5[%add3A_1972, %get3A_2052] : memref<320x128xf32, #tpu.memory_space<vmem>> -> memref<1x128xf32, #tpu.memory_space<vmem>>
      %get3A_2054 = tpu.memref_squeeze %get3A_2053 : memref<1x128xf32, #tpu.memory_space<vmem>> -> memref<128xf32, #tpu.memory_space<vmem>>
      %get3A_2055 = arith.constant 64 : index
      %get3A_2056 = tpu.vector_load %get3A_2054[%get3A_2055] {strides = array<i32>} : memref<128xf32, #tpu.memory_space<vmem>>, vector<16xf32>,
      %get3A_2057 = vector.shape_cast %get3A_2056 : vector<16xf32> to vector<16xf32>
      %max3A_2058 = arith.maximumf %get3A_2051, %get3A_2057 : vector<16xf32>
      %swap3A_2059 = arith.index_cast %add3A_2048 : i32 to index
      %swap3A_2060 = tpu.vector_load %arg7[%swap3A_2059] {strides = array<i32>} : memref<16384xf32, #tpu.memory_space<vmem>>, vector<16xf32>,
      %swap3A_2061 = vector.shape_cast %swap3A_2060 : vector<16xf32> to vector<16xf32>
      %swap3A_2062 = vector.shape_cast %max3A_2058 : vector<16xf32> to vector<16xf32>
      tpu.vector_store %arg7[%swap3A_2059], %swap3A_2062 {strides = array<i32>} : memref<16384xf32, #tpu.memory_space<vmem>>, vector<16xf32>,
      %mul3A_2063 = arith.constant 128 : i32
      %mul3A_2064 = arith.muli %squeeze3A_1968, %mul3A_2063 : i32
      %add3A_2065 = arith.constant 80 : i32
      %add3A_2066 = arith.addi %mul3A_2064, %add3A_2065 : i32
      %get3A_2067 = arith.index_cast %add3A_2066 : i32 to index
      %get3A_2068 = tpu.vector_load %arg7[%get3A_2067] {strides = array<i32>} : memref<16384xf32, #tpu.memory_space<vmem>>, vector<16xf32>,
      %get3A_2069 = vector.shape_cast %get3A_2068 : vector<16xf32> to vector<16xf32>
      %get3A_2070 = arith.constant 0 : i32
      %get3A_2071 = tpu.memref_slice %arg5[%add3A_1972, %get3A_2070] : memref<320x128xf32, #tpu.memory_space<vmem>> -> memref<1x128xf32, #tpu.memory_space<vmem>>
      %get3A_2072 = tpu.memref_squeeze %get3A_2071 : memref<1x128xf32, #tpu.memory_space<vmem>> -> memref<128xf32, #tpu.memory_space<vmem>>
      %get3A_2073 = arith.constant 80 : index
      %get3A_2074 = tpu.vector_load %get3A_2072[%get3A_2073] {strides = array<i32>} : memref<128xf32, #tpu.memory_space<vmem>>, vector<16xf32>,
      %get3A_2075 = vector.shape_cast %get3A_2074 : vector<16xf32> to vector<16xf32>
      %max3A_2076 = arith.maximumf %get3A_2069, %get3A_2075 : vector<16xf32>
      %swap3A_2077 = arith.index_cast %add3A_2066 : i32 to index
      %swap3A_2078 = tpu.vector_load %arg7[%swap3A_2077] {strides = array<i32>} : memref<16384xf32, #tpu.memory_space<vmem>>, vector<16xf32>,
      %swap3A_2079 = vector.shape_cast %swap3A_2078 : vector<16xf32> to vector<16xf32>
      %swap3A_2080 = vector.shape_cast %max3A_2076 : vector<16xf32> to vector<16xf32>
      tpu.vector_store %arg7[%swap3A_2077], %swap3A_2080 {strides = array<i32>} : memref<16384xf32, #tpu.memory_space<vmem>>, vector<16xf32>,
      %mul3A_2081 = arith.constant 128 : i32
      %mul3A_2082 = arith.muli %squeeze3A_1968, %mul3A_2081 : i32
      %add3A_2083 = arith.constant 96 : i32
      %add3A_2084 = arith.addi %mul3A_2082, %add3A_2083 : i32
      %get3A_2085 = arith.index_cast %add3A_2084 : i32 to index
      %get3A_2086 = tpu.vector_load %arg7[%get3A_2085] {strides = array<i32>} : memref<16384xf32, #tpu.memory_space<vmem>>, vector<16xf32>,
      %get3A_2087 = vector.shape_cast %get3A_2086 : vector<16xf32> to vector<16xf32>
      %get3A_2088 = arith.constant 0 : i32
      %get3A_2089 = tpu.memref_slice %arg5[%add3A_1972, %get3A_2088] : memref<320x128xf32, #tpu.memory_space<vmem>> -> memref<1x128xf32, #tpu.memory_space<vmem>>
      %get3A_2090 = tpu.memref_squeeze %get3A_2089 : memref<1x128xf32, #tpu.memory_space<vmem>> -> memref<128xf32, #tpu.memory_space<vmem>>
      %get3A_2091 = arith.constant 96 : index
      %get3A_2092 = tpu.vector_load %get3A_2090[%get3A_2091] {strides = array<i32>} : memref<128xf32, #tpu.memory_space<vmem>>, vector<16xf32>,
      %get3A_2093 = vector.shape_cast %get3A_2092 : vector<16xf32> to vector<16xf32>
      %max3A_2094 = arith.maximumf %get3A_2087, %get3A_2093 : vector<16xf32>
      %swap3A_2095 = arith.index_cast %add3A_2084 : i32 to index
      %swap3A_2096 = tpu.vector_load %arg7[%swap3A_2095] {strides = array<i32>} : memref<16384xf32, #tpu.memory_space<vmem>>, vector<16xf32>,
      %swap3A_2097 = vector.shape_cast %swap3A_2096 : vector<16xf32> to vector<16xf32>
      %swap3A_2098 = vector.shape_cast %max3A_2094 : vector<16xf32> to vector<16xf32>
      tpu.vector_store %arg7[%swap3A_2095], %swap3A_2098 {strides = array<i32>} : memref<16384xf32, #tpu.memory_space<vmem>>, vector<16xf32>,
      %mul3A_2099 = arith.constant 128 : i32
      %mul3A_2100 = arith.muli %squeeze3A_1968, %mul3A_2099 : i32
      %add3A_2101 = arith.constant 112 : i32
      %add3A_2102 = arith.addi %mul3A_2100, %add3A_2101 : i32
      %get3A_2103 = arith.index_cast %add3A_2102 : i32 to index
      %get3A_2104 = tpu.vector_load %arg7[%get3A_2103] {strides = array<i32>} : memref<16384xf32, #tpu.memory_space<vmem>>, vector<16xf32>,
      %get3A_2105 = vector.shape_cast %get3A_2104 : vector<16xf32> to vector<16xf32>
      %get3A_2106 = arith.constant 0 : i32
      %get3A_2107 = tpu.memref_slice %arg5[%add3A_1972, %get3A_2106] : memref<320x128xf32, #tpu.memory_space<vmem>> -> memref<1x128xf32, #tpu.memory_space<vmem>>
      %get3A_2108 = tpu.memref_squeeze %get3A_2107 : memref<1x128xf32, #tpu.memory_space<vmem>> -> memref<128xf32, #tpu.memory_space<vmem>>
      %get3A_2109 = arith.constant 112 : index
      %get3A_2110 = tpu.vector_load %get3A_2108[%get3A_2109] {strides = array<i32>} : memref<128xf32, #tpu.memory_space<vmem>>, vector<16xf32>,
      %get3A_2111 = vector.shape_cast %get3A_2110 : vector<16xf32> to vector<16xf32>
      %max3A_2112 = arith.maximumf %get3A_2105, %get3A_2111 : vector<16xf32>
      %swap3A_2113 = arith.index_cast %add3A_2102 : i32 to index
      %swap3A_2114 = tpu.vector_load %arg7[%swap3A_2113] {strides = array<i32>} : memref<16384xf32, #tpu.memory_space<vmem>>, vector<16xf32>,
      %swap3A_2115 = vector.shape_cast %swap3A_2114 : vector<16xf32> to vector<16xf32>
      %swap3A_2116 = vector.shape_cast %max3A_2112 : vector<16xf32> to vector<16xf32>
      tpu.vector_store %arg7[%swap3A_2113], %swap3A_2116 {strides = array<i32>} : memref<16384xf32, #tpu.memory_space<vmem>>, vector<16xf32>,
      %slice3A_2117 = vector.extract_strided_slice %get3A_20 {offsets = [14], sizes = [1], strides = [1]} : vector<16xi32> to vector<1xi32>
      %squeeze3A_2118 = vector.extract %slice3A_2117[0] : i32 from vector<1xi32>
      %mul3A_2119 = arith.constant 16 : i32
      %mul3A_2120 = arith.muli %scan3A_16, %mul3A_2119 : i32
      %add3A_2121 = arith.constant 14 : i32
      %add3A_2122 = arith.addi %mul3A_2120, %add3A_2121 : i32
      %mul3A_2123 = arith.constant 128 : i32
      %mul3A_2124 = arith.muli %squeeze3A_2118, %mul3A_2123 : i32
      %add3A_2125 = arith.constant 0 : i32
      %add3A_2126 = arith.addi %mul3A_2124, %add3A_2125 : i32
      %get3A_2127 = arith.index_cast %add3A_2126 : i32 to index
      %get3A_2128 = tpu.vector_load %arg7[%get3A_2127] {strides = array<i32>} : memref<16384xf32, #tpu.memory_space<vmem>>, vector<16xf32>,
      %get3A_2129 = vector.shape_cast %get3A_2128 : vector<16xf32> to vector<16xf32>
      %get3A_2130 = arith.constant 0 : i32
      %get3A_2131 = tpu.memref_slice %arg5[%add3A_2122, %get3A_2130] : memref<320x128xf32, #tpu.memory_space<vmem>> -> memref<1x128xf32, #tpu.memory_space<vmem>>
      %get3A_2132 = tpu.memref_squeeze %get3A_2131 : memref<1x128xf32, #tpu.memory_space<vmem>> -> memref<128xf32, #tpu.memory_space<vmem>>
      %get3A_2133 = arith.constant 0 : index
      %get3A_2134 = tpu.vector_load %get3A_2132[%get3A_2133] {strides = array<i32>} : memref<128xf32, #tpu.memory_space<vmem>>, vector<16xf32>,
      %get3A_2135 = vector.shape_cast %get3A_2134 : vector<16xf32> to vector<16xf32>
      %max3A_2136 = arith.maximumf %get3A_2129, %get3A_2135 : vector<16xf32>
      %swap3A_2137 = arith.index_cast %add3A_2126 : i32 to index
      %swap3A_2138 = tpu.vector_load %arg7[%swap3A_2137] {strides = array<i32>} : memref<16384xf32, #tpu.memory_space<vmem>>, vector<16xf32>,
      %swap3A_2139 = vector.shape_cast %swap3A_2138 : vector<16xf32> to vector<16xf32>
      %swap3A_2140 = vector.shape_cast %max3A_2136 : vector<16xf32> to vector<16xf32>
      tpu.vector_store %arg7[%swap3A_2137], %swap3A_2140 {strides = array<i32>} : memref<16384xf32, #tpu.memory_space<vmem>>, vector<16xf32>,
      %mul3A_2141 = arith.constant 128 : i32
      %mul3A_2142 = arith.muli %squeeze3A_2118, %mul3A_2141 : i32
      %add3A_2143 = arith.constant 16 : i32
      %add3A_2144 = arith.addi %mul3A_2142, %add3A_2143 : i32
      %get3A_2145 = arith.index_cast %add3A_2144 : i32 to index
      %get3A_2146 = tpu.vector_load %arg7[%get3A_2145] {strides = array<i32>} : memref<16384xf32, #tpu.memory_space<vmem>>, vector<16xf32>,
      %get3A_2147 = vector.shape_cast %get3A_2146 : vector<16xf32> to vector<16xf32>
      %get3A_2148 = arith.constant 0 : i32
      %get3A_2149 = tpu.memref_slice %arg5[%add3A_2122, %get3A_2148] : memref<320x128xf32, #tpu.memory_space<vmem>> -> memref<1x128xf32, #tpu.memory_space<vmem>>
      %get3A_2150 = tpu.memref_squeeze %get3A_2149 : memref<1x128xf32, #tpu.memory_space<vmem>> -> memref<128xf32, #tpu.memory_space<vmem>>
      %get3A_2151 = arith.constant 16 : index
      %get3A_2152 = tpu.vector_load %get3A_2150[%get3A_2151] {strides = array<i32>} : memref<128xf32, #tpu.memory_space<vmem>>, vector<16xf32>,
      %get3A_2153 = vector.shape_cast %get3A_2152 : vector<16xf32> to vector<16xf32>
      %max3A_2154 = arith.maximumf %get3A_2147, %get3A_2153 : vector<16xf32>
      %swap3A_2155 = arith.index_cast %add3A_2144 : i32 to index
      %swap3A_2156 = tpu.vector_load %arg7[%swap3A_2155] {strides = array<i32>} : memref<16384xf32, #tpu.memory_space<vmem>>, vector<16xf32>,
      %swap3A_2157 = vector.shape_cast %swap3A_2156 : vector<16xf32> to vector<16xf32>
      %swap3A_2158 = vector.shape_cast %max3A_2154 : vector<16xf32> to vector<16xf32>
      tpu.vector_store %arg7[%swap3A_2155], %swap3A_2158 {strides = array<i32>} : memref<16384xf32, #tpu.memory_space<vmem>>, vector<16xf32>,
      %mul3A_2159 = arith.constant 128 : i32
      %mul3A_2160 = arith.muli %squeeze3A_2118, %mul3A_2159 : i32
      %add3A_2161 = arith.constant 32 : i32
      %add3A_2162 = arith.addi %mul3A_2160, %add3A_2161 : i32
      %get3A_2163 = arith.index_cast %add3A_2162 : i32 to index
      %get3A_2164 = tpu.vector_load %arg7[%get3A_2163] {strides = array<i32>} : memref<16384xf32, #tpu.memory_space<vmem>>, vector<16xf32>,
      %get3A_2165 = vector.shape_cast %get3A_2164 : vector<16xf32> to vector<16xf32>
      %get3A_2166 = arith.constant 0 : i32
      %get3A_2167 = tpu.memref_slice %arg5[%add3A_2122, %get3A_2166] : memref<320x128xf32, #tpu.memory_space<vmem>> -> memref<1x128xf32, #tpu.memory_space<vmem>>
      %get3A_2168 = tpu.memref_squeeze %get3A_2167 : memref<1x128xf32, #tpu.memory_space<vmem>> -> memref<128xf32, #tpu.memory_space<vmem>>
      %get3A_2169 = arith.constant 32 : index
      %get3A_2170 = tpu.vector_load %get3A_2168[%get3A_2169] {strides = array<i32>} : memref<128xf32, #tpu.memory_space<vmem>>, vector<16xf32>,
      %get3A_2171 = vector.shape_cast %get3A_2170 : vector<16xf32> to vector<16xf32>
      %max3A_2172 = arith.maximumf %get3A_2165, %get3A_2171 : vector<16xf32>
      %swap3A_2173 = arith.index_cast %add3A_2162 : i32 to index
      %swap3A_2174 = tpu.vector_load %arg7[%swap3A_2173] {strides = array<i32>} : memref<16384xf32, #tpu.memory_space<vmem>>, vector<16xf32>,
      %swap3A_2175 = vector.shape_cast %swap3A_2174 : vector<16xf32> to vector<16xf32>
      %swap3A_2176 = vector.shape_cast %max3A_2172 : vector<16xf32> to vector<16xf32>
      tpu.vector_store %arg7[%swap3A_2173], %swap3A_2176 {strides = array<i32>} : memref<16384xf32, #tpu.memory_space<vmem>>, vector<16xf32>,
      %mul3A_2177 = arith.constant 128 : i32
      %mul3A_2178 = arith.muli %squeeze3A_2118, %mul3A_2177 : i32
      %add3A_2179 = arith.constant 48 : i32
      %add3A_2180 = arith.addi %mul3A_2178, %add3A_2179 : i32
      %get3A_2181 = arith.index_cast %add3A_2180 : i32 to index
      %get3A_2182 = tpu.vector_load %arg7[%get3A_2181] {strides = array<i32>} : memref<16384xf32, #tpu.memory_space<vmem>>, vector<16xf32>,
      %get3A_2183 = vector.shape_cast %get3A_2182 : vector<16xf32> to vector<16xf32>
      %get3A_2184 = arith.constant 0 : i32
      %get3A_2185 = tpu.memref_slice %arg5[%add3A_2122, %get3A_2184] : memref<320x128xf32, #tpu.memory_space<vmem>> -> memref<1x128xf32, #tpu.memory_space<vmem>>
      %get3A_2186 = tpu.memref_squeeze %get3A_2185 : memref<1x128xf32, #tpu.memory_space<vmem>> -> memref<128xf32, #tpu.memory_space<vmem>>
      %get3A_2187 = arith.constant 48 : index
      %get3A_2188 = tpu.vector_load %get3A_2186[%get3A_2187] {strides = array<i32>} : memref<128xf32, #tpu.memory_space<vmem>>, vector<16xf32>,
      %get3A_2189 = vector.shape_cast %get3A_2188 : vector<16xf32> to vector<16xf32>
      %max3A_2190 = arith.maximumf %get3A_2183, %get3A_2189 : vector<16xf32>
      %swap3A_2191 = arith.index_cast %add3A_2180 : i32 to index
      %swap3A_2192 = tpu.vector_load %arg7[%swap3A_2191] {strides = array<i32>} : memref<16384xf32, #tpu.memory_space<vmem>>, vector<16xf32>,
      %swap3A_2193 = vector.shape_cast %swap3A_2192 : vector<16xf32> to vector<16xf32>
      %swap3A_2194 = vector.shape_cast %max3A_2190 : vector<16xf32> to vector<16xf32>
      tpu.vector_store %arg7[%swap3A_2191], %swap3A_2194 {strides = array<i32>} : memref<16384xf32, #tpu.memory_space<vmem>>, vector<16xf32>,
      %mul3A_2195 = arith.constant 128 : i32
      %mul3A_2196 = arith.muli %squeeze3A_2118, %mul3A_2195 : i32
      %add3A_2197 = arith.constant 64 : i32
      %add3A_2198 = arith.addi %mul3A_2196, %add3A_2197 : i32
      %get3A_2199 = arith.index_cast %add3A_2198 : i32 to index
      %get3A_2200 = tpu.vector_load %arg7[%get3A_2199] {strides = array<i32>} : memref<16384xf32, #tpu.memory_space<vmem>>, vector<16xf32>,
      %get3A_2201 = vector.shape_cast %get3A_2200 : vector<16xf32> to vector<16xf32>
      %get3A_2202 = arith.constant 0 : i32
      %get3A_2203 = tpu.memref_slice %arg5[%add3A_2122, %get3A_2202] : memref<320x128xf32, #tpu.memory_space<vmem>> -> memref<1x128xf32, #tpu.memory_space<vmem>>
      %get3A_2204 = tpu.memref_squeeze %get3A_2203 : memref<1x128xf32, #tpu.memory_space<vmem>> -> memref<128xf32, #tpu.memory_space<vmem>>
      %get3A_2205 = arith.constant 64 : index
      %get3A_2206 = tpu.vector_load %get3A_2204[%get3A_2205] {strides = array<i32>} : memref<128xf32, #tpu.memory_space<vmem>>, vector<16xf32>,
      %get3A_2207 = vector.shape_cast %get3A_2206 : vector<16xf32> to vector<16xf32>
      %max3A_2208 = arith.maximumf %get3A_2201, %get3A_2207 : vector<16xf32>
      %swap3A_2209 = arith.index_cast %add3A_2198 : i32 to index
      %swap3A_2210 = tpu.vector_load %arg7[%swap3A_2209] {strides = array<i32>} : memref<16384xf32, #tpu.memory_space<vmem>>, vector<16xf32>,
      %swap3A_2211 = vector.shape_cast %swap3A_2210 : vector<16xf32> to vector<16xf32>
      %swap3A_2212 = vector.shape_cast %max3A_2208 : vector<16xf32> to vector<16xf32>
      tpu.vector_store %arg7[%swap3A_2209], %swap3A_2212 {strides = array<i32>} : memref<16384xf32, #tpu.memory_space<vmem>>, vector<16xf32>,
      %mul3A_2213 = arith.constant 128 : i32
      %mul3A_2214 = arith.muli %squeeze3A_2118, %mul3A_2213 : i32
      %add3A_2215 = arith.constant 80 : i32
      %add3A_2216 = arith.addi %mul3A_2214, %add3A_2215 : i32
      %get3A_2217 = arith.index_cast %add3A_2216 : i32 to index
      %get3A_2218 = tpu.vector_load %arg7[%get3A_2217] {strides = array<i32>} : memref<16384xf32, #tpu.memory_space<vmem>>, vector<16xf32>,
      %get3A_2219 = vector.shape_cast %get3A_2218 : vector<16xf32> to vector<16xf32>
      %get3A_2220 = arith.constant 0 : i32
      %get3A_2221 = tpu.memref_slice %arg5[%add3A_2122, %get3A_2220] : memref<320x128xf32, #tpu.memory_space<vmem>> -> memref<1x128xf32, #tpu.memory_space<vmem>>
      %get3A_2222 = tpu.memref_squeeze %get3A_2221 : memref<1x128xf32, #tpu.memory_space<vmem>> -> memref<128xf32, #tpu.memory_space<vmem>>
      %get3A_2223 = arith.constant 80 : index
      %get3A_2224 = tpu.vector_load %get3A_2222[%get3A_2223] {strides = array<i32>} : memref<128xf32, #tpu.memory_space<vmem>>, vector<16xf32>,
      %get3A_2225 = vector.shape_cast %get3A_2224 : vector<16xf32> to vector<16xf32>
      %max3A_2226 = arith.maximumf %get3A_2219, %get3A_2225 : vector<16xf32>
      %swap3A_2227 = arith.index_cast %add3A_2216 : i32 to index
      %swap3A_2228 = tpu.vector_load %arg7[%swap3A_2227] {strides = array<i32>} : memref<16384xf32, #tpu.memory_space<vmem>>, vector<16xf32>,
      %swap3A_2229 = vector.shape_cast %swap3A_2228 : vector<16xf32> to vector<16xf32>
      %swap3A_2230 = vector.shape_cast %max3A_2226 : vector<16xf32> to vector<16xf32>
      tpu.vector_store %arg7[%swap3A_2227], %swap3A_2230 {strides = array<i32>} : memref<16384xf32, #tpu.memory_space<vmem>>, vector<16xf32>,
      %mul3A_2231 = arith.constant 128 : i32
      %mul3A_2232 = arith.muli %squeeze3A_2118, %mul3A_2231 : i32
      %add3A_2233 = arith.constant 96 : i32
      %add3A_2234 = arith.addi %mul3A_2232, %add3A_2233 : i32
      %get3A_2235 = arith.index_cast %add3A_2234 : i32 to index
      %get3A_2236 = tpu.vector_load %arg7[%get3A_2235] {strides = array<i32>} : memref<16384xf32, #tpu.memory_space<vmem>>, vector<16xf32>,
      %get3A_2237 = vector.shape_cast %get3A_2236 : vector<16xf32> to vector<16xf32>
      %get3A_2238 = arith.constant 0 : i32
      %get3A_2239 = tpu.memref_slice %arg5[%add3A_2122, %get3A_2238] : memref<320x128xf32, #tpu.memory_space<vmem>> -> memref<1x128xf32, #tpu.memory_space<vmem>>
      %get3A_2240 = tpu.memref_squeeze %get3A_2239 : memref<1x128xf32, #tpu.memory_space<vmem>> -> memref<128xf32, #tpu.memory_space<vmem>>
      %get3A_2241 = arith.constant 96 : index
      %get3A_2242 = tpu.vector_load %get3A_2240[%get3A_2241] {strides = array<i32>} : memref<128xf32, #tpu.memory_space<vmem>>, vector<16xf32>,
      %get3A_2243 = vector.shape_cast %get3A_2242 : vector<16xf32> to vector<16xf32>
      %max3A_2244 = arith.maximumf %get3A_2237, %get3A_2243 : vector<16xf32>
      %swap3A_2245 = arith.index_cast %add3A_2234 : i32 to index
      %swap3A_2246 = tpu.vector_load %arg7[%swap3A_2245] {strides = array<i32>} : memref<16384xf32, #tpu.memory_space<vmem>>, vector<16xf32>,
      %swap3A_2247 = vector.shape_cast %swap3A_2246 : vector<16xf32> to vector<16xf32>
      %swap3A_2248 = vector.shape_cast %max3A_2244 : vector<16xf32> to vector<16xf32>
      tpu.vector_store %arg7[%swap3A_2245], %swap3A_2248 {strides = array<i32>} : memref<16384xf32, #tpu.memory_space<vmem>>, vector<16xf32>,
      %mul3A_2249 = arith.constant 128 : i32
      %mul3A_2250 = arith.muli %squeeze3A_2118, %mul3A_2249 : i32
      %add3A_2251 = arith.constant 112 : i32
      %add3A_2252 = arith.addi %mul3A_2250, %add3A_2251 : i32
      %get3A_2253 = arith.index_cast %add3A_2252 : i32 to index
      %get3A_2254 = tpu.vector_load %arg7[%get3A_2253] {strides = array<i32>} : memref<16384xf32, #tpu.memory_space<vmem>>, vector<16xf32>,
      %get3A_2255 = vector.shape_cast %get3A_2254 : vector<16xf32> to vector<16xf32>
      %get3A_2256 = arith.constant 0 : i32
      %get3A_2257 = tpu.memref_slice %arg5[%add3A_2122, %get3A_2256] : memref<320x128xf32, #tpu.memory_space<vmem>> -> memref<1x128xf32, #tpu.memory_space<vmem>>
      %get3A_2258 = tpu.memref_squeeze %get3A_2257 : memref<1x128xf32, #tpu.memory_space<vmem>> -> memref<128xf32, #tpu.memory_space<vmem>>
      %get3A_2259 = arith.constant 112 : index
      %get3A_2260 = tpu.vector_load %get3A_2258[%get3A_2259] {strides = array<i32>} : memref<128xf32, #tpu.memory_space<vmem>>, vector<16xf32>,
      %get3A_2261 = vector.shape_cast %get3A_2260 : vector<16xf32> to vector<16xf32>
      %max3A_2262 = arith.maximumf %get3A_2255, %get3A_2261 : vector<16xf32>
      %swap3A_2263 = arith.index_cast %add3A_2252 : i32 to index
      %swap3A_2264 = tpu.vector_load %arg7[%swap3A_2263] {strides = array<i32>} : memref<16384xf32, #tpu.memory_space<vmem>>, vector<16xf32>,
      %swap3A_2265 = vector.shape_cast %swap3A_2264 : vector<16xf32> to vector<16xf32>
      %swap3A_2266 = vector.shape_cast %max3A_2262 : vector<16xf32> to vector<16xf32>
      tpu.vector_store %arg7[%swap3A_2263], %swap3A_2266 {strides = array<i32>} : memref<16384xf32, #tpu.memory_space<vmem>>, vector<16xf32>,
      %slice3A_2267 = vector.extract_strided_slice %get3A_20 {offsets = [15], sizes = [1], strides = [1]} : vector<16xi32> to vector<1xi32>
      %squeeze3A_2268 = vector.extract %slice3A_2267[0] : i32 from vector<1xi32>
      %mul3A_2269 = arith.constant 16 : i32
      %mul3A_2270 = arith.muli %scan3A_16, %mul3A_2269 : i32
      %add3A_2271 = arith.constant 15 : i32
      %add3A_2272 = arith.addi %mul3A_2270, %add3A_2271 : i32
      %mul3A_2273 = arith.constant 128 : i32
      %mul3A_2274 = arith.muli %squeeze3A_2268, %mul3A_2273 : i32
      %add3A_2275 = arith.constant 0 : i32
      %add3A_2276 = arith.addi %mul3A_2274, %add3A_2275 : i32
      %get3A_2277 = arith.index_cast %add3A_2276 : i32 to index
      %get3A_2278 = tpu.vector_load %arg7[%get3A_2277] {strides = array<i32>} : memref<16384xf32, #tpu.memory_space<vmem>>, vector<16xf32>,
      %get3A_2279 = vector.shape_cast %get3A_2278 : vector<16xf32> to vector<16xf32>
      %get3A_2280 = arith.constant 0 : i32
      %get3A_2281 = tpu.memref_slice %arg5[%add3A_2272, %get3A_2280] : memref<320x128xf32, #tpu.memory_space<vmem>> -> memref<1x128xf32, #tpu.memory_space<vmem>>
      %get3A_2282 = tpu.memref_squeeze %get3A_2281 : memref<1x128xf32, #tpu.memory_space<vmem>> -> memref<128xf32, #tpu.memory_space<vmem>>
      %get3A_2283 = arith.constant 0 : index
      %get3A_2284 = tpu.vector_load %get3A_2282[%get3A_2283] {strides = array<i32>} : memref<128xf32, #tpu.memory_space<vmem>>, vector<16xf32>,
      %get3A_2285 = vector.shape_cast %get3A_2284 : vector<16xf32> to vector<16xf32>
      %max3A_2286 = arith.maximumf %get3A_2279, %get3A_2285 : vector<16xf32>
      %swap3A_2287 = arith.index_cast %add3A_2276 : i32 to index
      %swap3A_2288 = tpu.vector_load %arg7[%swap3A_2287] {strides = array<i32>} : memref<16384xf32, #tpu.memory_space<vmem>>, vector<16xf32>,
      %swap3A_2289 = vector.shape_cast %swap3A_2288 : vector<16xf32> to vector<16xf32>
      %swap3A_2290 = vector.shape_cast %max3A_2286 : vector<16xf32> to vector<16xf32>
      tpu.vector_store %arg7[%swap3A_2287], %swap3A_2290 {strides = array<i32>} : memref<16384xf32, #tpu.memory_space<vmem>>, vector<16xf32>,
      %mul3A_2291 = arith.constant 128 : i32
      %mul3A_2292 = arith.muli %squeeze3A_2268, %mul3A_2291 : i32
      %add3A_2293 = arith.constant 16 : i32
      %add3A_2294 = arith.addi %mul3A_2292, %add3A_2293 : i32
      %get3A_2295 = arith.index_cast %add3A_2294 : i32 to index
      %get3A_2296 = tpu.vector_load %arg7[%get3A_2295] {strides = array<i32>} : memref<16384xf32, #tpu.memory_space<vmem>>, vector<16xf32>,
      %get3A_2297 = vector.shape_cast %get3A_2296 : vector<16xf32> to vector<16xf32>
      %get3A_2298 = arith.constant 0 : i32
      %get3A_2299 = tpu.memref_slice %arg5[%add3A_2272, %get3A_2298] : memref<320x128xf32, #tpu.memory_space<vmem>> -> memref<1x128xf32, #tpu.memory_space<vmem>>
      %get3A_2300 = tpu.memref_squeeze %get3A_2299 : memref<1x128xf32, #tpu.memory_space<vmem>> -> memref<128xf32, #tpu.memory_space<vmem>>
      %get3A_2301 = arith.constant 16 : index
      %get3A_2302 = tpu.vector_load %get3A_2300[%get3A_2301] {strides = array<i32>} : memref<128xf32, #tpu.memory_space<vmem>>, vector<16xf32>,
      %get3A_2303 = vector.shape_cast %get3A_2302 : vector<16xf32> to vector<16xf32>
      %max3A_2304 = arith.maximumf %get3A_2297, %get3A_2303 : vector<16xf32>
      %swap3A_2305 = arith.index_cast %add3A_2294 : i32 to index
      %swap3A_2306 = tpu.vector_load %arg7[%swap3A_2305] {strides = array<i32>} : memref<16384xf32, #tpu.memory_space<vmem>>, vector<16xf32>,
      %swap3A_2307 = vector.shape_cast %swap3A_2306 : vector<16xf32> to vector<16xf32>
      %swap3A_2308 = vector.shape_cast %max3A_2304 : vector<16xf32> to vector<16xf32>
      tpu.vector_store %arg7[%swap3A_2305], %swap3A_2308 {strides = array<i32>} : memref<16384xf32, #tpu.memory_space<vmem>>, vector<16xf32>,
      %mul3A_2309 = arith.constant 128 : i32
      %mul3A_2310 = arith.muli %squeeze3A_2268, %mul3A_2309 : i32
      %add3A_2311 = arith.constant 32 : i32
      %add3A_2312 = arith.addi %mul3A_2310, %add3A_2311 : i32
      %get3A_2313 = arith.index_cast %add3A_2312 : i32 to index
      %get3A_2314 = tpu.vector_load %arg7[%get3A_2313] {strides = array<i32>} : memref<16384xf32, #tpu.memory_space<vmem>>, vector<16xf32>,
      %get3A_2315 = vector.shape_cast %get3A_2314 : vector<16xf32> to vector<16xf32>
      %get3A_2316 = arith.constant 0 : i32
      %get3A_2317 = tpu.memref_slice %arg5[%add3A_2272, %get3A_2316] : memref<320x128xf32, #tpu.memory_space<vmem>> -> memref<1x128xf32, #tpu.memory_space<vmem>>
      %get3A_2318 = tpu.memref_squeeze %get3A_2317 : memref<1x128xf32, #tpu.memory_space<vmem>> -> memref<128xf32, #tpu.memory_space<vmem>>
      %get3A_2319 = arith.constant 32 : index
      %get3A_2320 = tpu.vector_load %get3A_2318[%get3A_2319] {strides = array<i32>} : memref<128xf32, #tpu.memory_space<vmem>>, vector<16xf32>,
      %get3A_2321 = vector.shape_cast %get3A_2320 : vector<16xf32> to vector<16xf32>
      %max3A_2322 = arith.maximumf %get3A_2315, %get3A_2321 : vector<16xf32>
      %swap3A_2323 = arith.index_cast %add3A_2312 : i32 to index
      %swap3A_2324 = tpu.vector_load %arg7[%swap3A_2323] {strides = array<i32>} : memref<16384xf32, #tpu.memory_space<vmem>>, vector<16xf32>,
      %swap3A_2325 = vector.shape_cast %swap3A_2324 : vector<16xf32> to vector<16xf32>
      %swap3A_2326 = vector.shape_cast %max3A_2322 : vector<16xf32> to vector<16xf32>
      tpu.vector_store %arg7[%swap3A_2323], %swap3A_2326 {strides = array<i32>} : memref<16384xf32, #tpu.memory_space<vmem>>, vector<16xf32>,
      %mul3A_2327 = arith.constant 128 : i32
      %mul3A_2328 = arith.muli %squeeze3A_2268, %mul3A_2327 : i32
      %add3A_2329 = arith.constant 48 : i32
      %add3A_2330 = arith.addi %mul3A_2328, %add3A_2329 : i32
      %get3A_2331 = arith.index_cast %add3A_2330 : i32 to index
      %get3A_2332 = tpu.vector_load %arg7[%get3A_2331] {strides = array<i32>} : memref<16384xf32, #tpu.memory_space<vmem>>, vector<16xf32>,
      %get3A_2333 = vector.shape_cast %get3A_2332 : vector<16xf32> to vector<16xf32>
      %get3A_2334 = arith.constant 0 : i32
      %get3A_2335 = tpu.memref_slice %arg5[%add3A_2272, %get3A_2334] : memref<320x128xf32, #tpu.memory_space<vmem>> -> memref<1x128xf32, #tpu.memory_space<vmem>>
      %get3A_2336 = tpu.memref_squeeze %get3A_2335 : memref<1x128xf32, #tpu.memory_space<vmem>> -> memref<128xf32, #tpu.memory_space<vmem>>
      %get3A_2337 = arith.constant 48 : index
      %get3A_2338 = tpu.vector_load %get3A_2336[%get3A_2337] {strides = array<i32>} : memref<128xf32, #tpu.memory_space<vmem>>, vector<16xf32>,
      %get3A_2339 = vector.shape_cast %get3A_2338 : vector<16xf32> to vector<16xf32>
      %max3A_2340 = arith.maximumf %get3A_2333, %get3A_2339 : vector<16xf32>
      %swap3A_2341 = arith.index_cast %add3A_2330 : i32 to index
      %swap3A_2342 = tpu.vector_load %arg7[%swap3A_2341] {strides = array<i32>} : memref<16384xf32, #tpu.memory_space<vmem>>, vector<16xf32>,
      %swap3A_2343 = vector.shape_cast %swap3A_2342 : vector<16xf32> to vector<16xf32>
      %swap3A_2344 = vector.shape_cast %max3A_2340 : vector<16xf32> to vector<16xf32>
      tpu.vector_store %arg7[%swap3A_2341], %swap3A_2344 {strides = array<i32>} : memref<16384xf32, #tpu.memory_space<vmem>>, vector<16xf32>,
      %mul3A_2345 = arith.constant 128 : i32
      %mul3A_2346 = arith.muli %squeeze3A_2268, %mul3A_2345 : i32
      %add3A_2347 = arith.constant 64 : i32
      %add3A_2348 = arith.addi %mul3A_2346, %add3A_2347 : i32
      %get3A_2349 = arith.index_cast %add3A_2348 : i32 to index
      %get3A_2350 = tpu.vector_load %arg7[%get3A_2349] {strides = array<i32>} : memref<16384xf32, #tpu.memory_space<vmem>>, vector<16xf32>,
      %get3A_2351 = vector.shape_cast %get3A_2350 : vector<16xf32> to vector<16xf32>
      %get3A_2352 = arith.constant 0 : i32
      %get3A_2353 = tpu.memref_slice %arg5[%add3A_2272, %get3A_2352] : memref<320x128xf32, #tpu.memory_space<vmem>> -> memref<1x128xf32, #tpu.memory_space<vmem>>
      %get3A_2354 = tpu.memref_squeeze %get3A_2353 : memref<1x128xf32, #tpu.memory_space<vmem>> -> memref<128xf32, #tpu.memory_space<vmem>>
      %get3A_2355 = arith.constant 64 : index
      %get3A_2356 = tpu.vector_load %get3A_2354[%get3A_2355] {strides = array<i32>} : memref<128xf32, #tpu.memory_space<vmem>>, vector<16xf32>,
      %get3A_2357 = vector.shape_cast %get3A_2356 : vector<16xf32> to vector<16xf32>
      %max3A_2358 = arith.maximumf %get3A_2351, %get3A_2357 : vector<16xf32>
      %swap3A_2359 = arith.index_cast %add3A_2348 : i32 to index
      %swap3A_2360 = tpu.vector_load %arg7[%swap3A_2359] {strides = array<i32>} : memref<16384xf32, #tpu.memory_space<vmem>>, vector<16xf32>,
      %swap3A_2361 = vector.shape_cast %swap3A_2360 : vector<16xf32> to vector<16xf32>
      %swap3A_2362 = vector.shape_cast %max3A_2358 : vector<16xf32> to vector<16xf32>
      tpu.vector_store %arg7[%swap3A_2359], %swap3A_2362 {strides = array<i32>} : memref<16384xf32, #tpu.memory_space<vmem>>, vector<16xf32>,
      %mul3A_2363 = arith.constant 128 : i32
      %mul3A_2364 = arith.muli %squeeze3A_2268, %mul3A_2363 : i32
      %add3A_2365 = arith.constant 80 : i32
      %add3A_2366 = arith.addi %mul3A_2364, %add3A_2365 : i32
      %get3A_2367 = arith.index_cast %add3A_2366 : i32 to index
      %get3A_2368 = tpu.vector_load %arg7[%get3A_2367] {strides = array<i32>} : memref<16384xf32, #tpu.memory_space<vmem>>, vector<16xf32>,
      %get3A_2369 = vector.shape_cast %get3A_2368 : vector<16xf32> to vector<16xf32>
      %get3A_2370 = arith.constant 0 : i32
      %get3A_2371 = tpu.memref_slice %arg5[%add3A_2272, %get3A_2370] : memref<320x128xf32, #tpu.memory_space<vmem>> -> memref<1x128xf32, #tpu.memory_space<vmem>>
      %get3A_2372 = tpu.memref_squeeze %get3A_2371 : memref<1x128xf32, #tpu.memory_space<vmem>> -> memref<128xf32, #tpu.memory_space<vmem>>
      %get3A_2373 = arith.constant 80 : index
      %get3A_2374 = tpu.vector_load %get3A_2372[%get3A_2373] {strides = array<i32>} : memref<128xf32, #tpu.memory_space<vmem>>, vector<16xf32>,
      %get3A_2375 = vector.shape_cast %get3A_2374 : vector<16xf32> to vector<16xf32>
      %max3A_2376 = arith.maximumf %get3A_2369, %get3A_2375 : vector<16xf32>
      %swap3A_2377 = arith.index_cast %add3A_2366 : i32 to index
      %swap3A_2378 = tpu.vector_load %arg7[%swap3A_2377] {strides = array<i32>} : memref<16384xf32, #tpu.memory_space<vmem>>, vector<16xf32>,
      %swap3A_2379 = vector.shape_cast %swap3A_2378 : vector<16xf32> to vector<16xf32>
      %swap3A_2380 = vector.shape_cast %max3A_2376 : vector<16xf32> to vector<16xf32>
      tpu.vector_store %arg7[%swap3A_2377], %swap3A_2380 {strides = array<i32>} : memref<16384xf32, #tpu.memory_space<vmem>>, vector<16xf32>,
      %mul3A_2381 = arith.constant 128 : i32
      %mul3A_2382 = arith.muli %squeeze3A_2268, %mul3A_2381 : i32
      %add3A_2383 = arith.constant 96 : i32
      %add3A_2384 = arith.addi %mul3A_2382, %add3A_2383 : i32
      %get3A_2385 = arith.index_cast %add3A_2384 : i32 to index
      %get3A_2386 = tpu.vector_load %arg7[%get3A_2385] {strides = array<i32>} : memref<16384xf32, #tpu.memory_space<vmem>>, vector<16xf32>,
      %get3A_2387 = vector.shape_cast %get3A_2386 : vector<16xf32> to vector<16xf32>
      %get3A_2388 = arith.constant 0 : i32
      %get3A_2389 = tpu.memref_slice %arg5[%add3A_2272, %get3A_2388] : memref<320x128xf32, #tpu.memory_space<vmem>> -> memref<1x128xf32, #tpu.memory_space<vmem>>
      %get3A_2390 = tpu.memref_squeeze %get3A_2389 : memref<1x128xf32, #tpu.memory_space<vmem>> -> memref<128xf32, #tpu.memory_space<vmem>>
      %get3A_2391 = arith.constant 96 : index
      %get3A_2392 = tpu.vector_load %get3A_2390[%get3A_2391] {strides = array<i32>} : memref<128xf32, #tpu.memory_space<vmem>>, vector<16xf32>,
      %get3A_2393 = vector.shape_cast %get3A_2392 : vector<16xf32> to vector<16xf32>
      %max3A_2394 = arith.maximumf %get3A_2387, %get3A_2393 : vector<16xf32>
      %swap3A_2395 = arith.index_cast %add3A_2384 : i32 to index
      %swap3A_2396 = tpu.vector_load %arg7[%swap3A_2395] {strides = array<i32>} : memref<16384xf32, #tpu.memory_space<vmem>>, vector<16xf32>,
      %swap3A_2397 = vector.shape_cast %swap3A_2396 : vector<16xf32> to vector<16xf32>
      %swap3A_2398 = vector.shape_cast %max3A_2394 : vector<16xf32> to vector<16xf32>
      tpu.vector_store %arg7[%swap3A_2395], %swap3A_2398 {strides = array<i32>} : memref<16384xf32, #tpu.memory_space<vmem>>, vector<16xf32>,
      %mul3A_2399 = arith.constant 128 : i32
      %mul3A_2400 = arith.muli %squeeze3A_2268, %mul3A_2399 : i32
      %add3A_2401 = arith.constant 112 : i32
      %add3A_2402 = arith.addi %mul3A_2400, %add3A_2401 : i32
      %get3A_2403 = arith.index_cast %add3A_2402 : i32 to index
      %get3A_2404 = tpu.vector_load %arg7[%get3A_2403] {strides = array<i32>} : memref<16384xf32, #tpu.memory_space<vmem>>, vector<16xf32>,
      %get3A_2405 = vector.shape_cast %get3A_2404 : vector<16xf32> to vector<16xf32>
      %get3A_2406 = arith.constant 0 : i32
      %get3A_2407 = tpu.memref_slice %arg5[%add3A_2272, %get3A_2406] : memref<320x128xf32, #tpu.memory_space<vmem>> -> memref<1x128xf32, #tpu.memory_space<vmem>>
      %get3A_2408 = tpu.memref_squeeze %get3A_2407 : memref<1x128xf32, #tpu.memory_space<vmem>> -> memref<128xf32, #tpu.memory_space<vmem>>
      %get3A_2409 = arith.constant 112 : index
      %get3A_2410 = tpu.vector_load %get3A_2408[%get3A_2409] {strides = array<i32>} : memref<128xf32, #tpu.memory_space<vmem>>, vector<16xf32>,
      %get3A_2411 = vector.shape_cast %get3A_2410 : vector<16xf32> to vector<16xf32>
      %max3A_2412 = arith.maximumf %get3A_2405, %get3A_2411 : vector<16xf32>
      %swap3A_2413 = arith.index_cast %add3A_2402 : i32 to index
      %swap3A_2414 = tpu.vector_load %arg7[%swap3A_2413] {strides = array<i32>} : memref<16384xf32, #tpu.memory_space<vmem>>, vector<16xf32>,
      %swap3A_2415 = vector.shape_cast %swap3A_2414 : vector<16xf32> to vector<16xf32>
      %swap3A_2416 = vector.shape_cast %max3A_2412 : vector<16xf32> to vector<16xf32>
      tpu.vector_store %arg7[%swap3A_2413], %swap3A_2416 {strides = array<i32>} : memref<16384xf32, #tpu.memory_space<vmem>>, vector<16xf32>,
    }
    %scan3A_15 = arith.constant 20 : i32
    "tpu.region"() ({
      %run_scoped3A = tpu.sem_alloc : memref<!tpu.dma_semaphore, #tpu.memory_space<semaphore_mem>>
      %dma_start3A = arith.constant 0 : i32
      %dma_start3A_16 = tpu.memref_slice %arg4[%add3A, %dma_start3A] : memref<32x16384xf32, #tpu.memory_space<hbm>> -> memref<1x16384xf32, #tpu.memory_space<hbm>>
      %dma_start3A_17 = tpu.memref_squeeze %dma_start3A_16 : memref<1x16384xf32, #tpu.memory_space<hbm>> -> memref<16384xf32, #tpu.memory_space<hbm>>
      %dma_start3A_18 = arith.constant 0 : i32
      %dma_start3A_19 = tpu.memref_slice %arg4[%add3A, %dma_start3A_18] : memref<32x16384xf32, #tpu.memory_space<hbm>> -> memref<1x16384xf32, #tpu.memory_space<hbm>>
      %dma_start3A_20 = tpu.memref_squeeze %dma_start3A_19 : memref<1x16384xf32, #tpu.memory_space<hbm>> -> memref<16384xf32, #tpu.memory_space<hbm>>
      tpu.enqueue_dma source(%arg7 : memref<16384xf32, #tpu.memory_space<vmem>>) target(%dma_start3A_20 : memref<16384xf32, #tpu.memory_space<hbm>>) target_semaphore(%run_scoped3A : memref<!tpu.dma_semaphore, #tpu.memory_space<semaphore_mem>>)
      %dma_wait3A = arith.constant 0 : i32
      %dma_wait3A_21 = tpu.memref_slice %arg4[%add3A, %dma_wait3A] : memref<32x16384xf32, #tpu.memory_space<hbm>> -> memref<1x16384xf32, #tpu.memory_space<hbm>>
      %dma_wait3A_22 = tpu.memref_squeeze %dma_wait3A_21 : memref<1x16384xf32, #tpu.memory_space<hbm>> -> memref<16384xf32, #tpu.memory_space<hbm>>
      %dma_wait3A_23 = arith.constant 0 : i32
      %dma_wait3A_24 = tpu.memref_slice %arg4[%add3A, %dma_wait3A_23] : memref<32x16384xf32, #tpu.memory_space<hbm>> -> memref<1x16384xf32, #tpu.memory_space<hbm>>
      %dma_wait3A_25 = tpu.memref_squeeze %dma_wait3A_24 : memref<1x16384xf32, #tpu.memory_space<hbm>> -> memref<16384xf32, #tpu.memory_space<hbm>>
      tpu.wait_dma2 semaphore(%run_scoped3A : memref<!tpu.dma_semaphore, #tpu.memory_space<semaphore_mem>>) src(%arg7 : memref<16384xf32, #tpu.memory_space<vmem>>) dst(%dma_wait3A_25 : memref<16384xf32, #tpu.memory_space<hbm>>)
      tpu.yield
    }) : () -> ()
    return
  }
}

#map = affine_map<(d0, d1) -> (0)>
#map1 = affine_map<(d0, d1) -> (0, 0)>
#map2 = affine_map<(d0, d1) -> (0, 0, 0)>
module attributes {stable_mosaic.version = 14 : i64} {
  func.func @_s3_spmm(%arg0: i32, %arg1: i32, %arg2: memref<323584xi32, #tpu.memory_space<hbm>>, %arg3: memref<323584xi32, #tpu.memory_space<hbm>>, %arg4: memref<10112x128xf32, #tpu.memory_space<hbm>>, %arg5: memref<632x128xf32, #tpu.memory_space<hbm>>, %arg6: memref<2x10112x128xf32, #tpu.memory_space<hbm>>, %arg7: memref<10112x128xf32, #tpu.memory_space<vmem_shared>>, %arg8: memref<128x128xf32, #tpu.memory_space<vmem>>, %arg9: memref<128x128xf32, #tpu.memory_space<vmem>>, %arg10: memref<128xi32, #tpu.memory_space<vmem>>, %arg11: memref<128xi32, #tpu.memory_space<vmem>>, %arg12: memref<128xi32, #tpu.memory_space<vmem>>, %arg13: memref<128xi32, #tpu.memory_space<vmem>>, %arg14: memref<!tpu.dma_semaphore, #tpu.memory_space<semaphore_mem>>, %arg15: memref<!tpu.dma_semaphore, #tpu.memory_space<semaphore_mem>>, %arg16: memref<!tpu.dma_semaphore, #tpu.memory_space<semaphore_mem>>, %arg17: memref<!tpu.dma_semaphore, #tpu.memory_space<semaphore_mem>>) attributes {dimension_semantics = [#tpu.dimension_semantics<core_parallel>, #tpu.dimension_semantics<subcore_parallel>], iteration_bounds = array<i64: 2, 16>, scalar_prefetch = 0 : i64, scratch_operands = 11 : i64, tpu.core_type = #tpu.core_type<sc_vector_subcore>, window_params = [{transform_indices = #map}, {transform_indices = #map}, {transform_indices = #map1}, {transform_indices = #map1}, {transform_indices = #map2}]} {
    %mul3A = arith.constant 632 : i32
    %mul3A_0 = arith.muli %arg1, %mul3A : i32
    "tpu.region"() ({
      %run_scoped3A = tpu.sem_alloc : memref<!tpu.dma_semaphore, #tpu.memory_space<semaphore_mem>>
      %dma_start3A = arith.constant 0 : i32
      %dma_start3A_12 = tpu.memref_slice %arg7[%mul3A_0, %dma_start3A] : memref<10112x128xf32, #tpu.memory_space<vmem_shared>> -> memref<632x128xf32, #tpu.memory_space<vmem_shared>>
      tpu.enqueue_dma source(%arg5 : memref<632x128xf32, #tpu.memory_space<hbm>>) target(%dma_start3A_12 : memref<632x128xf32, #tpu.memory_space<vmem_shared>>) target_semaphore(%run_scoped3A : memref<!tpu.dma_semaphore, #tpu.memory_space<semaphore_mem>>)
      %dma_wait3A = arith.constant 0 : i32
      %dma_wait3A_13 = tpu.memref_slice %arg7[%mul3A_0, %dma_wait3A] : memref<10112x128xf32, #tpu.memory_space<vmem_shared>> -> memref<632x128xf32, #tpu.memory_space<vmem_shared>>
      tpu.wait_dma2 semaphore(%run_scoped3A : memref<!tpu.dma_semaphore, #tpu.memory_space<semaphore_mem>>) src(%arg5 : memref<632x128xf32, #tpu.memory_space<hbm>>) dst(%dma_wait3A_13 : memref<632x128xf32, #tpu.memory_space<vmem_shared>>)
      tpu.yield
    }) : () -> ()
    %barrier3A = arith.constant 0 : index
    tpu.barrier barrier_id(%barrier3A)
    %eq3A = arith.constant 0 : i32
    %eq3A_1 = arith.cmpi eq, %arg0, %eq3A : i32
    %convert_element_type3A = arith.extui %eq3A_1 : i1 to i32
    %cond3A = arith.constant 0 : i32
    %cond3A_2 = arith.cmpi ne, %convert_element_type3A, %cond3A : i32
    scf.if %cond3A_2 {
      %mul3A_12 = arith.constant 106 : i32
      %mul3A_13 = arith.muli %arg1, %mul3A_12 : i32
      %add3A = arith.constant 0 : i32
      %add3A_14 = arith.addi %mul3A_13, %add3A : i32
      %mul3A_15 = arith.constant 128 : i32
      %mul3A_16 = arith.muli %add3A_14, %mul3A_15 : i32
      %dma_start3A = tpu.memref_slice %arg2[%mul3A_16] : memref<323584xi32, #tpu.memory_space<hbm>> -> memref<128xi32, #tpu.memory_space<hbm>>
      %dma_start3A_17 = tpu.memref_slice %arg2[%mul3A_16] : memref<323584xi32, #tpu.memory_space<hbm>> -> memref<128xi32, #tpu.memory_space<hbm>>
      tpu.enqueue_dma source(%dma_start3A_17 : memref<128xi32, #tpu.memory_space<hbm>>) target(%arg10 : memref<128xi32, #tpu.memory_space<vmem>>) target_semaphore(%arg17 : memref<!tpu.dma_semaphore, #tpu.memory_space<semaphore_mem>>)
      %dma_start3A_18 = tpu.memref_slice %arg3[%mul3A_16] : memref<323584xi32, #tpu.memory_space<hbm>> -> memref<128xi32, #tpu.memory_space<hbm>>
      %dma_start3A_19 = tpu.memref_slice %arg3[%mul3A_16] : memref<323584xi32, #tpu.memory_space<hbm>> -> memref<128xi32, #tpu.memory_space<hbm>>
      tpu.enqueue_dma source(%dma_start3A_19 : memref<128xi32, #tpu.memory_space<hbm>>) target(%arg11 : memref<128xi32, #tpu.memory_space<vmem>>) target_semaphore(%arg17 : memref<!tpu.dma_semaphore, #tpu.memory_space<semaphore_mem>>)
      %dma_wait3A = arith.constant 0 : i32
      %dma_wait3A_20 = tpu.memref_slice %arg2[%dma_wait3A] : memref<323584xi32, #tpu.memory_space<hbm>> -> memref<128xi32, #tpu.memory_space<hbm>>
      %dma_wait3A_21 = arith.constant 0 : i32
      %dma_wait3A_22 = tpu.memref_slice %arg2[%dma_wait3A_21] : memref<323584xi32, #tpu.memory_space<hbm>> -> memref<128xi32, #tpu.memory_space<hbm>>
      tpu.wait_dma2 semaphore(%arg17 : memref<!tpu.dma_semaphore, #tpu.memory_space<semaphore_mem>>) src(%dma_wait3A_22 : memref<128xi32, #tpu.memory_space<hbm>>) dst(%arg10 : memref<128xi32, #tpu.memory_space<vmem>>)
      %dma_wait3A_23 = arith.constant 0 : i32
      %dma_wait3A_24 = tpu.memref_slice %arg2[%dma_wait3A_23] : memref<323584xi32, #tpu.memory_space<hbm>> -> memref<128xi32, #tpu.memory_space<hbm>>
      %dma_wait3A_25 = arith.constant 0 : i32
      %dma_wait3A_26 = tpu.memref_slice %arg2[%dma_wait3A_25] : memref<323584xi32, #tpu.memory_space<hbm>> -> memref<128xi32, #tpu.memory_space<hbm>>
      tpu.wait_dma2 semaphore(%arg17 : memref<!tpu.dma_semaphore, #tpu.memory_space<semaphore_mem>>) src(%dma_wait3A_26 : memref<128xi32, #tpu.memory_space<hbm>>) dst(%arg11 : memref<128xi32, #tpu.memory_space<vmem>>)
      %dma_start3A_27 = arith.constant 0 : i32
      %dma_start3A_28 = arith.constant 0 : i32
      %dma_start3A_29 = tpu.memref_slice %arg4[%dma_start3A_27, %dma_start3A_28] : memref<10112x128xf32, #tpu.memory_space<hbm>> -> memref<10112x128xf32, #tpu.memory_space<hbm>>
      tpu.enqueue_indirect_dma source(%dma_start3A_29 : memref<10112x128xf32, #tpu.memory_space<hbm>>) target(%arg8 : memref<128x128xf32, #tpu.memory_space<vmem>>) offsets(%arg10 : memref<128xi32, #tpu.memory_space<vmem>>) semaphore(%arg14 : memref<!tpu.dma_semaphore, #tpu.memory_space<semaphore_mem>>)
      %add3A_30 = arith.constant 0 : i32
      %add3A_31 = arith.addi %mul3A_13, %add3A_30 : i32
      %mul3A_32 = arith.constant 128 : i32
      %mul3A_33 = arith.muli %add3A_31, %mul3A_32 : i32
      %dma_start3A_34 = tpu.memref_slice %arg3[%mul3A_33] : memref<323584xi32, #tpu.memory_space<hbm>> -> memref<128xi32, #tpu.memory_space<hbm>>
      %dma_start3A_35 = tpu.memref_slice %arg3[%mul3A_33] : memref<323584xi32, #tpu.memory_space<hbm>> -> memref<128xi32, #tpu.memory_space<hbm>>
      tpu.enqueue_dma source(%dma_start3A_35 : memref<128xi32, #tpu.memory_space<hbm>>) target(%arg12 : memref<128xi32, #tpu.memory_space<vmem>>) target_semaphore(%arg17 : memref<!tpu.dma_semaphore, #tpu.memory_space<semaphore_mem>>)
      %dma_start3A_36 = tpu.memref_slice %arg2[%mul3A_33] : memref<323584xi32, #tpu.memory_space<hbm>> -> memref<128xi32, #tpu.memory_space<hbm>>
      %dma_start3A_37 = tpu.memref_slice %arg2[%mul3A_33] : memref<323584xi32, #tpu.memory_space<hbm>> -> memref<128xi32, #tpu.memory_space<hbm>>
      tpu.enqueue_dma source(%dma_start3A_37 : memref<128xi32, #tpu.memory_space<hbm>>) target(%arg13 : memref<128xi32, #tpu.memory_space<vmem>>) target_semaphore(%arg17 : memref<!tpu.dma_semaphore, #tpu.memory_space<semaphore_mem>>)
      %dma_wait3A_38 = arith.constant 0 : i32
      %dma_wait3A_39 = tpu.memref_slice %arg3[%dma_wait3A_38] : memref<323584xi32, #tpu.memory_space<hbm>> -> memref<128xi32, #tpu.memory_space<hbm>>
      %dma_wait3A_40 = arith.constant 0 : i32
      %dma_wait3A_41 = tpu.memref_slice %arg3[%dma_wait3A_40] : memref<323584xi32, #tpu.memory_space<hbm>> -> memref<128xi32, #tpu.memory_space<hbm>>
      tpu.wait_dma2 semaphore(%arg17 : memref<!tpu.dma_semaphore, #tpu.memory_space<semaphore_mem>>) src(%dma_wait3A_41 : memref<128xi32, #tpu.memory_space<hbm>>) dst(%arg12 : memref<128xi32, #tpu.memory_space<vmem>>)
      %dma_wait3A_42 = arith.constant 0 : i32
      %dma_wait3A_43 = tpu.memref_slice %arg3[%dma_wait3A_42] : memref<323584xi32, #tpu.memory_space<hbm>> -> memref<128xi32, #tpu.memory_space<hbm>>
      %dma_wait3A_44 = arith.constant 0 : i32
      %dma_wait3A_45 = tpu.memref_slice %arg3[%dma_wait3A_44] : memref<323584xi32, #tpu.memory_space<hbm>> -> memref<128xi32, #tpu.memory_space<hbm>>
      tpu.wait_dma2 semaphore(%arg17 : memref<!tpu.dma_semaphore, #tpu.memory_space<semaphore_mem>>) src(%dma_wait3A_45 : memref<128xi32, #tpu.memory_space<hbm>>) dst(%arg13 : memref<128xi32, #tpu.memory_space<vmem>>)
      %dma_start3A_46 = arith.constant 0 : i32
      %dma_start3A_47 = arith.constant 0 : i32
      %dma_start3A_48 = tpu.memref_slice %arg4[%dma_start3A_46, %dma_start3A_47] : memref<10112x128xf32, #tpu.memory_space<hbm>> -> memref<10112x128xf32, #tpu.memory_space<hbm>>
      tpu.enqueue_indirect_dma source(%dma_start3A_48 : memref<10112x128xf32, #tpu.memory_space<hbm>>) target(%arg9 : memref<128x128xf32, #tpu.memory_space<vmem>>) offsets(%arg12 : memref<128xi32, #tpu.memory_space<vmem>>) semaphore(%arg14 : memref<!tpu.dma_semaphore, #tpu.memory_space<semaphore_mem>>)
      %scan3A = arith.constant 0 : i32
      %scan3A_49 = arith.constant 0 : i32
      %scan3A_50 = arith.constant 105 : i32
      %scan3A_51 = arith.addi %scan3A_49, %scan3A_50 : i32
      %scan3A_52 = arith.constant 1 : i32
      scf.for %scan3A_72 = %scan3A_49 to %scan3A_51 step %scan3A_52  : i32 {
        %dma_wait3A_73 = arith.constant 0 : i32
        %dma_wait3A_74 = arith.constant 0 : i32
        %dma_wait3A_75 = tpu.memref_slice %arg4[%dma_wait3A_73, %dma_wait3A_74] : memref<10112x128xf32, #tpu.memory_space<hbm>> -> memref<10112x128xf32, #tpu.memory_space<hbm>>
        tpu.wait_indirect_dma semaphore(%arg14 : memref<!tpu.dma_semaphore, #tpu.memory_space<semaphore_mem>>) src(%dma_wait3A_75 : memref<10112x128xf32, #tpu.memory_space<hbm>>) dst(%arg8 : memref<128x128xf32, #tpu.memory_space<vmem>>)
        %dma_start3A_76 = arith.constant 0 : i32
        %dma_start3A_77 = arith.constant 0 : i32
        %dma_start3A_78 = tpu.memref_slice %arg7[%dma_start3A_76, %dma_start3A_77] : memref<10112x128xf32, #tpu.memory_space<vmem_shared>> -> memref<10112x128xf32, #tpu.memory_space<vmem_shared>>
        tpu.enqueue_indirect_dma source(%arg8 : memref<128x128xf32, #tpu.memory_space<vmem>>) target(%dma_start3A_78 : memref<10112x128xf32, #tpu.memory_space<vmem_shared>>) offsets(%arg11 : memref<128xi32, #tpu.memory_space<vmem>>) semaphore(%arg15 : memref<!tpu.dma_semaphore, #tpu.memory_space<semaphore_mem>>) {add = true}
        %dma_wait3A_79 = arith.constant 0 : i32
        %dma_wait3A_80 = arith.constant 0 : i32
        %dma_wait3A_81 = tpu.memref_slice %arg7[%dma_wait3A_79, %dma_wait3A_80] : memref<10112x128xf32, #tpu.memory_space<vmem_shared>> -> memref<10112x128xf32, #tpu.memory_space<vmem_shared>>
        tpu.wait_indirect_dma semaphore(%arg15 : memref<!tpu.dma_semaphore, #tpu.memory_space<semaphore_mem>>) src(%arg8 : memref<128x128xf32, #tpu.memory_space<vmem>>) dst(%dma_wait3A_81 : memref<10112x128xf32, #tpu.memory_space<vmem_shared>>)
        %add3A_82 = arith.constant 1 : i32
        %add3A_83 = arith.addi %scan3A_72, %add3A_82 : i32
        %add3A_84 = arith.addi %mul3A_13, %add3A_83 : i32
        %mul3A_85 = arith.constant 128 : i32
        %mul3A_86 = arith.muli %add3A_84, %mul3A_85 : i32
        %dma_start3A_87 = tpu.memref_slice %arg2[%mul3A_86] : memref<323584xi32, #tpu.memory_space<hbm>> -> memref<128xi32, #tpu.memory_space<hbm>>
        %dma_start3A_88 = tpu.memref_slice %arg2[%mul3A_86] : memref<323584xi32, #tpu.memory_space<hbm>> -> memref<128xi32, #tpu.memory_space<hbm>>
        tpu.enqueue_dma source(%dma_start3A_88 : memref<128xi32, #tpu.memory_space<hbm>>) target(%arg10 : memref<128xi32, #tpu.memory_space<vmem>>) target_semaphore(%arg17 : memref<!tpu.dma_semaphore, #tpu.memory_space<semaphore_mem>>)
        %dma_start3A_89 = tpu.memref_slice %arg3[%mul3A_86] : memref<323584xi32, #tpu.memory_space<hbm>> -> memref<128xi32, #tpu.memory_space<hbm>>
        %dma_start3A_90 = tpu.memref_slice %arg3[%mul3A_86] : memref<323584xi32, #tpu.memory_space<hbm>> -> memref<128xi32, #tpu.memory_space<hbm>>
        tpu.enqueue_dma source(%dma_start3A_90 : memref<128xi32, #tpu.memory_space<hbm>>) target(%arg11 : memref<128xi32, #tpu.memory_space<vmem>>) target_semaphore(%arg17 : memref<!tpu.dma_semaphore, #tpu.memory_space<semaphore_mem>>)
        %dma_wait3A_91 = arith.constant 0 : i32
        %dma_wait3A_92 = tpu.memref_slice %arg2[%dma_wait3A_91] : memref<323584xi32, #tpu.memory_space<hbm>> -> memref<128xi32, #tpu.memory_space<hbm>>
        %dma_wait3A_93 = arith.constant 0 : i32
        %dma_wait3A_94 = tpu.memref_slice %arg2[%dma_wait3A_93] : memref<323584xi32, #tpu.memory_space<hbm>> -> memref<128xi32, #tpu.memory_space<hbm>>
        tpu.wait_dma2 semaphore(%arg17 : memref<!tpu.dma_semaphore, #tpu.memory_space<semaphore_mem>>) src(%dma_wait3A_94 : memref<128xi32, #tpu.memory_space<hbm>>) dst(%arg10 : memref<128xi32, #tpu.memory_space<vmem>>)
        %dma_wait3A_95 = arith.constant 0 : i32
        %dma_wait3A_96 = tpu.memref_slice %arg2[%dma_wait3A_95] : memref<323584xi32, #tpu.memory_space<hbm>> -> memref<128xi32, #tpu.memory_space<hbm>>
        %dma_wait3A_97 = arith.constant 0 : i32
        %dma_wait3A_98 = tpu.memref_slice %arg2[%dma_wait3A_97] : memref<323584xi32, #tpu.memory_space<hbm>> -> memref<128xi32, #tpu.memory_space<hbm>>
        tpu.wait_dma2 semaphore(%arg17 : memref<!tpu.dma_semaphore, #tpu.memory_space<semaphore_mem>>) src(%dma_wait3A_98 : memref<128xi32, #tpu.memory_space<hbm>>) dst(%arg11 : memref<128xi32, #tpu.memory_space<vmem>>)
        %dma_start3A_99 = arith.constant 0 : i32
        %dma_start3A_100 = arith.constant 0 : i32
        %dma_start3A_101 = tpu.memref_slice %arg4[%dma_start3A_99, %dma_start3A_100] : memref<10112x128xf32, #tpu.memory_space<hbm>> -> memref<10112x128xf32, #tpu.memory_space<hbm>>
        tpu.enqueue_indirect_dma source(%dma_start3A_101 : memref<10112x128xf32, #tpu.memory_space<hbm>>) target(%arg8 : memref<128x128xf32, #tpu.memory_space<vmem>>) offsets(%arg10 : memref<128xi32, #tpu.memory_space<vmem>>) semaphore(%arg14 : memref<!tpu.dma_semaphore, #tpu.memory_space<semaphore_mem>>)
        %dma_wait3A_102 = arith.constant 0 : i32
        %dma_wait3A_103 = arith.constant 0 : i32
        %dma_wait3A_104 = tpu.memref_slice %arg4[%dma_wait3A_102, %dma_wait3A_103] : memref<10112x128xf32, #tpu.memory_space<hbm>> -> memref<10112x128xf32, #tpu.memory_space<hbm>>
        tpu.wait_indirect_dma semaphore(%arg14 : memref<!tpu.dma_semaphore, #tpu.memory_space<semaphore_mem>>) src(%dma_wait3A_104 : memref<10112x128xf32, #tpu.memory_space<hbm>>) dst(%arg9 : memref<128x128xf32, #tpu.memory_space<vmem>>)
        %dma_start3A_105 = arith.constant 0 : i32
        %dma_start3A_106 = arith.constant 0 : i32
        %dma_start3A_107 = tpu.memref_slice %arg7[%dma_start3A_105, %dma_start3A_106] : memref<10112x128xf32, #tpu.memory_space<vmem_shared>> -> memref<10112x128xf32, #tpu.memory_space<vmem_shared>>
        tpu.enqueue_indirect_dma source(%arg9 : memref<128x128xf32, #tpu.memory_space<vmem>>) target(%dma_start3A_107 : memref<10112x128xf32, #tpu.memory_space<vmem_shared>>) offsets(%arg13 : memref<128xi32, #tpu.memory_space<vmem>>) semaphore(%arg16 : memref<!tpu.dma_semaphore, #tpu.memory_space<semaphore_mem>>) {add = true}
        %dma_wait3A_108 = arith.constant 0 : i32
        %dma_wait3A_109 = arith.constant 0 : i32
        %dma_wait3A_110 = tpu.memref_slice %arg7[%dma_wait3A_108, %dma_wait3A_109] : memref<10112x128xf32, #tpu.memory_space<vmem_shared>> -> memref<10112x128xf32, #tpu.memory_space<vmem_shared>>
        tpu.wait_indirect_dma semaphore(%arg16 : memref<!tpu.dma_semaphore, #tpu.memory_space<semaphore_mem>>) src(%arg9 : memref<128x128xf32, #tpu.memory_space<vmem>>) dst(%dma_wait3A_110 : memref<10112x128xf32, #tpu.memory_space<vmem_shared>>)
        %add3A_111 = arith.constant 1 : i32
        %add3A_112 = arith.addi %scan3A_72, %add3A_111 : i32
        %add3A_113 = arith.addi %mul3A_13, %add3A_112 : i32
        %mul3A_114 = arith.constant 128 : i32
        %mul3A_115 = arith.muli %add3A_113, %mul3A_114 : i32
        %dma_start3A_116 = tpu.memref_slice %arg3[%mul3A_115] : memref<323584xi32, #tpu.memory_space<hbm>> -> memref<128xi32, #tpu.memory_space<hbm>>
        %dma_start3A_117 = tpu.memref_slice %arg3[%mul3A_115] : memref<323584xi32, #tpu.memory_space<hbm>> -> memref<128xi32, #tpu.memory_space<hbm>>
        tpu.enqueue_dma source(%dma_start3A_117 : memref<128xi32, #tpu.memory_space<hbm>>) target(%arg12 : memref<128xi32, #tpu.memory_space<vmem>>) target_semaphore(%arg17 : memref<!tpu.dma_semaphore, #tpu.memory_space<semaphore_mem>>)
        %dma_start3A_118 = tpu.memref_slice %arg2[%mul3A_115] : memref<323584xi32, #tpu.memory_space<hbm>> -> memref<128xi32, #tpu.memory_space<hbm>>
        %dma_start3A_119 = tpu.memref_slice %arg2[%mul3A_115] : memref<323584xi32, #tpu.memory_space<hbm>> -> memref<128xi32, #tpu.memory_space<hbm>>
        tpu.enqueue_dma source(%dma_start3A_119 : memref<128xi32, #tpu.memory_space<hbm>>) target(%arg13 : memref<128xi32, #tpu.memory_space<vmem>>) target_semaphore(%arg17 : memref<!tpu.dma_semaphore, #tpu.memory_space<semaphore_mem>>)
        %dma_wait3A_120 = arith.constant 0 : i32
        %dma_wait3A_121 = tpu.memref_slice %arg3[%dma_wait3A_120] : memref<323584xi32, #tpu.memory_space<hbm>> -> memref<128xi32, #tpu.memory_space<hbm>>
        %dma_wait3A_122 = arith.constant 0 : i32
        %dma_wait3A_123 = tpu.memref_slice %arg3[%dma_wait3A_122] : memref<323584xi32, #tpu.memory_space<hbm>> -> memref<128xi32, #tpu.memory_space<hbm>>
        tpu.wait_dma2 semaphore(%arg17 : memref<!tpu.dma_semaphore, #tpu.memory_space<semaphore_mem>>) src(%dma_wait3A_123 : memref<128xi32, #tpu.memory_space<hbm>>) dst(%arg12 : memref<128xi32, #tpu.memory_space<vmem>>)
        %dma_wait3A_124 = arith.constant 0 : i32
        %dma_wait3A_125 = tpu.memref_slice %arg3[%dma_wait3A_124] : memref<323584xi32, #tpu.memory_space<hbm>> -> memref<128xi32, #tpu.memory_space<hbm>>
        %dma_wait3A_126 = arith.constant 0 : i32
        %dma_wait3A_127 = tpu.memref_slice %arg3[%dma_wait3A_126] : memref<323584xi32, #tpu.memory_space<hbm>> -> memref<128xi32, #tpu.memory_space<hbm>>
        tpu.wait_dma2 semaphore(%arg17 : memref<!tpu.dma_semaphore, #tpu.memory_space<semaphore_mem>>) src(%dma_wait3A_127 : memref<128xi32, #tpu.memory_space<hbm>>) dst(%arg13 : memref<128xi32, #tpu.memory_space<vmem>>)
        %dma_start3A_128 = arith.constant 0 : i32
        %dma_start3A_129 = arith.constant 0 : i32
        %dma_start3A_130 = tpu.memref_slice %arg4[%dma_start3A_128, %dma_start3A_129] : memref<10112x128xf32, #tpu.memory_space<hbm>> -> memref<10112x128xf32, #tpu.memory_space<hbm>>
        tpu.enqueue_indirect_dma source(%dma_start3A_130 : memref<10112x128xf32, #tpu.memory_space<hbm>>) target(%arg9 : memref<128x128xf32, #tpu.memory_space<vmem>>) offsets(%arg12 : memref<128xi32, #tpu.memory_space<vmem>>) semaphore(%arg14 : memref<!tpu.dma_semaphore, #tpu.memory_space<semaphore_mem>>)
      }
      %scan3A_53 = arith.constant 105 : i32
      %dma_wait3A_54 = arith.constant 0 : i32
      %dma_wait3A_55 = arith.constant 0 : i32
      %dma_wait3A_56 = tpu.memref_slice %arg4[%dma_wait3A_54, %dma_wait3A_55] : memref<10112x128xf32, #tpu.memory_space<hbm>> -> memref<10112x128xf32, #tpu.memory_space<hbm>>
      tpu.wait_indirect_dma semaphore(%arg14 : memref<!tpu.dma_semaphore, #tpu.memory_space<semaphore_mem>>) src(%dma_wait3A_56 : memref<10112x128xf32, #tpu.memory_space<hbm>>) dst(%arg8 : memref<128x128xf32, #tpu.memory_space<vmem>>)
      %dma_start3A_57 = arith.constant 0 : i32
      %dma_start3A_58 = arith.constant 0 : i32
      %dma_start3A_59 = tpu.memref_slice %arg7[%dma_start3A_57, %dma_start3A_58] : memref<10112x128xf32, #tpu.memory_space<vmem_shared>> -> memref<10112x128xf32, #tpu.memory_space<vmem_shared>>
      tpu.enqueue_indirect_dma source(%arg8 : memref<128x128xf32, #tpu.memory_space<vmem>>) target(%dma_start3A_59 : memref<10112x128xf32, #tpu.memory_space<vmem_shared>>) offsets(%arg11 : memref<128xi32, #tpu.memory_space<vmem>>) semaphore(%arg15 : memref<!tpu.dma_semaphore, #tpu.memory_space<semaphore_mem>>) {add = true}
      %dma_wait3A_60 = arith.constant 0 : i32
      %dma_wait3A_61 = arith.constant 0 : i32
      %dma_wait3A_62 = tpu.memref_slice %arg7[%dma_wait3A_60, %dma_wait3A_61] : memref<10112x128xf32, #tpu.memory_space<vmem_shared>> -> memref<10112x128xf32, #tpu.memory_space<vmem_shared>>
      tpu.wait_indirect_dma semaphore(%arg15 : memref<!tpu.dma_semaphore, #tpu.memory_space<semaphore_mem>>) src(%arg8 : memref<128x128xf32, #tpu.memory_space<vmem>>) dst(%dma_wait3A_62 : memref<10112x128xf32, #tpu.memory_space<vmem_shared>>)
      %dma_wait3A_63 = arith.constant 0 : i32
      %dma_wait3A_64 = arith.constant 0 : i32
      %dma_wait3A_65 = tpu.memref_slice %arg4[%dma_wait3A_63, %dma_wait3A_64] : memref<10112x128xf32, #tpu.memory_space<hbm>> -> memref<10112x128xf32, #tpu.memory_space<hbm>>
      tpu.wait_indirect_dma semaphore(%arg14 : memref<!tpu.dma_semaphore, #tpu.memory_space<semaphore_mem>>) src(%dma_wait3A_65 : memref<10112x128xf32, #tpu.memory_space<hbm>>) dst(%arg9 : memref<128x128xf32, #tpu.memory_space<vmem>>)
      %dma_start3A_66 = arith.constant 0 : i32
      %dma_start3A_67 = arith.constant 0 : i32
      %dma_start3A_68 = tpu.memref_slice %arg7[%dma_start3A_66, %dma_start3A_67] : memref<10112x128xf32, #tpu.memory_space<vmem_shared>> -> memref<10112x128xf32, #tpu.memory_space<vmem_shared>>
      tpu.enqueue_indirect_dma source(%arg9 : memref<128x128xf32, #tpu.memory_space<vmem>>) target(%dma_start3A_68 : memref<10112x128xf32, #tpu.memory_space<vmem_shared>>) offsets(%arg13 : memref<128xi32, #tpu.memory_space<vmem>>) semaphore(%arg16 : memref<!tpu.dma_semaphore, #tpu.memory_space<semaphore_mem>>) {add = true}
      %dma_wait3A_69 = arith.constant 0 : i32
      %dma_wait3A_70 = arith.constant 0 : i32
      %dma_wait3A_71 = tpu.memref_slice %arg7[%dma_wait3A_69, %dma_wait3A_70] : memref<10112x128xf32, #tpu.memory_space<vmem_shared>> -> memref<10112x128xf32, #tpu.memory_space<vmem_shared>>
      tpu.wait_indirect_dma semaphore(%arg16 : memref<!tpu.dma_semaphore, #tpu.memory_space<semaphore_mem>>) src(%arg9 : memref<128x128xf32, #tpu.memory_space<vmem>>) dst(%dma_wait3A_71 : memref<10112x128xf32, #tpu.memory_space<vmem_shared>>)
    } else {
    }
    %ne3A = arith.constant 0 : i32
    %ne3A_3 = arith.cmpi ne, %arg0, %ne3A : i32
    %convert_element_type3A_4 = arith.extui %ne3A_3 : i1 to i32
    %cond3A_5 = arith.constant 0 : i32
    %cond3A_6 = arith.cmpi ne, %convert_element_type3A_4, %cond3A_5 : i32
    scf.if %cond3A_6 {
      %mul3A_12 = arith.constant 52 : i32
      %mul3A_13 = arith.muli %arg1, %mul3A_12 : i32
      %add3A = arith.constant 1696 : i32
      %add3A_14 = arith.addi %add3A, %mul3A_13 : i32
      %add3A_15 = arith.constant 0 : i32
      %add3A_16 = arith.addi %add3A_14, %add3A_15 : i32
      %mul3A_17 = arith.constant 128 : i32
      %mul3A_18 = arith.muli %add3A_16, %mul3A_17 : i32
      %dma_start3A = tpu.memref_slice %arg2[%mul3A_18] : memref<323584xi32, #tpu.memory_space<hbm>> -> memref<128xi32, #tpu.memory_space<hbm>>
      %dma_start3A_19 = tpu.memref_slice %arg2[%mul3A_18] : memref<323584xi32, #tpu.memory_space<hbm>> -> memref<128xi32, #tpu.memory_space<hbm>>
      tpu.enqueue_dma source(%dma_start3A_19 : memref<128xi32, #tpu.memory_space<hbm>>) target(%arg10 : memref<128xi32, #tpu.memory_space<vmem>>) target_semaphore(%arg17 : memref<!tpu.dma_semaphore, #tpu.memory_space<semaphore_mem>>)
      %dma_start3A_20 = tpu.memref_slice %arg3[%mul3A_18] : memref<323584xi32, #tpu.memory_space<hbm>> -> memref<128xi32, #tpu.memory_space<hbm>>
      %dma_start3A_21 = tpu.memref_slice %arg3[%mul3A_18] : memref<323584xi32, #tpu.memory_space<hbm>> -> memref<128xi32, #tpu.memory_space<hbm>>
      tpu.enqueue_dma source(%dma_start3A_21 : memref<128xi32, #tpu.memory_space<hbm>>) target(%arg11 : memref<128xi32, #tpu.memory_space<vmem>>) target_semaphore(%arg17 : memref<!tpu.dma_semaphore, #tpu.memory_space<semaphore_mem>>)
      %dma_wait3A = arith.constant 0 : i32
      %dma_wait3A_22 = tpu.memref_slice %arg2[%dma_wait3A] : memref<323584xi32, #tpu.memory_space<hbm>> -> memref<128xi32, #tpu.memory_space<hbm>>
      %dma_wait3A_23 = arith.constant 0 : i32
      %dma_wait3A_24 = tpu.memref_slice %arg2[%dma_wait3A_23] : memref<323584xi32, #tpu.memory_space<hbm>> -> memref<128xi32, #tpu.memory_space<hbm>>
      tpu.wait_dma2 semaphore(%arg17 : memref<!tpu.dma_semaphore, #tpu.memory_space<semaphore_mem>>) src(%dma_wait3A_24 : memref<128xi32, #tpu.memory_space<hbm>>) dst(%arg10 : memref<128xi32, #tpu.memory_space<vmem>>)
      %dma_wait3A_25 = arith.constant 0 : i32
      %dma_wait3A_26 = tpu.memref_slice %arg2[%dma_wait3A_25] : memref<323584xi32, #tpu.memory_space<hbm>> -> memref<128xi32, #tpu.memory_space<hbm>>
      %dma_wait3A_27 = arith.constant 0 : i32
      %dma_wait3A_28 = tpu.memref_slice %arg2[%dma_wait3A_27] : memref<323584xi32, #tpu.memory_space<hbm>> -> memref<128xi32, #tpu.memory_space<hbm>>
      tpu.wait_dma2 semaphore(%arg17 : memref<!tpu.dma_semaphore, #tpu.memory_space<semaphore_mem>>) src(%dma_wait3A_28 : memref<128xi32, #tpu.memory_space<hbm>>) dst(%arg11 : memref<128xi32, #tpu.memory_space<vmem>>)
      %dma_start3A_29 = arith.constant 0 : i32
      %dma_start3A_30 = arith.constant 0 : i32
      %dma_start3A_31 = tpu.memref_slice %arg4[%dma_start3A_29, %dma_start3A_30] : memref<10112x128xf32, #tpu.memory_space<hbm>> -> memref<10112x128xf32, #tpu.memory_space<hbm>>
      tpu.enqueue_indirect_dma source(%dma_start3A_31 : memref<10112x128xf32, #tpu.memory_space<hbm>>) target(%arg8 : memref<128x128xf32, #tpu.memory_space<vmem>>) offsets(%arg10 : memref<128xi32, #tpu.memory_space<vmem>>) semaphore(%arg14 : memref<!tpu.dma_semaphore, #tpu.memory_space<semaphore_mem>>)
      %add3A_32 = arith.constant 0 : i32
      %add3A_33 = arith.addi %add3A_14, %add3A_32 : i32
      %mul3A_34 = arith.constant 128 : i32
      %mul3A_35 = arith.muli %add3A_33, %mul3A_34 : i32
      %dma_start3A_36 = tpu.memref_slice %arg3[%mul3A_35] : memref<323584xi32, #tpu.memory_space<hbm>> -> memref<128xi32, #tpu.memory_space<hbm>>
      %dma_start3A_37 = tpu.memref_slice %arg3[%mul3A_35] : memref<323584xi32, #tpu.memory_space<hbm>> -> memref<128xi32, #tpu.memory_space<hbm>>
      tpu.enqueue_dma source(%dma_start3A_37 : memref<128xi32, #tpu.memory_space<hbm>>) target(%arg12 : memref<128xi32, #tpu.memory_space<vmem>>) target_semaphore(%arg17 : memref<!tpu.dma_semaphore, #tpu.memory_space<semaphore_mem>>)
      %dma_start3A_38 = tpu.memref_slice %arg2[%mul3A_35] : memref<323584xi32, #tpu.memory_space<hbm>> -> memref<128xi32, #tpu.memory_space<hbm>>
      %dma_start3A_39 = tpu.memref_slice %arg2[%mul3A_35] : memref<323584xi32, #tpu.memory_space<hbm>> -> memref<128xi32, #tpu.memory_space<hbm>>
      tpu.enqueue_dma source(%dma_start3A_39 : memref<128xi32, #tpu.memory_space<hbm>>) target(%arg13 : memref<128xi32, #tpu.memory_space<vmem>>) target_semaphore(%arg17 : memref<!tpu.dma_semaphore, #tpu.memory_space<semaphore_mem>>)
      %dma_wait3A_40 = arith.constant 0 : i32
      %dma_wait3A_41 = tpu.memref_slice %arg3[%dma_wait3A_40] : memref<323584xi32, #tpu.memory_space<hbm>> -> memref<128xi32, #tpu.memory_space<hbm>>
      %dma_wait3A_42 = arith.constant 0 : i32
      %dma_wait3A_43 = tpu.memref_slice %arg3[%dma_wait3A_42] : memref<323584xi32, #tpu.memory_space<hbm>> -> memref<128xi32, #tpu.memory_space<hbm>>
      tpu.wait_dma2 semaphore(%arg17 : memref<!tpu.dma_semaphore, #tpu.memory_space<semaphore_mem>>) src(%dma_wait3A_43 : memref<128xi32, #tpu.memory_space<hbm>>) dst(%arg12 : memref<128xi32, #tpu.memory_space<vmem>>)
      %dma_wait3A_44 = arith.constant 0 : i32
      %dma_wait3A_45 = tpu.memref_slice %arg3[%dma_wait3A_44] : memref<323584xi32, #tpu.memory_space<hbm>> -> memref<128xi32, #tpu.memory_space<hbm>>
      %dma_wait3A_46 = arith.constant 0 : i32
      %dma_wait3A_47 = tpu.memref_slice %arg3[%dma_wait3A_46] : memref<323584xi32, #tpu.memory_space<hbm>> -> memref<128xi32, #tpu.memory_space<hbm>>
      tpu.wait_dma2 semaphore(%arg17 : memref<!tpu.dma_semaphore, #tpu.memory_space<semaphore_mem>>) src(%dma_wait3A_47 : memref<128xi32, #tpu.memory_space<hbm>>) dst(%arg13 : memref<128xi32, #tpu.memory_space<vmem>>)
      %dma_start3A_48 = arith.constant 0 : i32
      %dma_start3A_49 = arith.constant 0 : i32
      %dma_start3A_50 = tpu.memref_slice %arg4[%dma_start3A_48, %dma_start3A_49] : memref<10112x128xf32, #tpu.memory_space<hbm>> -> memref<10112x128xf32, #tpu.memory_space<hbm>>
      tpu.enqueue_indirect_dma source(%dma_start3A_50 : memref<10112x128xf32, #tpu.memory_space<hbm>>) target(%arg9 : memref<128x128xf32, #tpu.memory_space<vmem>>) offsets(%arg12 : memref<128xi32, #tpu.memory_space<vmem>>) semaphore(%arg14 : memref<!tpu.dma_semaphore, #tpu.memory_space<semaphore_mem>>)
      %scan3A = arith.constant 0 : i32
      %scan3A_51 = arith.constant 0 : i32
      %scan3A_52 = arith.constant 51 : i32
      %scan3A_53 = arith.addi %scan3A_51, %scan3A_52 : i32
      %scan3A_54 = arith.constant 1 : i32
      scf.for %scan3A_74 = %scan3A_51 to %scan3A_53 step %scan3A_54  : i32 {
        %dma_wait3A_75 = arith.constant 0 : i32
        %dma_wait3A_76 = arith.constant 0 : i32
        %dma_wait3A_77 = tpu.memref_slice %arg4[%dma_wait3A_75, %dma_wait3A_76] : memref<10112x128xf32, #tpu.memory_space<hbm>> -> memref<10112x128xf32, #tpu.memory_space<hbm>>
        tpu.wait_indirect_dma semaphore(%arg14 : memref<!tpu.dma_semaphore, #tpu.memory_space<semaphore_mem>>) src(%dma_wait3A_77 : memref<10112x128xf32, #tpu.memory_space<hbm>>) dst(%arg8 : memref<128x128xf32, #tpu.memory_space<vmem>>)
        %dma_start3A_78 = arith.constant 0 : i32
        %dma_start3A_79 = arith.constant 0 : i32
        %dma_start3A_80 = tpu.memref_slice %arg7[%dma_start3A_78, %dma_start3A_79] : memref<10112x128xf32, #tpu.memory_space<vmem_shared>> -> memref<10112x128xf32, #tpu.memory_space<vmem_shared>>
        tpu.enqueue_indirect_dma source(%arg8 : memref<128x128xf32, #tpu.memory_space<vmem>>) target(%dma_start3A_80 : memref<10112x128xf32, #tpu.memory_space<vmem_shared>>) offsets(%arg11 : memref<128xi32, #tpu.memory_space<vmem>>) semaphore(%arg15 : memref<!tpu.dma_semaphore, #tpu.memory_space<semaphore_mem>>) {add = true}
        %dma_wait3A_81 = arith.constant 0 : i32
        %dma_wait3A_82 = arith.constant 0 : i32
        %dma_wait3A_83 = tpu.memref_slice %arg7[%dma_wait3A_81, %dma_wait3A_82] : memref<10112x128xf32, #tpu.memory_space<vmem_shared>> -> memref<10112x128xf32, #tpu.memory_space<vmem_shared>>
        tpu.wait_indirect_dma semaphore(%arg15 : memref<!tpu.dma_semaphore, #tpu.memory_space<semaphore_mem>>) src(%arg8 : memref<128x128xf32, #tpu.memory_space<vmem>>) dst(%dma_wait3A_83 : memref<10112x128xf32, #tpu.memory_space<vmem_shared>>)
        %add3A_84 = arith.constant 1 : i32
        %add3A_85 = arith.addi %scan3A_74, %add3A_84 : i32
        %add3A_86 = arith.addi %add3A_14, %add3A_85 : i32
        %mul3A_87 = arith.constant 128 : i32
        %mul3A_88 = arith.muli %add3A_86, %mul3A_87 : i32
        %dma_start3A_89 = tpu.memref_slice %arg2[%mul3A_88] : memref<323584xi32, #tpu.memory_space<hbm>> -> memref<128xi32, #tpu.memory_space<hbm>>
        %dma_start3A_90 = tpu.memref_slice %arg2[%mul3A_88] : memref<323584xi32, #tpu.memory_space<hbm>> -> memref<128xi32, #tpu.memory_space<hbm>>
        tpu.enqueue_dma source(%dma_start3A_90 : memref<128xi32, #tpu.memory_space<hbm>>) target(%arg10 : memref<128xi32, #tpu.memory_space<vmem>>) target_semaphore(%arg17 : memref<!tpu.dma_semaphore, #tpu.memory_space<semaphore_mem>>)
        %dma_start3A_91 = tpu.memref_slice %arg3[%mul3A_88] : memref<323584xi32, #tpu.memory_space<hbm>> -> memref<128xi32, #tpu.memory_space<hbm>>
        %dma_start3A_92 = tpu.memref_slice %arg3[%mul3A_88] : memref<323584xi32, #tpu.memory_space<hbm>> -> memref<128xi32, #tpu.memory_space<hbm>>
        tpu.enqueue_dma source(%dma_start3A_92 : memref<128xi32, #tpu.memory_space<hbm>>) target(%arg11 : memref<128xi32, #tpu.memory_space<vmem>>) target_semaphore(%arg17 : memref<!tpu.dma_semaphore, #tpu.memory_space<semaphore_mem>>)
        %dma_wait3A_93 = arith.constant 0 : i32
        %dma_wait3A_94 = tpu.memref_slice %arg2[%dma_wait3A_93] : memref<323584xi32, #tpu.memory_space<hbm>> -> memref<128xi32, #tpu.memory_space<hbm>>
        %dma_wait3A_95 = arith.constant 0 : i32
        %dma_wait3A_96 = tpu.memref_slice %arg2[%dma_wait3A_95] : memref<323584xi32, #tpu.memory_space<hbm>> -> memref<128xi32, #tpu.memory_space<hbm>>
        tpu.wait_dma2 semaphore(%arg17 : memref<!tpu.dma_semaphore, #tpu.memory_space<semaphore_mem>>) src(%dma_wait3A_96 : memref<128xi32, #tpu.memory_space<hbm>>) dst(%arg10 : memref<128xi32, #tpu.memory_space<vmem>>)
        %dma_wait3A_97 = arith.constant 0 : i32
        %dma_wait3A_98 = tpu.memref_slice %arg2[%dma_wait3A_97] : memref<323584xi32, #tpu.memory_space<hbm>> -> memref<128xi32, #tpu.memory_space<hbm>>
        %dma_wait3A_99 = arith.constant 0 : i32
        %dma_wait3A_100 = tpu.memref_slice %arg2[%dma_wait3A_99] : memref<323584xi32, #tpu.memory_space<hbm>> -> memref<128xi32, #tpu.memory_space<hbm>>
        tpu.wait_dma2 semaphore(%arg17 : memref<!tpu.dma_semaphore, #tpu.memory_space<semaphore_mem>>) src(%dma_wait3A_100 : memref<128xi32, #tpu.memory_space<hbm>>) dst(%arg11 : memref<128xi32, #tpu.memory_space<vmem>>)
        %dma_start3A_101 = arith.constant 0 : i32
        %dma_start3A_102 = arith.constant 0 : i32
        %dma_start3A_103 = tpu.memref_slice %arg4[%dma_start3A_101, %dma_start3A_102] : memref<10112x128xf32, #tpu.memory_space<hbm>> -> memref<10112x128xf32, #tpu.memory_space<hbm>>
        tpu.enqueue_indirect_dma source(%dma_start3A_103 : memref<10112x128xf32, #tpu.memory_space<hbm>>) target(%arg8 : memref<128x128xf32, #tpu.memory_space<vmem>>) offsets(%arg10 : memref<128xi32, #tpu.memory_space<vmem>>) semaphore(%arg14 : memref<!tpu.dma_semaphore, #tpu.memory_space<semaphore_mem>>)
        %dma_wait3A_104 = arith.constant 0 : i32
        %dma_wait3A_105 = arith.constant 0 : i32
        %dma_wait3A_106 = tpu.memref_slice %arg4[%dma_wait3A_104, %dma_wait3A_105] : memref<10112x128xf32, #tpu.memory_space<hbm>> -> memref<10112x128xf32, #tpu.memory_space<hbm>>
        tpu.wait_indirect_dma semaphore(%arg14 : memref<!tpu.dma_semaphore, #tpu.memory_space<semaphore_mem>>) src(%dma_wait3A_106 : memref<10112x128xf32, #tpu.memory_space<hbm>>) dst(%arg9 : memref<128x128xf32, #tpu.memory_space<vmem>>)
        %dma_start3A_107 = arith.constant 0 : i32
        %dma_start3A_108 = arith.constant 0 : i32
        %dma_start3A_109 = tpu.memref_slice %arg7[%dma_start3A_107, %dma_start3A_108] : memref<10112x128xf32, #tpu.memory_space<vmem_shared>> -> memref<10112x128xf32, #tpu.memory_space<vmem_shared>>
        tpu.enqueue_indirect_dma source(%arg9 : memref<128x128xf32, #tpu.memory_space<vmem>>) target(%dma_start3A_109 : memref<10112x128xf32, #tpu.memory_space<vmem_shared>>) offsets(%arg13 : memref<128xi32, #tpu.memory_space<vmem>>) semaphore(%arg16 : memref<!tpu.dma_semaphore, #tpu.memory_space<semaphore_mem>>) {add = true}
        %dma_wait3A_110 = arith.constant 0 : i32
        %dma_wait3A_111 = arith.constant 0 : i32
        %dma_wait3A_112 = tpu.memref_slice %arg7[%dma_wait3A_110, %dma_wait3A_111] : memref<10112x128xf32, #tpu.memory_space<vmem_shared>> -> memref<10112x128xf32, #tpu.memory_space<vmem_shared>>
        tpu.wait_indirect_dma semaphore(%arg16 : memref<!tpu.dma_semaphore, #tpu.memory_space<semaphore_mem>>) src(%arg9 : memref<128x128xf32, #tpu.memory_space<vmem>>) dst(%dma_wait3A_112 : memref<10112x128xf32, #tpu.memory_space<vmem_shared>>)
        %add3A_113 = arith.constant 1 : i32
        %add3A_114 = arith.addi %scan3A_74, %add3A_113 : i32
        %add3A_115 = arith.addi %add3A_14, %add3A_114 : i32
        %mul3A_116 = arith.constant 128 : i32
        %mul3A_117 = arith.muli %add3A_115, %mul3A_116 : i32
        %dma_start3A_118 = tpu.memref_slice %arg3[%mul3A_117] : memref<323584xi32, #tpu.memory_space<hbm>> -> memref<128xi32, #tpu.memory_space<hbm>>
        %dma_start3A_119 = tpu.memref_slice %arg3[%mul3A_117] : memref<323584xi32, #tpu.memory_space<hbm>> -> memref<128xi32, #tpu.memory_space<hbm>>
        tpu.enqueue_dma source(%dma_start3A_119 : memref<128xi32, #tpu.memory_space<hbm>>) target(%arg12 : memref<128xi32, #tpu.memory_space<vmem>>) target_semaphore(%arg17 : memref<!tpu.dma_semaphore, #tpu.memory_space<semaphore_mem>>)
        %dma_start3A_120 = tpu.memref_slice %arg2[%mul3A_117] : memref<323584xi32, #tpu.memory_space<hbm>> -> memref<128xi32, #tpu.memory_space<hbm>>
        %dma_start3A_121 = tpu.memref_slice %arg2[%mul3A_117] : memref<323584xi32, #tpu.memory_space<hbm>> -> memref<128xi32, #tpu.memory_space<hbm>>
        tpu.enqueue_dma source(%dma_start3A_121 : memref<128xi32, #tpu.memory_space<hbm>>) target(%arg13 : memref<128xi32, #tpu.memory_space<vmem>>) target_semaphore(%arg17 : memref<!tpu.dma_semaphore, #tpu.memory_space<semaphore_mem>>)
        %dma_wait3A_122 = arith.constant 0 : i32
        %dma_wait3A_123 = tpu.memref_slice %arg3[%dma_wait3A_122] : memref<323584xi32, #tpu.memory_space<hbm>> -> memref<128xi32, #tpu.memory_space<hbm>>
        %dma_wait3A_124 = arith.constant 0 : i32
        %dma_wait3A_125 = tpu.memref_slice %arg3[%dma_wait3A_124] : memref<323584xi32, #tpu.memory_space<hbm>> -> memref<128xi32, #tpu.memory_space<hbm>>
        tpu.wait_dma2 semaphore(%arg17 : memref<!tpu.dma_semaphore, #tpu.memory_space<semaphore_mem>>) src(%dma_wait3A_125 : memref<128xi32, #tpu.memory_space<hbm>>) dst(%arg12 : memref<128xi32, #tpu.memory_space<vmem>>)
        %dma_wait3A_126 = arith.constant 0 : i32
        %dma_wait3A_127 = tpu.memref_slice %arg3[%dma_wait3A_126] : memref<323584xi32, #tpu.memory_space<hbm>> -> memref<128xi32, #tpu.memory_space<hbm>>
        %dma_wait3A_128 = arith.constant 0 : i32
        %dma_wait3A_129 = tpu.memref_slice %arg3[%dma_wait3A_128] : memref<323584xi32, #tpu.memory_space<hbm>> -> memref<128xi32, #tpu.memory_space<hbm>>
        tpu.wait_dma2 semaphore(%arg17 : memref<!tpu.dma_semaphore, #tpu.memory_space<semaphore_mem>>) src(%dma_wait3A_129 : memref<128xi32, #tpu.memory_space<hbm>>) dst(%arg13 : memref<128xi32, #tpu.memory_space<vmem>>)
        %dma_start3A_130 = arith.constant 0 : i32
        %dma_start3A_131 = arith.constant 0 : i32
        %dma_start3A_132 = tpu.memref_slice %arg4[%dma_start3A_130, %dma_start3A_131] : memref<10112x128xf32, #tpu.memory_space<hbm>> -> memref<10112x128xf32, #tpu.memory_space<hbm>>
        tpu.enqueue_indirect_dma source(%dma_start3A_132 : memref<10112x128xf32, #tpu.memory_space<hbm>>) target(%arg9 : memref<128x128xf32, #tpu.memory_space<vmem>>) offsets(%arg12 : memref<128xi32, #tpu.memory_space<vmem>>) semaphore(%arg14 : memref<!tpu.dma_semaphore, #tpu.memory_space<semaphore_mem>>)
      }
      %scan3A_55 = arith.constant 51 : i32
      %dma_wait3A_56 = arith.constant 0 : i32
      %dma_wait3A_57 = arith.constant 0 : i32
      %dma_wait3A_58 = tpu.memref_slice %arg4[%dma_wait3A_56, %dma_wait3A_57] : memref<10112x128xf32, #tpu.memory_space<hbm>> -> memref<10112x128xf32, #tpu.memory_space<hbm>>
      tpu.wait_indirect_dma semaphore(%arg14 : memref<!tpu.dma_semaphore, #tpu.memory_space<semaphore_mem>>) src(%dma_wait3A_58 : memref<10112x128xf32, #tpu.memory_space<hbm>>) dst(%arg8 : memref<128x128xf32, #tpu.memory_space<vmem>>)
      %dma_start3A_59 = arith.constant 0 : i32
      %dma_start3A_60 = arith.constant 0 : i32
      %dma_start3A_61 = tpu.memref_slice %arg7[%dma_start3A_59, %dma_start3A_60] : memref<10112x128xf32, #tpu.memory_space<vmem_shared>> -> memref<10112x128xf32, #tpu.memory_space<vmem_shared>>
      tpu.enqueue_indirect_dma source(%arg8 : memref<128x128xf32, #tpu.memory_space<vmem>>) target(%dma_start3A_61 : memref<10112x128xf32, #tpu.memory_space<vmem_shared>>) offsets(%arg11 : memref<128xi32, #tpu.memory_space<vmem>>) semaphore(%arg15 : memref<!tpu.dma_semaphore, #tpu.memory_space<semaphore_mem>>) {add = true}
      %dma_wait3A_62 = arith.constant 0 : i32
      %dma_wait3A_63 = arith.constant 0 : i32
      %dma_wait3A_64 = tpu.memref_slice %arg7[%dma_wait3A_62, %dma_wait3A_63] : memref<10112x128xf32, #tpu.memory_space<vmem_shared>> -> memref<10112x128xf32, #tpu.memory_space<vmem_shared>>
      tpu.wait_indirect_dma semaphore(%arg15 : memref<!tpu.dma_semaphore, #tpu.memory_space<semaphore_mem>>) src(%arg8 : memref<128x128xf32, #tpu.memory_space<vmem>>) dst(%dma_wait3A_64 : memref<10112x128xf32, #tpu.memory_space<vmem_shared>>)
      %dma_wait3A_65 = arith.constant 0 : i32
      %dma_wait3A_66 = arith.constant 0 : i32
      %dma_wait3A_67 = tpu.memref_slice %arg4[%dma_wait3A_65, %dma_wait3A_66] : memref<10112x128xf32, #tpu.memory_space<hbm>> -> memref<10112x128xf32, #tpu.memory_space<hbm>>
      tpu.wait_indirect_dma semaphore(%arg14 : memref<!tpu.dma_semaphore, #tpu.memory_space<semaphore_mem>>) src(%dma_wait3A_67 : memref<10112x128xf32, #tpu.memory_space<hbm>>) dst(%arg9 : memref<128x128xf32, #tpu.memory_space<vmem>>)
      %dma_start3A_68 = arith.constant 0 : i32
      %dma_start3A_69 = arith.constant 0 : i32
      %dma_start3A_70 = tpu.memref_slice %arg7[%dma_start3A_68, %dma_start3A_69] : memref<10112x128xf32, #tpu.memory_space<vmem_shared>> -> memref<10112x128xf32, #tpu.memory_space<vmem_shared>>
      tpu.enqueue_indirect_dma source(%arg9 : memref<128x128xf32, #tpu.memory_space<vmem>>) target(%dma_start3A_70 : memref<10112x128xf32, #tpu.memory_space<vmem_shared>>) offsets(%arg13 : memref<128xi32, #tpu.memory_space<vmem>>) semaphore(%arg16 : memref<!tpu.dma_semaphore, #tpu.memory_space<semaphore_mem>>) {add = true}
      %dma_wait3A_71 = arith.constant 0 : i32
      %dma_wait3A_72 = arith.constant 0 : i32
      %dma_wait3A_73 = tpu.memref_slice %arg7[%dma_wait3A_71, %dma_wait3A_72] : memref<10112x128xf32, #tpu.memory_space<vmem_shared>> -> memref<10112x128xf32, #tpu.memory_space<vmem_shared>>
      tpu.wait_indirect_dma semaphore(%arg16 : memref<!tpu.dma_semaphore, #tpu.memory_space<semaphore_mem>>) src(%arg9 : memref<128x128xf32, #tpu.memory_space<vmem>>) dst(%dma_wait3A_73 : memref<10112x128xf32, #tpu.memory_space<vmem_shared>>)
    } else {
    }
    %barrier3A_7 = arith.constant 0 : index
    tpu.barrier barrier_id(%barrier3A_7)
    %mul3A_8 = arith.constant 632 : i32
    %mul3A_9 = arith.muli %arg1, %mul3A_8 : i32
    %mul3A_10 = arith.constant 632 : i32
    %mul3A_11 = arith.muli %arg1, %mul3A_10 : i32
    "tpu.region"() ({
      %run_scoped3A = tpu.sem_alloc : memref<!tpu.dma_semaphore, #tpu.memory_space<semaphore_mem>>
      %dma_start3A = arith.constant 0 : i32
      %dma_start3A_12 = tpu.memref_slice %arg6[%arg0, %mul3A_11, %dma_start3A] : memref<2x10112x128xf32, #tpu.memory_space<hbm>> -> memref<1x632x128xf32, #tpu.memory_space<hbm>>
      %dma_start3A_13 = tpu.memref_squeeze %dma_start3A_12 : memref<1x632x128xf32, #tpu.memory_space<hbm>> -> memref<632x128xf32, #tpu.memory_space<hbm>>
      %dma_start3A_14 = arith.constant 0 : i32
      %dma_start3A_15 = tpu.memref_slice %arg7[%mul3A_9, %dma_start3A_14] : memref<10112x128xf32, #tpu.memory_space<vmem_shared>> -> memref<632x128xf32, #tpu.memory_space<vmem_shared>>
      tpu.enqueue_dma source(%dma_start3A_15 : memref<632x128xf32, #tpu.memory_space<vmem_shared>>) target(%dma_start3A_13 : memref<632x128xf32, #tpu.memory_space<hbm>>) target_semaphore(%run_scoped3A : memref<!tpu.dma_semaphore, #tpu.memory_space<semaphore_mem>>)
      %dma_wait3A = arith.constant 0 : i32
      %dma_wait3A_16 = tpu.memref_slice %arg6[%arg0, %mul3A_11, %dma_wait3A] : memref<2x10112x128xf32, #tpu.memory_space<hbm>> -> memref<1x632x128xf32, #tpu.memory_space<hbm>>
      %dma_wait3A_17 = tpu.memref_squeeze %dma_wait3A_16 : memref<1x632x128xf32, #tpu.memory_space<hbm>> -> memref<632x128xf32, #tpu.memory_space<hbm>>
      %dma_wait3A_18 = arith.constant 0 : i32
      %dma_wait3A_19 = tpu.memref_slice %arg7[%mul3A_9, %dma_wait3A_18] : memref<10112x128xf32, #tpu.memory_space<vmem_shared>> -> memref<632x128xf32, #tpu.memory_space<vmem_shared>>
      tpu.wait_dma2 semaphore(%run_scoped3A : memref<!tpu.dma_semaphore, #tpu.memory_space<semaphore_mem>>) src(%dma_wait3A_19 : memref<632x128xf32, #tpu.memory_space<vmem_shared>>) dst(%dma_wait3A_17 : memref<632x128xf32, #tpu.memory_space<hbm>>)
      tpu.yield
    }) : () -> ()
    return
  }
}

module attributes {stable_mosaic.version = 14 : i64} {
  func.func @_t0_codes(%arg0: memref<2528x128xi32, #tpu.memory_space<vmem>>, %arg1: memref<2528x128xi32, #tpu.memory_space<vmem>>, %arg2: memref<2528x128xi32, #tpu.memory_space<vmem>>, %arg3: memref<2528x128xi32, #tpu.memory_space<vmem>>) attributes {dimension_semantics = [], scalar_prefetch = 0 : i64, scratch_operands = 0 : i64, tpu.core_type = #tpu.core_type<tc>} {
    %get3A = arith.constant 0 : index
    %get3A_0 = arith.constant 0 : index
    %get3A_1 = vector.load %arg0[%get3A, %get3A_0] : memref<2528x128xi32, #tpu.memory_space<vmem>>, vector<2528x128xi32>
    %get3A_2 = arith.constant 0 : index
    %get3A_3 = arith.constant 0 : index
    %get3A_4 = vector.load %arg1[%get3A_2, %get3A_3] : memref<2528x128xi32, #tpu.memory_space<vmem>>, vector<2528x128xi32>
    %min3A = arith.minsi %get3A_1, %get3A_4 : vector<2528x128xi32>
    %max3A = arith.maxsi %get3A_1, %get3A_4 : vector<2528x128xi32>
    %mul3A = arith.constant 10000 : i32
    %mul3A_5 = vector.broadcast %mul3A : i32 to vector<2528x128xi32>
    %mul3A_6 = arith.muli %min3A, %mul3A_5 : vector<2528x128xi32>
    %add3A = arith.constant 1 : i32
    %add3A_7 = vector.broadcast %add3A : i32 to vector<2528x128xi32>
    %add3A_8 = arith.addi %min3A, %add3A_7 : vector<2528x128xi32>
    %mul3A_9 = arith.muli %min3A, %add3A_8 : vector<2528x128xi32>
    %jit3A = arith.constant 2 : i32
    %div3A = vector.broadcast %jit3A : i32 to vector<2528x128xi32>
    %div3A_10 = arith.divsi %mul3A_9, %div3A : vector<2528x128xi32>
    %sign3A = arith.constant 0 : i32
    %sign3A_11 = vector.broadcast %sign3A : i32 to vector<2528x128xi32>
    %sign3A_12 = arith.cmpi sgt, %mul3A_9, %sign3A_11 : vector<2528x128xi32>
    %sign3A_13 = arith.extui %sign3A_12 : vector<2528x128xi1> to vector<2528x128xi32>
    %sign3A_14 = arith.constant 0 : i32
    %sign3A_15 = vector.broadcast %sign3A_14 : i32 to vector<2528x128xi32>
    %sign3A_16 = arith.cmpi slt, %mul3A_9, %sign3A_15 : vector<2528x128xi32>
    %sign3A_17 = arith.extui %sign3A_16 : vector<2528x128xi1> to vector<2528x128xi32>
    %sign3A_18 = arith.subi %sign3A_13, %sign3A_17 : vector<2528x128xi32>
    %sign3A_19 = arith.constant 0 : i32
    %sign3A_20 = arith.cmpi sgt, %jit3A, %sign3A_19 : i32
    %sign3A_21 = arith.extui %sign3A_20 : i1 to i32
    %sign3A_22 = arith.constant 0 : i32
    %sign3A_23 = arith.cmpi slt, %jit3A, %sign3A_22 : i32
    %sign3A_24 = arith.extui %sign3A_23 : i1 to i32
    %sign3A_25 = arith.subi %sign3A_21, %sign3A_24 : i32
    %ne3A = vector.broadcast %sign3A_25 : i32 to vector<2528x128xi32>
    %ne3A_26 = arith.cmpi ne, %sign3A_18, %ne3A : vector<2528x128xi32>
    %rem3A = vector.broadcast %jit3A : i32 to vector<2528x128xi32>
    %rem3A_27 = arith.remsi %mul3A_9, %rem3A : vector<2528x128xi32>
    %ne3A_28 = arith.constant 0 : i32
    %ne3A_29 = vector.broadcast %ne3A_28 : i32 to vector<2528x128xi32>
    %ne3A_30 = arith.cmpi ne, %rem3A_27, %ne3A_29 : vector<2528x128xi32>
    %and3A = arith.andi %ne3A_26, %ne3A_30 : vector<2528x128xi1>
    %sub3A = arith.constant 1 : i32
    %sub3A_31 = vector.broadcast %sub3A : i32 to vector<2528x128xi32>
    %sub3A_32 = arith.subi %div3A_10, %sub3A_31 : vector<2528x128xi32>
    %select_n3A = arith.select %and3A, %sub3A_32, %div3A_10 : vector<2528x128xi1>, vector<2528x128xi32>
    %sub3A_33 = arith.subi %mul3A_6, %select_n3A : vector<2528x128xi32>
    %sub3A_34 = arith.subi %max3A, %min3A : vector<2528x128xi32>
    %sub3A_35 = arith.constant 1 : i32
    %sub3A_36 = vector.broadcast %sub3A_35 : i32 to vector<2528x128xi32>
    %sub3A_37 = arith.subi %sub3A_34, %sub3A_36 : vector<2528x128xi32>
    %add3A_38 = arith.addi %sub3A_33, %sub3A_37 : vector<2528x128xi32>
    %iota3A = tpu.iota {dimensions = array<i32: 0>} : vector<2528x128xi32>
    %mul3A_39 = arith.constant 128 : i32
    %mul3A_40 = vector.broadcast %mul3A_39 : i32 to vector<2528x128xi32>
    %mul3A_41 = arith.muli %iota3A, %mul3A_40 : vector<2528x128xi32>
    %iota3A_42 = tpu.iota {dimensions = array<i32: 1>} : vector<2528x128xi32>
    %add3A_43 = arith.addi %mul3A_41, %iota3A_42 : vector<2528x128xi32>
    %eq3A = arith.cmpi eq, %get3A_1, %get3A_4 : vector<2528x128xi32>
    %jit3A_44 = arith.constant 49995000 : i32
    %broadcast_in_dim3A = vector.broadcast %jit3A_44 : i32 to vector<2528x128xi32>
    %select_n3A_45 = arith.select %eq3A, %broadcast_in_dim3A, %add3A_38 : vector<2528x128xi1>, vector<2528x128xi32>
    %swap3A = arith.constant 0 : index
    %swap3A_46 = arith.constant 0 : index
    %swap3A_47 = vector.load %arg2[%swap3A, %swap3A_46] : memref<2528x128xi32, #tpu.memory_space<vmem>>, vector<2528x128xi32>
    tpu.vector_store %arg2[%swap3A, %swap3A_46], %select_n3A_45 {strides = array<i32>} : memref<2528x128xi32, #tpu.memory_space<vmem>>, vector<2528x128xi32>,
    %add3A_48 = arith.constant 1 : i32
    %add3A_49 = vector.broadcast %add3A_48 : i32 to vector<2528x128xi32>
    %add3A_50 = arith.addi %add3A_43, %add3A_49 : vector<2528x128xi32>
    %jit3A_51 = arith.constant 0 : i32
    %broadcast_in_dim3A_52 = vector.broadcast %jit3A_51 : i32 to vector<2528x128xi32>
    %select_n3A_53 = arith.select %eq3A, %broadcast_in_dim3A_52, %add3A_50 : vector<2528x128xi1>, vector<2528x128xi32>
    %swap3A_54 = arith.constant 0 : index
    %swap3A_55 = arith.constant 0 : index
    %swap3A_56 = vector.load %arg3[%swap3A_54, %swap3A_55] : memref<2528x128xi32, #tpu.memory_space<vmem>>, vector<2528x128xi32>
    tpu.vector_store %arg3[%swap3A_54, %swap3A_55], %select_n3A_53 {strides = array<i32>} : memref<2528x128xi32, #tpu.memory_space<vmem>>, vector<2528x128xi32>,
    return
  }
}

module attributes {stable_mosaic.version = 14 : i64} {
  func.func @_t1_prep(%arg0: memref<32x10000xf32, #tpu.memory_space<vmem>>, %arg1: memref<10000x128xf32, #tpu.memory_space<vmem>>, %arg2: memref<128x128xf32, #tpu.memory_space<vmem>>, %arg3: memref<10112x128xf32, #tpu.memory_space<vmem>>, %arg4: memref<10000x1xf32, #tpu.memory_space<vmem>>) attributes {dimension_semantics = [], scalar_prefetch = 0 : i64, scratch_operands = 0 : i64, tpu.core_type = #tpu.core_type<tc>} {
    %broadcast_in_dim3A = arith.constant 1.000000e+00 : f32
    %broadcast_in_dim3A_0 = vector.broadcast %broadcast_in_dim3A : f32 to vector<32x1xf32>
    %get3A = arith.constant 0 : index
    %get3A_1 = arith.constant 0 : index
    %get3A_2 = vector.load %arg0[%get3A, %get3A_1] : memref<32x10000xf32, #tpu.memory_space<vmem>>, vector<32x10000xf32>
    %dot_general3A = arith.constant dense<0.000000e+00> : vector<10000x1xf32>
    %dot_general3A_3 = tpu.matmul %get3A_2, %broadcast_in_dim3A_0, %dot_general3A {dimension_numbers = #tpu.dot_dimension_numbers<[0], [0], [1], [1], [0, 1, 1, 1], [], []>, precision = #tpu.contract_precision<fp32>, transpose_lhs_hint = false} : vector<32x10000xf32>, vector<32x1xf32>, vector<10000x1xf32> -> vector<10000x1xf32>
    %add3A = arith.constant 1.000000e+00 : f32
    %add3A_4 = vector.broadcast %add3A : f32 to vector<10000x1xf32>
    %add3A_5 = arith.addf %dot_general3A_3, %add3A_4 : vector<10000x1xf32>
    %rsqrt3A = math.rsqrt %add3A_5 : vector<10000x1xf32>
    %get3A_6 = arith.constant 0 : index
    %get3A_7 = arith.constant 0 : index
    %get3A_8 = vector.load %arg1[%get3A_6, %get3A_7] : memref<10000x128xf32, #tpu.memory_space<vmem>>, vector<10000x128xf32>
    %get3A_9 = arith.constant 0 : index
    %get3A_10 = arith.constant 0 : index
    %get3A_11 = vector.load %arg2[%get3A_9, %get3A_10] : memref<128x128xf32, #tpu.memory_space<vmem>>, vector<128x128xf32>
    %dot_general3A_12 = arith.constant dense<0.000000e+00> : vector<10000x128xf32>
    %dot_general3A_13 = tpu.matmul %get3A_8, %get3A_11, %dot_general3A_12 {dimension_numbers = #tpu.dot_dimension_numbers<[1], [0], [0], [1], [0, 0, 1, 1], [], []>, precision = #tpu.contract_precision<fp32>, transpose_lhs_hint = false} : vector<10000x128xf32>, vector<128x128xf32>, vector<10000x128xf32> -> vector<10000x128xf32>
    %mul3A = vector.broadcast %rsqrt3A : vector<10000x1xf32> to vector<10000x128xf32>
    %mul3A_14 = arith.mulf %dot_general3A_13, %mul3A : vector<10000x128xf32>
    %broadcast_in_dim3A_15 = arith.constant 0.000000e+00 : f32
    %broadcast_in_dim3A_16 = vector.broadcast %broadcast_in_dim3A_15 : f32 to vector<112x128xf32>
    %concatenate3A = tpu.concatenate %mul3A_14, %broadcast_in_dim3A_16 in 0 : vector<10000x128xf32>, vector<112x128xf32> -> vector<10112x128xf32>
    %swap3A = arith.constant 0 : index
    %swap3A_17 = arith.constant 0 : index
    %swap3A_18 = vector.load %arg3[%swap3A, %swap3A_17] : memref<10112x128xf32, #tpu.memory_space<vmem>>, vector<10112x128xf32>
    tpu.vector_store %arg3[%swap3A, %swap3A_17], %concatenate3A {strides = array<i32>} : memref<10112x128xf32, #tpu.memory_space<vmem>>, vector<10112x128xf32>,
    %swap3A_19 = arith.constant 0 : index
    %swap3A_20 = arith.constant 0 : index
    %swap3A_21 = vector.load %arg4[%swap3A_19, %swap3A_20] : memref<10000x1xf32, #tpu.memory_space<vmem>>, vector<10000x1xf32>
    tpu.vector_store %arg4[%swap3A_19, %swap3A_20], %rsqrt3A {strides = array<i32>} : memref<10000x1xf32, #tpu.memory_space<vmem>>, vector<10000x1xf32>,
    return
  }
}

module attributes {stable_mosaic.version = 14 : i64} {
  func.func @_t3_h1(%arg0: memref<2x10112x128xf32, #tpu.memory_space<vmem>>, %arg1: memref<10112x128xf32, #tpu.memory_space<vmem>>, %arg2: memref<10000x1xf32, #tpu.memory_space<vmem>>, %arg3: memref<1x128xf32, #tpu.memory_space<vmem>>, %arg4: memref<10240x128xf32, #tpu.memory_space<vmem>>) attributes {dimension_semantics = [], scalar_prefetch = 0 : i64, scratch_operands = 0 : i64, tpu.core_type = #tpu.core_type<tc>} {
    %get3A = arith.constant 0 : index
    %get3A_0 = arith.constant 0 : index
    %get3A_1 = arith.constant 0 : index
    %get3A_2 = vector.load %arg0[%get3A, %get3A_0, %get3A_1] : memref<2x10112x128xf32, #tpu.memory_space<vmem>>, vector<1x10000x128xf32>
    %get3A_3 = vector.shape_cast %get3A_2 : vector<1x10000x128xf32> to vector<10000x128xf32>
    %get3A_4 = arith.constant 1 : index
    %get3A_5 = arith.constant 0 : index
    %get3A_6 = arith.constant 0 : index
    %get3A_7 = vector.load %arg0[%get3A_4, %get3A_5, %get3A_6] : memref<2x10112x128xf32, #tpu.memory_space<vmem>>, vector<1x10000x128xf32>
    %get3A_8 = vector.shape_cast %get3A_7 : vector<1x10000x128xf32> to vector<10000x128xf32>
    %add3A = arith.addf %get3A_3, %get3A_8 : vector<10000x128xf32>
    %get3A_9 = arith.constant 0 : index
    %get3A_10 = arith.constant 0 : index
    %get3A_11 = vector.load %arg1[%get3A_9, %get3A_10] : memref<10112x128xf32, #tpu.memory_space<vmem>>, vector<10000x128xf32>
    %add3A_12 = arith.addf %add3A, %get3A_11 : vector<10000x128xf32>
    %get3A_13 = arith.constant 0 : index
    %get3A_14 = arith.constant 0 : index
    %get3A_15 = vector.load %arg2[%get3A_13, %get3A_14] : memref<10000x1xf32, #tpu.memory_space<vmem>>, vector<10000x1xf32>
    %mul3A = vector.broadcast %get3A_15 : vector<10000x1xf32> to vector<10000x128xf32>
    %mul3A_16 = arith.mulf %add3A_12, %mul3A : vector<10000x128xf32>
    %get3A_17 = arith.constant 0 : index
    %get3A_18 = arith.constant 0 : index
    %get3A_19 = vector.load %arg3[%get3A_17, %get3A_18] : memref<1x128xf32, #tpu.memory_space<vmem>>, vector<1x128xf32>
    %add3A_20 = vector.broadcast %get3A_19 : vector<1x128xf32> to vector<10000x128xf32>
    %add3A_21 = arith.addf %mul3A_16, %add3A_20 : vector<10000x128xf32>
    %max3A = arith.constant 0.000000e+00 : f32
    %max3A_22 = vector.broadcast %max3A : f32 to vector<10000x128xf32>
    %max3A_23 = arith.maximumf %add3A_21, %max3A_22 : vector<10000x128xf32>
    %broadcast_in_dim3A = arith.constant 0xFF800000 : f32
    %broadcast_in_dim3A_24 = vector.broadcast %broadcast_in_dim3A : f32 to vector<240x128xf32>
    %concatenate3A = tpu.concatenate %max3A_23, %broadcast_in_dim3A_24 in 0 : vector<10000x128xf32>, vector<240x128xf32> -> vector<10240x128xf32>
    %swap3A = arith.constant 0 : index
    %swap3A_25 = arith.constant 0 : index
    %swap3A_26 = vector.load %arg4[%swap3A, %swap3A_25] : memref<10240x128xf32, #tpu.memory_space<vmem>>, vector<10240x128xf32>
    tpu.vector_store %arg4[%swap3A, %swap3A_25], %concatenate3A {strides = array<i32>} : memref<10240x128xf32, #tpu.memory_space<vmem>>, vector<10240x128xf32>,
    return
  }
}

module attributes {stable_mosaic.version = 14 : i64} {
  func.func @_t3_head(%arg0: memref<32x128x128xf32, #tpu.memory_space<vmem>>, %arg1: memref<10000x128xf32, #tpu.memory_space<vmem>>, %arg2: memref<10000x1xi32, #tpu.memory_space<vmem>>, %arg3: memref<10000x1xi32, #tpu.memory_space<vmem>>, %arg4: memref<128x128xf32, #tpu.memory_space<vmem>>, %arg5: memref<1x128xf32, #tpu.memory_space<vmem>>, %arg6: memref<256x128xf32, #tpu.memory_space<vmem>>, %arg7: memref<1x128xf32, #tpu.memory_space<vmem>>, %arg8: memref<128x2xf32, #tpu.memory_space<vmem>>, %arg9: memref<1x2xf32, #tpu.memory_space<vmem>>, %arg10: memref<128x2xf32, #tpu.memory_space<vmem>>) attributes {dimension_semantics = [], scalar_prefetch = 0 : i64, scratch_operands = 0 : i64, tpu.core_type = #tpu.core_type<tc>} {
    %get3A = arith.constant 0 : index
    %get3A_0 = arith.constant 0 : index
    %get3A_1 = arith.constant 0 : index
    %get3A_2 = vector.load %arg0[%get3A, %get3A_0, %get3A_1] : memref<32x128x128xf32, #tpu.memory_space<vmem>>, vector<32x128x128xf32>
    %reduce_max3A = arith.constant dense<0xFF800000> : vector<128x128xf32>
    %reduce_max3A_3 = vector.multi_reduction <maximumf>, %get3A_2, %reduce_max3A [0] : vector<32x128x128xf32> to vector<128x128xf32>
    %get3A_4 = arith.constant 0 : index
    %get3A_5 = arith.constant 0 : index
    %get3A_6 = vector.load %arg2[%get3A_4, %get3A_5] : memref<10000x1xi32, #tpu.memory_space<vmem>>, vector<10000x1xi32>
    %get3A_7 = arith.constant 0 : index
    %get3A_8 = arith.constant 0 : index
    %get3A_9 = vector.load %arg3[%get3A_7, %get3A_8] : memref<10000x1xi32, #tpu.memory_space<vmem>>, vector<10000x1xi32>
    %iota3A = tpu.iota {dimensions = array<i32: 1>} : vector<1x128xi32>
    %ge3A = vector.broadcast %get3A_6 : vector<10000x1xi32> to vector<10000x128xi32>
    %ge3A_10 = vector.broadcast %iota3A : vector<1x128xi32> to vector<10000x128xi32>
    %ge3A_11 = arith.cmpi sge, %ge3A, %ge3A_10 : vector<10000x128xi32>
    %lt3A = vector.broadcast %get3A_9 : vector<10000x1xi32> to vector<10000x128xi32>
    %lt3A_12 = vector.broadcast %iota3A : vector<1x128xi32> to vector<10000x128xi32>
    %lt3A_13 = arith.cmpi slt, %lt3A, %lt3A_12 : vector<10000x128xi32>
    %and3A = arith.andi %ge3A_11, %lt3A_13 : vector<10000x128xi1>
    %iota3A_14 = tpu.iota {dimensions = array<i32: 0>} : vector<10000x1xi32>
    %eq3A = arith.constant 9999 : i32
    %eq3A_15 = vector.broadcast %eq3A : i32 to vector<10000x1xi32>
    %eq3A_16 = arith.cmpi eq, %iota3A_14, %eq3A_15 : vector<10000x1xi32>
    %lt3A_17 = vector.broadcast %get3A_6 : vector<10000x1xi32> to vector<10000x128xi32>
    %lt3A_18 = vector.broadcast %iota3A : vector<1x128xi32> to vector<10000x128xi32>
    %lt3A_19 = arith.cmpi slt, %lt3A_17, %lt3A_18 : vector<10000x128xi32>
    %and3A_20 = vector.broadcast %eq3A_16 : vector<10000x1xi1> to vector<10000x128xi1>
    %and3A_21 = arith.andi %and3A_20, %lt3A_19 : vector<10000x128xi1>
    %or3A = arith.ori %and3A, %and3A_21 : vector<10000x128xi1>
    %jit3A = arith.constant 1.000000e+00 : f32
    %jit3A_22 = arith.constant 0.000000e+00 : f32
    %broadcast_in_dim3A = vector.broadcast %jit3A : f32 to vector<10000x128xf32>
    %broadcast_in_dim3A_23 = vector.broadcast %jit3A_22 : f32 to vector<10000x128xf32>
    %select_n3A = arith.select %or3A, %broadcast_in_dim3A, %broadcast_in_dim3A_23 : vector<10000x128xi1>, vector<10000x128xf32>
    %get3A_24 = arith.constant 0 : index
    %get3A_25 = arith.constant 0 : index
    %get3A_26 = vector.load %arg1[%get3A_24, %get3A_25] : memref<10000x128xf32, #tpu.memory_space<vmem>>, vector<10000x128xf32>
    %dot_general3A = arith.constant dense<0.000000e+00> : vector<128x128xf32>
    %dot_general3A_27 = tpu.matmul %select_n3A, %get3A_26, %dot_general3A {dimension_numbers = #tpu.dot_dimension_numbers<[0], [0], [1], [1], [0, 1, 1, 1], [], []>, precision = #tpu.contract_precision<fp32>, transpose_lhs_hint = false} : vector<10000x128xf32>, vector<10000x128xf32>, vector<128x128xf32> -> vector<128x128xf32>
    %get3A_28 = arith.constant 0 : index
    %get3A_29 = arith.constant 0 : index
    %get3A_30 = vector.load %arg4[%get3A_28, %get3A_29] : memref<128x128xf32, #tpu.memory_space<vmem>>, vector<128x128xf32>
    %dot_general3A_31 = arith.constant dense<0.000000e+00> : vector<128x128xf32>
    %dot_general3A_32 = tpu.matmul %dot_general3A_27, %get3A_30, %dot_general3A_31 {dimension_numbers = #tpu.dot_dimension_numbers<[1], [0], [0], [1], [0, 0, 1, 1], [], []>, precision = #tpu.contract_precision<fp32>, transpose_lhs_hint = false} : vector<128x128xf32>, vector<128x128xf32>, vector<128x128xf32> -> vector<128x128xf32>
    %get3A_33 = arith.constant 0 : index
    %get3A_34 = arith.constant 0 : index
    %get3A_35 = vector.load %arg5[%get3A_33, %get3A_34] : memref<1x128xf32, #tpu.memory_space<vmem>>, vector<1x128xf32>
    %add3A = vector.broadcast %get3A_35 : vector<1x128xf32> to vector<128x128xf32>
    %add3A_36 = arith.addf %dot_general3A_32, %add3A : vector<128x128xf32>
    %max3A = arith.constant 0.000000e+00 : f32
    %max3A_37 = vector.broadcast %max3A : f32 to vector<128x128xf32>
    %max3A_38 = arith.maximumf %add3A_36, %max3A_37 : vector<128x128xf32>
    %concatenate3A = tpu.concatenate %max3A_38, %reduce_max3A_3 in 1 : vector<128x128xf32>, vector<128x128xf32> -> vector<128x256xf32>
    %get3A_39 = arith.constant 0 : index
    %get3A_40 = arith.constant 0 : index
    %get3A_41 = vector.load %arg6[%get3A_39, %get3A_40] : memref<256x128xf32, #tpu.memory_space<vmem>>, vector<256x128xf32>
    %dot_general3A_42 = arith.constant dense<0.000000e+00> : vector<128x128xf32>
    %dot_general3A_43 = tpu.matmul %concatenate3A, %get3A_41, %dot_general3A_42 {dimension_numbers = #tpu.dot_dimension_numbers<[1], [0], [0], [1], [0, 0, 1, 1], [], []>, precision = #tpu.contract_precision<fp32>, transpose_lhs_hint = false} : vector<128x256xf32>, vector<256x128xf32>, vector<128x128xf32> -> vector<128x128xf32>
    %get3A_44 = arith.constant 0 : index
    %get3A_45 = arith.constant 0 : index
    %get3A_46 = vector.load %arg7[%get3A_44, %get3A_45] : memref<1x128xf32, #tpu.memory_space<vmem>>, vector<1x128xf32>
    %add3A_47 = vector.broadcast %get3A_46 : vector<1x128xf32> to vector<128x128xf32>
    %add3A_48 = arith.addf %dot_general3A_43, %add3A_47 : vector<128x128xf32>
    %max3A_49 = arith.constant 0.000000e+00 : f32
    %max3A_50 = vector.broadcast %max3A_49 : f32 to vector<128x128xf32>
    %max3A_51 = arith.maximumf %add3A_48, %max3A_50 : vector<128x128xf32>
    %get3A_52 = arith.constant 0 : index
    %get3A_53 = arith.constant 0 : index
    %get3A_54 = vector.load %arg8[%get3A_52, %get3A_53] : memref<128x2xf32, #tpu.memory_space<vmem>>, vector<128x2xf32>
    %dot_general3A_55 = arith.constant dense<0.000000e+00> : vector<128x2xf32>
    %dot_general3A_56 = tpu.matmul %max3A_51, %get3A_54, %dot_general3A_55 {dimension_numbers = #tpu.dot_dimension_numbers<[1], [0], [0], [1], [0, 0, 1, 1], [], []>, precision = #tpu.contract_precision<fp32>, transpose_lhs_hint = false} : vector<128x128xf32>, vector<128x2xf32>, vector<128x2xf32> -> vector<128x2xf32>
    %get3A_57 = arith.constant 0 : index
    %get3A_58 = arith.constant 0 : index
    %get3A_59 = vector.load %arg9[%get3A_57, %get3A_58] : memref<1x2xf32, #tpu.memory_space<vmem>>, vector<1x2xf32>
    %add3A_60 = vector.broadcast %get3A_59 : vector<1x2xf32> to vector<128x2xf32>
    %add3A_61 = arith.addf %dot_general3A_56, %add3A_60 : vector<128x2xf32>
    %reduce_max3A_62 = arith.constant dense<0xFF800000> : vector<128xf32>
    %reduce_max3A_63 = vector.multi_reduction <maximumf>, %add3A_61, %reduce_max3A_62 [1] : vector<128x2xf32> to vector<128xf32>
    %broadcast_in_dim3A_64 = vector.shape_cast %reduce_max3A_63 : vector<128xf32> to vector<128x1xf32>
    %sub3A = vector.broadcast %broadcast_in_dim3A_64 : vector<128x1xf32> to vector<128x2xf32>
    %sub3A_65 = arith.subf %add3A_61, %sub3A : vector<128x2xf32>
    %exp3A = math.exp %sub3A_65 : vector<128x2xf32>
    %reduce_sum3A = arith.constant dense<0.000000e+00> : vector<128xf32>
    %reduce_sum3A_66 = vector.multi_reduction <add>, %exp3A, %reduce_sum3A [1] : vector<128x2xf32> to vector<128xf32>
    %broadcast_in_dim3A_67 = vector.shape_cast %reduce_sum3A_66 : vector<128xf32> to vector<128x1xf32>
    %log3A = math.log %broadcast_in_dim3A_67 : vector<128x1xf32>
    %add3A_68 = arith.addf %broadcast_in_dim3A_64, %log3A : vector<128x1xf32>
    %sub3A_69 = vector.broadcast %add3A_68 : vector<128x1xf32> to vector<128x2xf32>
    %sub3A_70 = arith.subf %add3A_61, %sub3A_69 : vector<128x2xf32>
    %swap3A = arith.constant 0 : index
    %swap3A_71 = arith.constant 0 : index
    %swap3A_72 = vector.load %arg10[%swap3A, %swap3A_71] : memref<128x2xf32, #tpu.memory_space<vmem>>, vector<128x2xf32>
    tpu.vector_store %arg10[%swap3A, %swap3A_71], %sub3A_70 {strides = array<i32>} : memref<128x2xf32, #tpu.memory_space<vmem>>, vector<128x2xf32>,
    return
  }
}

</mosaic_0001>

<sc_bundles>
// kernel: kernel.10.cloned.1.call-start
scs
__scs_entry_jumppad:
0x0: {  	(pc) =	sbr.rel $0x88, $3  }
0x1: {  	(tag) =	ssettag $0x0;
	lr =	simm.s32 $0x1  }
0x2: {  	[smem:$0x3F96] =	sst lr;
	_ =	strace $0xD0000000  }
0x3: {  	_ = 	snop  }
0x4: {  	_ = 	snop  }
0x5: {  	_ = 	snop  }
0x6: {  	_ = 	snop  }
0x7: {  	_ = 	snop  }
__scs_overlays_trampoline_lowered:
0x8: {  	[smem:$0x3FA5] =	sst s0  }
0x9: {  	[smem:$0x3FA6] =	sst s1  }
0xa: {  	[smem:$0x3FA7] =	sst s2  }
0xb: {  	[smem:$0x3FA8] =	sst s3  }
0xc: {  	[smem:$0x3FA9] =	sst s4  }
0xd: {  	[smem:$0x3FAA] =	sst s5  }
0xe: {  	[smem:$0x3FAB] =	sst s6  }
0xf: {  	[smem:$0x3FAC] =	sst s7  }
0x10: {  	[smem:$0x3FAD] =	sst s8  }
0x11: {  	[smem:$0x3FAE] =	sst s9;
	s0 =	simm.s32 @!p0 $0x0  }
0x12: {  	s1 =	sld [smem:$0x3F94];
	s0 =	simm.s32 @p0 $0x1  }
0x13: {  	[smem:$0x3FAF] =	sst s0;
	s0 =	simm.s32 @!p1 $0x0  }
0x14: {  	s2 =	sld [smem:$0x3F93];
	s0 =	simm.s32 @p1 $0x1  }
0x15: {  	[smem:$0x3FB0] =	sst s0;
	s0 =	simm.s32 @!p2 $0x0  }
0x16: {  	s3 =	sld [smem:$0x3FDB];
	s0 =	simm.s32 @p2 $0x1  }
0x17: {  	s4 =	simm.s32 $0x1BF5;
	[smem:$0x3FB2] =	sst s0  }
0x18: {  	s0 =	sld [smem:$0x3F95];
	_ =	swait.ge [sflag:s4], $0x0  }
0x19: {  	s7 =	sld [smem:$0x3F96]  }
0x1a: {  	s8 =	sadd.s32 $0xFFFFE003, lr  }
0x1b: {  	s9 =	sadd.s32 $0xFFFFFEF7, lr;
	s5 =	simm.s32 $0xFFFFFFFF;
	p2 =	slt.u32 s8, $0xFFFFF086  }
0x1c: {  	p1 =	slt.u32 s9, $0xF7A;
	s5 =	simm.s32 @!p2 $0x0  }
0x1d: {  	s5 =	simm.s32 @p1 $0x1;
	p0 =	seq.s32 s7, s2  }
0x1e: {  	s7 =	smul.u32 @!p0 $0xF7A, s2;
	p2 =	seq.s32 @!p0 s5, $0x0  }
0x1f: {  	s9 =	smul.u32 $0xF7A, s1;
	s8 =	simm.s32 @!p0 $0x1BF5;
	p2 =	por !p2, p0  }
0x20: {  	[sflag:s8] =	ssyncset.s32 @!p0 $0xFFFFF086;
	s6 =	sadd.s32 @!p0 s3, s7;
	s7 =	simm.s32 @!p0 $0x108  }
0x21: {  	s3 =	sadd.s32 s3, s9;
	s6 =	sadd.s32 @!p0 $0x88, s6;
	s7 =	simm.s32 @p2 $0x1082  }
0x22: {  	[simem:s7], [sflag:s8] =	dma.local @!p0 [hbm:s6], $0xF7A  }
0x23: {  	s9 =	sor.u32 $0xD0000000, s2;
	s6 =	simm.s32 $0x108;
	_ =	swait.ge @!p0 [sflag:s8], $0x0  }
0x24: {  	s3 =	sadd.s32 $0x88, s3;
	s6 =	simm.s32 @!p1 $0x1082;
	[sflag:s4] =	ssyncset.s32 $0xFFFFF086  }
0x25: {  	[simem:s6], [sflag:s4] =	dma.local [hbm:s3], $0xF7A  }
0x26: {  	[smem:$0x3F96] =	sst s1;
	(tag) =	ssettag s2;
	_ =	strace s9  }
0x27: {  	s1 =	sld [smem:$0x3FA6]  }
0x28: {  	s2 =	sld [smem:$0x3FA7]  }
0x29: {  	s4 =	sld [smem:$0x3FA9]  }
0x2a: {  	p0 =	seq.s32 s5, $0x0;
	s5 =	sld [smem:$0x3FAA]  }
0x2b: {  	s6 =	sld [smem:$0x3FAB]  }
0x2c: {  	s7 =	sld [smem:$0x3FAC]  }
0x2d: {  	s3 =	simm.s32 $0x108;
	s8 =	sld [smem:$0x3FAD]  }
0x2e: {  	s3 =	simm.s32 @!p0 $0x1082;
	s9 =	sld [smem:$0x3FAE]  }
0x2f: {  	lr =	sadd.s32 s0, s3;
	s0 =	sld [smem:$0x3FA5]  }
0x30: {  	s3 =	sld [smem:$0x3FA8]  }
0x31: {  	[smem:$0x3FB1] =	sst s10  }
0x32: {  	s10 =	sld [smem:$0x3FAF];
	_ =	sdelay $0x3  }
0x33: {  	p0 =	seq.s32 s10, $0x1;
	s10 =	sld [smem:$0x3FB1];
	_ =	sdelay $0x3  }
0x34: {  	[smem:$0x3FB1] =	sst s10  }
0x35: {  	s10 =	sld [smem:$0x3FB0];
	_ =	sdelay $0x3  }
0x36: {  	p1 =	seq.s32 s10, $0x1;
	s10 =	sld [smem:$0x3FB1];
	_ =	sdelay $0x3  }
0x37: {  	[smem:$0x3FB1] =	sst s10  }
0x38: {  	s10 =	sld [smem:$0x3FB2]  }
0x39: {  	_ = 	snop;
	(pc) =	sbr.ind lr, $3  }
0x3a: {  	_ = 	snop  }
0x3b: {  	_ = 	snop  }
0x3c: {  	p2 =	seq.s32 s10, $0x1;
	s10 =	sld [smem:$0x3FB1]  }
0x3d: {  	_ =	shalt  }
0x3e: {  	_ =	shalt  }
0x3f: {  	_ =	shalt  }
0x40: {  	_ =	shalt  }
0x41: {  	_ =	shalt  }
0x42: {  	_ =	shalt  }
0x43: {  	_ =	shalt  }
0x44: {  	_ =	shalt  }
0x45: {  	_ =	shalt  }
0x46: {  	_ =	shalt  }
0x47: {  	_ =	shalt  }
0x48: {  	_ =	shalt  }
0x49: {  	_ =	shalt  }
0x4a: {  	_ =	shalt  }
0x4b: {  	_ =	shalt  }
0x4c: {  	_ =	shalt  }
0x4d: {  	_ =	shalt  }
0x4e: {  	_ =	shalt  }
0x4f: {  	_ =	shalt  }
0x50: {  	_ =	shalt  }
0x51: {  	_ =	shalt  }
0x52: {  	_ =	shalt  }
0x53: {  	_ =	shalt  }
0x54: {  	_ =	shalt  }
0x55: {  	_ =	shalt  }
0x56: {  	_ =	shalt  }
0x57: {  	_ =	shalt  }
0x58: {  	_ =	shalt  }
0x59: {  	_ =	shalt  }
0x5a: {  	_ =	shalt  }
0x5b: {  	_ =	shalt  }
0x5c: {  	_ =	shalt  }
0x5d: {  	_ =	shalt  }
0x5e: {  	_ =	shalt  }
0x5f: {  	_ =	shalt  }
0x60: {  	_ =	shalt  }
0x61: {  	_ =	shalt  }
0x62: {  	_ =	shalt  }
0x63: {  	_ =	shalt  }
0x64: {  	_ =	shalt  }
0x65: {  	_ =	shalt  }
0x66: {  	_ =	shalt  }
0x67: {  	_ =	shalt  }
0x68: {  	_ =	shalt  }
0x69: {  	_ =	shalt  }
0x6a: {  	_ =	shalt  }
0x6b: {  	_ =	shalt  }
0x6c: {  	_ =	shalt  }
0x6d: {  	_ =	shalt  }
0x6e: {  	_ =	shalt  }
0x6f: {  	_ =	shalt  }
0x70: {  	_ =	shalt  }
0x71: {  	_ =	shalt  }
0x72: {  	_ =	shalt  }
0x73: {  	_ =	shalt  }
0x74: {  	_ =	shalt  }
0x75: {  	_ =	shalt  }
0x76: {  	_ =	shalt  }
0x77: {  	_ =	shalt  }
0x78: {  	_ =	shalt  }
0x79: {  	_ =	shalt  }
0x7a: {  	_ =	shalt  }
0x7b: {  	_ =	shalt  }
0x7c: {  	_ =	shalt  }
0x7d: {  	_ =	shalt  }
0x7e: {  	_ =	shalt  }
0x7f: {  	_ =	shalt  }
0x80: {  	_ =	shalt  }
0x81: {  	_ =	shalt  }
0x82: {  	_ =	shalt  }
0x83: {  	_ =	shalt  }
0x84: {  	_ =	shalt  }
0x85: {  	_ =	shalt  }
0x86: {  	_ =	shalt  }
0x87: {  	_ =	shalt  }
.Lfunc_end0:
.L_simem_size_0:
called_computation_lowered:
.L_overlay_start_0:
0x88: {  	s2 =	sld [smem:$0x3FD9]  }
0x89: {  	s3 =	sld [smem:$0x3FFE];
	_ =	sdelay $0x1  }
0x8a: {  	s1 =	srdreg.scid  }
0x8b: {  	s0 =	sand.u32 $0x1, s1  }
0x8c: {  	s16 =	sshll.u32 s0, $0xA;
	s2 =	sadd.s32 s3, s2  }
0x8d: {  	s2 =	sadd.s32 s2, s16  }
0x8e: {  	[smem:$0x3FBD] =	sst s2  }
0x8f: {  	_ = 	snop  }
0x90: {  	(tm) =	ssettm $0x1  }
0x91: {  	s17 =	sld [smem:$0x3FFB];
	_ =	sdelay $0x3  }
0x92: {  	_ =	strace s17  }
0x93: {  	s2 =	sld [smem:$0x3FFC];
	_ =	sdelay $0x3  }
0x94: {  	_ =	strace s2  }
0x95: {  	s2 =	sld [smem:$0x3FFD];
	_ =	sdelay $0x3  }
0x96: {  	_ =	strace s2  }
0x97: {  	_ =	strace $0x8FFFFFFF  }
0x98: {  	s18 =	sld [smem:$0x3FDB];
	_ =	sdelay $0x1  }
0x99: {  	s19 =	simm.s32 $_scs_section_size  }
0x9a: {  	s4 =	simm.s32 $_size__tile_overlayer_lowered;
	s5 =	simm.s32 $_tile_overlayer_lowered  }
0x9b: {  	s22 =	simm.s32 $0x1BFF;
	s21 =	sshll.u32 s5, $0x1;
	s2 =	sadd.s32 s19, s18  }
0x9c: {  	s6 =	simm.s32 $0x0;
	s20 =	sshll.u32 s4, $0x1;
	s4 =	sadd.s32 s21, s2  }
0x9d: {  	[timem:s6], [sflag:s22] =	dma.local [hbm:s4], s20  }
0x9e: {  	_ =	swait.ge [sflag:s22], s20  }
0x9f: {  	s3 =	ssub.s32 $0x0, s20;
	[sflag:s22] =	ssyncset.done $0x0  }
0xa0: {  	[sflag:s22] =	ssyncadd.s32 s3;
	_ =	sdelay $0x1  }
0xa1: {  	s23 =	simm.s32 $0x1B8B  }
0xa2: {  	_ =	swait.ge [sflag:s23], $0x1  }
0xa3: {  	[sflag:s23] =	ssyncset.done $0x0  }
0xa4: {  	s25 =	simm.s32 $0x1B8E;
	s24 =	sld [smem:$0x3FFE];
	[sflag:s23] =	ssyncadd.s32 $0xFFFFFFFF  }
0xa5: {  	s26 =	simm.s32 $execute0_lowered;
	[smem:$0x3FD2] =	sst s25  }
0xa6: {  	s4 =	sshll.u32 s26, $0x1;
	_ =	strace $0x80000046;
	[dreg:$0x1] =	wrdreg $0xFFFFFFFF  }
0xa7: {  	s28 =	simm.s32 $_size_execute0_lowered;
	s2 =	sadd.s32 s2, s4;
	[dreg:$0x0] =	wrdreg $0x0  }
0xa8: {  	s4 =	sshll.u32 s28, $0x1;
	[dreg:$0x2] =	wrdreg s2  }
0xa9: {  	[dreg:$0x3] =	wrdreg s4  }
0xaa: {  	[dreg:$0x4] =	wrdreg $0xC0  }
0xab: {  	_ =	task [dreg:s6], $0x5FFFF  }
0xac: {  	[dreg:$0x1] =	wrdreg $0xFFFFFFFF  }
0xad: {  	[dreg:$0x0] =	wrdreg $0x60  }
0xae: {  	[dreg:$0x2] =	wrdreg s24  }
0xaf: {  	[dreg:$0x3] =	wrdreg $0x9  }
0xb0: {  	_ =	task.clear_ibuf [dreg:s6], $0x4FFFF;
	_ =	strace $0x90000046  }
0xb1: {  	s29 =	simm.s32 $0x9;
	_ =	strace $0x80000048  }
0xb2: {  	_ =	swait.ge [sflag:s29], $0x1  }
0xb3: {  	[sflag:s29] =	ssyncadd.s32 $0xFFFFFFFF  }
0xb4: {  	_ =	strace $0x90000048  }
0xb5: {  	_ =	sfence  }
0xb6: {  	s30 =	sld [smem:$0x0];
	_ =	sdelay $0x2  }
0xb7: {  	s31 =	sshll.u32 s1, $0xD;
	s1 =	sshrl.u32 s1, $0x2  }
0xb8: {  	s3 =	sand.u32 $0x4000, s31;
	s1 =	sadd.s32 s1, s30  }
0xb9: {  	s0 =	sor.u32 s3, s0;
	s1 =	sshll.u32 s1, $0x11  }
0xba: {  	s0 =	sor.u32 s1, s0  }
0xbb: {  	s0 =	sadd.s32 $0x8F2B, s0  }
0xbc: {  	[sflag:s0] =	ssyncadd.remote.s32 $0x1  }
0xbd: {  	_ =	sfence.sel $0xFFFF  }
0xbe: {  	[dreg:$0x0] =	wrdreg $0xFFFFFFFF;
	(pc) =	sbr.abs _section_cstart, $3  }
0xbf: {  	[dreg:$0x1] =	wrdreg $0xFFFFFFFF  }
0xc0: {  	_ =	task.clear_ibuf [dreg:s6], $0x2FFFF;
	_ =	strace $0x9FFFFFFF  }
0xc1: {  	(tm) =	ssettm $0x7FFFFFFF  }
tec
execute0_lowered:
.L_overlay_start_1:
0x0: {  	(tag) =	ssettag $0x1  }
0x1: {  	s4 =	srdreg.scid  }
0x2: {  	s7 =	sand.u32 $0x1, s4  }
0x3: {  	s5 =	ssub.s32 $0x2, s7  }
0x4: {  	s6 =	sshrl.u32 s5, $0x1  }
0x5: {  	s2 =	rddreg [dreg:$0x0];
	s5 =	ssub.s32 s5, s6  }
0x6: {  	s0 =	rddreg [dreg:$0x1];
	s3 =	simm.s32 $0x0;
	s10 =	smax.u32 s5, $0x1  }
0x7: {  	s1 =	stileid.u32;
	p1 =	por $0x0, $0x0;
	s15 =	sadd.s32 $0xFFFFFFFF, s10  }
0x8: {  	[smem:$0x7FF] =	sst s3;
	s30 =	smul.u32 $0x1580, s1;
	p2 =	sne.s32 s15, $0x0  }
.Ltmp0:
0x9: {  	s31 =	sadd.s32 $0x17C00, s2;
	s8 =	sadd.s32 $0x21A00, s2;
	(pc) =	sbr.rel @!p2 .LBB2_1-.Ltmp0, $4  }
0xa: {  	s9 =	smul.u32 $0x730, s1;
	s2 =	sadd.s32 $0x2B800, s2;
	s3 =	sshrl.u32 s30, $0x3  }
0xb: {  	_ =	strace $0x80000047;
	p0 =	sne.s32 s7, $0x0;
	s3 =	sadd.s32 $0x7300, s3  }
0xc: {  	s4 =	sadd.s32 s31, s9;
	s7 =	simm.s32 @p0 $0x2;
	s6 =	sadd.s32 s31, s3  }
0xd: {  	s5 =	sadd.s32 s8, s3;
	s3 =	sadd.s32 s8, s9;
	s8 =	simm.s32 @p0 $0x0  }
0xe: {  	s9 =	simm.s32 @p0 $0x7300  }
0xf: {  	[tilespmem:s9], [sflag:$0x2] =	stream.linear.gather @p0 [hbm4b:s6+s8], $0x1580, $0x38;
	[tilespmem:$0x9E00] =	vst v63  }
0x10: {  	_ =	swait.ge @p0 [sflag:s7], $0x1580  }
0x11: {  	[sflag:s7] =	ssyncset.done @p0 $0x0  }
0x12: {  	s10 =	simm.s32 @p0 $0x8880;
	[sflag:s7] =	ssyncadd.s32 @p0 $0xFFFFEA80  }
0x13: {  	[tilespmem:s10], [sflag:$0x2] =	stream.linear.gather @p0 [hbm4b:s5+s8], $0x1580, $0x38;
	[tilespmem:$0x9E00] =	vst v63  }
0x14: {  	_ =	swait.ge @p0 [sflag:s7], $0x1580  }
0x15: {  	[sflag:s7] =	ssyncset.done @p0 $0x0  }
0x16: {  	s11 =	simm.s32 @p0 $0x1580;
	s12 =	simm.s32 @p0 $0x1;
	[sflag:s7] =	ssyncadd.s32 @p0 $0xFFFFEA80  }
0x17: {  	[hbm4b:s2+s11] =	stream.indirect.scatter @p0 [tilespmem:s10], [sflag:$0x1], $0x1, s9, s11, $0xb8;
	[tilespmem:$0x9E00] =	vst v63  }
0x18: {  	_ =	swait.ge @p0 [sflag:s12], $0x1580  }
0x19: {  	[sflag:s12] =	ssyncset.done @p0 $0x0  }
0x1a: {  	s13 =	simm.s32 @!p0 $0x0;
	s14 =	simm.s32 @!p0 $0x2;
	[sflag:s12] =	ssyncadd.s32 @p0 $0xFFFFEA80  }
0x1b: {  	[tilespmem:s13], [sflag:$0x2] =	stream.linear.gather @!p0 [hbm4b:s4+s13], $0x3980, $0x38;
	[tilespmem:$0x9E00] =	vst v63  }
0x1c: {  	_ =	swait.ge @!p0 [sflag:s14], $0x3980  }
0x1d: {  	[sflag:s14] =	ssyncset.done @!p0 $0x0  }
0x1e: {  	s16 =	simm.s32 @!p0 $0x3980;
	s17 =	sadd.s32 $0xFFFFFFFF, s15;
	[sflag:s14] =	ssyncadd.s32 @!p0 $0xFFFFC680  }
0x1f: {  	[tilespmem:s16], [sflag:$0x2] =	stream.linear.gather @!p0 [hbm4b:s3+s13], $0x3980, $0x38;
	[tilespmem:$0x9E00] =	vst v63  }
0x20: {  	p2 =	sne.s32 s17, $0x0;
	_ =	swait.ge @!p0 [sflag:s14], $0x3980  }
.Ltmp1:
0x21: {  	[sflag:s14] =	ssyncset.done @!p0 $0x0;
	(pc) =	sbr.rel @!p2 .LBB2_4-.Ltmp1, $4  }
0x22: {  	s15 =	simm.s32 @!p0 $0x1;
	[sflag:s14] =	ssyncadd.s32 @!p0 $0xFFFFC680  }
0x23: {  	[hbm4b:s2+s16] =	stream.indirect.scatter @!p0 [tilespmem:s16], [sflag:$0x1], $0x1, s13, s16, $0xb8;
	[tilespmem:$0x9E00] =	vst v63  }
0x24: {  	_ =	swait.ge @!p0 [sflag:s15], $0x3980  }
0x25: {  	p1 =	por $0x1, $0x1;
	[sflag:s15] =	ssyncset.done @!p0 $0x0  }
.LBB2_3:
0x26: {  	s18 =	simm.s32 @p0 $0x0;
	[sflag:s15] =	ssyncadd.s32 @!p0 $0xFFFFC680  }
0x27: {  	[tilespmem:s9], [sflag:$0x2] =	stream.linear.gather @p0 [hbm4b:s6+s8], $0x1580, $0x38;
	[tilespmem:$0x9E00] =	vst v63  }
0x28: {  	s17 =	sadd.s32 $0xFFFFFFFF, s17;
	_ =	swait.ge @p0 [sflag:s7], $0x1580  }
0x29: {  	p2 =	sne.s32 s17, $0x0;
	[sflag:s7] =	ssyncset.done @p0 $0x0  }
0x2a: {  	[sflag:s7] =	ssyncadd.s32 @p0 $0xFFFFEA80  }
0x2b: {  	[tilespmem:s10], [sflag:$0x2] =	stream.linear.gather @p0 [hbm4b:s5+s8], $0x1580, $0x38;
	[tilespmem:$0x9E00] =	vst v63  }
0x2c: {  	s8 =	smov.u32 s18;
	_ =	swait.ge @p0 [sflag:s7], $0x1580  }
0x2d: {  	[sflag:s7] =	ssyncset.done @p0 $0x0  }
0x2e: {  	[sflag:s7] =	ssyncadd.s32 @p0 $0xFFFFEA80  }
0x2f: {  	[hbm4b:s2+s11] =	stream.indirect.scatter @p0 [tilespmem:s10], [sflag:$0x1], $0x1, s9, s11, $0xb8;
	[tilespmem:$0x9E00] =	vst v63  }
0x30: {  	_ =	swait.ge @p0 [sflag:s12], $0x1580  }
0x31: {  	[sflag:s12] =	ssyncset.done @p0 $0x0  }
0x32: {  	[sflag:s12] =	ssyncadd.s32 @p0 $0xFFFFEA80  }
0x33: {  	[tilespmem:s13], [sflag:$0x2] =	stream.linear.gather @!p0 [hbm4b:s4+s13], $0x3980, $0x38;
	[tilespmem:$0x9E00] =	vst v63  }
0x34: {  	_ =	swait.ge @!p0 [sflag:s14], $0x3980  }
0x35: {  	[sflag:s14] =	ssyncset.done @!p0 $0x0  }
0x36: {  	[sflag:s14] =	ssyncadd.s32 @!p0 $0xFFFFC680  }
0x37: {  	[tilespmem:s16], [sflag:$0x2] =	stream.linear.gather @!p0 [hbm4b:s3+s13], $0x3980, $0x38;
	[tilespmem:$0x9E00] =	vst v63  }
0x38: {  	_ =	swait.ge @!p0 [sflag:s14], $0x3980  }
.Ltmp2:
0x39: {  	[sflag:s14] =	ssyncset.done @!p0 $0x0;
	(pc) =	sbr.rel @p2 .LBB2_3-.Ltmp2, $4  }
0x3a: {  	[sflag:s14] =	ssyncadd.s32 @!p0 $0xFFFFC680  }
0x3b: {  	[hbm4b:s2+s16] =	stream.indirect.scatter @!p0 [tilespmem:s16], [sflag:$0x1], $0x1, s13, s16, $0xb8;
	[tilespmem:$0x9E00] =	vst v63  }
0x3c: {  	_ =	swait.ge @!p0 [sflag:s15], $0x3980  }
0x3d: {  	[sflag:s15] =	ssyncset.done @!p0 $0x0  }
.LBB2_4:
0x3e: {  	p1 =	por p0, !p1  }
0x3f: {  	s9 =	simm.s32 @p0 $0x7300;
	[sflag:s15] =	ssyncadd.s32 @!p1 $0xFFFFC680  }
0x40: {  	[tilespmem:s9], [sflag:$0x2] =	stream.linear.gather @p0 [hbm4b:s6+s8], $0x1580, $0x38;
	[tilespmem:$0x9E00] =	vst v63  }
0x41: {  	_ =	swait.ge @p0 [sflag:s7], $0x1580  }
0x42: {  	[sflag:s7] =	ssyncset.done @p0 $0x0  }
0x43: {  	s6 =	simm.s32 @p0 $0x8880;
	[sflag:s7] =	ssyncadd.s32 @p0 $0xFFFFEA80  }
0x44: {  	[tilespmem:s6], [sflag:$0x2] =	stream.linear.gather @p0 [hbm4b:s5+s8], $0x1580, $0x38;
	[tilespmem:$0x9E00] =	vst v63  }
0x45: {  	_ =	swait.ge @p0 [sflag:s7], $0x1580  }
0x46: {  	[sflag:s7] =	ssyncset.done @p0 $0x0  }
0x47: {  	s5 =	simm.s32 @p0 $0x1580;
	[sflag:s7] =	ssyncadd.s32 @p0 $0xFFFFEA80;
	s7 =	simm.s32 @p0 $0x1  }
0x48: {  	[hbm4b:s2+s5] =	stream.indirect.scatter @p0 [tilespmem:s6], [sflag:$0x1], $0x1, s9, s5, $0xb8;
	[tilespmem:$0x9E00] =	vst v63  }
0x49: {  	_ =	swait.ge @p0 [sflag:s7], $0x1580  }
0x4a: {  	[sflag:s7] =	ssyncset.done @p0 $0x0  }
0x4b: {  	s5 =	simm.s32 @!p0 $0x0;
	s6 =	simm.s32 @!p0 $0x2;
	[sflag:s7] =	ssyncadd.s32 @p0 $0xFFFFEA80  }
0x4c: {  	[tilespmem:s5], [sflag:$0x2] =	stream.linear.gather @!p0 [hbm4b:s4+s5], $0x3980, $0x38;
	[tilespmem:$0x9E00] =	vst v63  }
0x4d: {  	_ =	swait.ge @!p0 [sflag:s6], $0x3980  }
0x4e: {  	[sflag:s6] =	ssyncset.done @!p0 $0x0  }
0x4f: {  	s4 =	simm.s32 @!p0 $0x3980;
	[sflag:s6] =	ssyncadd.s32 @!p0 $0xFFFFC680  }
0x50: {  	[tilespmem:s4], [sflag:$0x2] =	stream.linear.gather @!p0 [hbm4b:s3+s5], $0x3980, $0x38;
	[tilespmem:$0x9E00] =	vst v63  }
0x51: {  	_ =	swait.ge @!p0 [sflag:s6], $0x3980  }
0x52: {  	[sflag:s6] =	ssyncset.done @!p0 $0x0  }
0x53: {  	s3 =	simm.s32 @!p0 $0x1;
	[sflag:s6] =	ssyncadd.s32 @!p0 $0xFFFFC680  }
0x54: {  	[hbm4b:s2+s4] =	stream.indirect.scatter @!p0 [tilespmem:s4], [sflag:$0x1], $0x1, s5, s4, $0xb8;
	[tilespmem:$0x9E00] =	vst v63  }
0x55: {  	_ =	swait.ge @!p0 [sflag:s3], $0x3980  }
0x56: {  	[sflag:s3] =	ssyncset.done @!p0 $0x0  }
0x57: {  	[sflag:s3] =	ssyncadd.s32 @!p0 $0xFFFFC680  }
0x58: {  	_ =	sfence.sel $0x180000  }
0x59: {  	[bflag:$0x0] =	sbarrier.arrive $0xFFFF  }
0x5a: {  	p0 =	sne.s32 s1, $0x0;
	_ =	strace $0x90000047  }
0x5b: {  	s0 =	sadd.s32 @!p0 $0x100000, s0;
	[bflag:$0x2] =	sbarrier.arrive $0xFFFF  }
0x5c: {  	[sflag:s0] =	ssyncadd.tile.s32 @!p0 $0x1;
	_ =	shalt  }
.LBB2_1:
.Ltmp3:
0x5d: {  	(pc) =	sbr.rel .LBB2_4-.Ltmp3, $2  }
0x5e: {  	_ =	sdelay $0x2  }
0x5f: {  	_ = 	snop  }
.Lfunc_end2:
_tile_overlayer_lowered:
.L_overlay_start_2:
0x60: {  	(tag) =	ssettag $0x2  }
0x61: {  	s0 =	rddreg [dreg:$0x0];
	s2 =	stileid.u32  }
0x62: {  	s1 =	rddreg [dreg:$0x1];
	p0 =	sne.s32 s2, $0x0  }
0x63: {  	s3 =	rddreg [dreg:$0x2];
	[bflag:$0x3] =	sbarrier.arrive $0xFFFF;
	s2 =	simm.s32 @!p0 $0x1C02  }
0x64: {  	[timem:s3], [sflag:s2] =	dma.local @!p0 [hbm:s0], s1  }
0x65: {  	s0 =	simm.s32 @!p0 $0x2  }
0x66: {  	_ =	swait.ge @!p0 [sflag:s0], s1  }
0x67: {  	s1 =	ssub.s32 @!p0 $0x0, s1;
	[sflag:s0] =	ssyncset.done @!p0 $0x0  }
0x68: {  	[sflag:s0] =	ssyncadd.s32 @!p0 s1  }
0x69: {  	[bflag:$0x3] =	sbarrier.arrive $0xFFFF  }
0x6a: {  	_ =	shalt  }

// kernel: kernel.13.cloned.1.call-start
scs
__scs_entry_jumppad:
0x0: {  	(pc) =	sbr.rel $0x88, $3  }
0x1: {  	(tag) =	ssettag $0x0;
	lr =	simm.s32 $0x1  }
0x2: {  	[smem:$0x3F96] =	sst lr;
	_ =	strace $0xD0000000  }
0x3: {  	_ = 	snop  }
0x4: {  	_ = 	snop  }
0x5: {  	_ = 	snop  }
0x6: {  	_ = 	snop  }
0x7: {  	_ = 	snop  }
__scs_overlays_trampoline_lowered:
0x8: {  	[smem:$0x3FA5] =	sst s0  }
0x9: {  	[smem:$0x3FA6] =	sst s1  }
0xa: {  	[smem:$0x3FA7] =	sst s2  }
0xb: {  	[smem:$0x3FA8] =	sst s3  }
0xc: {  	[smem:$0x3FA9] =	sst s4  }
0xd: {  	[smem:$0x3FAA] =	sst s5  }
0xe: {  	[smem:$0x3FAB] =	sst s6  }
0xf: {  	[smem:$0x3FAC] =	sst s7  }
0x10: {  	[smem:$0x3FAD] =	sst s8  }
0x11: {  	[smem:$0x3FAE] =	sst s9;
	s0 =	simm.s32 @!p0 $0x0  }
0x12: {  	s1 =	sld [smem:$0x3F94];
	s0 =	simm.s32 @p0 $0x1  }
0x13: {  	[smem:$0x3FAF] =	sst s0;
	s0 =	simm.s32 @!p1 $0x0  }
0x14: {  	s2 =	sld [smem:$0x3F93];
	s0 =	simm.s32 @p1 $0x1  }
0x15: {  	[smem:$0x3FB0] =	sst s0;
	s0 =	simm.s32 @!p2 $0x0  }
0x16: {  	s3 =	sld [smem:$0x3FDB];
	s0 =	simm.s32 @p2 $0x1  }
0x17: {  	s4 =	simm.s32 $0x1BF5;
	[smem:$0x3FB2] =	sst s0  }
0x18: {  	s0 =	sld [smem:$0x3F95];
	_ =	swait.ge [sflag:s4], $0x0  }
0x19: {  	s7 =	sld [smem:$0x3F96]  }
0x1a: {  	s8 =	sadd.s32 $0xFFFFE003, lr  }
0x1b: {  	s9 =	sadd.s32 $0xFFFFFEF7, lr;
	s5 =	simm.s32 $0xFFFFFFFF;
	p2 =	slt.u32 s8, $0xFFFFF086  }
0x1c: {  	p1 =	slt.u32 s9, $0xF7A;
	s5 =	simm.s32 @!p2 $0x0  }
0x1d: {  	s5 =	simm.s32 @p1 $0x1;
	p0 =	seq.s32 s7, s2  }
0x1e: {  	s7 =	smul.u32 @!p0 $0xF7A, s2;
	p2 =	seq.s32 @!p0 s5, $0x0  }
0x1f: {  	s9 =	smul.u32 $0xF7A, s1;
	s8 =	simm.s32 @!p0 $0x1BF5;
	p2 =	por !p2, p0  }
0x20: {  	[sflag:s8] =	ssyncset.s32 @!p0 $0xFFFFF086;
	s6 =	sadd.s32 @!p0 s3, s7;
	s7 =	simm.s32 @!p0 $0x108  }
0x21: {  	s3 =	sadd.s32 s3, s9;
	s6 =	sadd.s32 @!p0 $0x88, s6;
	s7 =	simm.s32 @p2 $0x1082  }
0x22: {  	[simem:s7], [sflag:s8] =	dma.local @!p0 [hbm:s6], $0xF7A  }
0x23: {  	s9 =	sor.u32 $0xD0000000, s2;
	s6 =	simm.s32 $0x108;
	_ =	swait.ge @!p0 [sflag:s8], $0x0  }
0x24: {  	s3 =	sadd.s32 $0x88, s3;
	s6 =	simm.s32 @!p1 $0x1082;
	[sflag:s4] =	ssyncset.s32 $0xFFFFF086  }
0x25: {  	[simem:s6], [sflag:s4] =	dma.local [hbm:s3], $0xF7A  }
0x26: {  	[smem:$0x3F96] =	sst s1;
	(tag) =	ssettag s2;
	_ =	strace s9  }
0x27: {  	s1 =	sld [smem:$0x3FA6]  }
0x28: {  	s2 =	sld [smem:$0x3FA7]  }
0x29: {  	s4 =	sld [smem:$0x3FA9]  }
0x2a: {  	p0 =	seq.s32 s5, $0x0;
	s5 =	sld [smem:$0x3FAA]  }
0x2b: {  	s6 =	sld [smem:$0x3FAB]  }
0x2c: {  	s7 =	sld [smem:$0x3FAC]  }
0x2d: {  	s3 =	simm.s32 $0x108;
	s8 =	sld [smem:$0x3FAD]  }
0x2e: {  	s3 =	simm.s32 @!p0 $0x1082;
	s9 =	sld [smem:$0x3FAE]  }
0x2f: {  	lr =	sadd.s32 s0, s3;
	s0 =	sld [smem:$0x3FA5]  }
0x30: {  	s3 =	sld [smem:$0x3FA8]  }
0x31: {  	[smem:$0x3FB1] =	sst s10  }
0x32: {  	s10 =	sld [smem:$0x3FAF];
	_ =	sdelay $0x3  }
0x33: {  	p0 =	seq.s32 s10, $0x1;
	s10 =	sld [smem:$0x3FB1];
	_ =	sdelay $0x3  }
0x34: {  	[smem:$0x3FB1] =	sst s10  }
0x35: {  	s10 =	sld [smem:$0x3FB0];
	_ =	sdelay $0x3  }
0x36: {  	p1 =	seq.s32 s10, $0x1;
	s10 =	sld [smem:$0x3FB1];
	_ =	sdelay $0x3  }
0x37: {  	[smem:$0x3FB1] =	sst s10  }
0x38: {  	s10 =	sld [smem:$0x3FB2]  }
0x39: {  	_ = 	snop;
	(pc) =	sbr.ind lr, $3  }
0x3a: {  	_ = 	snop  }
0x3b: {  	_ = 	snop  }
0x3c: {  	p2 =	seq.s32 s10, $0x1;
	s10 =	sld [smem:$0x3FB1]  }
0x3d: {  	_ =	shalt  }
0x3e: {  	_ =	shalt  }
0x3f: {  	_ =	shalt  }
0x40: {  	_ =	shalt  }
0x41: {  	_ =	shalt  }
0x42: {  	_ =	shalt  }
0x43: {  	_ =	shalt  }
0x44: {  	_ =	shalt  }
0x45: {  	_ =	shalt  }
0x46: {  	_ =	shalt  }
0x47: {  	_ =	shalt  }
0x48: {  	_ =	shalt  }
0x49: {  	_ =	shalt  }
0x4a: {  	_ =	shalt  }
0x4b: {  	_ =	shalt  }
0x4c: {  	_ =	shalt  }
0x4d: {  	_ =	shalt  }
0x4e: {  	_ =	shalt  }
0x4f: {  	_ =	shalt  }
0x50: {  	_ =	shalt  }
0x51: {  	_ =	shalt  }
0x52: {  	_ =	shalt  }
0x53: {  	_ =	shalt  }
0x54: {  	_ =	shalt  }
0x55: {  	_ =	shalt  }
0x56: {  	_ =	shalt  }
0x57: {  	_ =	shalt  }
0x58: {  	_ =	shalt  }
0x59: {  	_ =	shalt  }
0x5a: {  	_ =	shalt  }
0x5b: {  	_ =	shalt  }
0x5c: {  	_ =	shalt  }
0x5d: {  	_ =	shalt  }
0x5e: {  	_ =	shalt  }
0x5f: {  	_ =	shalt  }
0x60: {  	_ =	shalt  }
0x61: {  	_ =	shalt  }
0x62: {  	_ =	shalt  }
0x63: {  	_ =	shalt  }
0x64: {  	_ =	shalt  }
0x65: {  	_ =	shalt  }
0x66: {  	_ =	shalt  }
0x67: {  	_ =	shalt  }
0x68: {  	_ =	shalt  }
0x69: {  	_ =	shalt  }
0x6a: {  	_ =	shalt  }
0x6b: {  	_ =	shalt  }
0x6c: {  	_ =	shalt  }
0x6d: {  	_ =	shalt  }
0x6e: {  	_ =	shalt  }
0x6f: {  	_ =	shalt  }
0x70: {  	_ =	shalt  }
0x71: {  	_ =	shalt  }
0x72: {  	_ =	shalt  }
0x73: {  	_ =	shalt  }
0x74: {  	_ =	shalt  }
0x75: {  	_ =	shalt  }
0x76: {  	_ =	shalt  }
0x77: {  	_ =	shalt  }
0x78: {  	_ =	shalt  }
0x79: {  	_ =	shalt  }
0x7a: {  	_ =	shalt  }
0x7b: {  	_ =	shalt  }
0x7c: {  	_ =	shalt  }
0x7d: {  	_ =	shalt  }
0x7e: {  	_ =	shalt  }
0x7f: {  	_ =	shalt  }
0x80: {  	_ =	shalt  }
0x81: {  	_ =	shalt  }
0x82: {  	_ =	shalt  }
0x83: {  	_ =	shalt  }
0x84: {  	_ =	shalt  }
0x85: {  	_ =	shalt  }
0x86: {  	_ =	shalt  }
0x87: {  	_ =	shalt  }
.Lfunc_end0:
.L_simem_size_0:
called_computation.1_lowered:
.L_overlay_start_0:
0x88: {  	s2 =	sld [smem:$0x3FD9]  }
0x89: {  	s3 =	sld [smem:$0x3FFE];
	_ =	sdelay $0x1  }
0x8a: {  	s1 =	srdreg.scid  }
0x8b: {  	s0 =	sand.u32 $0x1, s1  }
0x8c: {  	s16 =	sshll.u32 s0, $0xA;
	s2 =	sadd.s32 s3, s2  }
0x8d: {  	s2 =	sadd.s32 s2, s16  }
0x8e: {  	[smem:$0x3FBD] =	sst s2  }
0x8f: {  	_ = 	snop  }
0x90: {  	(tm) =	ssettm $0x1  }
0x91: {  	s17 =	sld [smem:$0x3FFB];
	_ =	sdelay $0x3  }
0x92: {  	_ =	strace s17  }
0x93: {  	s2 =	sld [smem:$0x3FFC];
	_ =	sdelay $0x3  }
0x94: {  	_ =	strace s2  }
0x95: {  	s2 =	sld [smem:$0x3FFD];
	_ =	sdelay $0x3  }
0x96: {  	_ =	strace s2  }
0x97: {  	_ =	strace $0x8FFFFFFF  }
0x98: {  	s18 =	sld [smem:$0x3FDB];
	_ =	sdelay $0x1  }
0x99: {  	s19 =	simm.s32 $_scs_section_size  }
0x9a: {  	s4 =	simm.s32 $_size__tile_overlayer_lowered;
	s5 =	simm.s32 $_tile_overlayer_lowered  }
0x9b: {  	s22 =	simm.s32 $0x1BFF;
	s21 =	sshll.u32 s5, $0x1;
	s2 =	sadd.s32 s19, s18  }
0x9c: {  	s6 =	simm.s32 $0x0;
	s20 =	sshll.u32 s4, $0x1;
	s4 =	sadd.s32 s21, s2  }
0x9d: {  	[timem:s6], [sflag:s22] =	dma.local [hbm:s4], s20  }
0x9e: {  	_ =	swait.ge [sflag:s22], s20  }
0x9f: {  	s3 =	ssub.s32 $0x0, s20;
	[sflag:s22] =	ssyncset.done $0x0  }
0xa0: {  	[sflag:s22] =	ssyncadd.s32 s3;
	_ =	sdelay $0x1  }
0xa1: {  	s23 =	simm.s32 $0x1B8B  }
0xa2: {  	_ =	swait.ge [sflag:s23], $0x1  }
0xa3: {  	[sflag:s23] =	ssyncset.done $0x0  }
0xa4: {  	s25 =	simm.s32 $0x1B8E;
	s24 =	sld [smem:$0x3FFE];
	[sflag:s23] =	ssyncadd.s32 $0xFFFFFFFF  }
0xa5: {  	s26 =	simm.s32 $execute0_lowered;
	[smem:$0x3FD2] =	sst s25  }
0xa6: {  	s4 =	sshll.u32 s26, $0x1;
	_ =	strace $0x80000049;
	[dreg:$0x1] =	wrdreg $0xFFFFFFFF  }
0xa7: {  	s28 =	simm.s32 $_size_execute0_lowered;
	s2 =	sadd.s32 s2, s4;
	[dreg:$0x0] =	wrdreg $0x0  }
0xa8: {  	s4 =	sshll.u32 s28, $0x1;
	[dreg:$0x2] =	wrdreg s2  }
0xa9: {  	[dreg:$0x3] =	wrdreg s4  }
0xaa: {  	[dreg:$0x4] =	wrdreg $0xC0  }
0xab: {  	_ =	task [dreg:s6], $0x5FFFF  }
0xac: {  	[dreg:$0x1] =	wrdreg $0xFFFFFFFF  }
0xad: {  	[dreg:$0x0] =	wrdreg $0x60  }
0xae: {  	[dreg:$0x2] =	wrdreg s24  }
0xaf: {  	[dreg:$0x3] =	wrdreg $0x9  }
0xb0: {  	_ =	task.clear_ibuf [dreg:s6], $0x4FFFF;
	_ =	strace $0x90000049  }
0xb1: {  	s29 =	simm.s32 $0x9;
	_ =	strace $0x8000004B  }
0xb2: {  	_ =	swait.ge [sflag:s29], $0x1  }
0xb3: {  	[sflag:s29] =	ssyncadd.s32 $0xFFFFFFFF  }
0xb4: {  	_ =	strace $0x9000004B  }
0xb5: {  	_ =	sfence  }
0xb6: {  	s30 =	sld [smem:$0x0];
	_ =	sdelay $0x2  }
0xb7: {  	s31 =	sshll.u32 s1, $0xD;
	s1 =	sshrl.u32 s1, $0x2  }
0xb8: {  	s3 =	sand.u32 $0x4000, s31;
	s1 =	sadd.s32 s1, s30  }
0xb9: {  	s0 =	sor.u32 s3, s0;
	s1 =	sshll.u32 s1, $0x11  }
0xba: {  	s0 =	sor.u32 s1, s0  }
0xbb: {  	s0 =	sadd.s32 $0x8F2B, s0  }
0xbc: {  	[sflag:s0] =	ssyncadd.remote.s32 $0x1  }
0xbd: {  	_ =	sfence.sel $0xFFFF  }
0xbe: {  	[dreg:$0x0] =	wrdreg $0xFFFFFFFF;
	(pc) =	sbr.abs _section_cstart, $3  }
0xbf: {  	[dreg:$0x1] =	wrdreg $0xFFFFFFFF  }
0xc0: {  	_ =	task.clear_ibuf [dreg:s6], $0x2FFFF;
	_ =	strace $0x9FFFFFFF  }
0xc1: {  	(tm) =	ssettm $0x7FFFFFFF  }
tec
execute0_lowered:
.L_overlay_start_1:
0x0: {  	(tag) =	ssettag $0x1  }
0x1: {  	s4 =	rddreg [dreg:$0x0]  }
0x2: {  	s2 =	srdreg.scid;
	s1 =	stileid.u32  }
0x3: {  	s0 =	rddreg [dreg:$0x1];
	s15 =	simm.s32 $0x7680;
	s16 =	simm.s32 $0x1  }
0x4: {  	s17 =	simm.s32 $0xED00;
	s18 =	simm.s32 $0x80;
	s19 =	simm.s32 $0x400  }
0x5: {  	s20 =	simm.s32 $0x9E00;
	s21 =	simm.s32 $0xC580;
	s22 =	simm.s32 $0x0  }
0x6: {  	s8 =	sand.u32 $0x1, s2;
	s3 =	sshll.u32 s1, $0x1;
	s2 =	simm.s32 $0x0  }
0x7: {  	s5 =	sshrl.u32 s1, $0x2;
	s13 =	smul.u32 $0x4F00, s1;
	s3 =	sor.u32 s8, s3  }
0x8: {  	[smem:$0x7FF] =	sst s2;
	s5 =	smul.u32 $0x13C00, s5;
	s6 =	sshll.u32 s3, $0x7  }
0x9: {  	s31 =	ssub.s32 $0x2, s8;
	s7 =	smul.u32 $0x2780, s3;
	s6 =	sand.u32 $0x380, s6  }
0xa: {  	s14 =	smul.u32 $0x2780, s8;
	_ =	strace $0x8000004A;
	s5 =	sor.u32 s5, s6  }
0xb: {  	s3 =	sadd.s32 $0x2B800, s4;
	s7 =	sshrl.u32 s7, $0x3;
	s5 =	sshrl.u32 s5, $0x3  }
0xc: {  	s9 =	sshrl.u32 s31, $0x1;
	s11 =	sadd.s32 s7, s4;
	s10 =	sadd.s32 s5, s4  }
0xd: {  	s4 =	sadd.s32 $0x17C00, s11;
	s5 =	sadd.s32 $0xDE00, s11;
	s6 =	sadd.s32 $0x4000, s11  }
0xe: {  	s12 =	ssub.s32 s31, s9;
	s8 =	sadd.s32 $0x621400, s11;
	s9 =	sadd.s32 $0x62B200, s11  }
0xf: {  	v1 =	vlaneseq.u32;
	s11 =	sadd.s32 s14, s13;
	s13 =	simm.s32 $0x2780;
	s14 =	simm.s32 $0x4F00  }
0x10: {  	v0 =	vimm.f32 $0.0e+00;
	v1 =	vadd.s32 $0x1, v1;
	s7 =	sadd.s32 $0x21A00, s10;
	s10 =	smax.u32 s12, $0x1;
	s12 =	simm.s32 $0x2  }
.LBB2_1:
0x11: {  	[tilespmem:s2], [sflag:$0x2] =	stream.linear.gather [hbm4b:s4+s2], $0x2780, $0x38;
	[tilespmem:$0x11480] =	vst v63  }
0x12: {  	_ =	swait.ge [sflag:s12], $0x2780  }
0x13: {  	[sflag:s12] =	ssyncset.done $0x0  }
0x14: {  	[sflag:s12] =	ssyncadd.s32 $0xFFFFD880  }
0x15: {  	[tilespmem:s13], [sflag:$0x2] =	stream.linear.gather [hbm4b:s5+s2], $0x2780, $0x38;
	[tilespmem:$0x11480] =	vst v63  }
0x16: {  	_ =	swait.ge [sflag:s12], $0x2780  }
0x17: {  	[sflag:s12] =	ssyncset.done $0x0  }
0x18: {  	[sflag:s12] =	ssyncadd.s32 $0xFFFFD880  }
0x19: {  	[tilespmem:s14], [sflag:$0x2] =	stream.linear.gather [hbm4b:s6+s2], $0x2780, $0x38;
	[tilespmem:$0x11480] =	vst v63  }
0x1a: {  	_ =	swait.ge [sflag:s12], $0x2780  }
0x1b: {  	[sflag:s12] =	ssyncset.done $0x0  }
0x1c: {  	[sflag:s12] =	ssyncadd.s32 $0xFFFFD880  }
0x1d: {  	[tilespmem:s15], [sflag:$0x1] =	stream.indirect.gather [hbm4b:s3+s13], $0x1, s2, s13, $0xb8;
	[tilespmem:$0x11480] =	vst v63  }
0x1e: {  	_ =	swait.ge [sflag:s16], $0x2780  }
0x1f: {  	[sflag:s16] =	ssyncset.done $0x0  }
0x20: {  	s23 =	simm.s32 $0x0;
	[sflag:s16] =	ssyncadd.s32 $0xFFFFD880  }
.LBB2_2:
0x21: {  	p0 =	sne.s32 s23, $0x9C00  }
.Ltmp0:
0x22: {  	_ = 	snop;
	(pc) =	sbr.rel @p0 .LBB2_2-.Ltmp0, $3  }
0x23: {  	_ =	sdelay $0x1  }
0x24: {  	s24 =	sshra.s32 s23, $0x2  }
0x25: {  	s23 =	sadd.s32 $0x40, s23;
	[tilespmem:s24+$0xED00] =	vst v0  }
0x26: {  	s23 =	simm.s32 $0x0;
	s24 =	simm.s32 $0xC5C0;
	s25 =	simm.s32 $0x9E40  }
0x27: {  	s26 =	simm.s32 $0x4F40;
	s28 =	simm.s32 $0x27C0;
	s29 =	simm.s32 $0x76C0  }
.LBB2_4:
0x28: {  	v2 =	vld [tilespmem:s29+$0xFFFFFFC0]  }
0x29: {  	v3 =	vld [tilespmem:s28+$0xFFFFFFC0]  }
0x2a: {  	v4 =	vld [tilespmem:s26+$0xFFFFFFC0];
	_ =	sdelay $0x2  }
0x2b: {  	s30 =	sadd.s32 s23, s11  }
0x2c: {  	v5 =	vor.u32 s30, v1  }
0x2d: {  	vm0 =	veq.s32 v2, v5  }
0x2e: {  	v2 =	vsel vm0, $0x3F800000, v0  }
0x2f: {  	[tilespmem:v3+s17+$0x0] =	vst.idx.add.f32.msk $0xffff, v2  }
0x30: {  	[tilespmem:v4+s17+$0x0] =	vst.idx.add.f32.msk $0xffff, v2;
	v2 =	vnsel vm0, $0x2710, v3  }
0x31: {  	[tilespmem:s25+$0xFFFFFFC0] =	vst v2;
	v2 =	vnsel vm0, $0x2710, v4  }
0x32: {  	[tilespmem:s24+$0xFFFFFFC0] =	vst v2  }
0x33: {  	v2 =	vld [tilespmem:s29+$0xFFFFFFD0]  }
0x34: {  	v3 =	vld [tilespmem:s28+$0xFFFFFFD0]  }
0x35: {  	v50 =	vld [tilespmem:s26+$0xFFFFFFD0];
	_ =	sdelay $0x2  }
0x36: {  	s31 =	sadd.s32 $0x10, s30  }
0x37: {  	v51 =	vadd.s32 s31, v1  }
0x38: {  	vm9 =	veq.s32 v2, v51  }
0x39: {  	v2 =	vsel vm9, $0x3F800000, v0  }
0x3a: {  	[tilespmem:v3+s17+$0x0] =	vst.idx.add.f32.msk $0xffff, v2  }
0x3b: {  	[tilespmem:v50+s17+$0x0] =	vst.idx.add.f32.msk $0xffff, v2;
	v2 =	vnsel vm9, $0x2710, v3  }
0x3c: {  	[tilespmem:s25+$0xFFFFFFD0] =	vst v2;
	v2 =	vnsel vm9, $0x2710, v50  }
0x3d: {  	[tilespmem:s24+$0xFFFFFFD0] =	vst v2  }
0x3e: {  	v2 =	vld [tilespmem:s29+$0xFFFFFFE0]  }
0x3f: {  	v3 =	vld [tilespmem:s28+$0xFFFFFFE0]  }
0x40: {  	v52 =	vld [tilespmem:s26+$0xFFFFFFE0];
	_ =	sdelay $0x2  }
0x41: {  	s31 =	sadd.s32 $0x20, s30  }
0x42: {  	v53 =	vor.u32 s31, v1  }
0x43: {  	vm10 =	veq.s32 v2, v53  }
0x44: {  	v2 =	vsel vm10, $0x3F800000, v0  }
0x45: {  	[tilespmem:v3+s17+$0x0] =	vst.idx.add.f32.msk $0xffff, v2  }
0x46: {  	[tilespmem:v52+s17+$0x0] =	vst.idx.add.f32.msk $0xffff, v2;
	v2 =	vnsel vm10, $0x2710, v3  }
0x47: {  	[tilespmem:s25+$0xFFFFFFE0] =	vst v2;
	v2 =	vnsel vm10, $0x2710, v52  }
0x48: {  	[tilespmem:s24+$0xFFFFFFE0] =	vst v2  }
0x49: {  	v2 =	vld [tilespmem:s29+$0xFFFFFFF0]  }
0x4a: {  	v3 =	vld [tilespmem:s28+$0xFFFFFFF0]  }
0x4b: {  	v54 =	vld [tilespmem:s26+$0xFFFFFFF0];
	_ =	sdelay $0x2  }
0x4c: {  	s31 =	sadd.s32 $0x30, s30  }
0x4d: {  	v55 =	vadd.s32 s31, v1  }
0x4e: {  	vm11 =	veq.s32 v2, v55  }
0x4f: {  	v2 =	vsel vm11, $0x3F800000, v0  }
0x50: {  	[tilespmem:v3+s17+$0x0] =	vst.idx.add.f32.msk $0xffff, v2  }
0x51: {  	[tilespmem:v54+s17+$0x0] =	vst.idx.add.f32.msk $0xffff, v2;
	v2 =	vnsel vm11, $0x2710, v3  }
0x52: {  	[tilespmem:s25+$0xFFFFFFF0] =	vst v2;
	v2 =	vnsel vm11, $0x2710, v54  }
0x53: {  	[tilespmem:s24+$0xFFFFFFF0] =	vst v2  }
0x54: {  	v2 =	vld [tilespmem:s29+$0x0]  }
0x55: {  	v3 =	vld [tilespmem:s28+$0x0]  }
0x56: {  	v56 =	vld [tilespmem:s26+$0x0];
	_ =	sdelay $0x2  }
0x57: {  	s31 =	sadd.s32 $0x40, s30  }
0x58: {  	v57 =	vor.u32 s31, v1  }
0x59: {  	vm12 =	veq.s32 v2, v57  }
0x5a: {  	v2 =	vsel vm12, $0x3F800000, v0  }
0x5b: {  	[tilespmem:v3+s17+$0x0] =	vst.idx.add.f32.msk $0xffff, v2  }
0x5c: {  	[tilespmem:v56+s17+$0x0] =	vst.idx.add.f32.msk $0xffff, v2;
	v2 =	vnsel vm12, $0x2710, v3  }
0x5d: {  	[tilespmem:s25+$0x0] =	vst v2;
	v2 =	vnsel vm12, $0x2710, v56  }
0x5e: {  	[tilespmem:s24+$0x0] =	vst v2  }
0x5f: {  	v2 =	vld [tilespmem:s29+$0x10]  }
0x60: {  	v3 =	vld [tilespmem:s28+$0x10]  }
0x61: {  	v58 =	vld [tilespmem:s26+$0x10];
	_ =	sdelay $0x2  }
0x62: {  	s31 =	sadd.s32 $0x50, s30  }
0x63: {  	v59 =	vadd.s32 s31, v1  }
0x64: {  	vm13 =	veq.s32 v2, v59  }
0x65: {  	v2 =	vsel vm13, $0x3F800000, v0  }
0x66: {  	[tilespmem:v3+s17+$0x0] =	vst.idx.add.f32.msk $0xffff, v2  }
0x67: {  	[tilespmem:v58+s17+$0x0] =	vst.idx.add.f32.msk $0xffff, v2;
	v2 =	vnsel vm13, $0x2710, v3  }
0x68: {  	[tilespmem:s25+$0x10] =	vst v2;
	v2 =	vnsel vm13, $0x2710, v58  }
0x69: {  	[tilespmem:s24+$0x10] =	vst v2  }
0x6a: {  	v2 =	vld [tilespmem:s29+$0x20]  }
0x6b: {  	v3 =	vld [tilespmem:s28+$0x20]  }
0x6c: {  	v60 =	vld [tilespmem:s26+$0x20];
	_ =	sdelay $0x2  }
0x6d: {  	s31 =	sadd.s32 $0x60, s30  }
0x6e: {  	v61 =	vor.u32 s31, v1  }
0x6f: {  	vm14 =	veq.s32 v2, v61  }
0x70: {  	v2 =	vsel vm14, $0x3F800000, v0  }
0x71: {  	[tilespmem:v3+s17+$0x0] =	vst.idx.add.f32.msk $0xffff, v2  }
0x72: {  	[tilespmem:v60+s17+$0x0] =	vst.idx.add.f32.msk $0xffff, v2;
	v2 =	vnsel vm14, $0x2710, v3  }
0x73: {  	[tilespmem:s25+$0x20] =	vst v2;
	v2 =	vnsel vm14, $0x2710, v60  }
0x74: {  	[tilespmem:s24+$0x20] =	vst v2  }
0x75: {  	v2 =	vld [tilespmem:s29+$0x30]  }
0x76: {  	v3 =	vld [tilespmem:s28+$0x30]  }
0x77: {  	v62 =	vld [tilespmem:s26+$0x30];
	_ =	sdelay $0x2  }
0x78: {  	s30 =	sadd.s32 $0x70, s30  }
0x79: {  	v63 =	vadd.s32 s30, v1  }
0x7a: {  	p0 =	sne.s32 s23, $0x2700;
	vm15 =	veq.s32 v2, v63  }
.Ltmp1:
0x7b: {  	v2 =	vsel vm15, $0x3F800000, v0;
	(pc) =	sbr.rel @p0 .LBB2_4-.Ltmp1, $4  }
0x7c: {  	[tilespmem:v3+s17+$0x0] =	vst.idx.add.f32.msk $0xffff, v2  }
0x7d: {  	[tilespmem:v62+s17+$0x0] =	vst.idx.add.f32.msk $0xffff, v2;
	v2 =	vnsel vm15, $0x2710, v3  }
0x7e: {  	s23 =	sadd.s32 $0x80, s23;
	s26 =	sadd.s32 $0x80, s26;
	s28 =	sadd.s32 $0x80, s28;
	[tilespmem:s25+$0x30] =	vst v2;
	v2 =	vnsel vm15, $0x2710, v62  }
0x7f: {  	s29 =	sadd.s32 $0x80, s29;
	s25 =	sadd.s32 $0x80, s25;
	[tilespmem:s24+$0x30] =	vst v2;
	s24 =	sadd.s32 $0x80, s24  }
0x80: {  	[hbm4b:s7+s18] =	stream.strided.scatter [tilespmem:s17], [sflag:$0x2], $0x2780, s19, s18, $0x38;
	[tilespmem:$0x11480] =	vst v63  }
0x81: {  	_ =	swait.ge [sflag:s12], $0x2780  }
0x82: {  	[sflag:s12] =	ssyncset.done $0x0  }
0x83: {  	[sflag:s12] =	ssyncadd.s32 $0xFFFFD880  }
0x84: {  	[hbm4b:s8+s2] =	stream.linear.scatter [tilespmem:s20], [sflag:$0x2], $0x2780, $0x38;
	[tilespmem:$0x11480] =	vst v63  }
0x85: {  	s22 =	sadd.s32 $0x1, s22;
	_ =	swait.ge [sflag:s12], $0x2780  }
0x86: {  	p0 =	sne.s32 s22, s10;
	[sflag:s12] =	ssyncset.done $0x0  }
.Ltmp2:
0x87: {  	[sflag:s12] =	ssyncadd.s32 $0xFFFFD880;
	(pc) =	sbr.rel @p0 .LBB2_1-.Ltmp2, $4  }
0x88: {  	[hbm4b:s9+s2] =	stream.linear.scatter [tilespmem:s21], [sflag:$0x2], $0x2780, $0x38;
	[tilespmem:$0x11480] =	vst v63  }
0x89: {  	_ =	swait.ge [sflag:s12], $0x2780  }
0x8a: {  	[sflag:s12] =	ssyncset.done $0x0  }
0x8b: {  	[sflag:s12] =	ssyncadd.s32 $0xFFFFD880  }
0x8c: {  	_ =	sfence.sel $0x180000  }
0x8d: {  	[bflag:$0x0] =	sbarrier.arrive $0xFFFF  }
0x8e: {  	p0 =	sne.s32 s1, $0x0;
	_ =	strace $0x9000004A  }
0x8f: {  	s0 =	sadd.s32 @!p0 $0x100000, s0;
	[bflag:$0x2] =	sbarrier.arrive $0xFFFF  }
0x90: {  	[sflag:s0] =	ssyncadd.tile.s32 @!p0 $0x1;
	_ =	shalt  }
.Lfunc_end2:
_tile_overlayer_lowered:
.L_overlay_start_2:
0x91: {  	(tag) =	ssettag $0x2  }
0x92: {  	s0 =	rddreg [dreg:$0x0];
	s2 =	stileid.u32  }
0x93: {  	s1 =	rddreg [dreg:$0x1];
	p0 =	sne.s32 s2, $0x0  }
0x94: {  	s3 =	rddreg [dreg:$0x2];
	[bflag:$0x3] =	sbarrier.arrive $0xFFFF;
	s2 =	simm.s32 @!p0 $0x1C02  }
0x95: {  	[timem:s3], [sflag:s2] =	dma.local @!p0 [hbm:s0], s1  }
0x96: {  	s0 =	simm.s32 @!p0 $0x2  }
0x97: {  	_ =	swait.ge @!p0 [sflag:s0], s1  }
0x98: {  	s1 =	ssub.s32 @!p0 $0x0, s1;
	[sflag:s0] =	ssyncset.done @!p0 $0x0  }
0x99: {  	[sflag:s0] =	ssyncadd.s32 @!p0 s1  }
0x9a: {  	[bflag:$0x3] =	sbarrier.arrive $0xFFFF  }
0x9b: {  	_ =	shalt  }

// kernel: kernel.16.cloned.1.call-start
scs
__scs_entry_jumppad:
0x0: {  	(pc) =	sbr.rel $0x88, $3  }
0x1: {  	(tag) =	ssettag $0x0;
	lr =	simm.s32 $0x1  }
0x2: {  	[smem:$0x3F96] =	sst lr;
	_ =	strace $0xD0000000  }
0x3: {  	_ = 	snop  }
0x4: {  	_ = 	snop  }
0x5: {  	_ = 	snop  }
0x6: {  	_ = 	snop  }
0x7: {  	_ = 	snop  }
__scs_overlays_trampoline_lowered:
0x8: {  	[smem:$0x3FA5] =	sst s0  }
0x9: {  	[smem:$0x3FA6] =	sst s1  }
0xa: {  	[smem:$0x3FA7] =	sst s2  }
0xb: {  	[smem:$0x3FA8] =	sst s3  }
0xc: {  	[smem:$0x3FA9] =	sst s4  }
0xd: {  	[smem:$0x3FAA] =	sst s5  }
0xe: {  	[smem:$0x3FAB] =	sst s6  }
0xf: {  	[smem:$0x3FAC] =	sst s7  }
0x10: {  	[smem:$0x3FAD] =	sst s8  }
0x11: {  	[smem:$0x3FAE] =	sst s9;
	s0 =	simm.s32 @!p0 $0x0  }
0x12: {  	s1 =	sld [smem:$0x3F94];
	s0 =	simm.s32 @p0 $0x1  }
0x13: {  	[smem:$0x3FAF] =	sst s0;
	s0 =	simm.s32 @!p1 $0x0  }
0x14: {  	s2 =	sld [smem:$0x3F93];
	s0 =	simm.s32 @p1 $0x1  }
0x15: {  	[smem:$0x3FB0] =	sst s0;
	s0 =	simm.s32 @!p2 $0x0  }
0x16: {  	s3 =	sld [smem:$0x3FDB];
	s0 =	simm.s32 @p2 $0x1  }
0x17: {  	s4 =	simm.s32 $0x1BF5;
	[smem:$0x3FB2] =	sst s0  }
0x18: {  	s0 =	sld [smem:$0x3F95];
	_ =	swait.ge [sflag:s4], $0x0  }
0x19: {  	s7 =	sld [smem:$0x3F96]  }
0x1a: {  	s8 =	sadd.s32 $0xFFFFE003, lr  }
0x1b: {  	s9 =	sadd.s32 $0xFFFFFEF7, lr;
	s5 =	simm.s32 $0xFFFFFFFF;
	p2 =	slt.u32 s8, $0xFFFFF086  }
0x1c: {  	p1 =	slt.u32 s9, $0xF7A;
	s5 =	simm.s32 @!p2 $0x0  }
0x1d: {  	s5 =	simm.s32 @p1 $0x1;
	p0 =	seq.s32 s7, s2  }
0x1e: {  	s7 =	smul.u32 @!p0 $0xF7A, s2;
	p2 =	seq.s32 @!p0 s5, $0x0  }
0x1f: {  	s9 =	smul.u32 $0xF7A, s1;
	s8 =	simm.s32 @!p0 $0x1BF5;
	p2 =	por !p2, p0  }
0x20: {  	[sflag:s8] =	ssyncset.s32 @!p0 $0xFFFFF086;
	s6 =	sadd.s32 @!p0 s3, s7;
	s7 =	simm.s32 @!p0 $0x108  }
0x21: {  	s3 =	sadd.s32 s3, s9;
	s6 =	sadd.s32 @!p0 $0x88, s6;
	s7 =	simm.s32 @p2 $0x1082  }
0x22: {  	[simem:s7], [sflag:s8] =	dma.local @!p0 [hbm:s6], $0xF7A  }
0x23: {  	s9 =	sor.u32 $0xD0000000, s2;
	s6 =	simm.s32 $0x108;
	_ =	swait.ge @!p0 [sflag:s8], $0x0  }
0x24: {  	s3 =	sadd.s32 $0x88, s3;
	s6 =	simm.s32 @!p1 $0x1082;
	[sflag:s4] =	ssyncset.s32 $0xFFFFF086  }
0x25: {  	[simem:s6], [sflag:s4] =	dma.local [hbm:s3], $0xF7A  }
0x26: {  	[smem:$0x3F96] =	sst s1;
	(tag) =	ssettag s2;
	_ =	strace s9  }
0x27: {  	s1 =	sld [smem:$0x3FA6]  }
0x28: {  	s2 =	sld [smem:$0x3FA7]  }
0x29: {  	s4 =	sld [smem:$0x3FA9]  }
0x2a: {  	p0 =	seq.s32 s5, $0x0;
	s5 =	sld [smem:$0x3FAA]  }
0x2b: {  	s6 =	sld [smem:$0x3FAB]  }
0x2c: {  	s7 =	sld [smem:$0x3FAC]  }
0x2d: {  	s3 =	simm.s32 $0x108;
	s8 =	sld [smem:$0x3FAD]  }
0x2e: {  	s3 =	simm.s32 @!p0 $0x1082;
	s9 =	sld [smem:$0x3FAE]  }
0x2f: {  	lr =	sadd.s32 s0, s3;
	s0 =	sld [smem:$0x3FA5]  }
0x30: {  	s3 =	sld [smem:$0x3FA8]  }
0x31: {  	[smem:$0x3FB1] =	sst s10  }
0x32: {  	s10 =	sld [smem:$0x3FAF];
	_ =	sdelay $0x3  }
0x33: {  	p0 =	seq.s32 s10, $0x1;
	s10 =	sld [smem:$0x3FB1];
	_ =	sdelay $0x3  }
0x34: {  	[smem:$0x3FB1] =	sst s10  }
0x35: {  	s10 =	sld [smem:$0x3FB0];
	_ =	sdelay $0x3  }
0x36: {  	p1 =	seq.s32 s10, $0x1;
	s10 =	sld [smem:$0x3FB1];
	_ =	sdelay $0x3  }
0x37: {  	[smem:$0x3FB1] =	sst s10  }
0x38: {  	s10 =	sld [smem:$0x3FB2]  }
0x39: {  	_ = 	snop;
	(pc) =	sbr.ind lr, $3  }
0x3a: {  	_ = 	snop  }
0x3b: {  	_ = 	snop  }
0x3c: {  	p2 =	seq.s32 s10, $0x1;
	s10 =	sld [smem:$0x3FB1]  }
0x3d: {  	_ =	shalt  }
0x3e: {  	_ =	shalt  }
0x3f: {  	_ =	shalt  }
0x40: {  	_ =	shalt  }
0x41: {  	_ =	shalt  }
0x42: {  	_ =	shalt  }
0x43: {  	_ =	shalt  }
0x44: {  	_ =	shalt  }
0x45: {  	_ =	shalt  }
0x46: {  	_ =	shalt  }
0x47: {  	_ =	shalt  }
0x48: {  	_ =	shalt  }
0x49: {  	_ =	shalt  }
0x4a: {  	_ =	shalt  }
0x4b: {  	_ =	shalt  }
0x4c: {  	_ =	shalt  }
0x4d: {  	_ =	shalt  }
0x4e: {  	_ =	shalt  }
0x4f: {  	_ =	shalt  }
0x50: {  	_ =	shalt  }
0x51: {  	_ =	shalt  }
0x52: {  	_ =	shalt  }
0x53: {  	_ =	shalt  }
0x54: {  	_ =	shalt  }
0x55: {  	_ =	shalt  }
0x56: {  	_ =	shalt  }
0x57: {  	_ =	shalt  }
0x58: {  	_ =	shalt  }
0x59: {  	_ =	shalt  }
0x5a: {  	_ =	shalt  }
0x5b: {  	_ =	shalt  }
0x5c: {  	_ =	shalt  }
0x5d: {  	_ =	shalt  }
0x5e: {  	_ =	shalt  }
0x5f: {  	_ =	shalt  }
0x60: {  	_ =	shalt  }
0x61: {  	_ =	shalt  }
0x62: {  	_ =	shalt  }
0x63: {  	_ =	shalt  }
0x64: {  	_ =	shalt  }
0x65: {  	_ =	shalt  }
0x66: {  	_ =	shalt  }
0x67: {  	_ =	shalt  }
0x68: {  	_ =	shalt  }
0x69: {  	_ =	shalt  }
0x6a: {  	_ =	shalt  }
0x6b: {  	_ =	shalt  }
0x6c: {  	_ =	shalt  }
0x6d: {  	_ =	shalt  }
0x6e: {  	_ =	shalt  }
0x6f: {  	_ =	shalt  }
0x70: {  	_ =	shalt  }
0x71: {  	_ =	shalt  }
0x72: {  	_ =	shalt  }
0x73: {  	_ =	shalt  }
0x74: {  	_ =	shalt  }
0x75: {  	_ =	shalt  }
0x76: {  	_ =	shalt  }
0x77: {  	_ =	shalt  }
0x78: {  	_ =	shalt  }
0x79: {  	_ =	shalt  }
0x7a: {  	_ =	shalt  }
0x7b: {  	_ =	shalt  }
0x7c: {  	_ =	shalt  }
0x7d: {  	_ =	shalt  }
0x7e: {  	_ =	shalt  }
0x7f: {  	_ =	shalt  }
0x80: {  	_ =	shalt  }
0x81: {  	_ =	shalt  }
0x82: {  	_ =	shalt  }
0x83: {  	_ =	shalt  }
0x84: {  	_ =	shalt  }
0x85: {  	_ =	shalt  }
0x86: {  	_ =	shalt  }
0x87: {  	_ =	shalt  }
.Lfunc_end0:
.L_simem_size_0:
called_computation.2_lowered:
.L_overlay_start_0:
0x88: {  	s2 =	sld [smem:$0x3FD9]  }
0x89: {  	s3 =	sld [smem:$0x3FFE];
	_ =	sdelay $0x1  }
0x8a: {  	s1 =	srdreg.scid  }
0x8b: {  	s0 =	sand.u32 $0x1, s1  }
0x8c: {  	s16 =	sshll.u32 s0, $0xA;
	s2 =	sadd.s32 s3, s2  }
0x8d: {  	s2 =	sadd.s32 s2, s16  }
0x8e: {  	[smem:$0x3FBD] =	sst s2  }
0x8f: {  	_ = 	snop  }
0x90: {  	(tm) =	ssettm $0x1  }
0x91: {  	s17 =	sld [smem:$0x3FFB];
	_ =	sdelay $0x3  }
0x92: {  	_ =	strace s17  }
0x93: {  	s2 =	sld [smem:$0x3FFC];
	_ =	sdelay $0x3  }
0x94: {  	_ =	strace s2  }
0x95: {  	s2 =	sld [smem:$0x3FFD];
	_ =	sdelay $0x3  }
0x96: {  	_ =	strace s2  }
0x97: {  	_ =	strace $0x8FFFFFFF  }
0x98: {  	s18 =	sld [smem:$0x3FDB];
	_ =	sdelay $0x1  }
0x99: {  	s19 =	simm.s32 $_scs_section_size  }
0x9a: {  	s4 =	simm.s32 $_size__tile_overlayer_lowered;
	s5 =	simm.s32 $_tile_overlayer_lowered  }
0x9b: {  	s22 =	simm.s32 $0x1BFF;
	s21 =	sshll.u32 s5, $0x1;
	s2 =	sadd.s32 s19, s18  }
0x9c: {  	s6 =	simm.s32 $0x0;
	s20 =	sshll.u32 s4, $0x1;
	s4 =	sadd.s32 s21, s2  }
0x9d: {  	[timem:s6], [sflag:s22] =	dma.local [hbm:s4], s20  }
0x9e: {  	_ =	swait.ge [sflag:s22], s20  }
0x9f: {  	s3 =	ssub.s32 $0x0, s20;
	[sflag:s22] =	ssyncset.done $0x0  }
0xa0: {  	[sflag:s22] =	ssyncadd.s32 s3;
	_ =	sdelay $0x1  }
0xa1: {  	s23 =	simm.s32 $0x1B8B  }
0xa2: {  	_ =	swait.ge [sflag:s23], $0x1  }
0xa3: {  	[sflag:s23] =	ssyncset.done $0x0  }
0xa4: {  	s25 =	simm.s32 $0x1B8E;
	s24 =	sld [smem:$0x3FFE];
	[sflag:s23] =	ssyncadd.s32 $0xFFFFFFFF  }
0xa5: {  	s26 =	simm.s32 $execute0_lowered;
	[smem:$0x3FD2] =	sst s25  }
0xa6: {  	s4 =	sshll.u32 s26, $0x1;
	_ =	strace $0x8000004C;
	[dreg:$0x1] =	wrdreg $0xFFFFFFFF  }
0xa7: {  	s28 =	simm.s32 $_size_execute0_lowered;
	s2 =	sadd.s32 s2, s4;
	[dreg:$0x0] =	wrdreg $0x0  }
0xa8: {  	s4 =	sshll.u32 s28, $0x1;
	[dreg:$0x2] =	wrdreg s2  }
0xa9: {  	[dreg:$0x3] =	wrdreg s4  }
0xaa: {  	[dreg:$0x4] =	wrdreg $0xC0  }
0xab: {  	_ =	task [dreg:s6], $0x5FFFF  }
0xac: {  	[dreg:$0x1] =	wrdreg $0xFFFFFFFF  }
0xad: {  	[dreg:$0x0] =	wrdreg $0x60  }
0xae: {  	[dreg:$0x2] =	wrdreg s24  }
0xaf: {  	[dreg:$0x3] =	wrdreg $0x0  }
0xb0: {  	[dreg:$0x4] =	wrdreg $0x9  }
0xb1: {  	_ =	task.clear_ibuf [dreg:s6], $0x5FFFF;
	_ =	strace $0x9000004C  }
0xb2: {  	s29 =	simm.s32 $0x9;
	_ =	strace $0x8000004E  }
0xb3: {  	_ =	swait.ge [sflag:s29], $0x1  }
0xb4: {  	[sflag:s29] =	ssyncadd.s32 $0xFFFFFFFF  }
0xb5: {  	_ =	strace $0x9000004E  }
0xb6: {  	_ =	sfence  }
0xb7: {  	s30 =	sld [smem:$0x0];
	_ =	sdelay $0x2  }
0xb8: {  	s31 =	sshll.u32 s1, $0xD;
	s1 =	sshrl.u32 s1, $0x2  }
0xb9: {  	s3 =	sand.u32 $0x4000, s31;
	s1 =	sadd.s32 s1, s30  }
0xba: {  	s0 =	sor.u32 s3, s0;
	s1 =	sshll.u32 s1, $0x11  }
0xbb: {  	s0 =	sor.u32 s1, s0  }
0xbc: {  	s0 =	sadd.s32 $0x8F2B, s0  }
0xbd: {  	[sflag:s0] =	ssyncadd.remote.s32 $0x1  }
0xbe: {  	_ =	sfence.sel $0xFFFF  }
0xbf: {  	[dreg:$0x0] =	wrdreg $0xFFFFFFFF;
	(pc) =	sbr.abs _section_cstart, $3  }
0xc0: {  	[dreg:$0x1] =	wrdreg $0xFFFFFFFF  }
0xc1: {  	_ =	task.clear_ibuf [dreg:s6], $0x2FFFF;
	_ =	strace $0x9FFFFFFF  }
0xc2: {  	(tm) =	ssettm $0x7FFFFFFF  }
0xc3: {  	_ =	shalt  }
tec
execute0_lowered:
.L_overlay_start_1:
0x0: {  	(tag) =	ssettag $0x1  }
0x1: {  	s6 =	rddreg [dreg:$0x0]  }
0x2: {  	s1 =	rddreg [dreg:$0x1];
	s2 =	simm.s32 $0x0  }
0x3: {  	s3 =	srdreg.scid;
	s18 =	simm.s32 $0x1BC80;
	s19 =	simm.s32 $0x4  }
0x4: {  	s20 =	simm.s32 $0x80;
	s21 =	simm.s32 $0x13C00;
	s22 =	simm.s32 $0x1BD00  }
0x5: {  	s23 =	simm.s32 $0x1BD80;
	s28 =	simm.s32 $0x3;
	s15 =	sand.u32 $0x1, s3  }
0x6: {  	s29 =	simm.s32 $0x0;
	s3 =	stileid.u32;
	s7 =	smul.u32 $0x13C000, s15  }
0x7: {  	[smem:$0x7FF] =	sst s2;
	s12 =	sadd.s32 $0x621400, s6;
	s8 =	smul.u32 $0x13C00, s3  }
0x8: {  	s13 =	sadd.s32 $0x62B200, s6;
	s4 =	sadd.s32 $0x4000, s6;
	s9 =	smul.u32 $0x4F000, s3  }
0x9: {  	s5 =	sadd.s32 $0x2B800, s6;
	_ =	strace $0x8000004D;
	s14 =	smul.u32 $0x340, s3  }
0xa: {  	s24 =	ssub.s32 $0x2, s15;
	s26 =	sshll.u32 s3, $0x6;
	s31 =	smul.u32 $0x6A0, s3  }
0xb: {  	p0 =	sne.s32 s15, $0x0;
	s10 =	sshrl.u32 s24, $0x1;
	s7 =	sadd.s32 s8, s7  }
0xc: {  	s16 =	ssub.s32 s24, s10;
	s25 =	sshrl.u32 s9, $0x2;
	s30 =	sadd.s32 $0x6A00, s14  }
0xd: {  	s9 =	sadd.s32 s12, s31;
	s10 =	sadd.s32 s13, s31;
	s24 =	simm.s32 $0x17C00  }
0xe: {  	s7 =	sshrl.u32 s7, $0x3;
	s17 =	sadd.s32 s25, s1;
	s8 =	sadd.s32 s13, s30  }
.Ltmp0:
0xf: {  	s13 =	sadd.s32 s14, s13;
	s14 =	sadd.s32 s14, s12;
	(pc) =	sbr.rel .LBB2_1-.Ltmp0, $4  }
0x10: {  	s25 =	simm.s32 $0x1;
	s11 =	sadd.s32 s7, s6;
	s6 =	sor.u32 $0x1C05, s26  }
0x11: {  	s7 =	sadd.s32 s12, s30;
	s12 =	smax.u32 s16, $0x1;
	s13 =	sadd.s32 $0x6A10, s13  }
0x12: {  	s14 =	sadd.s32 $0x6A10, s14;
	s15 =	sshrl.u32 s17, $0x3;
	s16 =	simm.s32 $0x5  }
0x13: {  	s17 =	simm.s32 $0x1BC00;
	s26 =	simm.s32 $0x2;
	s11 =	sadd.s32 $0x2E000, s11  }
.LBB2_7:
0x14: {  	[tilespmem:s24], [sflag:$0x1] =	stream.indirect.gather [hbm4b:s4+s20], $0x80, s22, s20, $0xb8;
	[tilespmem:$0x1BE00] =	vst v63  }
.LBB2_8:
0x15: {  	_ =	swait.ge [sflag:s25], $0x4000  }
0x16: {  	[sflag:s25] =	ssyncset.done $0x0  }
0x17: {  	[sflag:s25] =	ssyncadd.s32 $0xFFFFC000  }
0x18: {  	[spmem:s1] =	stream.indirect.scatter.add.f32 [tilespmem:s21], [sflag:$0x2], $0x80, s18, s20, $0xb8;
	[tilespmem:$0x1BE00] =	vst v63  }
0x19: {  	_ =	swait.ge [sflag:s26], $0x4000  }
0x1a: {  	[sflag:s26] =	ssyncset.done $0x0  }
0x1b: {  	[sflag:s26] =	ssyncadd.s32 $0xFFFFC000  }
0x1c: {  	_ =	swait.ge [sflag:s25], $0x4000  }
0x1d: {  	[sflag:s25] =	ssyncset.done $0x0  }
0x1e: {  	[sflag:s25] =	ssyncadd.s32 $0xFFFFC000  }
0x1f: {  	[spmem:s1] =	stream.indirect.scatter.add.f32 [tilespmem:s24], [sflag:$0x3], $0x80, s23, s20, $0xb8;
	[tilespmem:$0x1BE00] =	vst v63  }
0x20: {  	_ =	swait.ge [sflag:s28], $0x4000  }
0x21: {  	s29 =	sadd.s32 $0x1, s29;
	[sflag:s28] =	ssyncset.done $0x0  }
0x22: {  	p1 =	sne.s32 s29, s12;
	[sflag:s28] =	ssyncadd.s32 $0xFFFFC000  }
.Ltmp1:
0x23: {  	[bflag:$0x0] =	sbarrier.arrive $0xFFFF;
	(pc) =	sbr.rel @!p1 .LBB2_9-.Ltmp1, $4  }
0x24: {  	[hbm:s11], [sflag:s6] =	dma.local [spmem:s15], $0x2780  }
0x25: {  	_ =	swait.ge [sflag:s16], $0x2780  }
0x26: {  	[sflag:s16] =	ssyncset.done $0x0  }
0x27: {  	[sflag:s16] =	ssyncadd.s32 $0xFFFFD880  }
.LBB2_1:
0x28: {  	[spmem:s15], [sflag:s6] =	dma.local [hbm:s5], $0x2780  }
.Ltmp2:
0x29: {  	_ =	swait.ge [sflag:s16], $0x2780;
	(pc) =	sbr.rel @p0 .LBB2_5-.Ltmp2, $3  }
0x2a: {  	[sflag:s16] =	ssyncset.done $0x0  }
0x2b: {  	[sflag:s16] =	ssyncadd.s32 $0xFFFFD880  }
0x2c: {  	[bflag:$0x0] =	sbarrier.arrive $0xFFFF;
	_ =	sdelay $0x1  }
0x2d: {  	[tilespmem:s17], [sflag:$0x4] =	stream.linear.gather [hbm4b:s9+s2], $0x80, $0x38;
	[tilespmem:$0x1BE00] =	vst v63  }
0x2e: {  	_ = 	snop  }
0x2f: {  	[tilespmem:s18], [sflag:$0x4] =	stream.linear.gather [hbm4b:s10+s2], $0x80, $0x38;
	[tilespmem:$0x1BE00] =	vst v63  }
0x30: {  	_ =	swait.ge [sflag:s19], $0x80  }
0x31: {  	[sflag:s19] =	ssyncset.done $0x0  }
0x32: {  	[sflag:s19] =	ssyncadd.s32 $0xFFFFFF80  }
0x33: {  	_ =	swait.ge [sflag:s19], $0x80  }
0x34: {  	[sflag:s19] =	ssyncset.done $0x0  }
0x35: {  	[sflag:s19] =	ssyncadd.s32 $0xFFFFFF80  }
0x36: {  	[tilespmem:s21], [sflag:$0x1] =	stream.indirect.gather [hbm4b:s4+s20], $0x80, s17, s20, $0xb8;
	[tilespmem:$0x1BE00] =	vst v63  }
0x37: {  	_ = 	snop  }
0x38: {  	[tilespmem:s22], [sflag:$0x4] =	stream.linear.gather [hbm4b:s10+s2], $0x80, $0x38;
	[tilespmem:$0x1BE00] =	vst v63  }
0x39: {  	_ = 	snop  }
0x3a: {  	[tilespmem:s23], [sflag:$0x4] =	stream.linear.gather [hbm4b:s9+s2], $0x80, $0x38;
	[tilespmem:$0x1BE00] =	vst v63  }
0x3b: {  	_ =	swait.ge [sflag:s19], $0x80  }
0x3c: {  	[sflag:s19] =	ssyncset.done $0x0  }
0x3d: {  	[sflag:s19] =	ssyncadd.s32 $0xFFFFFF80  }
0x3e: {  	_ =	swait.ge [sflag:s19], $0x80  }
0x3f: {  	[sflag:s19] =	ssyncset.done $0x0  }
0x40: {  	[sflag:s19] =	ssyncadd.s32 $0xFFFFFF80  }
0x41: {  	[tilespmem:s24], [sflag:$0x1] =	stream.indirect.gather [hbm4b:s4+s20], $0x80, s22, s20, $0xb8;
	[tilespmem:$0x1BE00] =	vst v63  }
0x42: {  	_ =	swait.ge [sflag:s25], $0x4000  }
0x43: {  	[sflag:s25] =	ssyncset.done $0x0  }
0x44: {  	[sflag:s25] =	ssyncadd.s32 $0xFFFFC000  }
0x45: {  	[spmem:s1] =	stream.indirect.scatter.add.f32 [tilespmem:s21], [sflag:$0x2], $0x80, s18, s20, $0xb8;
	[tilespmem:$0x1BE00] =	vst v63  }
0x46: {  	_ =	swait.ge [sflag:s26], $0x4000  }
0x47: {  	[sflag:s26] =	ssyncset.done $0x0  }
0x48: {  	s30 =	sadd.s32 $0x10, s9;
	[sflag:s26] =	ssyncadd.s32 $0xFFFFC000  }
0x49: {  	[tilespmem:s17], [sflag:$0x4] =	stream.linear.gather [hbm4b:s30+s2], $0x80, $0x38;
	[tilespmem:$0x1BE00] =	vst v63  }
0x4a: {  	s31 =	sadd.s32 $0x10, s10  }
0x4b: {  	[tilespmem:s18], [sflag:$0x4] =	stream.linear.gather [hbm4b:s31+s2], $0x80, $0x38;
	[tilespmem:$0x1BE00] =	vst v63  }
0x4c: {  	_ =	swait.ge [sflag:s19], $0x80  }
0x4d: {  	[sflag:s19] =	ssyncset.done $0x0  }
0x4e: {  	[sflag:s19] =	ssyncadd.s32 $0xFFFFFF80  }
0x4f: {  	_ =	swait.ge [sflag:s19], $0x80  }
0x50: {  	[sflag:s19] =	ssyncset.done $0x0  }
0x51: {  	[sflag:s19] =	ssyncadd.s32 $0xFFFFFF80  }
0x52: {  	[tilespmem:s21], [sflag:$0x1] =	stream.indirect.gather [hbm4b:s4+s20], $0x80, s17, s20, $0xb8;
	[tilespmem:$0x1BE00] =	vst v63  }
0x53: {  	_ =	swait.ge [sflag:s25], $0x4000  }
0x54: {  	[sflag:s25] =	ssyncset.done $0x0  }
0x55: {  	[sflag:s25] =	ssyncadd.s32 $0xFFFFC000  }
0x56: {  	[spmem:s1] =	stream.indirect.scatter.add.f32 [tilespmem:s24], [sflag:$0x3], $0x80, s23, s20, $0xb8;
	[tilespmem:$0x1BE00] =	vst v63  }
0x57: {  	_ =	swait.ge [sflag:s28], $0x4000  }
0x58: {  	[sflag:s28] =	ssyncset.done $0x0  }
0x59: {  	[sflag:s28] =	ssyncadd.s32 $0xFFFFC000  }
0x5a: {  	[tilespmem:s22], [sflag:$0x4] =	stream.linear.gather [hbm4b:s31+s2], $0x80, $0x38;
	[tilespmem:$0x1BE00] =	vst v63  }
0x5b: {  	_ = 	snop  }
0x5c: {  	[tilespmem:s23], [sflag:$0x4] =	stream.linear.gather [hbm4b:s30+s2], $0x80, $0x38;
	[tilespmem:$0x1BE00] =	vst v63  }
0x5d: {  	_ =	swait.ge [sflag:s19], $0x80  }
0x5e: {  	[sflag:s19] =	ssyncset.done $0x0  }
0x5f: {  	[sflag:s19] =	ssyncadd.s32 $0xFFFFFF80  }
0x60: {  	_ =	swait.ge [sflag:s19], $0x80  }
0x61: {  	[sflag:s19] =	ssyncset.done $0x0  }
0x62: {  	s30 =	simm.s32 $0x20;
	[sflag:s19] =	ssyncadd.s32 $0xFFFFFF80  }
.LBB2_3:
0x63: {  	[tilespmem:s24], [sflag:$0x1] =	stream.indirect.gather [hbm4b:s4+s20], $0x80, s22, s20, $0xb8;
	[tilespmem:$0x1BE00] =	vst v63  }
0x64: {  	s31 =	smov.u32 s30  }
0x65: {  	p1 =	seq.s32 s30, $0x690;
	s30 =	sadd.s32 $0x10, s30;
	_ =	swait.ge [sflag:s25], $0x4000  }
0x66: {  	[sflag:s25] =	ssyncset.done $0x0  }
0x67: {  	[sflag:s25] =	ssyncadd.s32 $0xFFFFC000  }
0x68: {  	[spmem:s1] =	stream.indirect.scatter.add.f32 [tilespmem:s21], [sflag:$0x2], $0x80, s18, s20, $0xb8;
	[tilespmem:$0x1BE00] =	vst v63  }
0x69: {  	_ =	swait.ge [sflag:s26], $0x4000  }
0x6a: {  	[sflag:s26] =	ssyncset.done $0x0  }
0x6b: {  	s0 =	sadd.s32 s31, s9;
	[sflag:s26] =	ssyncadd.s32 $0xFFFFC000  }
0x6c: {  	[tilespmem:s17], [sflag:$0x4] =	stream.linear.gather [hbm4b:s0+s2], $0x80, $0x38;
	[tilespmem:$0x1BE00] =	vst v63  }
0x6d: {  	s31 =	sadd.s32 s31, s10  }
0x6e: {  	[tilespmem:s18], [sflag:$0x4] =	stream.linear.gather [hbm4b:s31+s2], $0x80, $0x38;
	[tilespmem:$0x1BE00] =	vst v63  }
0x6f: {  	_ =	swait.ge [sflag:s19], $0x80  }
0x70: {  	[sflag:s19] =	ssyncset.done $0x0  }
0x71: {  	[sflag:s19] =	ssyncadd.s32 $0xFFFFFF80  }
0x72: {  	_ =	swait.ge [sflag:s19], $0x80  }
0x73: {  	[sflag:s19] =	ssyncset.done $0x0  }
0x74: {  	[sflag:s19] =	ssyncadd.s32 $0xFFFFFF80  }
0x75: {  	[tilespmem:s21], [sflag:$0x1] =	stream.indirect.gather [hbm4b:s4+s20], $0x80, s17, s20, $0xb8;
	[tilespmem:$0x1BE00] =	vst v63  }
0x76: {  	_ =	swait.ge [sflag:s25], $0x4000  }
0x77: {  	[sflag:s25] =	ssyncset.done $0x0  }
0x78: {  	[sflag:s25] =	ssyncadd.s32 $0xFFFFC000  }
0x79: {  	[spmem:s1] =	stream.indirect.scatter.add.f32 [tilespmem:s24], [sflag:$0x3], $0x80, s23, s20, $0xb8;
	[tilespmem:$0x1BE00] =	vst v63  }
0x7a: {  	_ =	swait.ge [sflag:s28], $0x4000  }
0x7b: {  	[sflag:s28] =	ssyncset.done $0x0  }
0x7c: {  	[sflag:s28] =	ssyncadd.s32 $0xFFFFC000  }
0x7d: {  	[tilespmem:s22], [sflag:$0x4] =	stream.linear.gather [hbm4b:s31+s2], $0x80, $0x38;
	[tilespmem:$0x1BE00] =	vst v63  }
0x7e: {  	_ = 	snop  }
0x7f: {  	[tilespmem:s23], [sflag:$0x4] =	stream.linear.gather [hbm4b:s0+s2], $0x80, $0x38;
	[tilespmem:$0x1BE00] =	vst v63  }
0x80: {  	_ =	swait.ge [sflag:s19], $0x80  }
.Ltmp3:
0x81: {  	[sflag:s19] =	ssyncset.done $0x0;
	(pc) =	sbr.rel @!p1 .LBB2_3-.Ltmp3, $4  }
0x82: {  	[sflag:s19] =	ssyncadd.s32 $0xFFFFFF80  }
0x83: {  	_ =	swait.ge [sflag:s19], $0x80  }
0x84: {  	[sflag:s19] =	ssyncset.done $0x0  }
0x85: {  	[sflag:s19] =	ssyncadd.s32 $0xFFFFFF80  }
.Ltmp4:
0x86: {  	(pc) =	sbr.rel .LBB2_8-.Ltmp4, $2  }
0x87: {  	_ =	sdelay $0x2  }
0x88: {  	[tilespmem:s24], [sflag:$0x1] =	stream.indirect.gather [hbm4b:s4+s20], $0x80, s22, s20, $0xb8;
	[tilespmem:$0x1BE00] =	vst v63  }
.LBB2_5:
0x89: {  	s0 =	simm.s32 $0x0  }
0x8a: {  	[tilespmem:s17], [sflag:$0x4] =	stream.linear.gather [hbm4b:s7+s0], $0x80, $0x38;
	[tilespmem:$0x1BE00] =	vst v63  }
0x8b: {  	_ = 	snop  }
0x8c: {  	[tilespmem:s18], [sflag:$0x4] =	stream.linear.gather [hbm4b:s8+s0], $0x80, $0x38;
	[tilespmem:$0x1BE00] =	vst v63  }
0x8d: {  	_ =	swait.ge [sflag:s19], $0x80  }
0x8e: {  	[sflag:s19] =	ssyncset.done $0x0  }
0x8f: {  	[sflag:s19] =	ssyncadd.s32 $0xFFFFFF80  }
0x90: {  	_ =	swait.ge [sflag:s19], $0x80  }
0x91: {  	[sflag:s19] =	ssyncset.done $0x0  }
0x92: {  	[sflag:s19] =	ssyncadd.s32 $0xFFFFFF80  }
0x93: {  	[tilespmem:s21], [sflag:$0x1] =	stream.indirect.gather [hbm4b:s4+s20], $0x80, s17, s20, $0xb8;
	[tilespmem:$0x1BE00] =	vst v63  }
0x94: {  	_ = 	snop  }
0x95: {  	[tilespmem:s22], [sflag:$0x4] =	stream.linear.gather [hbm4b:s8+s0], $0x80, $0x38;
	[tilespmem:$0x1BE00] =	vst v63  }
0x96: {  	_ = 	snop  }
0x97: {  	[tilespmem:s23], [sflag:$0x4] =	stream.linear.gather [hbm4b:s7+s0], $0x80, $0x38;
	[tilespmem:$0x1BE00] =	vst v63  }
0x98: {  	_ =	swait.ge [sflag:s19], $0x80  }
0x99: {  	[sflag:s19] =	ssyncset.done $0x0  }
0x9a: {  	[sflag:s19] =	ssyncadd.s32 $0xFFFFFF80  }
0x9b: {  	_ =	swait.ge [sflag:s19], $0x80  }
0x9c: {  	[sflag:s19] =	ssyncset.done $0x0  }
0x9d: {  	[sflag:s19] =	ssyncadd.s32 $0xFFFFFF80  }
0x9e: {  	[tilespmem:s24], [sflag:$0x1] =	stream.indirect.gather [hbm4b:s4+s20], $0x80, s22, s20, $0xb8;
	[tilespmem:$0x1BE00] =	vst v63  }
0x9f: {  	_ =	swait.ge [sflag:s25], $0x4000  }
0xa0: {  	[sflag:s25] =	ssyncset.done $0x0  }
0xa1: {  	[sflag:s25] =	ssyncadd.s32 $0xFFFFC000  }
0xa2: {  	[spmem:s1] =	stream.indirect.scatter.add.f32 [tilespmem:s21], [sflag:$0x2], $0x80, s18, s20, $0xb8;
	[tilespmem:$0x1BE00] =	vst v63  }
0xa3: {  	_ =	swait.ge [sflag:s26], $0x4000  }
0xa4: {  	[sflag:s26] =	ssyncset.done $0x0  }
0xa5: {  	s31 =	sadd.s32 $0x0, s14;
	[sflag:s26] =	ssyncadd.s32 $0xFFFFC000  }
0xa6: {  	[tilespmem:s17], [sflag:$0x4] =	stream.linear.gather [hbm4b:s31+s2], $0x80, $0x38;
	[tilespmem:$0x1BE00] =	vst v63  }
0xa7: {  	s30 =	sadd.s32 $0x0, s13  }
0xa8: {  	[tilespmem:s18], [sflag:$0x4] =	stream.linear.gather [hbm4b:s30+s2], $0x80, $0x38;
	[tilespmem:$0x1BE00] =	vst v63  }
0xa9: {  	_ =	swait.ge [sflag:s19], $0x80  }
0xaa: {  	[sflag:s19] =	ssyncset.done $0x0  }
0xab: {  	[sflag:s19] =	ssyncadd.s32 $0xFFFFFF80  }
0xac: {  	_ =	swait.ge [sflag:s19], $0x80  }
0xad: {  	[sflag:s19] =	ssyncset.done $0x0  }
0xae: {  	[sflag:s19] =	ssyncadd.s32 $0xFFFFFF80  }
0xaf: {  	[tilespmem:s21], [sflag:$0x1] =	stream.indirect.gather [hbm4b:s4+s20], $0x80, s17, s20, $0xb8;
	[tilespmem:$0x1BE00] =	vst v63  }
0xb0: {  	_ =	swait.ge [sflag:s25], $0x4000  }
0xb1: {  	[sflag:s25] =	ssyncset.done $0x0  }
0xb2: {  	[sflag:s25] =	ssyncadd.s32 $0xFFFFC000  }
0xb3: {  	[spmem:s1] =	stream.indirect.scatter.add.f32 [tilespmem:s24], [sflag:$0x3], $0x80, s23, s20, $0xb8;
	[tilespmem:$0x1BE00] =	vst v63  }
0xb4: {  	_ =	swait.ge [sflag:s28], $0x4000  }
0xb5: {  	[sflag:s28] =	ssyncset.done $0x0  }
0xb6: {  	[sflag:s28] =	ssyncadd.s32 $0xFFFFC000  }
0xb7: {  	[tilespmem:s22], [sflag:$0x4] =	stream.linear.gather [hbm4b:s30+s2], $0x80, $0x38;
	[tilespmem:$0x1BE00] =	vst v63  }
0xb8: {  	_ = 	snop  }
0xb9: {  	[tilespmem:s23], [sflag:$0x4] =	stream.linear.gather [hbm4b:s31+s2], $0x80, $0x38;
	[tilespmem:$0x1BE00] =	vst v63  }
0xba: {  	_ =	swait.ge [sflag:s19], $0x80  }
0xbb: {  	[sflag:s19] =	ssyncset.done $0x0  }
0xbc: {  	[sflag:s19] =	ssyncadd.s32 $0xFFFFFF80  }
0xbd: {  	_ =	swait.ge [sflag:s19], $0x80  }
0xbe: {  	[sflag:s19] =	ssyncset.done $0x0  }
0xbf: {  	s30 =	simm.s32 $0x10;
	[sflag:s19] =	ssyncadd.s32 $0xFFFFFF80  }
.LBB2_6:
0xc0: {  	[tilespmem:s24], [sflag:$0x1] =	stream.indirect.gather [hbm4b:s4+s20], $0x80, s22, s20, $0xb8;
	[tilespmem:$0x1BE00] =	vst v63  }
0xc1: {  	s0 =	smov.u32 s30  }
0xc2: {  	p1 =	sne.s32 s30, $0x320;
	s30 =	sadd.s32 $0x10, s30;
	_ =	swait.ge [sflag:s25], $0x4000  }
0xc3: {  	[sflag:s25] =	ssyncset.done $0x0  }
0xc4: {  	[sflag:s25] =	ssyncadd.s32 $0xFFFFC000  }
0xc5: {  	[spmem:s1] =	stream.indirect.scatter.add.f32 [tilespmem:s21], [sflag:$0x2], $0x80, s18, s20, $0xb8;
	[tilespmem:$0x1BE00] =	vst v63  }
0xc6: {  	_ =	swait.ge [sflag:s26], $0x4000  }
0xc7: {  	[sflag:s26] =	ssyncset.done $0x0  }
0xc8: {  	s31 =	sadd.s32 s0, s14;
	[sflag:s26] =	ssyncadd.s32 $0xFFFFC000  }
0xc9: {  	[tilespmem:s17], [sflag:$0x4] =	stream.linear.gather [hbm4b:s31+s2], $0x80, $0x38;
	[tilespmem:$0x1BE00] =	vst v63  }
0xca: {  	s0 =	sadd.s32 s0, s13  }
0xcb: {  	[tilespmem:s18], [sflag:$0x4] =	stream.linear.gather [hbm4b:s0+s2], $0x80, $0x38;
	[tilespmem:$0x1BE00] =	vst v63  }
0xcc: {  	_ =	swait.ge [sflag:s19], $0x80  }
0xcd: {  	[sflag:s19] =	ssyncset.done $0x0  }
0xce: {  	[sflag:s19] =	ssyncadd.s32 $0xFFFFFF80  }
0xcf: {  	_ =	swait.ge [sflag:s19], $0x80  }
0xd0: {  	[sflag:s19] =	ssyncset.done $0x0  }
0xd1: {  	[sflag:s19] =	ssyncadd.s32 $0xFFFFFF80  }
0xd2: {  	[tilespmem:s21], [sflag:$0x1] =	stream.indirect.gather [hbm4b:s4+s20], $0x80, s17, s20, $0xb8;
	[tilespmem:$0x1BE00] =	vst v63  }
0xd3: {  	_ =	swait.ge [sflag:s25], $0x4000  }
0xd4: {  	[sflag:s25] =	ssyncset.done $0x0  }
0xd5: {  	[sflag:s25] =	ssyncadd.s32 $0xFFFFC000  }
0xd6: {  	[spmem:s1] =	stream.indirect.scatter.add.f32 [tilespmem:s24], [sflag:$0x3], $0x80, s23, s20, $0xb8;
	[tilespmem:$0x1BE00] =	vst v63  }
0xd7: {  	_ =	swait.ge [sflag:s28], $0x4000  }
0xd8: {  	[sflag:s28] =	ssyncset.done $0x0  }
0xd9: {  	[sflag:s28] =	ssyncadd.s32 $0xFFFFC000  }
0xda: {  	[tilespmem:s22], [sflag:$0x4] =	stream.linear.gather [hbm4b:s0+s2], $0x80, $0x38;
	[tilespmem:$0x1BE00] =	vst v63  }
0xdb: {  	_ = 	snop  }
0xdc: {  	[tilespmem:s23], [sflag:$0x4] =	stream.linear.gather [hbm4b:s31+s2], $0x80, $0x38;
	[tilespmem:$0x1BE00] =	vst v63  }
0xdd: {  	_ =	swait.ge [sflag:s19], $0x80  }
.Ltmp5:
0xde: {  	[sflag:s19] =	ssyncset.done $0x0;
	(pc) =	sbr.rel @p1 .LBB2_6-.Ltmp5, $4  }
0xdf: {  	[sflag:s19] =	ssyncadd.s32 $0xFFFFFF80  }
0xe0: {  	_ =	swait.ge [sflag:s19], $0x80  }
0xe1: {  	[sflag:s19] =	ssyncset.done $0x0  }
0xe2: {  	[sflag:s19] =	ssyncadd.s32 $0xFFFFFF80  }
.Ltmp6:
0xe3: {  	_ = 	snop;
	(pc) =	sbr.rel .LBB2_7-.Ltmp6, $1  }
0xe4: {  	_ =	sdelay $0x3  }
.LBB2_9:
0xe5: {  	_ =	sfence.sel $0x180000  }
0xe6: {  	[bflag:$0x0] =	sbarrier.arrive $0xFFFF  }
0xe7: {  	_ =	strace $0x9000004D  }
0xe8: {  	[bflag:$0x2] =	sbarrier.arrive $0xFFFF  }
0xe9: {  	p0 =	sne.s32 s3, $0x0;
	s0 =	rddreg [dreg:$0x2]  }
0xea: {  	s0 =	sadd.s32 @!p0 $0x100000, s0  }
0xeb: {  	[sflag:s0] =	ssyncadd.tile.s32 @!p0 $0x1;
	_ =	shalt  }
.Lfunc_end2:
_tile_overlayer_lowered:
.L_overlay_start_2:
0xec: {  	(tag) =	ssettag $0x2  }
0xed: {  	s0 =	rddreg [dreg:$0x0];
	s2 =	stileid.u32  }
0xee: {  	s1 =	rddreg [dreg:$0x1];
	p0 =	sne.s32 s2, $0x0  }
0xef: {  	s3 =	rddreg [dreg:$0x2];
	[bflag:$0x3] =	sbarrier.arrive $0xFFFF;
	s2 =	simm.s32 @!p0 $0x1C05  }
0xf0: {  	[timem:s3], [sflag:s2] =	dma.local @!p0 [hbm:s0], s1  }
0xf1: {  	s0 =	simm.s32 @!p0 $0x5  }
0xf2: {  	_ =	swait.ge @!p0 [sflag:s0], s1  }
0xf3: {  	s1 =	ssub.s32 @!p0 $0x0, s1;
	[sflag:s0] =	ssyncset.done @!p0 $0x0  }
0xf4: {  	[sflag:s0] =	ssyncadd.s32 @!p0 s1  }
0xf5: {  	[bflag:$0x3] =	sbarrier.arrive $0xFFFF  }
0xf6: {  	_ =	shalt  }

// kernel: kernel.19.cloned.1.call-start
scs
__scs_entry_jumppad:
0x0: {  	(pc) =	sbr.rel $0x88, $3  }
0x1: {  	(tag) =	ssettag $0x0;
	lr =	simm.s32 $0x1  }
0x2: {  	[smem:$0x3F96] =	sst lr;
	_ =	strace $0xD0000000  }
0x3: {  	_ = 	snop  }
0x4: {  	_ = 	snop  }
0x5: {  	_ = 	snop  }
0x6: {  	_ = 	snop  }
0x7: {  	_ = 	snop  }
__scs_overlays_trampoline_lowered:
0x8: {  	[smem:$0x3FA5] =	sst s0  }
0x9: {  	[smem:$0x3FA6] =	sst s1  }
0xa: {  	[smem:$0x3FA7] =	sst s2  }
0xb: {  	[smem:$0x3FA8] =	sst s3  }
0xc: {  	[smem:$0x3FA9] =	sst s4  }
0xd: {  	[smem:$0x3FAA] =	sst s5  }
0xe: {  	[smem:$0x3FAB] =	sst s6  }
0xf: {  	[smem:$0x3FAC] =	sst s7  }
0x10: {  	[smem:$0x3FAD] =	sst s8  }
0x11: {  	[smem:$0x3FAE] =	sst s9;
	s0 =	simm.s32 @!p0 $0x0  }
0x12: {  	s1 =	sld [smem:$0x3F94];
	s0 =	simm.s32 @p0 $0x1  }
0x13: {  	[smem:$0x3FAF] =	sst s0;
	s0 =	simm.s32 @!p1 $0x0  }
0x14: {  	s2 =	sld [smem:$0x3F93];
	s0 =	simm.s32 @p1 $0x1  }
0x15: {  	[smem:$0x3FB0] =	sst s0;
	s0 =	simm.s32 @!p2 $0x0  }
0x16: {  	s3 =	sld [smem:$0x3FDB];
	s0 =	simm.s32 @p2 $0x1  }
0x17: {  	s4 =	simm.s32 $0x1BF5;
	[smem:$0x3FB2] =	sst s0  }
0x18: {  	s0 =	sld [smem:$0x3F95];
	_ =	swait.ge [sflag:s4], $0x0  }
0x19: {  	s7 =	sld [smem:$0x3F96]  }
0x1a: {  	s8 =	sadd.s32 $0xFFFFE003, lr  }
0x1b: {  	s9 =	sadd.s32 $0xFFFFFEF7, lr;
	s5 =	simm.s32 $0xFFFFFFFF;
	p2 =	slt.u32 s8, $0xFFFFF086  }
0x1c: {  	p1 =	slt.u32 s9, $0xF7A;
	s5 =	simm.s32 @!p2 $0x0  }
0x1d: {  	s5 =	simm.s32 @p1 $0x1;
	p0 =	seq.s32 s7, s2  }
0x1e: {  	s7 =	smul.u32 @!p0 $0xF7A, s2;
	p2 =	seq.s32 @!p0 s5, $0x0  }
0x1f: {  	s9 =	smul.u32 $0xF7A, s1;
	s8 =	simm.s32 @!p0 $0x1BF5;
	p2 =	por !p2, p0  }
0x20: {  	[sflag:s8] =	ssyncset.s32 @!p0 $0xFFFFF086;
	s6 =	sadd.s32 @!p0 s3, s7;
	s7 =	simm.s32 @!p0 $0x108  }
0x21: {  	s3 =	sadd.s32 s3, s9;
	s6 =	sadd.s32 @!p0 $0x88, s6;
	s7 =	simm.s32 @p2 $0x1082  }
0x22: {  	[simem:s7], [sflag:s8] =	dma.local @!p0 [hbm:s6], $0xF7A  }
0x23: {  	s9 =	sor.u32 $0xD0000000, s2;
	s6 =	simm.s32 $0x108;
	_ =	swait.ge @!p0 [sflag:s8], $0x0  }
0x24: {  	s3 =	sadd.s32 $0x88, s3;
	s6 =	simm.s32 @!p1 $0x1082;
	[sflag:s4] =	ssyncset.s32 $0xFFFFF086  }
0x25: {  	[simem:s6], [sflag:s4] =	dma.local [hbm:s3], $0xF7A  }
0x26: {  	[smem:$0x3F96] =	sst s1;
	(tag) =	ssettag s2;
	_ =	strace s9  }
0x27: {  	s1 =	sld [smem:$0x3FA6]  }
0x28: {  	s2 =	sld [smem:$0x3FA7]  }
0x29: {  	s4 =	sld [smem:$0x3FA9]  }
0x2a: {  	p0 =	seq.s32 s5, $0x0;
	s5 =	sld [smem:$0x3FAA]  }
0x2b: {  	s6 =	sld [smem:$0x3FAB]  }
0x2c: {  	s7 =	sld [smem:$0x3FAC]  }
0x2d: {  	s3 =	simm.s32 $0x108;
	s8 =	sld [smem:$0x3FAD]  }
0x2e: {  	s3 =	simm.s32 @!p0 $0x1082;
	s9 =	sld [smem:$0x3FAE]  }
0x2f: {  	lr =	sadd.s32 s0, s3;
	s0 =	sld [smem:$0x3FA5]  }
0x30: {  	s3 =	sld [smem:$0x3FA8]  }
0x31: {  	[smem:$0x3FB1] =	sst s10  }
0x32: {  	s10 =	sld [smem:$0x3FAF];
	_ =	sdelay $0x3  }
0x33: {  	p0 =	seq.s32 s10, $0x1;
	s10 =	sld [smem:$0x3FB1];
	_ =	sdelay $0x3  }
0x34: {  	[smem:$0x3FB1] =	sst s10  }
0x35: {  	s10 =	sld [smem:$0x3FB0];
	_ =	sdelay $0x3  }
0x36: {  	p1 =	seq.s32 s10, $0x1;
	s10 =	sld [smem:$0x3FB1];
	_ =	sdelay $0x3  }
0x37: {  	[smem:$0x3FB1] =	sst s10  }
0x38: {  	s10 =	sld [smem:$0x3FB2]  }
0x39: {  	_ = 	snop;
	(pc) =	sbr.ind lr, $3  }
0x3a: {  	_ = 	snop  }
0x3b: {  	_ = 	snop  }
0x3c: {  	p2 =	seq.s32 s10, $0x1;
	s10 =	sld [smem:$0x3FB1]  }
0x3d: {  	_ =	shalt  }
0x3e: {  	_ =	shalt  }
0x3f: {  	_ =	shalt  }
0x40: {  	_ =	shalt  }
0x41: {  	_ =	shalt  }
0x42: {  	_ =	shalt  }
0x43: {  	_ =	shalt  }
0x44: {  	_ =	shalt  }
0x45: {  	_ =	shalt  }
0x46: {  	_ =	shalt  }
0x47: {  	_ =	shalt  }
0x48: {  	_ =	shalt  }
0x49: {  	_ =	shalt  }
0x4a: {  	_ =	shalt  }
0x4b: {  	_ =	shalt  }
0x4c: {  	_ =	shalt  }
0x4d: {  	_ =	shalt  }
0x4e: {  	_ =	shalt  }
0x4f: {  	_ =	shalt  }
0x50: {  	_ =	shalt  }
0x51: {  	_ =	shalt  }
0x52: {  	_ =	shalt  }
0x53: {  	_ =	shalt  }
0x54: {  	_ =	shalt  }
0x55: {  	_ =	shalt  }
0x56: {  	_ =	shalt  }
0x57: {  	_ =	shalt  }
0x58: {  	_ =	shalt  }
0x59: {  	_ =	shalt  }
0x5a: {  	_ =	shalt  }
0x5b: {  	_ =	shalt  }
0x5c: {  	_ =	shalt  }
0x5d: {  	_ =	shalt  }
0x5e: {  	_ =	shalt  }
0x5f: {  	_ =	shalt  }
0x60: {  	_ =	shalt  }
0x61: {  	_ =	shalt  }
0x62: {  	_ =	shalt  }
0x63: {  	_ =	shalt  }
0x64: {  	_ =	shalt  }
0x65: {  	_ =	shalt  }
0x66: {  	_ =	shalt  }
0x67: {  	_ =	shalt  }
0x68: {  	_ =	shalt  }
0x69: {  	_ =	shalt  }
0x6a: {  	_ =	shalt  }
0x6b: {  	_ =	shalt  }
0x6c: {  	_ =	shalt  }
0x6d: {  	_ =	shalt  }
0x6e: {  	_ =	shalt  }
0x6f: {  	_ =	shalt  }
0x70: {  	_ =	shalt  }
0x71: {  	_ =	shalt  }
0x72: {  	_ =	shalt  }
0x73: {  	_ =	shalt  }
0x74: {  	_ =	shalt  }
0x75: {  	_ =	shalt  }
0x76: {  	_ =	shalt  }
0x77: {  	_ =	shalt  }
0x78: {  	_ =	shalt  }
0x79: {  	_ =	shalt  }
0x7a: {  	_ =	shalt  }
0x7b: {  	_ =	shalt  }
0x7c: {  	_ =	shalt  }
0x7d: {  	_ =	shalt  }
0x7e: {  	_ =	shalt  }
0x7f: {  	_ =	shalt  }
0x80: {  	_ =	shalt  }
0x81: {  	_ =	shalt  }
0x82: {  	_ =	shalt  }
0x83: {  	_ =	shalt  }
0x84: {  	_ =	shalt  }
0x85: {  	_ =	shalt  }
0x86: {  	_ =	shalt  }
0x87: {  	_ =	shalt  }
.Lfunc_end0:
.L_simem_size_0:
called_computation.3_lowered:
.L_overlay_start_0:
0x88: {  	s2 =	sld [smem:$0x3FD9]  }
0x89: {  	s3 =	sld [smem:$0x3FFE];
	_ =	sdelay $0x1  }
0x8a: {  	s1 =	srdreg.scid  }
0x8b: {  	s0 =	sand.u32 $0x1, s1  }
0x8c: {  	s16 =	sshll.u32 s0, $0xA;
	s2 =	sadd.s32 s3, s2  }
0x8d: {  	s2 =	sadd.s32 s2, s16  }
0x8e: {  	[smem:$0x3FBD] =	sst s2  }
0x8f: {  	_ = 	snop  }
0x90: {  	(tm) =	ssettm $0x1  }
0x91: {  	s17 =	sld [smem:$0x3FFB];
	_ =	sdelay $0x3  }
0x92: {  	_ =	strace s17  }
0x93: {  	s2 =	sld [smem:$0x3FFC];
	_ =	sdelay $0x3  }
0x94: {  	_ =	strace s2  }
0x95: {  	s2 =	sld [smem:$0x3FFD];
	_ =	sdelay $0x3  }
0x96: {  	_ =	strace s2  }
0x97: {  	_ =	strace $0x8FFFFFFF  }
0x98: {  	s18 =	sld [smem:$0x3FDB];
	_ =	sdelay $0x1  }
0x99: {  	s19 =	simm.s32 $_scs_section_size  }
0x9a: {  	s4 =	simm.s32 $_size__tile_overlayer_lowered;
	s5 =	simm.s32 $_tile_overlayer_lowered  }
0x9b: {  	s22 =	simm.s32 $0x1BFF;
	s21 =	sshll.u32 s5, $0x1;
	s2 =	sadd.s32 s19, s18  }
0x9c: {  	s6 =	simm.s32 $0x0;
	s20 =	sshll.u32 s4, $0x1;
	s4 =	sadd.s32 s21, s2  }
0x9d: {  	[timem:s6], [sflag:s22] =	dma.local [hbm:s4], s20  }
0x9e: {  	_ =	swait.ge [sflag:s22], s20  }
0x9f: {  	s3 =	ssub.s32 $0x0, s20;
	[sflag:s22] =	ssyncset.done $0x0  }
0xa0: {  	[sflag:s22] =	ssyncadd.s32 s3;
	_ =	sdelay $0x1  }
0xa1: {  	s23 =	simm.s32 $0x1B8B  }
0xa2: {  	_ =	swait.ge [sflag:s23], $0x1  }
0xa3: {  	[sflag:s23] =	ssyncset.done $0x0  }
0xa4: {  	s25 =	simm.s32 $0x1B8E;
	s24 =	sld [smem:$0x3FFE];
	[sflag:s23] =	ssyncadd.s32 $0xFFFFFFFF  }
0xa5: {  	s26 =	simm.s32 $execute0_lowered;
	[smem:$0x3FD2] =	sst s25  }
0xa6: {  	s4 =	sshll.u32 s26, $0x1;
	_ =	strace $0x8000004F;
	[dreg:$0x1] =	wrdreg $0xFFFFFFFF  }
0xa7: {  	s28 =	simm.s32 $_size_execute0_lowered;
	s2 =	sadd.s32 s2, s4;
	[dreg:$0x0] =	wrdreg $0x0  }
0xa8: {  	s4 =	sshll.u32 s28, $0x1;
	[dreg:$0x2] =	wrdreg s2  }
0xa9: {  	[dreg:$0x3] =	wrdreg s4  }
0xaa: {  	[dreg:$0x4] =	wrdreg $0xC0  }
0xab: {  	_ =	task [dreg:s6], $0x5FFFF  }
0xac: {  	[dreg:$0x1] =	wrdreg $0xFFFFFFFF  }
0xad: {  	[dreg:$0x0] =	wrdreg $0x60  }
0xae: {  	[dreg:$0x2] =	wrdreg s24  }
0xaf: {  	[dreg:$0x3] =	wrdreg $0x9  }
0xb0: {  	_ =	task.clear_ibuf [dreg:s6], $0x4FFFF;
	_ =	strace $0x9000004F  }
0xb1: {  	s29 =	simm.s32 $0x9;
	_ =	strace $0x80000051  }
0xb2: {  	_ =	swait.ge [sflag:s29], $0x1  }
0xb3: {  	[sflag:s29] =	ssyncadd.s32 $0xFFFFFFFF  }
0xb4: {  	_ =	strace $0x90000051  }
0xb5: {  	_ =	sfence  }
0xb6: {  	s30 =	sld [smem:$0x0];
	_ =	sdelay $0x2  }
0xb7: {  	s31 =	sshll.u32 s1, $0xD;
	s1 =	sshrl.u32 s1, $0x2  }
0xb8: {  	s3 =	sand.u32 $0x4000, s31;
	s1 =	sadd.s32 s1, s30  }
0xb9: {  	s0 =	sor.u32 s3, s0;
	s1 =	sshll.u32 s1, $0x11  }
0xba: {  	s0 =	sor.u32 s1, s0  }
0xbb: {  	s0 =	sadd.s32 $0x8F2B, s0  }
0xbc: {  	[sflag:s0] =	ssyncadd.remote.s32 $0x1  }
0xbd: {  	_ =	sfence.sel $0xFFFF  }
0xbe: {  	[dreg:$0x0] =	wrdreg $0xFFFFFFFF;
	(pc) =	sbr.abs _section_cstart, $3  }
0xbf: {  	[dreg:$0x1] =	wrdreg $0xFFFFFFFF  }
0xc0: {  	_ =	task.clear_ibuf [dreg:s6], $0x2FFFF;
	_ =	strace $0x9FFFFFFF  }
0xc1: {  	(tm) =	ssettm $0x7FFFFFFF  }
tec
execute0_lowered:
.L_overlay_start_1:
0x0: {  	(tag) =	ssettag $0x1  }
0x1: {  	s1 =	srdreg.scid  }
0x2: {  	s0 =	stileid.u32;
	s4 =	rddreg [dreg:$0x0]  }
0x3: {  	s2 =	simm.s32 $0x0;
	s9 =	simm.s32 $0x80;
	s10 =	simm.s32 $0x400  }
0x4: {  	s11 =	simm.s32 $0xA180;
	s3 =	sand.u32 $0x1, s1;
	s30 =	sshll.u32 s0, $0x1  }
0x5: {  	s12 =	simm.s32 $0x0;
	s1 =	rddreg [dreg:$0x1];
	s5 =	sor.u32 s3, s30  }
0x6: {  	[smem:$0x7FF] =	sst s2;
	s8 =	sshll.u32 s0, $0xC;
	s6 =	smul.u32 $0x1400, s5  }
0x7: {  	_ =	strace $0x80000050;
	s3 =	ssub.s32 $0x2, s3;
	s7 =	smul.u32 $0x28, s5  }
0x8: {  	s8 =	sand.u32 $0xC000, s8;
	s5 =	sshll.u32 s5, $0x4;
	s31 =	sshrl.u32 s3, $0x1  }
0x9: {  	s5 =	sand.u32 $0x70, s5;
	s6 =	sadd.s32 s6, s4;
	s7 =	sadd.s32 s7, s4  }
0xa: {  	s4 =	sadd.s32 s8, s4;
	s8 =	ssub.s32 s3, s31;
	s3 =	sadd.s32 $0x4000, s6  }
0xb: {  	s5 =	sadd.s32 s5, s4;
	s4 =	sadd.s32 $0x7D000, s7;
	s6 =	smax.u32 s8, $0x1  }
0xc: {  	v0 =	vimm.f32 $-Inf;
	s7 =	simm.s32 $0x1;
	s8 =	simm.s32 $0xA000;
	s5 =	sadd.s32 $0x2C000, s5  }
.LBB2_1:
0xd: {  	[tilespmem:s2], [sflag:$0x1] =	stream.linear.gather [hbm4b:s3+s2], $0xA000, $0x38;
	[tilespmem:$0xE180] =	vst v63  }
0xe: {  	_ =	swait.ge [sflag:s7], $0xA000  }
0xf: {  	[sflag:s7] =	ssyncset.done $0x0  }
0x10: {  	[sflag:s7] =	ssyncadd.s32 $0xFFFF6000  }
0x11: {  	[tilespmem:s8], [sflag:$0x1] =	stream.linear.gather [hbm4b:s4+s2], $0x140, $0x38;
	[tilespmem:$0xE180] =	vst v63  }
0x12: {  	_ =	swait.ge [sflag:s7], $0x140  }
0x13: {  	[sflag:s7] =	ssyncset.done $0x0  }
0x14: {  	s13 =	simm.s32 $0x0;
	[sflag:s7] =	ssyncadd.s32 $0xFFFFFEC0  }
.LBB2_2:
0x15: {  	p0 =	sne.s32 s13, $0xFFC0  }
.Ltmp0:
0x16: {  	_ = 	snop;
	(pc) =	sbr.rel @p0 .LBB2_2-.Ltmp0, $3  }
0x17: {  	_ =	sdelay $0x1  }
0x18: {  	s14 =	sshra.s32 s13, $0x2  }
0x19: {  	s13 =	sadd.s32 $0x40, s13;
	[tilespmem:s14+$0xA180] =	vst v0  }
0x1a: {  	s13 =	simm.s32 $0x0;
	s14 =	simm.s32 $0x400  }
.LBB2_4:
0x1b: {  	s15 =	sshra.s32 s13, $0x2  }
0x1c: {  	v1 =	vld [tilespmem:s15+$0xA000];
	_ =	sdelay $0x4  }
0x1d: {  	v1 =	vshll.u32 v1, $0x9  }
0x1e: {  	v1 =	vshra.s32 v1, $0x2  }
0x1f: {  	(v2sf) =	vpush v1, $0x0;
	_ =	sdelay $0xe  }
0x20: {  	v3 =	vld [tilespmem:s14+$0xFFFFFC00];
	s31 =	spop (v2sf)  }
0x21: {  	v2 =	vld [tilespmem:s31+$0xA180];
	_ =	sdelay $0x4  }
0x22: {  	v2 =	vmax.f32 v2, v3  }
0x23: {  	[tilespmem:s31+$0xA180] =	vst v2;
	v2 =	vld [tilespmem:s31+$0xA190]  }
0x24: {  	v3 =	vld [tilespmem:s14+$0xFFFFFC10];
	_ =	sdelay $0x4  }
0x25: {  	v2 =	vmax.f32 v2, v3  }
0x26: {  	[tilespmem:s31+$0xA190] =	vst v2;
	v2 =	vld [tilespmem:s31+$0xA1A0]  }
0x27: {  	v3 =	vld [tilespmem:s14+$0xFFFFFC20];
	_ =	sdelay $0x4  }
0x28: {  	v2 =	vmax.f32 v2, v3  }
0x29: {  	[tilespmem:s31+$0xA1A0] =	vst v2;
	v2 =	vld [tilespmem:s31+$0xA1B0]  }
0x2a: {  	v3 =	vld [tilespmem:s14+$0xFFFFFC30];
	_ =	sdelay $0x4  }
0x2b: {  	v2 =	vmax.f32 v2, v3  }
0x2c: {  	[tilespmem:s31+$0xA1B0] =	vst v2;
	v2 =	vld [tilespmem:s31+$0xA1C0]  }
0x2d: {  	v3 =	vld [tilespmem:s14+$0xFFFFFC40];
	_ =	sdelay $0x4  }
0x2e: {  	v2 =	vmax.f32 v2, v3  }
0x2f: {  	[tilespmem:s31+$0xA1C0] =	vst v2;
	v2 =	vld [tilespmem:s31+$0xA1D0]  }
0x30: {  	v3 =	vld [tilespmem:s14+$0xFFFFFC50];
	_ =	sdelay $0x4  }
0x31: {  	(v2sf) =	vpush v1, $0x1;
	v2 =	vmax.f32 v2, v3  }
0x32: {  	[tilespmem:s31+$0xA1D0] =	vst v2;
	v2 =	vld [tilespmem:s31+$0xA1E0]  }
0x33: {  	v3 =	vld [tilespmem:s14+$0xFFFFFC60];
	_ =	sdelay $0x4  }
0x34: {  	v2 =	vmax.f32 v2, v3  }
0x35: {  	[tilespmem:s31+$0xA1E0] =	vst v2;
	v2 =	vld [tilespmem:s31+$0xA1F0]  }
0x36: {  	v3 =	vld [tilespmem:s14+$0xFFFFFC70];
	_ =	sdelay $0x4  }
0x37: {  	v2 =	vmax.f32 v2, v3  }
0x38: {  	s16 =	spop (v2sf);
	[tilespmem:s31+$0xA1F0] =	vst v2  }
0x39: {  	v2 =	vld [tilespmem:s16+$0xA180]  }
0x3a: {  	v3 =	vld [tilespmem:s14+$0xFFFFFC80];
	_ =	sdelay $0x4  }
0x3b: {  	v2 =	vmax.f32 v2, v3  }
0x3c: {  	[tilespmem:s16+$0xA180] =	vst v2;
	v2 =	vld [tilespmem:s16+$0xA190]  }
0x3d: {  	v3 =	vld [tilespmem:s14+$0xFFFFFC90];
	_ =	sdelay $0x4  }
0x3e: {  	v2 =	vmax.f32 v2, v3  }
0x3f: {  	[tilespmem:s16+$0xA190] =	vst v2;
	v2 =	vld [tilespmem:s16+$0xA1A0]  }
0x40: {  	v3 =	vld [tilespmem:s14+$0xFFFFFCA0];
	_ =	sdelay $0x4  }
0x41: {  	v2 =	vmax.f32 v2, v3  }
0x42: {  	[tilespmem:s16+$0xA1A0] =	vst v2;
	v2 =	vld [tilespmem:s16+$0xA1B0]  }
0x43: {  	v3 =	vld [tilespmem:s14+$0xFFFFFCB0];
	_ =	sdelay $0x4  }
0x44: {  	v2 =	vmax.f32 v2, v3  }
0x45: {  	[tilespmem:s16+$0xA1B0] =	vst v2;
	v2 =	vld [tilespmem:s16+$0xA1C0]  }
0x46: {  	v3 =	vld [tilespmem:s14+$0xFFFFFCC0];
	_ =	sdelay $0x4  }
0x47: {  	v2 =	vmax.f32 v2, v3  }
0x48: {  	[tilespmem:s16+$0xA1C0] =	vst v2;
	v2 =	vld [tilespmem:s16+$0xA1D0]  }
0x49: {  	v3 =	vld [tilespmem:s14+$0xFFFFFCD0];
	_ =	sdelay $0x4  }
0x4a: {  	(v2sf) =	vpush v1, $0x2;
	v2 =	vmax.f32 v2, v3  }
0x4b: {  	[tilespmem:s16+$0xA1D0] =	vst v2;
	v2 =	vld [tilespmem:s16+$0xA1E0]  }
0x4c: {  	v3 =	vld [tilespmem:s14+$0xFFFFFCE0];
	_ =	sdelay $0x4  }
0x4d: {  	v2 =	vmax.f32 v2, v3  }
0x4e: {  	[tilespmem:s16+$0xA1E0] =	vst v2;
	v2 =	vld [tilespmem:s16+$0xA1F0]  }
0x4f: {  	v3 =	vld [tilespmem:s14+$0xFFFFFCF0];
	_ =	sdelay $0x4  }
0x50: {  	v2 =	vmax.f32 v2, v3  }
0x51: {  	s17 =	spop (v2sf);
	[tilespmem:s16+$0xA1F0] =	vst v2  }
0x52: {  	v2 =	vld [tilespmem:s17+$0xA180]  }
0x53: {  	v3 =	vld [tilespmem:s14+$0xFFFFFD00];
	_ =	sdelay $0x4  }
0x54: {  	v2 =	vmax.f32 v2, v3  }
0x55: {  	[tilespmem:s17+$0xA180] =	vst v2;
	v2 =	vld [tilespmem:s17+$0xA190]  }
0x56: {  	v3 =	vld [tilespmem:s14+$0xFFFFFD10];
	_ =	sdelay $0x4  }
0x57: {  	v2 =	vmax.f32 v2, v3  }
0x58: {  	[tilespmem:s17+$0xA190] =	vst v2;
	v2 =	vld [tilespmem:s17+$0xA1A0]  }
0x59: {  	v3 =	vld [tilespmem:s14+$0xFFFFFD20];
	_ =	sdelay $0x4  }
0x5a: {  	v2 =	vmax.f32 v2, v3  }
0x5b: {  	[tilespmem:s17+$0xA1A0] =	vst v2;
	v2 =	vld [tilespmem:s17+$0xA1B0]  }
0x5c: {  	v3 =	vld [tilespmem:s14+$0xFFFFFD30];
	_ =	sdelay $0x4  }
0x5d: {  	v2 =	vmax.f32 v2, v3  }
0x5e: {  	[tilespmem:s17+$0xA1B0] =	vst v2;
	v2 =	vld [tilespmem:s17+$0xA1C0]  }
0x5f: {  	v3 =	vld [tilespmem:s14+$0xFFFFFD40];
	_ =	sdelay $0x4  }
0x60: {  	v2 =	vmax.f32 v2, v3  }
0x61: {  	[tilespmem:s17+$0xA1C0] =	vst v2;
	v2 =	vld [tilespmem:s17+$0xA1D0]  }
0x62: {  	v3 =	vld [tilespmem:s14+$0xFFFFFD50];
	_ =	sdelay $0x4  }
0x63: {  	(v2sf) =	vpush v1, $0x3;
	v2 =	vmax.f32 v2, v3  }
0x64: {  	[tilespmem:s17+$0xA1D0] =	vst v2;
	v2 =	vld [tilespmem:s17+$0xA1E0]  }
0x65: {  	v3 =	vld [tilespmem:s14+$0xFFFFFD60];
	_ =	sdelay $0x4  }
0x66: {  	v2 =	vmax.f32 v2, v3  }
0x67: {  	[tilespmem:s17+$0xA1E0] =	vst v2;
	v2 =	vld [tilespmem:s17+$0xA1F0]  }
0x68: {  	v3 =	vld [tilespmem:s14+$0xFFFFFD70];
	_ =	sdelay $0x4  }
0x69: {  	v2 =	vmax.f32 v2, v3  }
0x6a: {  	s18 =	spop (v2sf);
	[tilespmem:s17+$0xA1F0] =	vst v2  }
0x6b: {  	v2 =	vld [tilespmem:s18+$0xA180]  }
0x6c: {  	v3 =	vld [tilespmem:s14+$0xFFFFFD80];
	_ =	sdelay $0x4  }
0x6d: {  	v2 =	vmax.f32 v2, v3  }
0x6e: {  	[tilespmem:s18+$0xA180] =	vst v2;
	v2 =	vld [tilespmem:s18+$0xA190]  }
0x6f: {  	v3 =	vld [tilespmem:s14+$0xFFFFFD90];
	_ =	sdelay $0x4  }
0x70: {  	v2 =	vmax.f32 v2, v3  }
0x71: {  	[tilespmem:s18+$0xA190] =	vst v2;
	v2 =	vld [tilespmem:s18+$0xA1A0]  }
0x72: {  	v3 =	vld [tilespmem:s14+$0xFFFFFDA0];
	_ =	sdelay $0x4  }
0x73: {  	v2 =	vmax.f32 v2, v3  }
0x74: {  	[tilespmem:s18+$0xA1A0] =	vst v2;
	v2 =	vld [tilespmem:s18+$0xA1B0]  }
0x75: {  	v3 =	vld [tilespmem:s14+$0xFFFFFDB0];
	_ =	sdelay $0x4  }
0x76: {  	v2 =	vmax.f32 v2, v3  }
0x77: {  	[tilespmem:s18+$0xA1B0] =	vst v2;
	v2 =	vld [tilespmem:s18+$0xA1C0]  }
0x78: {  	v3 =	vld [tilespmem:s14+$0xFFFFFDC0];
	_ =	sdelay $0x4  }
0x79: {  	v2 =	vmax.f32 v2, v3  }
0x7a: {  	[tilespmem:s18+$0xA1C0] =	vst v2;
	v2 =	vld [tilespmem:s18+$0xA1D0]  }
0x7b: {  	v3 =	vld [tilespmem:s14+$0xFFFFFDD0];
	_ =	sdelay $0x4  }
0x7c: {  	(v2sf) =	vpush v1, $0x4;
	v2 =	vmax.f32 v2, v3  }
0x7d: {  	[tilespmem:s18+$0xA1D0] =	vst v2;
	v2 =	vld [tilespmem:s18+$0xA1E0]  }
0x7e: {  	v3 =	vld [tilespmem:s14+$0xFFFFFDE0];
	_ =	sdelay $0x4  }
0x7f: {  	v2 =	vmax.f32 v2, v3  }
0x80: {  	[tilespmem:s18+$0xA1E0] =	vst v2;
	v2 =	vld [tilespmem:s18+$0xA1F0]  }
0x81: {  	v3 =	vld [tilespmem:s14+$0xFFFFFDF0];
	_ =	sdelay $0x4  }
0x82: {  	v2 =	vmax.f32 v2, v3  }
0x83: {  	s19 =	spop (v2sf);
	[tilespmem:s18+$0xA1F0] =	vst v2  }
0x84: {  	v2 =	vld [tilespmem:s19+$0xA180]  }
0x85: {  	v3 =	vld [tilespmem:s14+$0xFFFFFE00];
	_ =	sdelay $0x4  }
0x86: {  	v2 =	vmax.f32 v2, v3  }
0x87: {  	[tilespmem:s19+$0xA180] =	vst v2;
	v2 =	vld [tilespmem:s19+$0xA190]  }
0x88: {  	v3 =	vld [tilespmem:s14+$0xFFFFFE10];
	_ =	sdelay $0x4  }
0x89: {  	v2 =	vmax.f32 v2, v3  }
0x8a: {  	[tilespmem:s19+$0xA190] =	vst v2;
	v2 =	vld [tilespmem:s19+$0xA1A0]  }
0x8b: {  	v3 =	vld [tilespmem:s14+$0xFFFFFE20];
	_ =	sdelay $0x4  }
0x8c: {  	v2 =	vmax.f32 v2, v3  }
0x8d: {  	[tilespmem:s19+$0xA1A0] =	vst v2;
	v2 =	vld [tilespmem:s19+$0xA1B0]  }
0x8e: {  	v3 =	vld [tilespmem:s14+$0xFFFFFE30];
	_ =	sdelay $0x4  }
0x8f: {  	v2 =	vmax.f32 v2, v3  }
0x90: {  	[tilespmem:s19+$0xA1B0] =	vst v2;
	v2 =	vld [tilespmem:s19+$0xA1C0]  }
0x91: {  	v3 =	vld [tilespmem:s14+$0xFFFFFE40];
	_ =	sdelay $0x4  }
0x92: {  	v2 =	vmax.f32 v2, v3  }
0x93: {  	[tilespmem:s19+$0xA1C0] =	vst v2;
	v2 =	vld [tilespmem:s19+$0xA1D0]  }
0x94: {  	v3 =	vld [tilespmem:s14+$0xFFFFFE50];
	_ =	sdelay $0x4  }
0x95: {  	(v2sf) =	vpush v1, $0x5;
	v2 =	vmax.f32 v2, v3  }
0x96: {  	[tilespmem:s19+$0xA1D0] =	vst v2;
	v2 =	vld [tilespmem:s19+$0xA1E0]  }
0x97: {  	v3 =	vld [tilespmem:s14+$0xFFFFFE60];
	_ =	sdelay $0x4  }
0x98: {  	v2 =	vmax.f32 v2, v3  }
0x99: {  	[tilespmem:s19+$0xA1E0] =	vst v2;
	v2 =	vld [tilespmem:s19+$0xA1F0]  }
0x9a: {  	v3 =	vld [tilespmem:s14+$0xFFFFFE70];
	_ =	sdelay $0x4  }
0x9b: {  	v2 =	vmax.f32 v2, v3  }
0x9c: {  	s20 =	spop (v2sf);
	[tilespmem:s19+$0xA1F0] =	vst v2  }
0x9d: {  	v2 =	vld [tilespmem:s20+$0xA180]  }
0x9e: {  	v3 =	vld [tilespmem:s14+$0xFFFFFE80];
	_ =	sdelay $0x4  }
0x9f: {  	v2 =	vmax.f32 v2, v3  }
0xa0: {  	[tilespmem:s20+$0xA180] =	vst v2;
	v2 =	vld [tilespmem:s20+$0xA190]  }
0xa1: {  	v3 =	vld [tilespmem:s14+$0xFFFFFE90];
	_ =	sdelay $0x4  }
0xa2: {  	v2 =	vmax.f32 v2, v3  }
0xa3: {  	[tilespmem:s20+$0xA190] =	vst v2;
	v2 =	vld [tilespmem:s20+$0xA1A0]  }
0xa4: {  	v3 =	vld [tilespmem:s14+$0xFFFFFEA0];
	_ =	sdelay $0x4  }
0xa5: {  	v2 =	vmax.f32 v2, v3  }
0xa6: {  	[tilespmem:s20+$0xA1A0] =	vst v2;
	v2 =	vld [tilespmem:s20+$0xA1B0]  }
0xa7: {  	v3 =	vld [tilespmem:s14+$0xFFFFFEB0];
	_ =	sdelay $0x4  }
0xa8: {  	v2 =	vmax.f32 v2, v3  }
0xa9: {  	[tilespmem:s20+$0xA1B0] =	vst v2;
	v2 =	vld [tilespmem:s20+$0xA1C0]  }
0xaa: {  	v3 =	vld [tilespmem:s14+$0xFFFFFEC0];
	_ =	sdelay $0x4  }
0xab: {  	v2 =	vmax.f32 v2, v3  }
0xac: {  	[tilespmem:s20+$0xA1C0] =	vst v2;
	v2 =	vld [tilespmem:s20+$0xA1D0]  }
0xad: {  	v3 =	vld [tilespmem:s14+$0xFFFFFED0];
	_ =	sdelay $0x4  }
0xae: {  	(v2sf) =	vpush v1, $0x6;
	v2 =	vmax.f32 v2, v3  }
0xaf: {  	[tilespmem:s20+$0xA1D0] =	vst v2;
	v2 =	vld [tilespmem:s20+$0xA1E0]  }
0xb0: {  	v3 =	vld [tilespmem:s14+$0xFFFFFEE0];
	_ =	sdelay $0x4  }
0xb1: {  	v2 =	vmax.f32 v2, v3  }
0xb2: {  	[tilespmem:s20+$0xA1E0] =	vst v2;
	v2 =	vld [tilespmem:s20+$0xA1F0]  }
0xb3: {  	v3 =	vld [tilespmem:s14+$0xFFFFFEF0];
	_ =	sdelay $0x4  }
0xb4: {  	v2 =	vmax.f32 v2, v3  }
0xb5: {  	s21 =	spop (v2sf);
	[tilespmem:s20+$0xA1F0] =	vst v2  }
0xb6: {  	v2 =	vld [tilespmem:s21+$0xA180]  }
0xb7: {  	v3 =	vld [tilespmem:s14+$0xFFFFFF00];
	_ =	sdelay $0x4  }
0xb8: {  	v2 =	vmax.f32 v2, v3  }
0xb9: {  	[tilespmem:s21+$0xA180] =	vst v2;
	v2 =	vld [tilespmem:s21+$0xA190]  }
0xba: {  	v3 =	vld [tilespmem:s14+$0xFFFFFF10];
	_ =	sdelay $0x4  }
0xbb: {  	v2 =	vmax.f32 v2, v3  }
0xbc: {  	[tilespmem:s21+$0xA190] =	vst v2;
	v2 =	vld [tilespmem:s21+$0xA1A0]  }
0xbd: {  	v3 =	vld [tilespmem:s14+$0xFFFFFF20];
	_ =	sdelay $0x4  }
0xbe: {  	v2 =	vmax.f32 v2, v3  }
0xbf: {  	[tilespmem:s21+$0xA1A0] =	vst v2;
	v2 =	vld [tilespmem:s21+$0xA1B0]  }
0xc0: {  	v3 =	vld [tilespmem:s14+$0xFFFFFF30];
	_ =	sdelay $0x4  }
0xc1: {  	v2 =	vmax.f32 v2, v3  }
0xc2: {  	[tilespmem:s21+$0xA1B0] =	vst v2;
	v2 =	vld [tilespmem:s21+$0xA1C0]  }
0xc3: {  	v3 =	vld [tilespmem:s14+$0xFFFFFF40];
	_ =	sdelay $0x4  }
0xc4: {  	v2 =	vmax.f32 v2, v3  }
0xc5: {  	[tilespmem:s21+$0xA1C0] =	vst v2;
	v2 =	vld [tilespmem:s21+$0xA1D0]  }
0xc6: {  	v3 =	vld [tilespmem:s14+$0xFFFFFF50];
	_ =	sdelay $0x4  }
0xc7: {  	(v2sf) =	vpush v1, $0x7;
	v2 =	vmax.f32 v2, v3  }
0xc8: {  	[tilespmem:s21+$0xA1D0] =	vst v2;
	v2 =	vld [tilespmem:s21+$0xA1E0]  }
0xc9: {  	v3 =	vld [tilespmem:s14+$0xFFFFFF60];
	_ =	sdelay $0x4  }
0xca: {  	v2 =	vmax.f32 v2, v3  }
0xcb: {  	[tilespmem:s21+$0xA1E0] =	vst v2;
	v2 =	vld [tilespmem:s21+$0xA1F0]  }
0xcc: {  	v3 =	vld [tilespmem:s14+$0xFFFFFF70];
	_ =	sdelay $0x4  }
0xcd: {  	v2 =	vmax.f32 v2, v3  }
0xce: {  	s22 =	spop (v2sf);
	[tilespmem:s21+$0xA1F0] =	vst v2  }
0xcf: {  	v2 =	vld [tilespmem:s22+$0xA180]  }
0xd0: {  	v3 =	vld [tilespmem:s14+$0xFFFFFF80];
	_ =	sdelay $0x4  }
0xd1: {  	v2 =	vmax.f32 v2, v3  }
0xd2: {  	[tilespmem:s22+$0xA180] =	vst v2;
	v2 =	vld [tilespmem:s22+$0xA190]  }
0xd3: {  	v3 =	vld [tilespmem:s14+$0xFFFFFF90];
	_ =	sdelay $0x4  }
0xd4: {  	v2 =	vmax.f32 v2, v3  }
0xd5: {  	[tilespmem:s22+$0xA190] =	vst v2;
	v2 =	vld [tilespmem:s22+$0xA1A0]  }
0xd6: {  	v3 =	vld [tilespmem:s14+$0xFFFFFFA0];
	_ =	sdelay $0x4  }
0xd7: {  	v2 =	vmax.f32 v2, v3  }
0xd8: {  	[tilespmem:s22+$0xA1A0] =	vst v2;
	v2 =	vld [tilespmem:s22+$0xA1B0]  }
0xd9: {  	v3 =	vld [tilespmem:s14+$0xFFFFFFB0];
	_ =	sdelay $0x4  }
0xda: {  	v2 =	vmax.f32 v2, v3  }
0xdb: {  	[tilespmem:s22+$0xA1B0] =	vst v2;
	v2 =	vld [tilespmem:s22+$0xA1C0]  }
0xdc: {  	v3 =	vld [tilespmem:s14+$0xFFFFFFC0];
	_ =	sdelay $0x4  }
0xdd: {  	v2 =	vmax.f32 v2, v3  }
0xde: {  	[tilespmem:s22+$0xA1C0] =	vst v2;
	v2 =	vld [tilespmem:s22+$0xA1D0]  }
0xdf: {  	v3 =	vld [tilespmem:s14+$0xFFFFFFD0];
	_ =	sdelay $0x4  }
0xe0: {  	(v2sf) =	vpush v1, $0x8;
	v2 =	vmax.f32 v2, v3  }
0xe1: {  	[tilespmem:s22+$0xA1D0] =	vst v2;
	v2 =	vld [tilespmem:s22+$0xA1E0]  }
0xe2: {  	v3 =	vld [tilespmem:s14+$0xFFFFFFE0];
	_ =	sdelay $0x4  }
0xe3: {  	v2 =	vmax.f32 v2, v3  }
0xe4: {  	[tilespmem:s22+$0xA1E0] =	vst v2;
	v2 =	vld [tilespmem:s22+$0xA1F0]  }
0xe5: {  	v3 =	vld [tilespmem:s14+$0xFFFFFFF0];
	_ =	sdelay $0x4  }
0xe6: {  	v2 =	vmax.f32 v2, v3  }
0xe7: {  	s23 =	spop (v2sf);
	[tilespmem:s22+$0xA1F0] =	vst v2  }
0xe8: {  	v2 =	vld [tilespmem:s23+$0xA180]  }
0xe9: {  	v3 =	vld [tilespmem:s14+$0x0];
	_ =	sdelay $0x4  }
0xea: {  	v2 =	vmax.f32 v2, v3  }
0xeb: {  	[tilespmem:s23+$0xA180] =	vst v2;
	v2 =	vld [tilespmem:s23+$0xA190]  }
0xec: {  	v3 =	vld [tilespmem:s14+$0x10];
	_ =	sdelay $0x4  }
0xed: {  	v2 =	vmax.f32 v2, v3  }
0xee: {  	[tilespmem:s23+$0xA190] =	vst v2;
	v2 =	vld [tilespmem:s23+$0xA1A0]  }
0xef: {  	v3 =	vld [tilespmem:s14+$0x20];
	_ =	sdelay $0x4  }
0xf0: {  	v2 =	vmax.f32 v2, v3  }
0xf1: {  	[tilespmem:s23+$0xA1A0] =	vst v2;
	v2 =	vld [tilespmem:s23+$0xA1B0]  }
0xf2: {  	v3 =	vld [tilespmem:s14+$0x30];
	_ =	sdelay $0x4  }
0xf3: {  	v2 =	vmax.f32 v2, v3  }
0xf4: {  	[tilespmem:s23+$0xA1B0] =	vst v2;
	v2 =	vld [tilespmem:s23+$0xA1C0]  }
0xf5: {  	v3 =	vld [tilespmem:s14+$0x40];
	_ =	sdelay $0x4  }
0xf6: {  	v2 =	vmax.f32 v2, v3  }
0xf7: {  	[tilespmem:s23+$0xA1C0] =	vst v2;
	v2 =	vld [tilespmem:s23+$0xA1D0]  }
0xf8: {  	v3 =	vld [tilespmem:s14+$0x50];
	_ =	sdelay $0x4  }
0xf9: {  	(v2sf) =	vpush v1, $0x9;
	v2 =	vmax.f32 v2, v3  }
0xfa: {  	[tilespmem:s23+$0xA1D0] =	vst v2;
	v2 =	vld [tilespmem:s23+$0xA1E0]  }
0xfb: {  	v3 =	vld [tilespmem:s14+$0x60];
	_ =	sdelay $0x4  }
0xfc: {  	v2 =	vmax.f32 v2, v3  }
0xfd: {  	[tilespmem:s23+$0xA1E0] =	vst v2;
	v2 =	vld [tilespmem:s23+$0xA1F0]  }
0xfe: {  	v3 =	vld [tilespmem:s14+$0x70];
	_ =	sdelay $0x4  }
0xff: {  	v2 =	vmax.f32 v2, v3  }
0x100: {  	s24 =	spop (v2sf);
	[tilespmem:s23+$0xA1F0] =	vst v2  }
0x101: {  	v2 =	vld [tilespmem:s24+$0xA180]  }
0x102: {  	v3 =	vld [tilespmem:s14+$0x80];
	_ =	sdelay $0x4  }
0x103: {  	v2 =	vmax.f32 v2, v3  }
0x104: {  	[tilespmem:s24+$0xA180] =	vst v2;
	v2 =	vld [tilespmem:s24+$0xA190]  }
0x105: {  	v3 =	vld [tilespmem:s14+$0x90];
	_ =	sdelay $0x4  }
0x106: {  	v2 =	vmax.f32 v2, v3  }
0x107: {  	[tilespmem:s24+$0xA190] =	vst v2;
	v2 =	vld [tilespmem:s24+$0xA1A0]  }
0x108: {  	v3 =	vld [tilespmem:s14+$0xA0];
	_ =	sdelay $0x4  }
0x109: {  	v2 =	vmax.f32 v2, v3  }
0x10a: {  	[tilespmem:s24+$0xA1A0] =	vst v2;
	v2 =	vld [tilespmem:s24+$0xA1B0]  }
0x10b: {  	v3 =	vld [tilespmem:s14+$0xB0];
	_ =	sdelay $0x4  }
0x10c: {  	v2 =	vmax.f32 v2, v3  }
0x10d: {  	[tilespmem:s24+$0xA1B0] =	vst v2;
	v2 =	vld [tilespmem:s24+$0xA1C0]  }
0x10e: {  	v3 =	vld [tilespmem:s14+$0xC0];
	_ =	sdelay $0x4  }
0x10f: {  	v2 =	vmax.f32 v2, v3  }
0x110: {  	[tilespmem:s24+$0xA1C0] =	vst v2;
	v2 =	vld [tilespmem:s24+$0xA1D0]  }
0x111: {  	v3 =	vld [tilespmem:s14+$0xD0];
	_ =	sdelay $0x4  }
0x112: {  	(v2sf) =	vpush v1, $0xA;
	v2 =	vmax.f32 v2, v3  }
0x113: {  	[tilespmem:s24+$0xA1D0] =	vst v2;
	v2 =	vld [tilespmem:s24+$0xA1E0]  }
0x114: {  	v3 =	vld [tilespmem:s14+$0xE0];
	_ =	sdelay $0x4  }
0x115: {  	v2 =	vmax.f32 v2, v3  }
0x116: {  	[tilespmem:s24+$0xA1E0] =	vst v2;
	v2 =	vld [tilespmem:s24+$0xA1F0]  }
0x117: {  	v3 =	vld [tilespmem:s14+$0xF0];
	_ =	sdelay $0x4  }
0x118: {  	v2 =	vmax.f32 v2, v3  }
0x119: {  	s25 =	spop (v2sf);
	[tilespmem:s24+$0xA1F0] =	vst v2  }
0x11a: {  	v2 =	vld [tilespmem:s25+$0xA180]  }
0x11b: {  	v3 =	vld [tilespmem:s14+$0x100];
	_ =	sdelay $0x4  }
0x11c: {  	v2 =	vmax.f32 v2, v3  }
0x11d: {  	[tilespmem:s25+$0xA180] =	vst v2;
	v2 =	vld [tilespmem:s25+$0xA190]  }
0x11e: {  	v3 =	vld [tilespmem:s14+$0x110];
	_ =	sdelay $0x4  }
0x11f: {  	v2 =	vmax.f32 v2, v3  }
0x120: {  	[tilespmem:s25+$0xA190] =	vst v2;
	v2 =	vld [tilespmem:s25+$0xA1A0]  }
0x121: {  	v3 =	vld [tilespmem:s14+$0x120];
	_ =	sdelay $0x4  }
0x122: {  	v2 =	vmax.f32 v2, v3  }
0x123: {  	[tilespmem:s25+$0xA1A0] =	vst v2;
	v2 =	vld [tilespmem:s25+$0xA1B0]  }
0x124: {  	v3 =	vld [tilespmem:s14+$0x130];
	_ =	sdelay $0x4  }
0x125: {  	v2 =	vmax.f32 v2, v3  }
0x126: {  	[tilespmem:s25+$0xA1B0] =	vst v2;
	v2 =	vld [tilespmem:s25+$0xA1C0]  }
0x127: {  	v3 =	vld [tilespmem:s14+$0x140];
	_ =	sdelay $0x4  }
0x128: {  	v2 =	vmax.f32 v2, v3  }
0x129: {  	[tilespmem:s25+$0xA1C0] =	vst v2;
	v2 =	vld [tilespmem:s25+$0xA1D0]  }
0x12a: {  	v3 =	vld [tilespmem:s14+$0x150];
	_ =	sdelay $0x4  }
0x12b: {  	(v2sf) =	vpush v1, $0xB;
	v2 =	vmax.f32 v2, v3  }
0x12c: {  	[tilespmem:s25+$0xA1D0] =	vst v2;
	v2 =	vld [tilespmem:s25+$0xA1E0]  }
0x12d: {  	v3 =	vld [tilespmem:s14+$0x160];
	_ =	sdelay $0x4  }
0x12e: {  	v2 =	vmax.f32 v2, v3  }
0x12f: {  	[tilespmem:s25+$0xA1E0] =	vst v2;
	v2 =	vld [tilespmem:s25+$0xA1F0]  }
0x130: {  	v3 =	vld [tilespmem:s14+$0x170];
	_ =	sdelay $0x4  }
0x131: {  	v2 =	vmax.f32 v2, v3  }
0x132: {  	s26 =	spop (v2sf);
	[tilespmem:s25+$0xA1F0] =	vst v2  }
0x133: {  	v2 =	vld [tilespmem:s26+$0xA180]  }
0x134: {  	v3 =	vld [tilespmem:s14+$0x180];
	_ =	sdelay $0x4  }
0x135: {  	v2 =	vmax.f32 v2, v3  }
0x136: {  	[tilespmem:s26+$0xA180] =	vst v2;
	v2 =	vld [tilespmem:s26+$0xA190]  }
0x137: {  	v3 =	vld [tilespmem:s14+$0x190];
	_ =	sdelay $0x4  }
0x138: {  	v2 =	vmax.f32 v2, v3  }
0x139: {  	[tilespmem:s26+$0xA190] =	vst v2;
	v2 =	vld [tilespmem:s26+$0xA1A0]  }
0x13a: {  	v3 =	vld [tilespmem:s14+$0x1A0];
	_ =	sdelay $0x4  }
0x13b: {  	v2 =	vmax.f32 v2, v3  }
0x13c: {  	[tilespmem:s26+$0xA1A0] =	vst v2;
	v2 =	vld [tilespmem:s26+$0xA1B0]  }
0x13d: {  	v3 =	vld [tilespmem:s14+$0x1B0];
	_ =	sdelay $0x4  }
0x13e: {  	v2 =	vmax.f32 v2, v3  }
0x13f: {  	[tilespmem:s26+$0xA1B0] =	vst v2;
	v2 =	vld [tilespmem:s26+$0xA1C0]  }
0x140: {  	v3 =	vld [tilespmem:s14+$0x1C0];
	_ =	sdelay $0x4  }
0x141: {  	v2 =	vmax.f32 v2, v3  }
0x142: {  	[tilespmem:s26+$0xA1C0] =	vst v2;
	v2 =	vld [tilespmem:s26+$0xA1D0]  }
0x143: {  	v3 =	vld [tilespmem:s14+$0x1D0];
	_ =	sdelay $0x4  }
0x144: {  	(v2sf) =	vpush v1, $0xC;
	v2 =	vmax.f32 v2, v3  }
0x145: {  	[tilespmem:s26+$0xA1D0] =	vst v2;
	v2 =	vld [tilespmem:s26+$0xA1E0]  }
0x146: {  	v3 =	vld [tilespmem:s14+$0x1E0];
	_ =	sdelay $0x4  }
0x147: {  	v2 =	vmax.f32 v2, v3  }
0x148: {  	[tilespmem:s26+$0xA1E0] =	vst v2;
	v2 =	vld [tilespmem:s26+$0xA1F0]  }
0x149: {  	v3 =	vld [tilespmem:s14+$0x1F0];
	_ =	sdelay $0x4  }
0x14a: {  	v2 =	vmax.f32 v2, v3  }
0x14b: {  	s28 =	spop (v2sf);
	[tilespmem:s26+$0xA1F0] =	vst v2  }
0x14c: {  	v2 =	vld [tilespmem:s28+$0xA180]  }
0x14d: {  	v3 =	vld [tilespmem:s14+$0x200];
	_ =	sdelay $0x4  }
0x14e: {  	v2 =	vmax.f32 v2, v3  }
0x14f: {  	[tilespmem:s28+$0xA180] =	vst v2;
	v2 =	vld [tilespmem:s28+$0xA190]  }
0x150: {  	v3 =	vld [tilespmem:s14+$0x210];
	_ =	sdelay $0x4  }
0x151: {  	v2 =	vmax.f32 v2, v3  }
0x152: {  	[tilespmem:s28+$0xA190] =	vst v2;
	v2 =	vld [tilespmem:s28+$0xA1A0]  }
0x153: {  	v3 =	vld [tilespmem:s14+$0x220];
	_ =	sdelay $0x4  }
0x154: {  	v2 =	vmax.f32 v2, v3  }
0x155: {  	[tilespmem:s28+$0xA1A0] =	vst v2;
	v2 =	vld [tilespmem:s28+$0xA1B0]  }
0x156: {  	v3 =	vld [tilespmem:s14+$0x230];
	_ =	sdelay $0x4  }
0x157: {  	v2 =	vmax.f32 v2, v3  }
0x158: {  	[tilespmem:s28+$0xA1B0] =	vst v2;
	v2 =	vld [tilespmem:s28+$0xA1C0]  }
0x159: {  	v3 =	vld [tilespmem:s14+$0x240];
	_ =	sdelay $0x4  }
0x15a: {  	v2 =	vmax.f32 v2, v3  }
0x15b: {  	[tilespmem:s28+$0xA1C0] =	vst v2;
	v2 =	vld [tilespmem:s28+$0xA1D0]  }
0x15c: {  	v3 =	vld [tilespmem:s14+$0x250];
	_ =	sdelay $0x4  }
0x15d: {  	(v2sf) =	vpush v1, $0xD;
	v2 =	vmax.f32 v2, v3  }
0x15e: {  	[tilespmem:s28+$0xA1D0] =	vst v2;
	v2 =	vld [tilespmem:s28+$0xA1E0]  }
0x15f: {  	v3 =	vld [tilespmem:s14+$0x260];
	_ =	sdelay $0x4  }
0x160: {  	v2 =	vmax.f32 v2, v3  }
0x161: {  	[tilespmem:s28+$0xA1E0] =	vst v2;
	v2 =	vld [tilespmem:s28+$0xA1F0]  }
0x162: {  	v3 =	vld [tilespmem:s14+$0x270];
	_ =	sdelay $0x4  }
0x163: {  	v2 =	vmax.f32 v2, v3  }
0x164: {  	s29 =	spop (v2sf);
	[tilespmem:s28+$0xA1F0] =	vst v2  }
0x165: {  	v2 =	vld [tilespmem:s29+$0xA180]  }
0x166: {  	v3 =	vld [tilespmem:s14+$0x280];
	_ =	sdelay $0x4  }
0x167: {  	v2 =	vmax.f32 v2, v3  }
0x168: {  	[tilespmem:s29+$0xA180] =	vst v2;
	v2 =	vld [tilespmem:s29+$0xA190]  }
0x169: {  	v3 =	vld [tilespmem:s14+$0x290];
	_ =	sdelay $0x4  }
0x16a: {  	v2 =	vmax.f32 v2, v3  }
0x16b: {  	[tilespmem:s29+$0xA190] =	vst v2;
	v2 =	vld [tilespmem:s29+$0xA1A0]  }
0x16c: {  	v3 =	vld [tilespmem:s14+$0x2A0];
	_ =	sdelay $0x4  }
0x16d: {  	v2 =	vmax.f32 v2, v3  }
0x16e: {  	[tilespmem:s29+$0xA1A0] =	vst v2;
	v2 =	vld [tilespmem:s29+$0xA1B0]  }
0x16f: {  	v3 =	vld [tilespmem:s14+$0x2B0];
	_ =	sdelay $0x4  }
0x170: {  	v2 =	vmax.f32 v2, v3  }
0x171: {  	[tilespmem:s29+$0xA1B0] =	vst v2;
	v2 =	vld [tilespmem:s29+$0xA1C0]  }
0x172: {  	v3 =	vld [tilespmem:s14+$0x2C0];
	_ =	sdelay $0x4  }
0x173: {  	v2 =	vmax.f32 v2, v3  }
0x174: {  	[tilespmem:s29+$0xA1C0] =	vst v2;
	v2 =	vld [tilespmem:s29+$0xA1D0]  }
0x175: {  	v3 =	vld [tilespmem:s14+$0x2D0];
	_ =	sdelay $0x4  }
0x176: {  	(v2sf) =	vpush v1, $0xE;
	v2 =	vmax.f32 v2, v3  }
0x177: {  	[tilespmem:s29+$0xA1D0] =	vst v2;
	v2 =	vld [tilespmem:s29+$0xA1E0]  }
0x178: {  	v3 =	vld [tilespmem:s14+$0x2E0];
	_ =	sdelay $0x4  }
0x179: {  	v2 =	vmax.f32 v2, v3  }
0x17a: {  	[tilespmem:s29+$0xA1E0] =	vst v2;
	v2 =	vld [tilespmem:s29+$0xA1F0]  }
0x17b: {  	v3 =	vld [tilespmem:s14+$0x2F0];
	_ =	sdelay $0x4  }
0x17c: {  	v2 =	vmax.f32 v2, v3  }
0x17d: {  	s30 =	spop (v2sf);
	[tilespmem:s29+$0xA1F0] =	vst v2  }
0x17e: {  	v2 =	vld [tilespmem:s30+$0xA180]  }
0x17f: {  	v3 =	vld [tilespmem:s14+$0x300];
	_ =	sdelay $0x4  }
0x180: {  	v2 =	vmax.f32 v2, v3  }
0x181: {  	[tilespmem:s30+$0xA180] =	vst v2;
	v2 =	vld [tilespmem:s30+$0xA190]  }
0x182: {  	v3 =	vld [tilespmem:s14+$0x310];
	_ =	sdelay $0x4  }
0x183: {  	v2 =	vmax.f32 v2, v3  }
0x184: {  	[tilespmem:s30+$0xA190] =	vst v2;
	v2 =	vld [tilespmem:s30+$0xA1A0]  }
0x185: {  	v3 =	vld [tilespmem:s14+$0x320];
	_ =	sdelay $0x4  }
0x186: {  	v2 =	vmax.f32 v2, v3  }
0x187: {  	[tilespmem:s30+$0xA1A0] =	vst v2;
	v2 =	vld [tilespmem:s30+$0xA1B0]  }
0x188: {  	v3 =	vld [tilespmem:s14+$0x330];
	_ =	sdelay $0x4  }
0x189: {  	v2 =	vmax.f32 v2, v3  }
0x18a: {  	[tilespmem:s30+$0xA1B0] =	vst v2;
	v2 =	vld [tilespmem:s30+$0xA1C0]  }
0x18b: {  	v3 =	vld [tilespmem:s14+$0x340];
	_ =	sdelay $0x4  }
0x18c: {  	v2 =	vmax.f32 v2, v3  }
0x18d: {  	[tilespmem:s30+$0xA1C0] =	vst v2;
	v2 =	vld [tilespmem:s30+$0xA1D0]  }
0x18e: {  	v3 =	vld [tilespmem:s14+$0x350];
	_ =	sdelay $0x4  }
0x18f: {  	(v2sf) =	vpush v1, $0xF;
	v2 =	vmax.f32 v2, v3  }
0x190: {  	v1 =	vld [tilespmem:s30+$0xA1E0];
	[tilespmem:s30+$0xA1D0] =	vst v2  }
0x191: {  	v2 =	vld [tilespmem:s14+$0x360];
	_ =	sdelay $0x4  }
0x192: {  	v1 =	vmax.f32 v1, v2  }
0x193: {  	[tilespmem:s30+$0xA1E0] =	vst v1;
	v1 =	vld [tilespmem:s30+$0xA1F0]  }
0x194: {  	v2 =	vld [tilespmem:s14+$0x370];
	_ =	sdelay $0x4  }
0x195: {  	v1 =	vmax.f32 v1, v2  }
0x196: {  	s31 =	spop (v2sf);
	[tilespmem:s30+$0xA1F0] =	vst v1  }
0x197: {  	v1 =	vld [tilespmem:s31+$0xA180]  }
0x198: {  	v2 =	vld [tilespmem:s14+$0x380];
	_ =	sdelay $0x4  }
0x199: {  	v1 =	vmax.f32 v1, v2  }
0x19a: {  	[tilespmem:s31+$0xA180] =	vst v1;
	v1 =	vld [tilespmem:s31+$0xA190]  }
0x19b: {  	v2 =	vld [tilespmem:s14+$0x390];
	_ =	sdelay $0x4  }
0x19c: {  	v1 =	vmax.f32 v1, v2  }
0x19d: {  	[tilespmem:s31+$0xA190] =	vst v1;
	v1 =	vld [tilespmem:s31+$0xA1A0]  }
0x19e: {  	v2 =	vld [tilespmem:s14+$0x3A0];
	_ =	sdelay $0x4  }
0x19f: {  	v1 =	vmax.f32 v1, v2  }
0x1a0: {  	[tilespmem:s31+$0xA1A0] =	vst v1;
	v1 =	vld [tilespmem:s31+$0xA1B0]  }
0x1a1: {  	v2 =	vld [tilespmem:s14+$0x3B0];
	_ =	sdelay $0x4  }
0x1a2: {  	v1 =	vmax.f32 v1, v2  }
0x1a3: {  	[tilespmem:s31+$0xA1B0] =	vst v1;
	v1 =	vld [tilespmem:s31+$0xA1C0]  }
0x1a4: {  	v2 =	vld [tilespmem:s14+$0x3C0];
	_ =	sdelay $0x4  }
0x1a5: {  	v1 =	vmax.f32 v1, v2  }
0x1a6: {  	[tilespmem:s31+$0xA1C0] =	vst v1;
	v1 =	vld [tilespmem:s31+$0xA1D0]  }
0x1a7: {  	v2 =	vld [tilespmem:s14+$0x3D0];
	_ =	sdelay $0x4  }
0x1a8: {  	v1 =	vmax.f32 v1, v2  }
0x1a9: {  	[tilespmem:s31+$0xA1D0] =	vst v1;
	v1 =	vld [tilespmem:s31+$0xA1E0]  }
0x1aa: {  	v2 =	vld [tilespmem:s14+$0x3E0];
	_ =	sdelay $0x4  }
0x1ab: {  	v1 =	vmax.f32 v1, v2  }
0x1ac: {  	[tilespmem:s31+$0xA1E0] =	vst v1;
	v1 =	vld [tilespmem:s31+$0xA1F0]  }
0x1ad: {  	v2 =	vld [tilespmem:s14+$0x3F0]  }
0x1ae: {  	p0 =	sne.s32 s13, $0x4C0  }
.Ltmp1:
0x1af: {  	_ = 	snop;
	(pc) =	sbr.rel @p0 .LBB2_4-.Ltmp1, $3  }
0x1b0: {  	_ =	sdelay $0x1  }
0x1b1: {  	v1 =	vmax.f32 v1, v2  }
0x1b2: {  	s13 =	sadd.s32 $0x40, s13;
	s14 =	sadd.s32 $0x800, s14;
	[tilespmem:s31+$0xA1F0] =	vst v1  }
0x1b3: {  	s12 =	sadd.s32 $0x1, s12  }
0x1b4: {  	p0 =	sne.s32 s12, s6  }
.Ltmp2:
0x1b5: {  	_ = 	snop;
	(pc) =	sbr.rel @p0 .LBB2_1-.Ltmp2, $4  }
0x1b6: {  	[hbm4b:s5+s9] =	stream.strided.scatter [tilespmem:s11], [sflag:$0x1], $0x4000, s10, s9, $0x38;
	[tilespmem:$0xE180] =	vst v63  }
0x1b7: {  	_ =	swait.ge [sflag:s7], $0x4000  }
0x1b8: {  	[sflag:s7] =	ssyncset.done $0x0  }
0x1b9: {  	[sflag:s7] =	ssyncadd.s32 $0xFFFFC000  }
0x1ba: {  	_ =	sfence.sel $0x180000  }
0x1bb: {  	[bflag:$0x0] =	sbarrier.arrive $0xFFFF  }
0x1bc: {  	p0 =	sne.s32 s0, $0x0;
	_ =	strace $0x90000050  }
0x1bd: {  	s0 =	sadd.s32 @!p0 $0x100000, s1;
	[bflag:$0x2] =	sbarrier.arrive $0xFFFF  }
0x1be: {  	[sflag:s0] =	ssyncadd.tile.s32 @!p0 $0x1;
	_ =	shalt  }
.Lfunc_end2:
_tile_overlayer_lowered:
.L_overlay_start_2:
0x1bf: {  	(tag) =	ssettag $0x2  }
0x1c0: {  	s0 =	rddreg [dreg:$0x0];
	s2 =	stileid.u32  }
0x1c1: {  	s1 =	rddreg [dreg:$0x1];
	p0 =	sne.s32 s2, $0x0  }
0x1c2: {  	s3 =	rddreg [dreg:$0x2];
	[bflag:$0x3] =	sbarrier.arrive $0xFFFF;
	s2 =	simm.s32 @!p0 $0x1C01  }
0x1c3: {  	[timem:s3], [sflag:s2] =	dma.local @!p0 [hbm:s0], s1  }
0x1c4: {  	s0 =	simm.s32 @!p0 $0x1  }
0x1c5: {  	_ =	swait.ge @!p0 [sflag:s0], s1  }
0x1c6: {  	s1 =	ssub.s32 @!p0 $0x0, s1;
	[sflag:s0] =	ssyncset.done @!p0 $0x0  }
0x1c7: {  	[sflag:s0] =	ssyncadd.s32 @!p0 s1  }
0x1c8: {  	[bflag:$0x3] =	sbarrier.arrive $0xFFFF  }
0x1c9: {  	_ =	shalt  }

</sc_bundles>
